<compile_context>
chip_gen: v7x
topology: tpu7x:2x2x1
jax: 0.10.2.dev20260603
libtpu: 0.0.44.dev20260713+nightly
codegen_flags: <defaults>
</compile_context>

<pallas_src>
import functools

import jax
import jax.numpy as jnp
from jax import lax
from jax.experimental import pallas as pl
from jax.experimental.pallas import tpu as pltpu
from jax.experimental.pallas import tpu_sc as plsc

N = 10000
E = 320000
CPB = 4
NP = 2
CHUNK = 4000
NCH = E // CHUNK
NV = CHUNK // 16
EPW = E // 32
EPW2 = E // 16
CHUNK_C = 2000
NCH_C = EPW // CHUNK_C

_mesh = plsc.VectorSubcoreMesh(core_axis_name="c", subcore_axis_name="s")



def _count_body(dst_hbm, zeros_hbm, out_hbm, dbuf, acc, sem):
    c = lax.axis_index("c")
    s = lax.axis_index("s")
    wid = c * 16 + s
    pltpu.sync_copy(zeros_hbm, acc)
    row0 = jnp.zeros((16,), jnp.int32)
    one = jnp.ones((16,), jnp.float32)

    def chunk_body(g, carry):
        pltpu.sync_copy(dst_hbm.at[pl.ds(wid * EPW + g * CHUNK_C, CHUNK_C)], dbuf)

        @plsc.parallel_loop(0, CHUNK_C // 16, unroll=8)
        def vec_body(j):
            d16 = dbuf[pl.ds(j * 16, 16)]
            plsc.addupdate_scatter(acc, [row0, d16], one)

        return carry

    lax.fori_loop(0, NCH_C, chunk_body, 0)
    pltpu.sync_copy(acc, out_hbm.at[wid])


@functools.partial(
    pl.kernel,
    out_type=jax.ShapeDtypeStruct((32, 1, N), jnp.float32),
    mesh=_mesh,
    compiler_params=pltpu.CompilerParams(needs_layout_passes=False),
    scratch_types=[
        pltpu.VMEM((CHUNK_C,), jnp.int32),
        pltpu.VMEM((1, N), jnp.float32),
        pltpu.SemaphoreType.DMA,
    ],
)
def _count_kernel(dst_hbm, zeros_hbm, out_hbm, dbuf, acc, sem):
    _count_body(dst_hbm, zeros_hbm, out_hbm, dbuf, acc, sem)


def _aggc_body(hc_hbm, pk_hbm, zeros_hbm, out_hbm,
               pbuf0, pbuf1, rows, acc, pk_sp,
               sem, ss0, ss1):
    c = lax.axis_index("c")
    s = lax.axis_index("s")
    wid = c * 16 + s

    for q in range(EPW2 // CHUNK):
        off = s * EPW2 + q * CHUNK
        pltpu.sync_copy(pk_hbm.at[pl.ds(off, CHUNK)], pbuf0)
        pltpu.sync_copy(pbuf0, pk_sp.at[pl.ds(off, CHUNK)])
    plsc.subcore_barrier()

    pbufs = (pbuf0, pbuf1)
    ssems = (ss0, ss1)

    def start(g, b):
        pltpu.async_copy(pk_sp.at[pl.ds(g * CHUNK, CHUNK)], pbufs[b], ssems[b])

    def wait(b):
        pltpu.make_async_copy(pk_sp.at[pl.ds(0, CHUNK)], pbufs[b], ssems[b]).wait()

    def compute(b):
        pb = pbufs[b]

        @plsc.parallel_loop(0, NV, unroll=4)
        def vec_body(j):
            p16 = pb[pl.ds(j * 16, 16)]
            s16 = jax.lax.shift_right_logical(p16, 14)
            d16 = p16 & 16383
            for col in range(CPB):
                cvec = jnp.full((16,), col, jnp.int32)
                v = plsc.load_gather(rows, [cvec, s16])
                plsc.addupdate_scatter(acc, [cvec, d16], v)

    for p in range(NP):
        blk = p * 32 + wid
        pltpu.sync_copy(hc_hbm.at[blk], rows)
        pltpu.sync_copy(zeros_hbm, acc)
        start(0, 0)

        def chunk_body(t, carry):
            g0 = 2 * t
            start(g0 + 1, 1)
            wait(0)
            compute(0)

            @pl.when(g0 + 2 < NCH)
            def _():
                start(g0 + 2, 0)

            wait(1)
            compute(1)
            return carry

        lax.fori_loop(0, NCH // 2, chunk_body, 0)
        pltpu.sync_copy(acc, out_hbm.at[blk])


@functools.partial(
    pl.kernel,
    out_type=jax.ShapeDtypeStruct((64, CPB, N), jnp.float32),
    mesh=_mesh,
    compiler_params=pltpu.CompilerParams(needs_layout_passes=False),
    scratch_types=[
        pltpu.VMEM((CHUNK,), jnp.int32),
        pltpu.VMEM((CHUNK,), jnp.int32),
        pltpu.VMEM((CPB, N), jnp.float32),
        pltpu.VMEM((CPB, N), jnp.float32),
        pltpu.VMEM_SHARED((E,), jnp.int32),
        pltpu.SemaphoreType.DMA,
        pltpu.SemaphoreType.DMA,
        pltpu.SemaphoreType.DMA,
    ],
)
def _aggc_kernel(hc_hbm, pk_hbm, zeros_hbm, out_hbm,
                 pbuf0, pbuf1, rows, acc, pk_sp,
                 sem, ss0, ss1):
    _aggc_body(hc_hbm, pk_hbm, zeros_hbm, out_hbm,
               pbuf0, pbuf1, rows, acc, pk_sp,
               sem, ss0, ss1)



def _enc_body(x_ref, w_ref, b_ref, g_ref, beta_ref, ei_ref, h_ref, pk_ref):
    h = jnp.dot(x_ref[...], w_ref[...].T, preferred_element_type=jnp.float32)
    h = h + b_ref[...][None, :]
    mu = jnp.mean(h, axis=0, keepdims=True)
    var = jnp.mean((h - mu) ** 2, axis=0, keepdims=True)
    h_ref[...] = (g_ref[...][None, :] * (h - mu) / jnp.sqrt(var + 1e-5)
                  + beta_ref[...][None, :])
    pk_ref[...] = ei_ref[0:1, :] * 16384 + ei_ref[1:2, :]


def _encoder(x, w, b, g, beta, ei):
    return pl.pallas_call(
        _enc_body,
        out_shape=[
            jax.ShapeDtypeStruct((N, 256), jnp.float32),
            jax.ShapeDtypeStruct((1, E), jnp.int32),
        ],
    )(x, w, b, g, beta, ei)


def _tr_body(x_ref, out_ref):
    out_ref[...] = x_ref[...].T


def _transpose(h):
    return pl.pallas_call(
        _tr_body,
        out_shape=jax.ShapeDtypeStruct((256, N), jnp.float32),
    )(h)


def _prep_body(cnt_ref, inv_ref):
    cnt = jnp.sum(cnt_ref[...], axis=0, keepdims=True)
    inv_ref[...] = 1.0 / jnp.maximum(cnt, 1.0)


def _prep(cnt_parts):
    return pl.pallas_call(
        _prep_body,
        out_shape=jax.ShapeDtypeStruct((1, N), jnp.float32),
    )(cnt_parts)


def _layer_body(aggc_ref, inv_ref, h_ref, wl_ref, bl_ref, wr_ref, out_ref):
    aggs = aggc_ref[...] * inv_ref[...]
    z = lax.dot_general(aggs, wl_ref[...], (((0,), (1,)), ((), ())),
                        preferred_element_type=jnp.float32)
    out = (z + bl_ref[...][None, :]
           + jnp.dot(h_ref[...], wr_ref[...].T,
                     preferred_element_type=jnp.float32))
    out_ref[...] = jnp.maximum(out, 0.0)


def _layer(aggc, inv, h, wl, bl, wr):
    return pl.pallas_call(
        _layer_body,
        out_shape=jax.ShapeDtypeStruct((N, 256), jnp.float32),
    )(aggc, inv, h, wl, bl, wr)


def _head_body(x1_ref, x2_ref, x3_ref, wjk_ref, bjk_ref,
               wc0, bc0, gc0, bec0, wc1, bc1, gc1, bec1,
               wc2, bc2, gc2, bec2, wc3, bc3, gc3, bec3,
               wo_ref, bo_ref, out_ref):
    wjk = wjk_ref[...]
    h = (jnp.dot(x1_ref[...], wjk[:, 0:256].T, preferred_element_type=jnp.float32)
         + jnp.dot(x2_ref[...], wjk[:, 256:512].T, preferred_element_type=jnp.float32)
         + jnp.dot(x3_ref[...], wjk[:, 512:768].T, preferred_element_type=jnp.float32)
         + bjk_ref[...][None, :])
    for (wc, bc, gc, bec) in ((wc0, bc0, gc0, bec0), (wc1, bc1, gc1, bec1),
                              (wc2, bc2, gc2, bec2), (wc3, bc3, gc3, bec3)):
        h = jnp.dot(h, wc[...].T, preferred_element_type=jnp.float32) + bc[...][None, :]
        mu = jnp.mean(h, axis=0, keepdims=True)
        var = jnp.mean((h - mu) ** 2, axis=0, keepdims=True)
        h = gc[...][None, :] * (h - mu) / jnp.sqrt(var + 1e-5) + bec[...][None, :]
        h = jnp.maximum(h, 0.0)
    o = jnp.sum(h * wo_ref[...], axis=1, keepdims=True) + bo_ref[...]
    out_ref[...] = jax.nn.sigmoid(o)


def _head(x1, x2, x3, wjk, bjk, clf, wo, bo):
    flat = []
    for t in clf:
        flat.extend(t)
    return pl.pallas_call(
        _head_body,
        out_shape=jax.ShapeDtypeStruct((N, 1), jnp.float32),
    )(x1, x2, x3, wjk, bjk, *flat, wo, bo)



def kernel(x, edge_index, W_enc, b_enc, g_enc, beta_enc,
           Wl0, bl0, Wr0, Wl1, bl1, Wr1, Wl2, bl2, Wr2,
           W_jk, b_jk,
           Wc0, bc0, gc0, betac0, Wc1, bc1, gc1, betac1,
           Wc2, bc2, gc2, betac2, Wc3, bc3, gc3, betac3,
           W_out, b_out):
    ei = edge_index.astype(jnp.int32)
    dst = ei[1]
    h, packed = _encoder(x, W_enc, b_enc, g_enc, beta_enc, ei)
    packed = packed.reshape(E)

    zeros1 = jnp.zeros((1, N), jnp.float32)
    zeros4 = jnp.zeros((CPB, N), jnp.float32)

    cnt_parts = _count_kernel(dst, zeros1)
    inv = _prep(cnt_parts.reshape(32, N))

    xs = []
    for (wl, bl, wr) in ((Wl0, bl0, Wr0), (Wl1, bl1, Wr1), (Wl2, bl2, Wr2)):
        hc = _transpose(h).reshape(64, CPB, N)
        aggc = _aggc_kernel(hc, packed, zeros4).reshape(256, N)
        h = _layer(aggc, inv, h, wl, bl, wr)
        xs.append(h)

    clf = ((Wc0, bc0, gc0, betac0), (Wc1, bc1, gc1, betac1),
           (Wc2, bc2, gc2, betac2), (Wc3, bc3, gc3, betac3))
    return _head(xs[0], xs[1], xs[2], W_jk, b_jk, clf, W_out,
                 b_out.reshape(1, 1))

# --- scband reference (transcript-rebuilt; emitter-appended) ---
"""Pipeline reference for scband-my-graph-sage-63788854280504 (READ-ONLY COPY).

The authoritative reference and input builder live on the scoring server;
editing this copy changes nothing except your own understanding.
"""

import jax, jax.numpy as jnp
import numpy as np

N = 10000
E = 320000
IN = 128
ENC = 256
HID = 256
OUT = 256

def _lin(k, o, i):
    return (jax.random.normal(k, (o, i), dtype=jnp.float32) * (1.0 / np.sqrt(i))).astype(jnp.float32)

def setup_inputs(seed: int = 0):
    key = jax.random.key(seed)
    ks = jax.random.split(key, 40)
    d = {}
    d["x"] = jax.random.normal(ks[0], (N, IN), dtype=jnp.float32)
    d["edge_index"] = jax.random.randint(ks[1], (2, E), 0, N)
    d["W_enc"] = _lin(ks[2], ENC, IN)
    d["b_enc"] = jnp.zeros((ENC,), jnp.float32)
    d["g_enc"] = jnp.ones((ENC,), jnp.float32)
    d["beta_enc"] = jnp.zeros((ENC,), jnp.float32)
    ki = 3
    for i in range(3):
        fan_in = ENC if i == 0 else HID
        d["Wl%d" % i] = _lin(ks[ki], HID, fan_in); ki += 1
        d["bl%d" % i] = jnp.zeros((HID,), jnp.float32)
        d["Wr%d" % i] = _lin(ks[ki], HID, fan_in); ki += 1
    d["W_jk"] = _lin(ks[ki], OUT, 3 * HID); ki += 1
    d["b_jk"] = jnp.zeros((OUT,), jnp.float32)
    for j in range(4):
        d["Wc%d" % j] = _lin(ks[ki], OUT, OUT); ki += 1
        d["bc%d" % j] = jnp.zeros((OUT,), jnp.float32)
        d["gc%d" % j] = jnp.ones((OUT,), jnp.float32)
        d["betac%d" % j] = jnp.zeros((OUT,), jnp.float32)
    d["W_out"] = _lin(ks[ki], 1, OUT); ki += 1
    d["b_out"] = jnp.zeros((1,), jnp.float32)
    return d

def _bn(x, g, b):
    mu = jnp.mean(x, 0)
    var = jnp.var(x, 0)
    return g * (x - mu) / jnp.sqrt(var + 1e-5) + b

def _sage(h, src, dst, Wl, bl, Wr):
    agg = jax.ops.segment_sum(h[src], dst, num_segments=h.shape[0])
    cnt = jax.ops.segment_sum(jnp.ones((src.shape[0],), h.dtype), dst, num_segments=h.shape[0])
    agg = agg / jnp.maximum(cnt, 1.0)[:, None]
    return agg @ Wl.T + bl + h @ Wr.T

def reference(x, edge_index, W_enc, b_enc, g_enc, beta_enc, Wl0, bl0, Wr0, Wl1, bl1, Wr1, Wl2, bl2, Wr2, W_jk, b_jk, Wc0, bc0, gc0, betac0, Wc1, bc1, gc1, betac1, Wc2, bc2, gc2, betac2, Wc3, bc3, gc3, betac3, W_out, b_out):
    src = edge_index[0]
    dst = edge_index[1]
    h = x @ W_enc.T + b_enc
    h = _bn(h, g_enc, beta_enc)
    xs = []
    for (Wl, bl, Wr) in ((Wl0, bl0, Wr0), (Wl1, bl1, Wr1), (Wl2, bl2, Wr2)):
        h = _sage(h, src, dst, Wl, bl, Wr)
        h = jax.nn.relu(h)
        xs.append(h)
    h = jnp.concatenate(xs, -1) @ W_jk.T + b_jk
    for (Wc, bc, gc, betac) in ((Wc0, bc0, gc0, betac0), (Wc1, bc1, gc1, betac1), (Wc2, bc2, gc2, betac2), (Wc3, bc3, gc3, betac3)):
        h = h @ Wc.T + bc
        h = _bn(h, gc, betac)
        h = jax.nn.relu(h)
    h = h @ W_out.T + b_out
    return jax.nn.sigmoid(h)

if __name__ == "__main__":
    import jax
    _d = setup_inputs()
    print(jax.jit(kernel)(*tuple(_d.values())))

</pallas_src>

<mosaic_0001>
#map = affine_map<(d0, d1) -> (0, 0, 0)>
#map1 = affine_map<(d0, d1) -> (0)>
#map2 = affine_map<(d0, d1) -> (0, 0)>
module attributes {stable_mosaic.version = 14 : i64} {
  func.func @_aggc_kernel(%arg0: i32, %arg1: i32, %arg2: memref<64x4x10000xf32, #tpu.memory_space<hbm>>, %arg3: memref<320000xi32, #tpu.memory_space<hbm>>, %arg4: memref<4x10000xf32, #tpu.memory_space<hbm>>, %arg5: memref<64x4x10000xf32, #tpu.memory_space<hbm>>, %arg6: memref<4000xi32, #tpu.memory_space<vmem>>, %arg7: memref<4000xi32, #tpu.memory_space<vmem>>, %arg8: memref<4x10000xf32, #tpu.memory_space<vmem>>, %arg9: memref<4x10000xf32, #tpu.memory_space<vmem>>, %arg10: memref<320000xi32, #tpu.memory_space<vmem_shared>>, %arg11: memref<!tpu.dma_semaphore, #tpu.memory_space<semaphore_mem>>, %arg12: memref<!tpu.dma_semaphore, #tpu.memory_space<semaphore_mem>>, %arg13: memref<!tpu.dma_semaphore, #tpu.memory_space<semaphore_mem>>) attributes {dimension_semantics = [#tpu.dimension_semantics<core_parallel>, #tpu.dimension_semantics<subcore_parallel>], iteration_bounds = array<i64: 2, 16>, scalar_prefetch = 0 : i64, scratch_operands = 8 : i64, tpu.core_type = #tpu.core_type<sc_vector_subcore>, window_params = [{transform_indices = #map}, {transform_indices = #map1}, {transform_indices = #map2}, {transform_indices = #map}]} {
    %mul3A = arith.constant 16 : i32
    %mul3A_0 = arith.muli %arg0, %mul3A : i32
    %add3A = arith.addi %mul3A_0, %arg1 : i32
    %mul3A_1 = arith.constant 20000 : i32
    %mul3A_2 = arith.muli %arg1, %mul3A_1 : i32
    %add3A_3 = arith.constant 0 : i32
    %add3A_4 = arith.addi %mul3A_2, %add3A_3 : i32
    "tpu.region"() ({
      %run_scoped3A = tpu.sem_alloc : memref<!tpu.dma_semaphore, #tpu.memory_space<semaphore_mem>>
      %dma_start3A_43 = tpu.memref_slice %arg3[%add3A_4] : memref<320000xi32, #tpu.memory_space<hbm>> -> memref<4000xi32, #tpu.memory_space<hbm>>
      %dma_start3A_44 = tpu.memref_slice %arg3[%add3A_4] : memref<320000xi32, #tpu.memory_space<hbm>> -> memref<4000xi32, #tpu.memory_space<hbm>>
      tpu.enqueue_dma source(%dma_start3A_44 : memref<4000xi32, #tpu.memory_space<hbm>>) target(%arg6 : memref<4000xi32, #tpu.memory_space<vmem>>) target_semaphore(%run_scoped3A : memref<!tpu.dma_semaphore, #tpu.memory_space<semaphore_mem>>)
      %dma_wait3A = tpu.memref_slice %arg3[%add3A_4] : memref<320000xi32, #tpu.memory_space<hbm>> -> memref<4000xi32, #tpu.memory_space<hbm>>
      %dma_wait3A_45 = tpu.memref_slice %arg3[%add3A_4] : memref<320000xi32, #tpu.memory_space<hbm>> -> memref<4000xi32, #tpu.memory_space<hbm>>
      tpu.wait_dma2 semaphore(%run_scoped3A : memref<!tpu.dma_semaphore, #tpu.memory_space<semaphore_mem>>) src(%dma_wait3A_45 : memref<4000xi32, #tpu.memory_space<hbm>>) dst(%arg6 : memref<4000xi32, #tpu.memory_space<vmem>>)
      tpu.yield
    }) : () -> ()
    "tpu.region"() ({
      %run_scoped3A = tpu.sem_alloc : memref<!tpu.dma_semaphore, #tpu.memory_space<semaphore_mem>>
      %dma_start3A_43 = tpu.memref_slice %arg10[%add3A_4] : memref<320000xi32, #tpu.memory_space<vmem_shared>> -> memref<4000xi32, #tpu.memory_space<vmem_shared>>
      %dma_start3A_44 = tpu.memref_slice %arg10[%add3A_4] : memref<320000xi32, #tpu.memory_space<vmem_shared>> -> memref<4000xi32, #tpu.memory_space<vmem_shared>>
      tpu.enqueue_dma source(%arg6 : memref<4000xi32, #tpu.memory_space<vmem>>) target(%dma_start3A_44 : memref<4000xi32, #tpu.memory_space<vmem_shared>>) target_semaphore(%run_scoped3A : memref<!tpu.dma_semaphore, #tpu.memory_space<semaphore_mem>>)
      %dma_wait3A = tpu.memref_slice %arg10[%add3A_4] : memref<320000xi32, #tpu.memory_space<vmem_shared>> -> memref<4000xi32, #tpu.memory_space<vmem_shared>>
      %dma_wait3A_45 = tpu.memref_slice %arg10[%add3A_4] : memref<320000xi32, #tpu.memory_space<vmem_shared>> -> memref<4000xi32, #tpu.memory_space<vmem_shared>>
      tpu.wait_dma2 semaphore(%run_scoped3A : memref<!tpu.dma_semaphore, #tpu.memory_space<semaphore_mem>>) src(%arg6 : memref<4000xi32, #tpu.memory_space<vmem>>) dst(%dma_wait3A_45 : memref<4000xi32, #tpu.memory_space<vmem_shared>>)
      tpu.yield
    }) : () -> ()
    %mul3A_5 = arith.constant 20000 : i32
    %mul3A_6 = arith.muli %arg1, %mul3A_5 : i32
    %add3A_7 = arith.constant 4000 : i32
    %add3A_8 = arith.addi %mul3A_6, %add3A_7 : i32
    "tpu.region"() ({
      %run_scoped3A = tpu.sem_alloc : memref<!tpu.dma_semaphore, #tpu.memory_space<semaphore_mem>>
      %dma_start3A_43 = tpu.memref_slice %arg3[%add3A_8] : memref<320000xi32, #tpu.memory_space<hbm>> -> memref<4000xi32, #tpu.memory_space<hbm>>
      %dma_start3A_44 = tpu.memref_slice %arg3[%add3A_8] : memref<320000xi32, #tpu.memory_space<hbm>> -> memref<4000xi32, #tpu.memory_space<hbm>>
      tpu.enqueue_dma source(%dma_start3A_44 : memref<4000xi32, #tpu.memory_space<hbm>>) target(%arg6 : memref<4000xi32, #tpu.memory_space<vmem>>) target_semaphore(%run_scoped3A : memref<!tpu.dma_semaphore, #tpu.memory_space<semaphore_mem>>)
      %dma_wait3A = tpu.memref_slice %arg3[%add3A_8] : memref<320000xi32, #tpu.memory_space<hbm>> -> memref<4000xi32, #tpu.memory_space<hbm>>
      %dma_wait3A_45 = tpu.memref_slice %arg3[%add3A_8] : memref<320000xi32, #tpu.memory_space<hbm>> -> memref<4000xi32, #tpu.memory_space<hbm>>
      tpu.wait_dma2 semaphore(%run_scoped3A : memref<!tpu.dma_semaphore, #tpu.memory_space<semaphore_mem>>) src(%dma_wait3A_45 : memref<4000xi32, #tpu.memory_space<hbm>>) dst(%arg6 : memref<4000xi32, #tpu.memory_space<vmem>>)
      tpu.yield
    }) : () -> ()
    "tpu.region"() ({
      %run_scoped3A = tpu.sem_alloc : memref<!tpu.dma_semaphore, #tpu.memory_space<semaphore_mem>>
      %dma_start3A_43 = tpu.memref_slice %arg10[%add3A_8] : memref<320000xi32, #tpu.memory_space<vmem_shared>> -> memref<4000xi32, #tpu.memory_space<vmem_shared>>
      %dma_start3A_44 = tpu.memref_slice %arg10[%add3A_8] : memref<320000xi32, #tpu.memory_space<vmem_shared>> -> memref<4000xi32, #tpu.memory_space<vmem_shared>>
      tpu.enqueue_dma source(%arg6 : memref<4000xi32, #tpu.memory_space<vmem>>) target(%dma_start3A_44 : memref<4000xi32, #tpu.memory_space<vmem_shared>>) target_semaphore(%run_scoped3A : memref<!tpu.dma_semaphore, #tpu.memory_space<semaphore_mem>>)
      %dma_wait3A = tpu.memref_slice %arg10[%add3A_8] : memref<320000xi32, #tpu.memory_space<vmem_shared>> -> memref<4000xi32, #tpu.memory_space<vmem_shared>>
      %dma_wait3A_45 = tpu.memref_slice %arg10[%add3A_8] : memref<320000xi32, #tpu.memory_space<vmem_shared>> -> memref<4000xi32, #tpu.memory_space<vmem_shared>>
      tpu.wait_dma2 semaphore(%run_scoped3A : memref<!tpu.dma_semaphore, #tpu.memory_space<semaphore_mem>>) src(%arg6 : memref<4000xi32, #tpu.memory_space<vmem>>) dst(%dma_wait3A_45 : memref<4000xi32, #tpu.memory_space<vmem_shared>>)
      tpu.yield
    }) : () -> ()
    %mul3A_9 = arith.constant 20000 : i32
    %mul3A_10 = arith.muli %arg1, %mul3A_9 : i32
    %add3A_11 = arith.constant 8000 : i32
    %add3A_12 = arith.addi %mul3A_10, %add3A_11 : i32
    "tpu.region"() ({
      %run_scoped3A = tpu.sem_alloc : memref<!tpu.dma_semaphore, #tpu.memory_space<semaphore_mem>>
      %dma_start3A_43 = tpu.memref_slice %arg3[%add3A_12] : memref<320000xi32, #tpu.memory_space<hbm>> -> memref<4000xi32, #tpu.memory_space<hbm>>
      %dma_start3A_44 = tpu.memref_slice %arg3[%add3A_12] : memref<320000xi32, #tpu.memory_space<hbm>> -> memref<4000xi32, #tpu.memory_space<hbm>>
      tpu.enqueue_dma source(%dma_start3A_44 : memref<4000xi32, #tpu.memory_space<hbm>>) target(%arg6 : memref<4000xi32, #tpu.memory_space<vmem>>) target_semaphore(%run_scoped3A : memref<!tpu.dma_semaphore, #tpu.memory_space<semaphore_mem>>)
      %dma_wait3A = tpu.memref_slice %arg3[%add3A_12] : memref<320000xi32, #tpu.memory_space<hbm>> -> memref<4000xi32, #tpu.memory_space<hbm>>
      %dma_wait3A_45 = tpu.memref_slice %arg3[%add3A_12] : memref<320000xi32, #tpu.memory_space<hbm>> -> memref<4000xi32, #tpu.memory_space<hbm>>
      tpu.wait_dma2 semaphore(%run_scoped3A : memref<!tpu.dma_semaphore, #tpu.memory_space<semaphore_mem>>) src(%dma_wait3A_45 : memref<4000xi32, #tpu.memory_space<hbm>>) dst(%arg6 : memref<4000xi32, #tpu.memory_space<vmem>>)
      tpu.yield
    }) : () -> ()
    "tpu.region"() ({
      %run_scoped3A = tpu.sem_alloc : memref<!tpu.dma_semaphore, #tpu.memory_space<semaphore_mem>>
      %dma_start3A_43 = tpu.memref_slice %arg10[%add3A_12] : memref<320000xi32, #tpu.memory_space<vmem_shared>> -> memref<4000xi32, #tpu.memory_space<vmem_shared>>
      %dma_start3A_44 = tpu.memref_slice %arg10[%add3A_12] : memref<320000xi32, #tpu.memory_space<vmem_shared>> -> memref<4000xi32, #tpu.memory_space<vmem_shared>>
      tpu.enqueue_dma source(%arg6 : memref<4000xi32, #tpu.memory_space<vmem>>) target(%dma_start3A_44 : memref<4000xi32, #tpu.memory_space<vmem_shared>>) target_semaphore(%run_scoped3A : memref<!tpu.dma_semaphore, #tpu.memory_space<semaphore_mem>>)
      %dma_wait3A = tpu.memref_slice %arg10[%add3A_12] : memref<320000xi32, #tpu.memory_space<vmem_shared>> -> memref<4000xi32, #tpu.memory_space<vmem_shared>>
      %dma_wait3A_45 = tpu.memref_slice %arg10[%add3A_12] : memref<320000xi32, #tpu.memory_space<vmem_shared>> -> memref<4000xi32, #tpu.memory_space<vmem_shared>>
      tpu.wait_dma2 semaphore(%run_scoped3A : memref<!tpu.dma_semaphore, #tpu.memory_space<semaphore_mem>>) src(%arg6 : memref<4000xi32, #tpu.memory_space<vmem>>) dst(%dma_wait3A_45 : memref<4000xi32, #tpu.memory_space<vmem_shared>>)
      tpu.yield
    }) : () -> ()
    %mul3A_13 = arith.constant 20000 : i32
    %mul3A_14 = arith.muli %arg1, %mul3A_13 : i32
    %add3A_15 = arith.constant 12000 : i32
    %add3A_16 = arith.addi %mul3A_14, %add3A_15 : i32
    "tpu.region"() ({
      %run_scoped3A = tpu.sem_alloc : memref<!tpu.dma_semaphore, #tpu.memory_space<semaphore_mem>>
      %dma_start3A_43 = tpu.memref_slice %arg3[%add3A_16] : memref<320000xi32, #tpu.memory_space<hbm>> -> memref<4000xi32, #tpu.memory_space<hbm>>
      %dma_start3A_44 = tpu.memref_slice %arg3[%add3A_16] : memref<320000xi32, #tpu.memory_space<hbm>> -> memref<4000xi32, #tpu.memory_space<hbm>>
      tpu.enqueue_dma source(%dma_start3A_44 : memref<4000xi32, #tpu.memory_space<hbm>>) target(%arg6 : memref<4000xi32, #tpu.memory_space<vmem>>) target_semaphore(%run_scoped3A : memref<!tpu.dma_semaphore, #tpu.memory_space<semaphore_mem>>)
      %dma_wait3A = tpu.memref_slice %arg3[%add3A_16] : memref<320000xi32, #tpu.memory_space<hbm>> -> memref<4000xi32, #tpu.memory_space<hbm>>
      %dma_wait3A_45 = tpu.memref_slice %arg3[%add3A_16] : memref<320000xi32, #tpu.memory_space<hbm>> -> memref<4000xi32, #tpu.memory_space<hbm>>
      tpu.wait_dma2 semaphore(%run_scoped3A : memref<!tpu.dma_semaphore, #tpu.memory_space<semaphore_mem>>) src(%dma_wait3A_45 : memref<4000xi32, #tpu.memory_space<hbm>>) dst(%arg6 : memref<4000xi32, #tpu.memory_space<vmem>>)
      tpu.yield
    }) : () -> ()
    "tpu.region"() ({
      %run_scoped3A = tpu.sem_alloc : memref<!tpu.dma_semaphore, #tpu.memory_space<semaphore_mem>>
      %dma_start3A_43 = tpu.memref_slice %arg10[%add3A_16] : memref<320000xi32, #tpu.memory_space<vmem_shared>> -> memref<4000xi32, #tpu.memory_space<vmem_shared>>
      %dma_start3A_44 = tpu.memref_slice %arg10[%add3A_16] : memref<320000xi32, #tpu.memory_space<vmem_shared>> -> memref<4000xi32, #tpu.memory_space<vmem_shared>>
      tpu.enqueue_dma source(%arg6 : memref<4000xi32, #tpu.memory_space<vmem>>) target(%dma_start3A_44 : memref<4000xi32, #tpu.memory_space<vmem_shared>>) target_semaphore(%run_scoped3A : memref<!tpu.dma_semaphore, #tpu.memory_space<semaphore_mem>>)
      %dma_wait3A = tpu.memref_slice %arg10[%add3A_16] : memref<320000xi32, #tpu.memory_space<vmem_shared>> -> memref<4000xi32, #tpu.memory_space<vmem_shared>>
      %dma_wait3A_45 = tpu.memref_slice %arg10[%add3A_16] : memref<320000xi32, #tpu.memory_space<vmem_shared>> -> memref<4000xi32, #tpu.memory_space<vmem_shared>>
      tpu.wait_dma2 semaphore(%run_scoped3A : memref<!tpu.dma_semaphore, #tpu.memory_space<semaphore_mem>>) src(%arg6 : memref<4000xi32, #tpu.memory_space<vmem>>) dst(%dma_wait3A_45 : memref<4000xi32, #tpu.memory_space<vmem_shared>>)
      tpu.yield
    }) : () -> ()
    %mul3A_17 = arith.constant 20000 : i32
    %mul3A_18 = arith.muli %arg1, %mul3A_17 : i32
    %add3A_19 = arith.constant 16000 : i32
    %add3A_20 = arith.addi %mul3A_18, %add3A_19 : i32
    "tpu.region"() ({
      %run_scoped3A = tpu.sem_alloc : memref<!tpu.dma_semaphore, #tpu.memory_space<semaphore_mem>>
      %dma_start3A_43 = tpu.memref_slice %arg3[%add3A_20] : memref<320000xi32, #tpu.memory_space<hbm>> -> memref<4000xi32, #tpu.memory_space<hbm>>
      %dma_start3A_44 = tpu.memref_slice %arg3[%add3A_20] : memref<320000xi32, #tpu.memory_space<hbm>> -> memref<4000xi32, #tpu.memory_space<hbm>>
      tpu.enqueue_dma source(%dma_start3A_44 : memref<4000xi32, #tpu.memory_space<hbm>>) target(%arg6 : memref<4000xi32, #tpu.memory_space<vmem>>) target_semaphore(%run_scoped3A : memref<!tpu.dma_semaphore, #tpu.memory_space<semaphore_mem>>)
      %dma_wait3A = tpu.memref_slice %arg3[%add3A_20] : memref<320000xi32, #tpu.memory_space<hbm>> -> memref<4000xi32, #tpu.memory_space<hbm>>
      %dma_wait3A_45 = tpu.memref_slice %arg3[%add3A_20] : memref<320000xi32, #tpu.memory_space<hbm>> -> memref<4000xi32, #tpu.memory_space<hbm>>
      tpu.wait_dma2 semaphore(%run_scoped3A : memref<!tpu.dma_semaphore, #tpu.memory_space<semaphore_mem>>) src(%dma_wait3A_45 : memref<4000xi32, #tpu.memory_space<hbm>>) dst(%arg6 : memref<4000xi32, #tpu.memory_space<vmem>>)
      tpu.yield
    }) : () -> ()
    "tpu.region"() ({
      %run_scoped3A = tpu.sem_alloc : memref<!tpu.dma_semaphore, #tpu.memory_space<semaphore_mem>>
      %dma_start3A_43 = tpu.memref_slice %arg10[%add3A_20] : memref<320000xi32, #tpu.memory_space<vmem_shared>> -> memref<4000xi32, #tpu.memory_space<vmem_shared>>
      %dma_start3A_44 = tpu.memref_slice %arg10[%add3A_20] : memref<320000xi32, #tpu.memory_space<vmem_shared>> -> memref<4000xi32, #tpu.memory_space<vmem_shared>>
      tpu.enqueue_dma source(%arg6 : memref<4000xi32, #tpu.memory_space<vmem>>) target(%dma_start3A_44 : memref<4000xi32, #tpu.memory_space<vmem_shared>>) target_semaphore(%run_scoped3A : memref<!tpu.dma_semaphore, #tpu.memory_space<semaphore_mem>>)
      %dma_wait3A = tpu.memref_slice %arg10[%add3A_20] : memref<320000xi32, #tpu.memory_space<vmem_shared>> -> memref<4000xi32, #tpu.memory_space<vmem_shared>>
      %dma_wait3A_45 = tpu.memref_slice %arg10[%add3A_20] : memref<320000xi32, #tpu.memory_space<vmem_shared>> -> memref<4000xi32, #tpu.memory_space<vmem_shared>>
      tpu.wait_dma2 semaphore(%run_scoped3A : memref<!tpu.dma_semaphore, #tpu.memory_space<semaphore_mem>>) src(%arg6 : memref<4000xi32, #tpu.memory_space<vmem>>) dst(%dma_wait3A_45 : memref<4000xi32, #tpu.memory_space<vmem_shared>>)
      tpu.yield
    }) : () -> ()
    %barrier3A = arith.constant 0 : index
    tpu.barrier barrier_id(%barrier3A)
    %add3A_21 = arith.constant 0 : i32
    %add3A_22 = arith.addi %add3A_21, %add3A : i32
    "tpu.region"() ({
      %run_scoped3A = tpu.sem_alloc : memref<!tpu.dma_semaphore, #tpu.memory_space<semaphore_mem>>
      %dma_start3A_43 = arith.constant 0 : i32
      %dma_start3A_44 = arith.constant 0 : i32
      %dma_start3A_45 = tpu.memref_slice %arg2[%add3A_22, %dma_start3A_43, %dma_start3A_44] : memref<64x4x10000xf32, #tpu.memory_space<hbm>> -> memref<1x4x10000xf32, #tpu.memory_space<hbm>>
      %dma_start3A_46 = tpu.memref_squeeze %dma_start3A_45 : memref<1x4x10000xf32, #tpu.memory_space<hbm>> -> memref<4x10000xf32, #tpu.memory_space<hbm>>
      %dma_start3A_47 = arith.constant 0 : i32
      %dma_start3A_48 = arith.constant 0 : i32
      %dma_start3A_49 = tpu.memref_slice %arg2[%add3A_22, %dma_start3A_47, %dma_start3A_48] : memref<64x4x10000xf32, #tpu.memory_space<hbm>> -> memref<1x4x10000xf32, #tpu.memory_space<hbm>>
      %dma_start3A_50 = tpu.memref_squeeze %dma_start3A_49 : memref<1x4x10000xf32, #tpu.memory_space<hbm>> -> memref<4x10000xf32, #tpu.memory_space<hbm>>
      tpu.enqueue_dma source(%dma_start3A_50 : memref<4x10000xf32, #tpu.memory_space<hbm>>) target(%arg8 : memref<4x10000xf32, #tpu.memory_space<vmem>>) target_semaphore(%run_scoped3A : memref<!tpu.dma_semaphore, #tpu.memory_space<semaphore_mem>>)
      %dma_wait3A = arith.constant 0 : i32
      %dma_wait3A_51 = arith.constant 0 : i32
      %dma_wait3A_52 = tpu.memref_slice %arg2[%add3A_22, %dma_wait3A, %dma_wait3A_51] : memref<64x4x10000xf32, #tpu.memory_space<hbm>> -> memref<1x4x10000xf32, #tpu.memory_space<hbm>>
      %dma_wait3A_53 = tpu.memref_squeeze %dma_wait3A_52 : memref<1x4x10000xf32, #tpu.memory_space<hbm>> -> memref<4x10000xf32, #tpu.memory_space<hbm>>
      %dma_wait3A_54 = arith.constant 0 : i32
      %dma_wait3A_55 = arith.constant 0 : i32
      %dma_wait3A_56 = tpu.memref_slice %arg2[%add3A_22, %dma_wait3A_54, %dma_wait3A_55] : memref<64x4x10000xf32, #tpu.memory_space<hbm>> -> memref<1x4x10000xf32, #tpu.memory_space<hbm>>
      %dma_wait3A_57 = tpu.memref_squeeze %dma_wait3A_56 : memref<1x4x10000xf32, #tpu.memory_space<hbm>> -> memref<4x10000xf32, #tpu.memory_space<hbm>>
      tpu.wait_dma2 semaphore(%run_scoped3A : memref<!tpu.dma_semaphore, #tpu.memory_space<semaphore_mem>>) src(%dma_wait3A_57 : memref<4x10000xf32, #tpu.memory_space<hbm>>) dst(%arg8 : memref<4x10000xf32, #tpu.memory_space<vmem>>)
      tpu.yield
    }) : () -> ()
    "tpu.region"() ({
      %run_scoped3A = tpu.sem_alloc : memref<!tpu.dma_semaphore, #tpu.memory_space<semaphore_mem>>
      tpu.enqueue_dma source(%arg4 : memref<4x10000xf32, #tpu.memory_space<hbm>>) target(%arg9 : memref<4x10000xf32, #tpu.memory_space<vmem>>) target_semaphore(%run_scoped3A : memref<!tpu.dma_semaphore, #tpu.memory_space<semaphore_mem>>)
      tpu.wait_dma2 semaphore(%run_scoped3A : memref<!tpu.dma_semaphore, #tpu.memory_space<semaphore_mem>>) src(%arg4 : memref<4x10000xf32, #tpu.memory_space<hbm>>) dst(%arg9 : memref<4x10000xf32, #tpu.memory_space<vmem>>)
      tpu.yield
    }) : () -> ()
    %dma_start3A = arith.constant 0 : i32
    %dma_start3A_23 = tpu.memref_slice %arg10[%dma_start3A] : memref<320000xi32, #tpu.memory_space<vmem_shared>> -> memref<4000xi32, #tpu.memory_space<vmem_shared>>
    %dma_start3A_24 = arith.constant 0 : i32
    %dma_start3A_25 = tpu.memref_slice %arg10[%dma_start3A_24] : memref<320000xi32, #tpu.memory_space<vmem_shared>> -> memref<4000xi32, #tpu.memory_space<vmem_shared>>
    tpu.enqueue_dma source(%dma_start3A_25 : memref<4000xi32, #tpu.memory_space<vmem_shared>>) target(%arg6 : memref<4000xi32, #tpu.memory_space<vmem>>) target_semaphore(%arg12 : memref<!tpu.dma_semaphore, #tpu.memory_space<semaphore_mem>>)
    %scan3A = arith.constant 0 : i32
    %scan3A_26 = arith.constant 0 : i32
    %scan3A_27 = arith.constant 40 : i32
    %scan3A_28 = arith.addi %scan3A_26, %scan3A_27 : i32
    %scan3A_29 = arith.constant 1 : i32
    scf.for %scan3A_43 = %scan3A_26 to %scan3A_28 step %scan3A_29  : i32 {
      %mul3A_44 = arith.constant 2 : i32
      %mul3A_45 = arith.muli %mul3A_44, %scan3A_43 : i32
      %add3A_46 = arith.constant 1 : i32
      %add3A_47 = arith.addi %mul3A_45, %add3A_46 : i32
      %mul3A_48 = arith.constant 4000 : i32
      %mul3A_49 = arith.muli %add3A_47, %mul3A_48 : i32
      %dma_start3A_50 = tpu.memref_slice %arg10[%mul3A_49] : memref<320000xi32, #tpu.memory_space<vmem_shared>> -> memref<4000xi32, #tpu.memory_space<vmem_shared>>
      %dma_start3A_51 = tpu.memref_slice %arg10[%mul3A_49] : memref<320000xi32, #tpu.memory_space<vmem_shared>> -> memref<4000xi32, #tpu.memory_space<vmem_shared>>
      tpu.enqueue_dma source(%dma_start3A_51 : memref<4000xi32, #tpu.memory_space<vmem_shared>>) target(%arg7 : memref<4000xi32, #tpu.memory_space<vmem>>) target_semaphore(%arg13 : memref<!tpu.dma_semaphore, #tpu.memory_space<semaphore_mem>>)
      %dma_wait3A = arith.constant 0 : i32
      %dma_wait3A_52 = tpu.memref_slice %arg10[%dma_wait3A] : memref<320000xi32, #tpu.memory_space<vmem_shared>> -> memref<4000xi32, #tpu.memory_space<vmem_shared>>
      %dma_wait3A_53 = arith.constant 0 : i32
      %dma_wait3A_54 = tpu.memref_slice %arg10[%dma_wait3A_53] : memref<320000xi32, #tpu.memory_space<vmem_shared>> -> memref<4000xi32, #tpu.memory_space<vmem_shared>>
      tpu.wait_dma2 semaphore(%arg12 : memref<!tpu.dma_semaphore, #tpu.memory_space<semaphore_mem>>) src(%dma_wait3A_54 : memref<4000xi32, #tpu.memory_space<vmem_shared>>) dst(%arg6 : memref<4000xi32, #tpu.memory_space<vmem>>)
      %parallel_loop3A = arith.constant 0 : i32
      %parallel_loop3A_55 = arith.constant 250 : i32
      %parallel_loop3A_56 = arith.constant 1 : i32
      scf.for %parallel_loop3A_68 = %parallel_loop3A to %parallel_loop3A_55 step %parallel_loop3A_56  : i32 {
        %parallel_loop3A_69 = arith.constant 16 : i32
        %parallel_loop3A_70 = arith.muli %parallel_loop3A_68, %parallel_loop3A_69 : i32
        %parallel_loop3A_71 = arith.index_cast %parallel_loop3A_70 : i32 to index
        %parallel_loop3A_72 = tpu.vector_load %arg6[%parallel_loop3A_71] {strides = array<i32>} : memref<4000xi32, #tpu.memory_space<vmem>>, vector<16xi32>,
        %parallel_loop3A_73 = arith.constant 14 : i32
        %parallel_loop3A_74 = vector.broadcast %parallel_loop3A_73 : i32 to vector<16xi32>
        %parallel_loop3A_75 = arith.shrui %parallel_loop3A_72, %parallel_loop3A_74 : vector<16xi32>
        %parallel_loop3A_76 = arith.constant 16383 : i32
        %parallel_loop3A_77 = vector.broadcast %parallel_loop3A_76 : i32 to vector<16xi32>
        %parallel_loop3A_78 = arith.andi %parallel_loop3A_72, %parallel_loop3A_77 : vector<16xi32>
        %parallel_loop3A_79 = arith.constant 0 : i32
        %parallel_loop3A_80 = vector.broadcast %parallel_loop3A_79 : i32 to vector<16xi32>
        %parallel_loop3A_81 = tpu.vector_load_idx %arg8[%parallel_loop3A_80, %parallel_loop3A_75] : memref<4x10000xf32, #tpu.memory_space<vmem>>[vector<16xi32>, vector<16xi32>], vector<16xf32>,
        tpu.vector_store_idx %arg9[%parallel_loop3A_80, %parallel_loop3A_78], %parallel_loop3A_81 {add = true} : memref<4x10000xf32, #tpu.memory_space<vmem>>[vector<16xi32>, vector<16xi32>], vector<16xf32>,
        %parallel_loop3A_82 = arith.constant 1 : i32
        %parallel_loop3A_83 = vector.broadcast %parallel_loop3A_82 : i32 to vector<16xi32>
        %parallel_loop3A_84 = tpu.vector_load_idx %arg8[%parallel_loop3A_83, %parallel_loop3A_75] : memref<4x10000xf32, #tpu.memory_space<vmem>>[vector<16xi32>, vector<16xi32>], vector<16xf32>,
        tpu.vector_store_idx %arg9[%parallel_loop3A_83, %parallel_loop3A_78], %parallel_loop3A_84 {add = true} : memref<4x10000xf32, #tpu.memory_space<vmem>>[vector<16xi32>, vector<16xi32>], vector<16xf32>,
        %parallel_loop3A_85 = arith.constant 2 : i32
        %parallel_loop3A_86 = vector.broadcast %parallel_loop3A_85 : i32 to vector<16xi32>
        %parallel_loop3A_87 = tpu.vector_load_idx %arg8[%parallel_loop3A_86, %parallel_loop3A_75] : memref<4x10000xf32, #tpu.memory_space<vmem>>[vector<16xi32>, vector<16xi32>], vector<16xf32>,
        tpu.vector_store_idx %arg9[%parallel_loop3A_86, %parallel_loop3A_78], %parallel_loop3A_87 {add = true} : memref<4x10000xf32, #tpu.memory_space<vmem>>[vector<16xi32>, vector<16xi32>], vector<16xf32>,
        %parallel_loop3A_88 = arith.constant 3 : i32
        %parallel_loop3A_89 = vector.broadcast %parallel_loop3A_88 : i32 to vector<16xi32>
        %parallel_loop3A_90 = tpu.vector_load_idx %arg8[%parallel_loop3A_89, %parallel_loop3A_75] : memref<4x10000xf32, #tpu.memory_space<vmem>>[vector<16xi32>, vector<16xi32>], vector<16xf32>,
        tpu.vector_store_idx %arg9[%parallel_loop3A_89, %parallel_loop3A_78], %parallel_loop3A_90 {add = true} : memref<4x10000xf32, #tpu.memory_space<vmem>>[vector<16xi32>, vector<16xi32>], vector<16xf32>,
      } {sc.loop_unroll_factor = 4 : i64, sc.parallel_access}
      %add3A_57 = arith.constant 2 : i32
      %add3A_58 = arith.addi %mul3A_45, %add3A_57 : i32
      %lt3A = arith.constant 80 : i32
      %lt3A_59 = arith.cmpi slt, %add3A_58, %lt3A : i32
      %convert_element_type3A = arith.extui %lt3A_59 : i1 to i32
      %cond3A = arith.constant 0 : i32
      %cond3A_60 = arith.cmpi ne, %convert_element_type3A, %cond3A : i32
      scf.if %cond3A_60 {
        %add3A_68 = arith.constant 2 : i32
        %add3A_69 = arith.addi %mul3A_45, %add3A_68 : i32
        %mul3A_70 = arith.constant 4000 : i32
        %mul3A_71 = arith.muli %add3A_69, %mul3A_70 : i32
        %dma_start3A_72 = tpu.memref_slice %arg10[%mul3A_71] : memref<320000xi32, #tpu.memory_space<vmem_shared>> -> memref<4000xi32, #tpu.memory_space<vmem_shared>>
        %dma_start3A_73 = tpu.memref_slice %arg10[%mul3A_71] : memref<320000xi32, #tpu.memory_space<vmem_shared>> -> memref<4000xi32, #tpu.memory_space<vmem_shared>>
        tpu.enqueue_dma source(%dma_start3A_73 : memref<4000xi32, #tpu.memory_space<vmem_shared>>) target(%arg6 : memref<4000xi32, #tpu.memory_space<vmem>>) target_semaphore(%arg12 : memref<!tpu.dma_semaphore, #tpu.memory_space<semaphore_mem>>)
      } else {
      }
      %dma_wait3A_61 = arith.constant 0 : i32
      %dma_wait3A_62 = tpu.memref_slice %arg10[%dma_wait3A_61] : memref<320000xi32, #tpu.memory_space<vmem_shared>> -> memref<4000xi32, #tpu.memory_space<vmem_shared>>
      %dma_wait3A_63 = arith.constant 0 : i32
      %dma_wait3A_64 = tpu.memref_slice %arg10[%dma_wait3A_63] : memref<320000xi32, #tpu.memory_space<vmem_shared>> -> memref<4000xi32, #tpu.memory_space<vmem_shared>>
      tpu.wait_dma2 semaphore(%arg13 : memref<!tpu.dma_semaphore, #tpu.memory_space<semaphore_mem>>) src(%dma_wait3A_64 : memref<4000xi32, #tpu.memory_space<vmem_shared>>) dst(%arg7 : memref<4000xi32, #tpu.memory_space<vmem>>)
      %parallel_loop3A_65 = arith.constant 0 : i32
      %parallel_loop3A_66 = arith.constant 250 : i32
      %parallel_loop3A_67 = arith.constant 1 : i32
      scf.for %parallel_loop3A_68 = %parallel_loop3A_65 to %parallel_loop3A_66 step %parallel_loop3A_67  : i32 {
        %parallel_loop3A_69 = arith.constant 16 : i32
        %parallel_loop3A_70 = arith.muli %parallel_loop3A_68, %parallel_loop3A_69 : i32
        %parallel_loop3A_71 = arith.index_cast %parallel_loop3A_70 : i32 to index
        %parallel_loop3A_72 = tpu.vector_load %arg7[%parallel_loop3A_71] {strides = array<i32>} : memref<4000xi32, #tpu.memory_space<vmem>>, vector<16xi32>,
        %parallel_loop3A_73 = arith.constant 14 : i32
        %parallel_loop3A_74 = vector.broadcast %parallel_loop3A_73 : i32 to vector<16xi32>
        %parallel_loop3A_75 = arith.shrui %parallel_loop3A_72, %parallel_loop3A_74 : vector<16xi32>
        %parallel_loop3A_76 = arith.constant 16383 : i32
        %parallel_loop3A_77 = vector.broadcast %parallel_loop3A_76 : i32 to vector<16xi32>
        %parallel_loop3A_78 = arith.andi %parallel_loop3A_72, %parallel_loop3A_77 : vector<16xi32>
        %parallel_loop3A_79 = arith.constant 0 : i32
        %parallel_loop3A_80 = vector.broadcast %parallel_loop3A_79 : i32 to vector<16xi32>
        %parallel_loop3A_81 = tpu.vector_load_idx %arg8[%parallel_loop3A_80, %parallel_loop3A_75] : memref<4x10000xf32, #tpu.memory_space<vmem>>[vector<16xi32>, vector<16xi32>], vector<16xf32>,
        tpu.vector_store_idx %arg9[%parallel_loop3A_80, %parallel_loop3A_78], %parallel_loop3A_81 {add = true} : memref<4x10000xf32, #tpu.memory_space<vmem>>[vector<16xi32>, vector<16xi32>], vector<16xf32>,
        %parallel_loop3A_82 = arith.constant 1 : i32
        %parallel_loop3A_83 = vector.broadcast %parallel_loop3A_82 : i32 to vector<16xi32>
        %parallel_loop3A_84 = tpu.vector_load_idx %arg8[%parallel_loop3A_83, %parallel_loop3A_75] : memref<4x10000xf32, #tpu.memory_space<vmem>>[vector<16xi32>, vector<16xi32>], vector<16xf32>,
        tpu.vector_store_idx %arg9[%parallel_loop3A_83, %parallel_loop3A_78], %parallel_loop3A_84 {add = true} : memref<4x10000xf32, #tpu.memory_space<vmem>>[vector<16xi32>, vector<16xi32>], vector<16xf32>,
        %parallel_loop3A_85 = arith.constant 2 : i32
        %parallel_loop3A_86 = vector.broadcast %parallel_loop3A_85 : i32 to vector<16xi32>
        %parallel_loop3A_87 = tpu.vector_load_idx %arg8[%parallel_loop3A_86, %parallel_loop3A_75] : memref<4x10000xf32, #tpu.memory_space<vmem>>[vector<16xi32>, vector<16xi32>], vector<16xf32>,
        tpu.vector_store_idx %arg9[%parallel_loop3A_86, %parallel_loop3A_78], %parallel_loop3A_87 {add = true} : memref<4x10000xf32, #tpu.memory_space<vmem>>[vector<16xi32>, vector<16xi32>], vector<16xf32>,
        %parallel_loop3A_88 = arith.constant 3 : i32
        %parallel_loop3A_89 = vector.broadcast %parallel_loop3A_88 : i32 to vector<16xi32>
        %parallel_loop3A_90 = tpu.vector_load_idx %arg8[%parallel_loop3A_89, %parallel_loop3A_75] : memref<4x10000xf32, #tpu.memory_space<vmem>>[vector<16xi32>, vector<16xi32>], vector<16xf32>,
        tpu.vector_store_idx %arg9[%parallel_loop3A_89, %parallel_loop3A_78], %parallel_loop3A_90 {add = true} : memref<4x10000xf32, #tpu.memory_space<vmem>>[vector<16xi32>, vector<16xi32>], vector<16xf32>,
      } {sc.loop_unroll_factor = 4 : i64, sc.parallel_access}
    }
    %scan3A_30 = arith.constant 40 : i32
    "tpu.region"() ({
      %run_scoped3A = tpu.sem_alloc : memref<!tpu.dma_semaphore, #tpu.memory_space<semaphore_mem>>
      %dma_start3A_43 = arith.constant 0 : i32
      %dma_start3A_44 = arith.constant 0 : i32
      %dma_start3A_45 = tpu.memref_slice %arg5[%add3A_22, %dma_start3A_43, %dma_start3A_44] : memref<64x4x10000xf32, #tpu.memory_space<hbm>> -> memref<1x4x10000xf32, #tpu.memory_space<hbm>>
      %dma_start3A_46 = tpu.memref_squeeze %dma_start3A_45 : memref<1x4x10000xf32, #tpu.memory_space<hbm>> -> memref<4x10000xf32, #tpu.memory_space<hbm>>
      %dma_start3A_47 = arith.constant 0 : i32
      %dma_start3A_48 = arith.constant 0 : i32
      %dma_start3A_49 = tpu.memref_slice %arg5[%add3A_22, %dma_start3A_47, %dma_start3A_48] : memref<64x4x10000xf32, #tpu.memory_space<hbm>> -> memref<1x4x10000xf32, #tpu.memory_space<hbm>>
      %dma_start3A_50 = tpu.memref_squeeze %dma_start3A_49 : memref<1x4x10000xf32, #tpu.memory_space<hbm>> -> memref<4x10000xf32, #tpu.memory_space<hbm>>
      tpu.enqueue_dma source(%arg9 : memref<4x10000xf32, #tpu.memory_space<vmem>>) target(%dma_start3A_50 : memref<4x10000xf32, #tpu.memory_space<hbm>>) target_semaphore(%run_scoped3A : memref<!tpu.dma_semaphore, #tpu.memory_space<semaphore_mem>>)
      %dma_wait3A = arith.constant 0 : i32
      %dma_wait3A_51 = arith.constant 0 : i32
      %dma_wait3A_52 = tpu.memref_slice %arg5[%add3A_22, %dma_wait3A, %dma_wait3A_51] : memref<64x4x10000xf32, #tpu.memory_space<hbm>> -> memref<1x4x10000xf32, #tpu.memory_space<hbm>>
      %dma_wait3A_53 = tpu.memref_squeeze %dma_wait3A_52 : memref<1x4x10000xf32, #tpu.memory_space<hbm>> -> memref<4x10000xf32, #tpu.memory_space<hbm>>
      %dma_wait3A_54 = arith.constant 0 : i32
      %dma_wait3A_55 = arith.constant 0 : i32
      %dma_wait3A_56 = tpu.memref_slice %arg5[%add3A_22, %dma_wait3A_54, %dma_wait3A_55] : memref<64x4x10000xf32, #tpu.memory_space<hbm>> -> memref<1x4x10000xf32, #tpu.memory_space<hbm>>
      %dma_wait3A_57 = tpu.memref_squeeze %dma_wait3A_56 : memref<1x4x10000xf32, #tpu.memory_space<hbm>> -> memref<4x10000xf32, #tpu.memory_space<hbm>>
      tpu.wait_dma2 semaphore(%run_scoped3A : memref<!tpu.dma_semaphore, #tpu.memory_space<semaphore_mem>>) src(%arg9 : memref<4x10000xf32, #tpu.memory_space<vmem>>) dst(%dma_wait3A_57 : memref<4x10000xf32, #tpu.memory_space<hbm>>)
      tpu.yield
    }) : () -> ()
    %add3A_31 = arith.constant 32 : i32
    %add3A_32 = arith.addi %add3A_31, %add3A : i32
    "tpu.region"() ({
      %run_scoped3A = tpu.sem_alloc : memref<!tpu.dma_semaphore, #tpu.memory_space<semaphore_mem>>
      %dma_start3A_43 = arith.constant 0 : i32
      %dma_start3A_44 = arith.constant 0 : i32
      %dma_start3A_45 = tpu.memref_slice %arg2[%add3A_32, %dma_start3A_43, %dma_start3A_44] : memref<64x4x10000xf32, #tpu.memory_space<hbm>> -> memref<1x4x10000xf32, #tpu.memory_space<hbm>>
      %dma_start3A_46 = tpu.memref_squeeze %dma_start3A_45 : memref<1x4x10000xf32, #tpu.memory_space<hbm>> -> memref<4x10000xf32, #tpu.memory_space<hbm>>
      %dma_start3A_47 = arith.constant 0 : i32
      %dma_start3A_48 = arith.constant 0 : i32
      %dma_start3A_49 = tpu.memref_slice %arg2[%add3A_32, %dma_start3A_47, %dma_start3A_48] : memref<64x4x10000xf32, #tpu.memory_space<hbm>> -> memref<1x4x10000xf32, #tpu.memory_space<hbm>>
      %dma_start3A_50 = tpu.memref_squeeze %dma_start3A_49 : memref<1x4x10000xf32, #tpu.memory_space<hbm>> -> memref<4x10000xf32, #tpu.memory_space<hbm>>
      tpu.enqueue_dma source(%dma_start3A_50 : memref<4x10000xf32, #tpu.memory_space<hbm>>) target(%arg8 : memref<4x10000xf32, #tpu.memory_space<vmem>>) target_semaphore(%run_scoped3A : memref<!tpu.dma_semaphore, #tpu.memory_space<semaphore_mem>>)
      %dma_wait3A = arith.constant 0 : i32
      %dma_wait3A_51 = arith.constant 0 : i32
      %dma_wait3A_52 = tpu.memref_slice %arg2[%add3A_32, %dma_wait3A, %dma_wait3A_51] : memref<64x4x10000xf32, #tpu.memory_space<hbm>> -> memref<1x4x10000xf32, #tpu.memory_space<hbm>>
      %dma_wait3A_53 = tpu.memref_squeeze %dma_wait3A_52 : memref<1x4x10000xf32, #tpu.memory_space<hbm>> -> memref<4x10000xf32, #tpu.memory_space<hbm>>
      %dma_wait3A_54 = arith.constant 0 : i32
      %dma_wait3A_55 = arith.constant 0 : i32
      %dma_wait3A_56 = tpu.memref_slice %arg2[%add3A_32, %dma_wait3A_54, %dma_wait3A_55] : memref<64x4x10000xf32, #tpu.memory_space<hbm>> -> memref<1x4x10000xf32, #tpu.memory_space<hbm>>
      %dma_wait3A_57 = tpu.memref_squeeze %dma_wait3A_56 : memref<1x4x10000xf32, #tpu.memory_space<hbm>> -> memref<4x10000xf32, #tpu.memory_space<hbm>>
      tpu.wait_dma2 semaphore(%run_scoped3A : memref<!tpu.dma_semaphore, #tpu.memory_space<semaphore_mem>>) src(%dma_wait3A_57 : memref<4x10000xf32, #tpu.memory_space<hbm>>) dst(%arg8 : memref<4x10000xf32, #tpu.memory_space<vmem>>)
      tpu.yield
    }) : () -> ()
    "tpu.region"() ({
      %run_scoped3A = tpu.sem_alloc : memref<!tpu.dma_semaphore, #tpu.memory_space<semaphore_mem>>
      tpu.enqueue_dma source(%arg4 : memref<4x10000xf32, #tpu.memory_space<hbm>>) target(%arg9 : memref<4x10000xf32, #tpu.memory_space<vmem>>) target_semaphore(%run_scoped3A : memref<!tpu.dma_semaphore, #tpu.memory_space<semaphore_mem>>)
      tpu.wait_dma2 semaphore(%run_scoped3A : memref<!tpu.dma_semaphore, #tpu.memory_space<semaphore_mem>>) src(%arg4 : memref<4x10000xf32, #tpu.memory_space<hbm>>) dst(%arg9 : memref<4x10000xf32, #tpu.memory_space<vmem>>)
      tpu.yield
    }) : () -> ()
    %dma_start3A_33 = arith.constant 0 : i32
    %dma_start3A_34 = tpu.memref_slice %arg10[%dma_start3A_33] : memref<320000xi32, #tpu.memory_space<vmem_shared>> -> memref<4000xi32, #tpu.memory_space<vmem_shared>>
    %dma_start3A_35 = arith.constant 0 : i32
    %dma_start3A_36 = tpu.memref_slice %arg10[%dma_start3A_35] : memref<320000xi32, #tpu.memory_space<vmem_shared>> -> memref<4000xi32, #tpu.memory_space<vmem_shared>>
    tpu.enqueue_dma source(%dma_start3A_36 : memref<4000xi32, #tpu.memory_space<vmem_shared>>) target(%arg6 : memref<4000xi32, #tpu.memory_space<vmem>>) target_semaphore(%arg12 : memref<!tpu.dma_semaphore, #tpu.memory_space<semaphore_mem>>)
    %scan3A_37 = arith.constant 0 : i32
    %scan3A_38 = arith.constant 0 : i32
    %scan3A_39 = arith.constant 40 : i32
    %scan3A_40 = arith.addi %scan3A_38, %scan3A_39 : i32
    %scan3A_41 = arith.constant 1 : i32
    scf.for %scan3A_43 = %scan3A_38 to %scan3A_40 step %scan3A_41  : i32 {
      %mul3A_44 = arith.constant 2 : i32
      %mul3A_45 = arith.muli %mul3A_44, %scan3A_43 : i32
      %add3A_46 = arith.constant 1 : i32
      %add3A_47 = arith.addi %mul3A_45, %add3A_46 : i32
      %mul3A_48 = arith.constant 4000 : i32
      %mul3A_49 = arith.muli %add3A_47, %mul3A_48 : i32
      %dma_start3A_50 = tpu.memref_slice %arg10[%mul3A_49] : memref<320000xi32, #tpu.memory_space<vmem_shared>> -> memref<4000xi32, #tpu.memory_space<vmem_shared>>
      %dma_start3A_51 = tpu.memref_slice %arg10[%mul3A_49] : memref<320000xi32, #tpu.memory_space<vmem_shared>> -> memref<4000xi32, #tpu.memory_space<vmem_shared>>
      tpu.enqueue_dma source(%dma_start3A_51 : memref<4000xi32, #tpu.memory_space<vmem_shared>>) target(%arg7 : memref<4000xi32, #tpu.memory_space<vmem>>) target_semaphore(%arg13 : memref<!tpu.dma_semaphore, #tpu.memory_space<semaphore_mem>>)
      %dma_wait3A = arith.constant 0 : i32
      %dma_wait3A_52 = tpu.memref_slice %arg10[%dma_wait3A] : memref<320000xi32, #tpu.memory_space<vmem_shared>> -> memref<4000xi32, #tpu.memory_space<vmem_shared>>
      %dma_wait3A_53 = arith.constant 0 : i32
      %dma_wait3A_54 = tpu.memref_slice %arg10[%dma_wait3A_53] : memref<320000xi32, #tpu.memory_space<vmem_shared>> -> memref<4000xi32, #tpu.memory_space<vmem_shared>>
      tpu.wait_dma2 semaphore(%arg12 : memref<!tpu.dma_semaphore, #tpu.memory_space<semaphore_mem>>) src(%dma_wait3A_54 : memref<4000xi32, #tpu.memory_space<vmem_shared>>) dst(%arg6 : memref<4000xi32, #tpu.memory_space<vmem>>)
      %parallel_loop3A = arith.constant 0 : i32
      %parallel_loop3A_55 = arith.constant 250 : i32
      %parallel_loop3A_56 = arith.constant 1 : i32
      scf.for %parallel_loop3A_68 = %parallel_loop3A to %parallel_loop3A_55 step %parallel_loop3A_56  : i32 {
        %parallel_loop3A_69 = arith.constant 16 : i32
        %parallel_loop3A_70 = arith.muli %parallel_loop3A_68, %parallel_loop3A_69 : i32
        %parallel_loop3A_71 = arith.index_cast %parallel_loop3A_70 : i32 to index
        %parallel_loop3A_72 = tpu.vector_load %arg6[%parallel_loop3A_71] {strides = array<i32>} : memref<4000xi32, #tpu.memory_space<vmem>>, vector<16xi32>,
        %parallel_loop3A_73 = arith.constant 14 : i32
        %parallel_loop3A_74 = vector.broadcast %parallel_loop3A_73 : i32 to vector<16xi32>
        %parallel_loop3A_75 = arith.shrui %parallel_loop3A_72, %parallel_loop3A_74 : vector<16xi32>
        %parallel_loop3A_76 = arith.constant 16383 : i32
        %parallel_loop3A_77 = vector.broadcast %parallel_loop3A_76 : i32 to vector<16xi32>
        %parallel_loop3A_78 = arith.andi %parallel_loop3A_72, %parallel_loop3A_77 : vector<16xi32>
        %parallel_loop3A_79 = arith.constant 0 : i32
        %parallel_loop3A_80 = vector.broadcast %parallel_loop3A_79 : i32 to vector<16xi32>
        %parallel_loop3A_81 = tpu.vector_load_idx %arg8[%parallel_loop3A_80, %parallel_loop3A_75] : memref<4x10000xf32, #tpu.memory_space<vmem>>[vector<16xi32>, vector<16xi32>], vector<16xf32>,
        tpu.vector_store_idx %arg9[%parallel_loop3A_80, %parallel_loop3A_78], %parallel_loop3A_81 {add = true} : memref<4x10000xf32, #tpu.memory_space<vmem>>[vector<16xi32>, vector<16xi32>], vector<16xf32>,
        %parallel_loop3A_82 = arith.constant 1 : i32
        %parallel_loop3A_83 = vector.broadcast %parallel_loop3A_82 : i32 to vector<16xi32>
        %parallel_loop3A_84 = tpu.vector_load_idx %arg8[%parallel_loop3A_83, %parallel_loop3A_75] : memref<4x10000xf32, #tpu.memory_space<vmem>>[vector<16xi32>, vector<16xi32>], vector<16xf32>,
        tpu.vector_store_idx %arg9[%parallel_loop3A_83, %parallel_loop3A_78], %parallel_loop3A_84 {add = true} : memref<4x10000xf32, #tpu.memory_space<vmem>>[vector<16xi32>, vector<16xi32>], vector<16xf32>,
        %parallel_loop3A_85 = arith.constant 2 : i32
        %parallel_loop3A_86 = vector.broadcast %parallel_loop3A_85 : i32 to vector<16xi32>
        %parallel_loop3A_87 = tpu.vector_load_idx %arg8[%parallel_loop3A_86, %parallel_loop3A_75] : memref<4x10000xf32, #tpu.memory_space<vmem>>[vector<16xi32>, vector<16xi32>], vector<16xf32>,
        tpu.vector_store_idx %arg9[%parallel_loop3A_86, %parallel_loop3A_78], %parallel_loop3A_87 {add = true} : memref<4x10000xf32, #tpu.memory_space<vmem>>[vector<16xi32>, vector<16xi32>], vector<16xf32>,
        %parallel_loop3A_88 = arith.constant 3 : i32
        %parallel_loop3A_89 = vector.broadcast %parallel_loop3A_88 : i32 to vector<16xi32>
        %parallel_loop3A_90 = tpu.vector_load_idx %arg8[%parallel_loop3A_89, %parallel_loop3A_75] : memref<4x10000xf32, #tpu.memory_space<vmem>>[vector<16xi32>, vector<16xi32>], vector<16xf32>,
        tpu.vector_store_idx %arg9[%parallel_loop3A_89, %parallel_loop3A_78], %parallel_loop3A_90 {add = true} : memref<4x10000xf32, #tpu.memory_space<vmem>>[vector<16xi32>, vector<16xi32>], vector<16xf32>,
      } {sc.loop_unroll_factor = 4 : i64, sc.parallel_access}
      %add3A_57 = arith.constant 2 : i32
      %add3A_58 = arith.addi %mul3A_45, %add3A_57 : i32
      %lt3A = arith.constant 80 : i32
      %lt3A_59 = arith.cmpi slt, %add3A_58, %lt3A : i32
      %convert_element_type3A = arith.extui %lt3A_59 : i1 to i32
      %cond3A = arith.constant 0 : i32
      %cond3A_60 = arith.cmpi ne, %convert_element_type3A, %cond3A : i32
      scf.if %cond3A_60 {
        %add3A_68 = arith.constant 2 : i32
        %add3A_69 = arith.addi %mul3A_45, %add3A_68 : i32
        %mul3A_70 = arith.constant 4000 : i32
        %mul3A_71 = arith.muli %add3A_69, %mul3A_70 : i32
        %dma_start3A_72 = tpu.memref_slice %arg10[%mul3A_71] : memref<320000xi32, #tpu.memory_space<vmem_shared>> -> memref<4000xi32, #tpu.memory_space<vmem_shared>>
        %dma_start3A_73 = tpu.memref_slice %arg10[%mul3A_71] : memref<320000xi32, #tpu.memory_space<vmem_shared>> -> memref<4000xi32, #tpu.memory_space<vmem_shared>>
        tpu.enqueue_dma source(%dma_start3A_73 : memref<4000xi32, #tpu.memory_space<vmem_shared>>) target(%arg6 : memref<4000xi32, #tpu.memory_space<vmem>>) target_semaphore(%arg12 : memref<!tpu.dma_semaphore, #tpu.memory_space<semaphore_mem>>)
      } else {
      }
      %dma_wait3A_61 = arith.constant 0 : i32
      %dma_wait3A_62 = tpu.memref_slice %arg10[%dma_wait3A_61] : memref<320000xi32, #tpu.memory_space<vmem_shared>> -> memref<4000xi32, #tpu.memory_space<vmem_shared>>
      %dma_wait3A_63 = arith.constant 0 : i32
      %dma_wait3A_64 = tpu.memref_slice %arg10[%dma_wait3A_63] : memref<320000xi32, #tpu.memory_space<vmem_shared>> -> memref<4000xi32, #tpu.memory_space<vmem_shared>>
      tpu.wait_dma2 semaphore(%arg13 : memref<!tpu.dma_semaphore, #tpu.memory_space<semaphore_mem>>) src(%dma_wait3A_64 : memref<4000xi32, #tpu.memory_space<vmem_shared>>) dst(%arg7 : memref<4000xi32, #tpu.memory_space<vmem>>)
      %parallel_loop3A_65 = arith.constant 0 : i32
      %parallel_loop3A_66 = arith.constant 250 : i32
      %parallel_loop3A_67 = arith.constant 1 : i32
      scf.for %parallel_loop3A_68 = %parallel_loop3A_65 to %parallel_loop3A_66 step %parallel_loop3A_67  : i32 {
        %parallel_loop3A_69 = arith.constant 16 : i32
        %parallel_loop3A_70 = arith.muli %parallel_loop3A_68, %parallel_loop3A_69 : i32
        %parallel_loop3A_71 = arith.index_cast %parallel_loop3A_70 : i32 to index
        %parallel_loop3A_72 = tpu.vector_load %arg7[%parallel_loop3A_71] {strides = array<i32>} : memref<4000xi32, #tpu.memory_space<vmem>>, vector<16xi32>,
        %parallel_loop3A_73 = arith.constant 14 : i32
        %parallel_loop3A_74 = vector.broadcast %parallel_loop3A_73 : i32 to vector<16xi32>
        %parallel_loop3A_75 = arith.shrui %parallel_loop3A_72, %parallel_loop3A_74 : vector<16xi32>
        %parallel_loop3A_76 = arith.constant 16383 : i32
        %parallel_loop3A_77 = vector.broadcast %parallel_loop3A_76 : i32 to vector<16xi32>
        %parallel_loop3A_78 = arith.andi %parallel_loop3A_72, %parallel_loop3A_77 : vector<16xi32>
        %parallel_loop3A_79 = arith.constant 0 : i32
        %parallel_loop3A_80 = vector.broadcast %parallel_loop3A_79 : i32 to vector<16xi32>
        %parallel_loop3A_81 = tpu.vector_load_idx %arg8[%parallel_loop3A_80, %parallel_loop3A_75] : memref<4x10000xf32, #tpu.memory_space<vmem>>[vector<16xi32>, vector<16xi32>], vector<16xf32>,
        tpu.vector_store_idx %arg9[%parallel_loop3A_80, %parallel_loop3A_78], %parallel_loop3A_81 {add = true} : memref<4x10000xf32, #tpu.memory_space<vmem>>[vector<16xi32>, vector<16xi32>], vector<16xf32>,
        %parallel_loop3A_82 = arith.constant 1 : i32
        %parallel_loop3A_83 = vector.broadcast %parallel_loop3A_82 : i32 to vector<16xi32>
        %parallel_loop3A_84 = tpu.vector_load_idx %arg8[%parallel_loop3A_83, %parallel_loop3A_75] : memref<4x10000xf32, #tpu.memory_space<vmem>>[vector<16xi32>, vector<16xi32>], vector<16xf32>,
        tpu.vector_store_idx %arg9[%parallel_loop3A_83, %parallel_loop3A_78], %parallel_loop3A_84 {add = true} : memref<4x10000xf32, #tpu.memory_space<vmem>>[vector<16xi32>, vector<16xi32>], vector<16xf32>,
        %parallel_loop3A_85 = arith.constant 2 : i32
        %parallel_loop3A_86 = vector.broadcast %parallel_loop3A_85 : i32 to vector<16xi32>
        %parallel_loop3A_87 = tpu.vector_load_idx %arg8[%parallel_loop3A_86, %parallel_loop3A_75] : memref<4x10000xf32, #tpu.memory_space<vmem>>[vector<16xi32>, vector<16xi32>], vector<16xf32>,
        tpu.vector_store_idx %arg9[%parallel_loop3A_86, %parallel_loop3A_78], %parallel_loop3A_87 {add = true} : memref<4x10000xf32, #tpu.memory_space<vmem>>[vector<16xi32>, vector<16xi32>], vector<16xf32>,
        %parallel_loop3A_88 = arith.constant 3 : i32
        %parallel_loop3A_89 = vector.broadcast %parallel_loop3A_88 : i32 to vector<16xi32>
        %parallel_loop3A_90 = tpu.vector_load_idx %arg8[%parallel_loop3A_89, %parallel_loop3A_75] : memref<4x10000xf32, #tpu.memory_space<vmem>>[vector<16xi32>, vector<16xi32>], vector<16xf32>,
        tpu.vector_store_idx %arg9[%parallel_loop3A_89, %parallel_loop3A_78], %parallel_loop3A_90 {add = true} : memref<4x10000xf32, #tpu.memory_space<vmem>>[vector<16xi32>, vector<16xi32>], vector<16xf32>,
      } {sc.loop_unroll_factor = 4 : i64, sc.parallel_access}
    }
    %scan3A_42 = arith.constant 40 : i32
    "tpu.region"() ({
      %run_scoped3A = tpu.sem_alloc : memref<!tpu.dma_semaphore, #tpu.memory_space<semaphore_mem>>
      %dma_start3A_43 = arith.constant 0 : i32
      %dma_start3A_44 = arith.constant 0 : i32
      %dma_start3A_45 = tpu.memref_slice %arg5[%add3A_32, %dma_start3A_43, %dma_start3A_44] : memref<64x4x10000xf32, #tpu.memory_space<hbm>> -> memref<1x4x10000xf32, #tpu.memory_space<hbm>>
      %dma_start3A_46 = tpu.memref_squeeze %dma_start3A_45 : memref<1x4x10000xf32, #tpu.memory_space<hbm>> -> memref<4x10000xf32, #tpu.memory_space<hbm>>
      %dma_start3A_47 = arith.constant 0 : i32
      %dma_start3A_48 = arith.constant 0 : i32
      %dma_start3A_49 = tpu.memref_slice %arg5[%add3A_32, %dma_start3A_47, %dma_start3A_48] : memref<64x4x10000xf32, #tpu.memory_space<hbm>> -> memref<1x4x10000xf32, #tpu.memory_space<hbm>>
      %dma_start3A_50 = tpu.memref_squeeze %dma_start3A_49 : memref<1x4x10000xf32, #tpu.memory_space<hbm>> -> memref<4x10000xf32, #tpu.memory_space<hbm>>
      tpu.enqueue_dma source(%arg9 : memref<4x10000xf32, #tpu.memory_space<vmem>>) target(%dma_start3A_50 : memref<4x10000xf32, #tpu.memory_space<hbm>>) target_semaphore(%run_scoped3A : memref<!tpu.dma_semaphore, #tpu.memory_space<semaphore_mem>>)
      %dma_wait3A = arith.constant 0 : i32
      %dma_wait3A_51 = arith.constant 0 : i32
      %dma_wait3A_52 = tpu.memref_slice %arg5[%add3A_32, %dma_wait3A, %dma_wait3A_51] : memref<64x4x10000xf32, #tpu.memory_space<hbm>> -> memref<1x4x10000xf32, #tpu.memory_space<hbm>>
      %dma_wait3A_53 = tpu.memref_squeeze %dma_wait3A_52 : memref<1x4x10000xf32, #tpu.memory_space<hbm>> -> memref<4x10000xf32, #tpu.memory_space<hbm>>
      %dma_wait3A_54 = arith.constant 0 : i32
      %dma_wait3A_55 = arith.constant 0 : i32
      %dma_wait3A_56 = tpu.memref_slice %arg5[%add3A_32, %dma_wait3A_54, %dma_wait3A_55] : memref<64x4x10000xf32, #tpu.memory_space<hbm>> -> memref<1x4x10000xf32, #tpu.memory_space<hbm>>
      %dma_wait3A_57 = tpu.memref_squeeze %dma_wait3A_56 : memref<1x4x10000xf32, #tpu.memory_space<hbm>> -> memref<4x10000xf32, #tpu.memory_space<hbm>>
      tpu.wait_dma2 semaphore(%run_scoped3A : memref<!tpu.dma_semaphore, #tpu.memory_space<semaphore_mem>>) src(%arg9 : memref<4x10000xf32, #tpu.memory_space<vmem>>) dst(%dma_wait3A_57 : memref<4x10000xf32, #tpu.memory_space<hbm>>)
      tpu.yield
    }) : () -> ()
    return
  }
}

#map = affine_map<(d0, d1) -> (0)>
#map1 = affine_map<(d0, d1) -> (0, 0)>
#map2 = affine_map<(d0, d1) -> (0, 0, 0)>
module attributes {stable_mosaic.version = 14 : i64} {
  func.func @_count_kernel(%arg0: i32, %arg1: i32, %arg2: memref<320000xi32, #tpu.memory_space<hbm>>, %arg3: memref<1x10000xf32, #tpu.memory_space<hbm>>, %arg4: memref<32x1x10000xf32, #tpu.memory_space<hbm>>, %arg5: memref<2000xi32, #tpu.memory_space<vmem>>, %arg6: memref<1x10000xf32, #tpu.memory_space<vmem>>, %arg7: memref<!tpu.dma_semaphore, #tpu.memory_space<semaphore_mem>>) attributes {dimension_semantics = [#tpu.dimension_semantics<core_parallel>, #tpu.dimension_semantics<subcore_parallel>], iteration_bounds = array<i64: 2, 16>, scalar_prefetch = 0 : i64, scratch_operands = 3 : i64, tpu.core_type = #tpu.core_type<sc_vector_subcore>, window_params = [{transform_indices = #map}, {transform_indices = #map1}, {transform_indices = #map2}]} {
    %mul3A = arith.constant 16 : i32
    %mul3A_0 = arith.muli %arg0, %mul3A : i32
    %add3A = arith.addi %mul3A_0, %arg1 : i32
    "tpu.region"() ({
      %run_scoped3A = tpu.sem_alloc : memref<!tpu.dma_semaphore, #tpu.memory_space<semaphore_mem>>
      tpu.enqueue_dma source(%arg3 : memref<1x10000xf32, #tpu.memory_space<hbm>>) target(%arg6 : memref<1x10000xf32, #tpu.memory_space<vmem>>) target_semaphore(%run_scoped3A : memref<!tpu.dma_semaphore, #tpu.memory_space<semaphore_mem>>)
      tpu.wait_dma2 semaphore(%run_scoped3A : memref<!tpu.dma_semaphore, #tpu.memory_space<semaphore_mem>>) src(%arg3 : memref<1x10000xf32, #tpu.memory_space<hbm>>) dst(%arg6 : memref<1x10000xf32, #tpu.memory_space<vmem>>)
      tpu.yield
    }) : () -> ()
    %broadcast_in_dim3A = arith.constant 0 : i32
    %broadcast_in_dim3A_1 = vector.broadcast %broadcast_in_dim3A : i32 to vector<16xi32>
    %broadcast_in_dim3A_2 = arith.constant 1.000000e+00 : f32
    %broadcast_in_dim3A_3 = vector.broadcast %broadcast_in_dim3A_2 : f32 to vector<16xf32>
    %scan3A = arith.constant 0 : i32
    %scan3A_4 = arith.constant 0 : i32
    %scan3A_5 = arith.constant 5 : i32
    %scan3A_6 = arith.addi %scan3A_4, %scan3A_5 : i32
    %scan3A_7 = arith.constant 1 : i32
    scf.for %scan3A_9 = %scan3A_4 to %scan3A_6 step %scan3A_7  : i32 {
      %mul3A_10 = arith.constant 10000 : i32
      %mul3A_11 = arith.muli %add3A, %mul3A_10 : i32
      %mul3A_12 = arith.constant 2000 : i32
      %mul3A_13 = arith.muli %scan3A_9, %mul3A_12 : i32
      %add3A_14 = arith.addi %mul3A_11, %mul3A_13 : i32
      "tpu.region"() ({
        %run_scoped3A = tpu.sem_alloc : memref<!tpu.dma_semaphore, #tpu.memory_space<semaphore_mem>>
        %dma_start3A = tpu.memref_slice %arg2[%add3A_14] : memref<320000xi32, #tpu.memory_space<hbm>> -> memref<2000xi32, #tpu.memory_space<hbm>>
        %dma_start3A_17 = tpu.memref_slice %arg2[%add3A_14] : memref<320000xi32, #tpu.memory_space<hbm>> -> memref<2000xi32, #tpu.memory_space<hbm>>
        tpu.enqueue_dma source(%dma_start3A_17 : memref<2000xi32, #tpu.memory_space<hbm>>) target(%arg5 : memref<2000xi32, #tpu.memory_space<vmem>>) target_semaphore(%run_scoped3A : memref<!tpu.dma_semaphore, #tpu.memory_space<semaphore_mem>>)
        %dma_wait3A = tpu.memref_slice %arg2[%add3A_14] : memref<320000xi32, #tpu.memory_space<hbm>> -> memref<2000xi32, #tpu.memory_space<hbm>>
        %dma_wait3A_18 = tpu.memref_slice %arg2[%add3A_14] : memref<320000xi32, #tpu.memory_space<hbm>> -> memref<2000xi32, #tpu.memory_space<hbm>>
        tpu.wait_dma2 semaphore(%run_scoped3A : memref<!tpu.dma_semaphore, #tpu.memory_space<semaphore_mem>>) src(%dma_wait3A_18 : memref<2000xi32, #tpu.memory_space<hbm>>) dst(%arg5 : memref<2000xi32, #tpu.memory_space<vmem>>)
        tpu.yield
      }) : () -> ()
      %parallel_loop3A = arith.constant 0 : i32
      %parallel_loop3A_15 = arith.constant 125 : i32
      %parallel_loop3A_16 = arith.constant 1 : i32
      scf.for %parallel_loop3A_17 = %parallel_loop3A to %parallel_loop3A_15 step %parallel_loop3A_16  : i32 {
        %parallel_loop3A_18 = arith.constant 16 : i32
        %parallel_loop3A_19 = arith.muli %parallel_loop3A_17, %parallel_loop3A_18 : i32
        %parallel_loop3A_20 = arith.index_cast %parallel_loop3A_19 : i32 to index
        %parallel_loop3A_21 = tpu.vector_load %arg5[%parallel_loop3A_20] {strides = array<i32>} : memref<2000xi32, #tpu.memory_space<vmem>>, vector<16xi32>,
        tpu.vector_store_idx %arg6[%broadcast_in_dim3A_1, %parallel_loop3A_21], %broadcast_in_dim3A_3 {add = true} : memref<1x10000xf32, #tpu.memory_space<vmem>>[vector<16xi32>, vector<16xi32>], vector<16xf32>,
      } {sc.loop_unroll_factor = 8 : i64, sc.parallel_access}
    }
    %scan3A_8 = arith.constant 5 : i32
    "tpu.region"() ({
      %run_scoped3A = tpu.sem_alloc : memref<!tpu.dma_semaphore, #tpu.memory_space<semaphore_mem>>
      %dma_start3A = arith.constant 0 : i32
      %dma_start3A_9 = arith.constant 0 : i32
      %dma_start3A_10 = tpu.memref_slice %arg4[%add3A, %dma_start3A, %dma_start3A_9] : memref<32x1x10000xf32, #tpu.memory_space<hbm>> -> memref<1x1x10000xf32, #tpu.memory_space<hbm>>
      %dma_start3A_11 = tpu.memref_squeeze %dma_start3A_10 : memref<1x1x10000xf32, #tpu.memory_space<hbm>> -> memref<1x10000xf32, #tpu.memory_space<hbm>>
      %dma_start3A_12 = arith.constant 0 : i32
      %dma_start3A_13 = arith.constant 0 : i32
      %dma_start3A_14 = tpu.memref_slice %arg4[%add3A, %dma_start3A_12, %dma_start3A_13] : memref<32x1x10000xf32, #tpu.memory_space<hbm>> -> memref<1x1x10000xf32, #tpu.memory_space<hbm>>
      %dma_start3A_15 = tpu.memref_squeeze %dma_start3A_14 : memref<1x1x10000xf32, #tpu.memory_space<hbm>> -> memref<1x10000xf32, #tpu.memory_space<hbm>>
      tpu.enqueue_dma source(%arg6 : memref<1x10000xf32, #tpu.memory_space<vmem>>) target(%dma_start3A_15 : memref<1x10000xf32, #tpu.memory_space<hbm>>) target_semaphore(%run_scoped3A : memref<!tpu.dma_semaphore, #tpu.memory_space<semaphore_mem>>)
      %dma_wait3A = arith.constant 0 : i32
      %dma_wait3A_16 = arith.constant 0 : i32
      %dma_wait3A_17 = tpu.memref_slice %arg4[%add3A, %dma_wait3A, %dma_wait3A_16] : memref<32x1x10000xf32, #tpu.memory_space<hbm>> -> memref<1x1x10000xf32, #tpu.memory_space<hbm>>
      %dma_wait3A_18 = tpu.memref_squeeze %dma_wait3A_17 : memref<1x1x10000xf32, #tpu.memory_space<hbm>> -> memref<1x10000xf32, #tpu.memory_space<hbm>>
      %dma_wait3A_19 = arith.constant 0 : i32
      %dma_wait3A_20 = arith.constant 0 : i32
      %dma_wait3A_21 = tpu.memref_slice %arg4[%add3A, %dma_wait3A_19, %dma_wait3A_20] : memref<32x1x10000xf32, #tpu.memory_space<hbm>> -> memref<1x1x10000xf32, #tpu.memory_space<hbm>>
      %dma_wait3A_22 = tpu.memref_squeeze %dma_wait3A_21 : memref<1x1x10000xf32, #tpu.memory_space<hbm>> -> memref<1x10000xf32, #tpu.memory_space<hbm>>
      tpu.wait_dma2 semaphore(%run_scoped3A : memref<!tpu.dma_semaphore, #tpu.memory_space<semaphore_mem>>) src(%arg6 : memref<1x10000xf32, #tpu.memory_space<vmem>>) dst(%dma_wait3A_22 : memref<1x10000xf32, #tpu.memory_space<hbm>>)
      tpu.yield
    }) : () -> ()
    return
  }
}

#map = affine_map<(d0, d1) -> (0, 0, 0)>
#map1 = affine_map<(d0, d1) -> (0)>
#map2 = affine_map<(d0, d1) -> (0, 0)>
module attributes {stable_mosaic.version = 14 : i64} {
  func.func @_aggc_kernel(%arg0: i32, %arg1: i32, %arg2: memref<64x4x10000xf32, #tpu.memory_space<hbm>>, %arg3: memref<320000xi32, #tpu.memory_space<hbm>>, %arg4: memref<4x10000xf32, #tpu.memory_space<hbm>>, %arg5: memref<64x4x10000xf32, #tpu.memory_space<hbm>>, %arg6: memref<4000xi32, #tpu.memory_space<vmem>>, %arg7: memref<4000xi32, #tpu.memory_space<vmem>>, %arg8: memref<4x10000xf32, #tpu.memory_space<vmem>>, %arg9: memref<4x10000xf32, #tpu.memory_space<vmem>>, %arg10: memref<320000xi32, #tpu.memory_space<vmem_shared>>, %arg11: memref<!tpu.dma_semaphore, #tpu.memory_space<semaphore_mem>>, %arg12: memref<!tpu.dma_semaphore, #tpu.memory_space<semaphore_mem>>, %arg13: memref<!tpu.dma_semaphore, #tpu.memory_space<semaphore_mem>>) attributes {dimension_semantics = [#tpu.dimension_semantics<core_parallel>, #tpu.dimension_semantics<subcore_parallel>], iteration_bounds = array<i64: 2, 16>, scalar_prefetch = 0 : i64, scratch_operands = 8 : i64, tpu.core_type = #tpu.core_type<sc_vector_subcore>, window_params = [{transform_indices = #map}, {transform_indices = #map1}, {transform_indices = #map2}, {transform_indices = #map}]} {
    %mul3A = arith.constant 16 : i32
    %mul3A_0 = arith.muli %arg0, %mul3A : i32
    %add3A = arith.addi %mul3A_0, %arg1 : i32
    %mul3A_1 = arith.constant 20000 : i32
    %mul3A_2 = arith.muli %arg1, %mul3A_1 : i32
    %add3A_3 = arith.constant 0 : i32
    %add3A_4 = arith.addi %mul3A_2, %add3A_3 : i32
    "tpu.region"() ({
      %run_scoped3A = tpu.sem_alloc : memref<!tpu.dma_semaphore, #tpu.memory_space<semaphore_mem>>
      %dma_start3A_43 = tpu.memref_slice %arg3[%add3A_4] : memref<320000xi32, #tpu.memory_space<hbm>> -> memref<4000xi32, #tpu.memory_space<hbm>>
      %dma_start3A_44 = tpu.memref_slice %arg3[%add3A_4] : memref<320000xi32, #tpu.memory_space<hbm>> -> memref<4000xi32, #tpu.memory_space<hbm>>
      tpu.enqueue_dma source(%dma_start3A_44 : memref<4000xi32, #tpu.memory_space<hbm>>) target(%arg6 : memref<4000xi32, #tpu.memory_space<vmem>>) target_semaphore(%run_scoped3A : memref<!tpu.dma_semaphore, #tpu.memory_space<semaphore_mem>>)
      %dma_wait3A = tpu.memref_slice %arg3[%add3A_4] : memref<320000xi32, #tpu.memory_space<hbm>> -> memref<4000xi32, #tpu.memory_space<hbm>>
      %dma_wait3A_45 = tpu.memref_slice %arg3[%add3A_4] : memref<320000xi32, #tpu.memory_space<hbm>> -> memref<4000xi32, #tpu.memory_space<hbm>>
      tpu.wait_dma2 semaphore(%run_scoped3A : memref<!tpu.dma_semaphore, #tpu.memory_space<semaphore_mem>>) src(%dma_wait3A_45 : memref<4000xi32, #tpu.memory_space<hbm>>) dst(%arg6 : memref<4000xi32, #tpu.memory_space<vmem>>)
      tpu.yield
    }) : () -> ()
    "tpu.region"() ({
      %run_scoped3A = tpu.sem_alloc : memref<!tpu.dma_semaphore, #tpu.memory_space<semaphore_mem>>
      %dma_start3A_43 = tpu.memref_slice %arg10[%add3A_4] : memref<320000xi32, #tpu.memory_space<vmem_shared>> -> memref<4000xi32, #tpu.memory_space<vmem_shared>>
      %dma_start3A_44 = tpu.memref_slice %arg10[%add3A_4] : memref<320000xi32, #tpu.memory_space<vmem_shared>> -> memref<4000xi32, #tpu.memory_space<vmem_shared>>
      tpu.enqueue_dma source(%arg6 : memref<4000xi32, #tpu.memory_space<vmem>>) target(%dma_start3A_44 : memref<4000xi32, #tpu.memory_space<vmem_shared>>) target_semaphore(%run_scoped3A : memref<!tpu.dma_semaphore, #tpu.memory_space<semaphore_mem>>)
      %dma_wait3A = tpu.memref_slice %arg10[%add3A_4] : memref<320000xi32, #tpu.memory_space<vmem_shared>> -> memref<4000xi32, #tpu.memory_space<vmem_shared>>
      %dma_wait3A_45 = tpu.memref_slice %arg10[%add3A_4] : memref<320000xi32, #tpu.memory_space<vmem_shared>> -> memref<4000xi32, #tpu.memory_space<vmem_shared>>
      tpu.wait_dma2 semaphore(%run_scoped3A : memref<!tpu.dma_semaphore, #tpu.memory_space<semaphore_mem>>) src(%arg6 : memref<4000xi32, #tpu.memory_space<vmem>>) dst(%dma_wait3A_45 : memref<4000xi32, #tpu.memory_space<vmem_shared>>)
      tpu.yield
    }) : () -> ()
    %mul3A_5 = arith.constant 20000 : i32
    %mul3A_6 = arith.muli %arg1, %mul3A_5 : i32
    %add3A_7 = arith.constant 4000 : i32
    %add3A_8 = arith.addi %mul3A_6, %add3A_7 : i32
    "tpu.region"() ({
      %run_scoped3A = tpu.sem_alloc : memref<!tpu.dma_semaphore, #tpu.memory_space<semaphore_mem>>
      %dma_start3A_43 = tpu.memref_slice %arg3[%add3A_8] : memref<320000xi32, #tpu.memory_space<hbm>> -> memref<4000xi32, #tpu.memory_space<hbm>>
      %dma_start3A_44 = tpu.memref_slice %arg3[%add3A_8] : memref<320000xi32, #tpu.memory_space<hbm>> -> memref<4000xi32, #tpu.memory_space<hbm>>
      tpu.enqueue_dma source(%dma_start3A_44 : memref<4000xi32, #tpu.memory_space<hbm>>) target(%arg6 : memref<4000xi32, #tpu.memory_space<vmem>>) target_semaphore(%run_scoped3A : memref<!tpu.dma_semaphore, #tpu.memory_space<semaphore_mem>>)
      %dma_wait3A = tpu.memref_slice %arg3[%add3A_8] : memref<320000xi32, #tpu.memory_space<hbm>> -> memref<4000xi32, #tpu.memory_space<hbm>>
      %dma_wait3A_45 = tpu.memref_slice %arg3[%add3A_8] : memref<320000xi32, #tpu.memory_space<hbm>> -> memref<4000xi32, #tpu.memory_space<hbm>>
      tpu.wait_dma2 semaphore(%run_scoped3A : memref<!tpu.dma_semaphore, #tpu.memory_space<semaphore_mem>>) src(%dma_wait3A_45 : memref<4000xi32, #tpu.memory_space<hbm>>) dst(%arg6 : memref<4000xi32, #tpu.memory_space<vmem>>)
      tpu.yield
    }) : () -> ()
    "tpu.region"() ({
      %run_scoped3A = tpu.sem_alloc : memref<!tpu.dma_semaphore, #tpu.memory_space<semaphore_mem>>
      %dma_start3A_43 = tpu.memref_slice %arg10[%add3A_8] : memref<320000xi32, #tpu.memory_space<vmem_shared>> -> memref<4000xi32, #tpu.memory_space<vmem_shared>>
      %dma_start3A_44 = tpu.memref_slice %arg10[%add3A_8] : memref<320000xi32, #tpu.memory_space<vmem_shared>> -> memref<4000xi32, #tpu.memory_space<vmem_shared>>
      tpu.enqueue_dma source(%arg6 : memref<4000xi32, #tpu.memory_space<vmem>>) target(%dma_start3A_44 : memref<4000xi32, #tpu.memory_space<vmem_shared>>) target_semaphore(%run_scoped3A : memref<!tpu.dma_semaphore, #tpu.memory_space<semaphore_mem>>)
      %dma_wait3A = tpu.memref_slice %arg10[%add3A_8] : memref<320000xi32, #tpu.memory_space<vmem_shared>> -> memref<4000xi32, #tpu.memory_space<vmem_shared>>
      %dma_wait3A_45 = tpu.memref_slice %arg10[%add3A_8] : memref<320000xi32, #tpu.memory_space<vmem_shared>> -> memref<4000xi32, #tpu.memory_space<vmem_shared>>
      tpu.wait_dma2 semaphore(%run_scoped3A : memref<!tpu.dma_semaphore, #tpu.memory_space<semaphore_mem>>) src(%arg6 : memref<4000xi32, #tpu.memory_space<vmem>>) dst(%dma_wait3A_45 : memref<4000xi32, #tpu.memory_space<vmem_shared>>)
      tpu.yield
    }) : () -> ()
    %mul3A_9 = arith.constant 20000 : i32
    %mul3A_10 = arith.muli %arg1, %mul3A_9 : i32
    %add3A_11 = arith.constant 8000 : i32
    %add3A_12 = arith.addi %mul3A_10, %add3A_11 : i32
    "tpu.region"() ({
      %run_scoped3A = tpu.sem_alloc : memref<!tpu.dma_semaphore, #tpu.memory_space<semaphore_mem>>
      %dma_start3A_43 = tpu.memref_slice %arg3[%add3A_12] : memref<320000xi32, #tpu.memory_space<hbm>> -> memref<4000xi32, #tpu.memory_space<hbm>>
      %dma_start3A_44 = tpu.memref_slice %arg3[%add3A_12] : memref<320000xi32, #tpu.memory_space<hbm>> -> memref<4000xi32, #tpu.memory_space<hbm>>
      tpu.enqueue_dma source(%dma_start3A_44 : memref<4000xi32, #tpu.memory_space<hbm>>) target(%arg6 : memref<4000xi32, #tpu.memory_space<vmem>>) target_semaphore(%run_scoped3A : memref<!tpu.dma_semaphore, #tpu.memory_space<semaphore_mem>>)
      %dma_wait3A = tpu.memref_slice %arg3[%add3A_12] : memref<320000xi32, #tpu.memory_space<hbm>> -> memref<4000xi32, #tpu.memory_space<hbm>>
      %dma_wait3A_45 = tpu.memref_slice %arg3[%add3A_12] : memref<320000xi32, #tpu.memory_space<hbm>> -> memref<4000xi32, #tpu.memory_space<hbm>>
      tpu.wait_dma2 semaphore(%run_scoped3A : memref<!tpu.dma_semaphore, #tpu.memory_space<semaphore_mem>>) src(%dma_wait3A_45 : memref<4000xi32, #tpu.memory_space<hbm>>) dst(%arg6 : memref<4000xi32, #tpu.memory_space<vmem>>)
      tpu.yield
    }) : () -> ()
    "tpu.region"() ({
      %run_scoped3A = tpu.sem_alloc : memref<!tpu.dma_semaphore, #tpu.memory_space<semaphore_mem>>
      %dma_start3A_43 = tpu.memref_slice %arg10[%add3A_12] : memref<320000xi32, #tpu.memory_space<vmem_shared>> -> memref<4000xi32, #tpu.memory_space<vmem_shared>>
      %dma_start3A_44 = tpu.memref_slice %arg10[%add3A_12] : memref<320000xi32, #tpu.memory_space<vmem_shared>> -> memref<4000xi32, #tpu.memory_space<vmem_shared>>
      tpu.enqueue_dma source(%arg6 : memref<4000xi32, #tpu.memory_space<vmem>>) target(%dma_start3A_44 : memref<4000xi32, #tpu.memory_space<vmem_shared>>) target_semaphore(%run_scoped3A : memref<!tpu.dma_semaphore, #tpu.memory_space<semaphore_mem>>)
      %dma_wait3A = tpu.memref_slice %arg10[%add3A_12] : memref<320000xi32, #tpu.memory_space<vmem_shared>> -> memref<4000xi32, #tpu.memory_space<vmem_shared>>
      %dma_wait3A_45 = tpu.memref_slice %arg10[%add3A_12] : memref<320000xi32, #tpu.memory_space<vmem_shared>> -> memref<4000xi32, #tpu.memory_space<vmem_shared>>
      tpu.wait_dma2 semaphore(%run_scoped3A : memref<!tpu.dma_semaphore, #tpu.memory_space<semaphore_mem>>) src(%arg6 : memref<4000xi32, #tpu.memory_space<vmem>>) dst(%dma_wait3A_45 : memref<4000xi32, #tpu.memory_space<vmem_shared>>)
      tpu.yield
    }) : () -> ()
    %mul3A_13 = arith.constant 20000 : i32
    %mul3A_14 = arith.muli %arg1, %mul3A_13 : i32
    %add3A_15 = arith.constant 12000 : i32
    %add3A_16 = arith.addi %mul3A_14, %add3A_15 : i32
    "tpu.region"() ({
      %run_scoped3A = tpu.sem_alloc : memref<!tpu.dma_semaphore, #tpu.memory_space<semaphore_mem>>
      %dma_start3A_43 = tpu.memref_slice %arg3[%add3A_16] : memref<320000xi32, #tpu.memory_space<hbm>> -> memref<4000xi32, #tpu.memory_space<hbm>>
      %dma_start3A_44 = tpu.memref_slice %arg3[%add3A_16] : memref<320000xi32, #tpu.memory_space<hbm>> -> memref<4000xi32, #tpu.memory_space<hbm>>
      tpu.enqueue_dma source(%dma_start3A_44 : memref<4000xi32, #tpu.memory_space<hbm>>) target(%arg6 : memref<4000xi32, #tpu.memory_space<vmem>>) target_semaphore(%run_scoped3A : memref<!tpu.dma_semaphore, #tpu.memory_space<semaphore_mem>>)
      %dma_wait3A = tpu.memref_slice %arg3[%add3A_16] : memref<320000xi32, #tpu.memory_space<hbm>> -> memref<4000xi32, #tpu.memory_space<hbm>>
      %dma_wait3A_45 = tpu.memref_slice %arg3[%add3A_16] : memref<320000xi32, #tpu.memory_space<hbm>> -> memref<4000xi32, #tpu.memory_space<hbm>>
      tpu.wait_dma2 semaphore(%run_scoped3A : memref<!tpu.dma_semaphore, #tpu.memory_space<semaphore_mem>>) src(%dma_wait3A_45 : memref<4000xi32, #tpu.memory_space<hbm>>) dst(%arg6 : memref<4000xi32, #tpu.memory_space<vmem>>)
      tpu.yield
    }) : () -> ()
    "tpu.region"() ({
      %run_scoped3A = tpu.sem_alloc : memref<!tpu.dma_semaphore, #tpu.memory_space<semaphore_mem>>
      %dma_start3A_43 = tpu.memref_slice %arg10[%add3A_16] : memref<320000xi32, #tpu.memory_space<vmem_shared>> -> memref<4000xi32, #tpu.memory_space<vmem_shared>>
      %dma_start3A_44 = tpu.memref_slice %arg10[%add3A_16] : memref<320000xi32, #tpu.memory_space<vmem_shared>> -> memref<4000xi32, #tpu.memory_space<vmem_shared>>
      tpu.enqueue_dma source(%arg6 : memref<4000xi32, #tpu.memory_space<vmem>>) target(%dma_start3A_44 : memref<4000xi32, #tpu.memory_space<vmem_shared>>) target_semaphore(%run_scoped3A : memref<!tpu.dma_semaphore, #tpu.memory_space<semaphore_mem>>)
      %dma_wait3A = tpu.memref_slice %arg10[%add3A_16] : memref<320000xi32, #tpu.memory_space<vmem_shared>> -> memref<4000xi32, #tpu.memory_space<vmem_shared>>
      %dma_wait3A_45 = tpu.memref_slice %arg10[%add3A_16] : memref<320000xi32, #tpu.memory_space<vmem_shared>> -> memref<4000xi32, #tpu.memory_space<vmem_shared>>
      tpu.wait_dma2 semaphore(%run_scoped3A : memref<!tpu.dma_semaphore, #tpu.memory_space<semaphore_mem>>) src(%arg6 : memref<4000xi32, #tpu.memory_space<vmem>>) dst(%dma_wait3A_45 : memref<4000xi32, #tpu.memory_space<vmem_shared>>)
      tpu.yield
    }) : () -> ()
    %mul3A_17 = arith.constant 20000 : i32
    %mul3A_18 = arith.muli %arg1, %mul3A_17 : i32
    %add3A_19 = arith.constant 16000 : i32
    %add3A_20 = arith.addi %mul3A_18, %add3A_19 : i32
    "tpu.region"() ({
      %run_scoped3A = tpu.sem_alloc : memref<!tpu.dma_semaphore, #tpu.memory_space<semaphore_mem>>
      %dma_start3A_43 = tpu.memref_slice %arg3[%add3A_20] : memref<320000xi32, #tpu.memory_space<hbm>> -> memref<4000xi32, #tpu.memory_space<hbm>>
      %dma_start3A_44 = tpu.memref_slice %arg3[%add3A_20] : memref<320000xi32, #tpu.memory_space<hbm>> -> memref<4000xi32, #tpu.memory_space<hbm>>
      tpu.enqueue_dma source(%dma_start3A_44 : memref<4000xi32, #tpu.memory_space<hbm>>) target(%arg6 : memref<4000xi32, #tpu.memory_space<vmem>>) target_semaphore(%run_scoped3A : memref<!tpu.dma_semaphore, #tpu.memory_space<semaphore_mem>>)
      %dma_wait3A = tpu.memref_slice %arg3[%add3A_20] : memref<320000xi32, #tpu.memory_space<hbm>> -> memref<4000xi32, #tpu.memory_space<hbm>>
      %dma_wait3A_45 = tpu.memref_slice %arg3[%add3A_20] : memref<320000xi32, #tpu.memory_space<hbm>> -> memref<4000xi32, #tpu.memory_space<hbm>>
      tpu.wait_dma2 semaphore(%run_scoped3A : memref<!tpu.dma_semaphore, #tpu.memory_space<semaphore_mem>>) src(%dma_wait3A_45 : memref<4000xi32, #tpu.memory_space<hbm>>) dst(%arg6 : memref<4000xi32, #tpu.memory_space<vmem>>)
      tpu.yield
    }) : () -> ()
    "tpu.region"() ({
      %run_scoped3A = tpu.sem_alloc : memref<!tpu.dma_semaphore, #tpu.memory_space<semaphore_mem>>
      %dma_start3A_43 = tpu.memref_slice %arg10[%add3A_20] : memref<320000xi32, #tpu.memory_space<vmem_shared>> -> memref<4000xi32, #tpu.memory_space<vmem_shared>>
      %dma_start3A_44 = tpu.memref_slice %arg10[%add3A_20] : memref<320000xi32, #tpu.memory_space<vmem_shared>> -> memref<4000xi32, #tpu.memory_space<vmem_shared>>
      tpu.enqueue_dma source(%arg6 : memref<4000xi32, #tpu.memory_space<vmem>>) target(%dma_start3A_44 : memref<4000xi32, #tpu.memory_space<vmem_shared>>) target_semaphore(%run_scoped3A : memref<!tpu.dma_semaphore, #tpu.memory_space<semaphore_mem>>)
      %dma_wait3A = tpu.memref_slice %arg10[%add3A_20] : memref<320000xi32, #tpu.memory_space<vmem_shared>> -> memref<4000xi32, #tpu.memory_space<vmem_shared>>
      %dma_wait3A_45 = tpu.memref_slice %arg10[%add3A_20] : memref<320000xi32, #tpu.memory_space<vmem_shared>> -> memref<4000xi32, #tpu.memory_space<vmem_shared>>
      tpu.wait_dma2 semaphore(%run_scoped3A : memref<!tpu.dma_semaphore, #tpu.memory_space<semaphore_mem>>) src(%arg6 : memref<4000xi32, #tpu.memory_space<vmem>>) dst(%dma_wait3A_45 : memref<4000xi32, #tpu.memory_space<vmem_shared>>)
      tpu.yield
    }) : () -> ()
    %barrier3A = arith.constant 0 : index
    tpu.barrier barrier_id(%barrier3A)
    %add3A_21 = arith.constant 0 : i32
    %add3A_22 = arith.addi %add3A_21, %add3A : i32
    "tpu.region"() ({
      %run_scoped3A = tpu.sem_alloc : memref<!tpu.dma_semaphore, #tpu.memory_space<semaphore_mem>>
      %dma_start3A_43 = arith.constant 0 : i32
      %dma_start3A_44 = arith.constant 0 : i32
      %dma_start3A_45 = tpu.memref_slice %arg2[%add3A_22, %dma_start3A_43, %dma_start3A_44] : memref<64x4x10000xf32, #tpu.memory_space<hbm>> -> memref<1x4x10000xf32, #tpu.memory_space<hbm>>
      %dma_start3A_46 = tpu.memref_squeeze %dma_start3A_45 : memref<1x4x10000xf32, #tpu.memory_space<hbm>> -> memref<4x10000xf32, #tpu.memory_space<hbm>>
      %dma_start3A_47 = arith.constant 0 : i32
      %dma_start3A_48 = arith.constant 0 : i32
      %dma_start3A_49 = tpu.memref_slice %arg2[%add3A_22, %dma_start3A_47, %dma_start3A_48] : memref<64x4x10000xf32, #tpu.memory_space<hbm>> -> memref<1x4x10000xf32, #tpu.memory_space<hbm>>
      %dma_start3A_50 = tpu.memref_squeeze %dma_start3A_49 : memref<1x4x10000xf32, #tpu.memory_space<hbm>> -> memref<4x10000xf32, #tpu.memory_space<hbm>>
      tpu.enqueue_dma source(%dma_start3A_50 : memref<4x10000xf32, #tpu.memory_space<hbm>>) target(%arg8 : memref<4x10000xf32, #tpu.memory_space<vmem>>) target_semaphore(%run_scoped3A : memref<!tpu.dma_semaphore, #tpu.memory_space<semaphore_mem>>)
      %dma_wait3A = arith.constant 0 : i32
      %dma_wait3A_51 = arith.constant 0 : i32
      %dma_wait3A_52 = tpu.memref_slice %arg2[%add3A_22, %dma_wait3A, %dma_wait3A_51] : memref<64x4x10000xf32, #tpu.memory_space<hbm>> -> memref<1x4x10000xf32, #tpu.memory_space<hbm>>
      %dma_wait3A_53 = tpu.memref_squeeze %dma_wait3A_52 : memref<1x4x10000xf32, #tpu.memory_space<hbm>> -> memref<4x10000xf32, #tpu.memory_space<hbm>>
      %dma_wait3A_54 = arith.constant 0 : i32
      %dma_wait3A_55 = arith.constant 0 : i32
      %dma_wait3A_56 = tpu.memref_slice %arg2[%add3A_22, %dma_wait3A_54, %dma_wait3A_55] : memref<64x4x10000xf32, #tpu.memory_space<hbm>> -> memref<1x4x10000xf32, #tpu.memory_space<hbm>>
      %dma_wait3A_57 = tpu.memref_squeeze %dma_wait3A_56 : memref<1x4x10000xf32, #tpu.memory_space<hbm>> -> memref<4x10000xf32, #tpu.memory_space<hbm>>
      tpu.wait_dma2 semaphore(%run_scoped3A : memref<!tpu.dma_semaphore, #tpu.memory_space<semaphore_mem>>) src(%dma_wait3A_57 : memref<4x10000xf32, #tpu.memory_space<hbm>>) dst(%arg8 : memref<4x10000xf32, #tpu.memory_space<vmem>>)
      tpu.yield
    }) : () -> ()
    "tpu.region"() ({
      %run_scoped3A = tpu.sem_alloc : memref<!tpu.dma_semaphore, #tpu.memory_space<semaphore_mem>>
      tpu.enqueue_dma source(%arg4 : memref<4x10000xf32, #tpu.memory_space<hbm>>) target(%arg9 : memref<4x10000xf32, #tpu.memory_space<vmem>>) target_semaphore(%run_scoped3A : memref<!tpu.dma_semaphore, #tpu.memory_space<semaphore_mem>>)
      tpu.wait_dma2 semaphore(%run_scoped3A : memref<!tpu.dma_semaphore, #tpu.memory_space<semaphore_mem>>) src(%arg4 : memref<4x10000xf32, #tpu.memory_space<hbm>>) dst(%arg9 : memref<4x10000xf32, #tpu.memory_space<vmem>>)
      tpu.yield
    }) : () -> ()
    %dma_start3A = arith.constant 0 : i32
    %dma_start3A_23 = tpu.memref_slice %arg10[%dma_start3A] : memref<320000xi32, #tpu.memory_space<vmem_shared>> -> memref<4000xi32, #tpu.memory_space<vmem_shared>>
    %dma_start3A_24 = arith.constant 0 : i32
    %dma_start3A_25 = tpu.memref_slice %arg10[%dma_start3A_24] : memref<320000xi32, #tpu.memory_space<vmem_shared>> -> memref<4000xi32, #tpu.memory_space<vmem_shared>>
    tpu.enqueue_dma source(%dma_start3A_25 : memref<4000xi32, #tpu.memory_space<vmem_shared>>) target(%arg6 : memref<4000xi32, #tpu.memory_space<vmem>>) target_semaphore(%arg12 : memref<!tpu.dma_semaphore, #tpu.memory_space<semaphore_mem>>)
    %scan3A = arith.constant 0 : i32
    %scan3A_26 = arith.constant 0 : i32
    %scan3A_27 = arith.constant 40 : i32
    %scan3A_28 = arith.addi %scan3A_26, %scan3A_27 : i32
    %scan3A_29 = arith.constant 1 : i32
    scf.for %scan3A_43 = %scan3A_26 to %scan3A_28 step %scan3A_29  : i32 {
      %mul3A_44 = arith.constant 2 : i32
      %mul3A_45 = arith.muli %mul3A_44, %scan3A_43 : i32
      %add3A_46 = arith.constant 1 : i32
      %add3A_47 = arith.addi %mul3A_45, %add3A_46 : i32
      %mul3A_48 = arith.constant 4000 : i32
      %mul3A_49 = arith.muli %add3A_47, %mul3A_48 : i32
      %dma_start3A_50 = tpu.memref_slice %arg10[%mul3A_49] : memref<320000xi32, #tpu.memory_space<vmem_shared>> -> memref<4000xi32, #tpu.memory_space<vmem_shared>>
      %dma_start3A_51 = tpu.memref_slice %arg10[%mul3A_49] : memref<320000xi32, #tpu.memory_space<vmem_shared>> -> memref<4000xi32, #tpu.memory_space<vmem_shared>>
      tpu.enqueue_dma source(%dma_start3A_51 : memref<4000xi32, #tpu.memory_space<vmem_shared>>) target(%arg7 : memref<4000xi32, #tpu.memory_space<vmem>>) target_semaphore(%arg13 : memref<!tpu.dma_semaphore, #tpu.memory_space<semaphore_mem>>)
      %dma_wait3A = arith.constant 0 : i32
      %dma_wait3A_52 = tpu.memref_slice %arg10[%dma_wait3A] : memref<320000xi32, #tpu.memory_space<vmem_shared>> -> memref<4000xi32, #tpu.memory_space<vmem_shared>>
      %dma_wait3A_53 = arith.constant 0 : i32
      %dma_wait3A_54 = tpu.memref_slice %arg10[%dma_wait3A_53] : memref<320000xi32, #tpu.memory_space<vmem_shared>> -> memref<4000xi32, #tpu.memory_space<vmem_shared>>
      tpu.wait_dma2 semaphore(%arg12 : memref<!tpu.dma_semaphore, #tpu.memory_space<semaphore_mem>>) src(%dma_wait3A_54 : memref<4000xi32, #tpu.memory_space<vmem_shared>>) dst(%arg6 : memref<4000xi32, #tpu.memory_space<vmem>>)
      %parallel_loop3A = arith.constant 0 : i32
      %parallel_loop3A_55 = arith.constant 250 : i32
      %parallel_loop3A_56 = arith.constant 1 : i32
      scf.for %parallel_loop3A_68 = %parallel_loop3A to %parallel_loop3A_55 step %parallel_loop3A_56  : i32 {
        %parallel_loop3A_69 = arith.constant 16 : i32
        %parallel_loop3A_70 = arith.muli %parallel_loop3A_68, %parallel_loop3A_69 : i32
        %parallel_loop3A_71 = arith.index_cast %parallel_loop3A_70 : i32 to index
        %parallel_loop3A_72 = tpu.vector_load %arg6[%parallel_loop3A_71] {strides = array<i32>} : memref<4000xi32, #tpu.memory_space<vmem>>, vector<16xi32>,
        %parallel_loop3A_73 = arith.constant 14 : i32
        %parallel_loop3A_74 = vector.broadcast %parallel_loop3A_73 : i32 to vector<16xi32>
        %parallel_loop3A_75 = arith.shrui %parallel_loop3A_72, %parallel_loop3A_74 : vector<16xi32>
        %parallel_loop3A_76 = arith.constant 16383 : i32
        %parallel_loop3A_77 = vector.broadcast %parallel_loop3A_76 : i32 to vector<16xi32>
        %parallel_loop3A_78 = arith.andi %parallel_loop3A_72, %parallel_loop3A_77 : vector<16xi32>
        %parallel_loop3A_79 = arith.constant 0 : i32
        %parallel_loop3A_80 = vector.broadcast %parallel_loop3A_79 : i32 to vector<16xi32>
        %parallel_loop3A_81 = tpu.vector_load_idx %arg8[%parallel_loop3A_80, %parallel_loop3A_75] : memref<4x10000xf32, #tpu.memory_space<vmem>>[vector<16xi32>, vector<16xi32>], vector<16xf32>,
        tpu.vector_store_idx %arg9[%parallel_loop3A_80, %parallel_loop3A_78], %parallel_loop3A_81 {add = true} : memref<4x10000xf32, #tpu.memory_space<vmem>>[vector<16xi32>, vector<16xi32>], vector<16xf32>,
        %parallel_loop3A_82 = arith.constant 1 : i32
        %parallel_loop3A_83 = vector.broadcast %parallel_loop3A_82 : i32 to vector<16xi32>
        %parallel_loop3A_84 = tpu.vector_load_idx %arg8[%parallel_loop3A_83, %parallel_loop3A_75] : memref<4x10000xf32, #tpu.memory_space<vmem>>[vector<16xi32>, vector<16xi32>], vector<16xf32>,
        tpu.vector_store_idx %arg9[%parallel_loop3A_83, %parallel_loop3A_78], %parallel_loop3A_84 {add = true} : memref<4x10000xf32, #tpu.memory_space<vmem>>[vector<16xi32>, vector<16xi32>], vector<16xf32>,
        %parallel_loop3A_85 = arith.constant 2 : i32
        %parallel_loop3A_86 = vector.broadcast %parallel_loop3A_85 : i32 to vector<16xi32>
        %parallel_loop3A_87 = tpu.vector_load_idx %arg8[%parallel_loop3A_86, %parallel_loop3A_75] : memref<4x10000xf32, #tpu.memory_space<vmem>>[vector<16xi32>, vector<16xi32>], vector<16xf32>,
        tpu.vector_store_idx %arg9[%parallel_loop3A_86, %parallel_loop3A_78], %parallel_loop3A_87 {add = true} : memref<4x10000xf32, #tpu.memory_space<vmem>>[vector<16xi32>, vector<16xi32>], vector<16xf32>,
        %parallel_loop3A_88 = arith.constant 3 : i32
        %parallel_loop3A_89 = vector.broadcast %parallel_loop3A_88 : i32 to vector<16xi32>
        %parallel_loop3A_90 = tpu.vector_load_idx %arg8[%parallel_loop3A_89, %parallel_loop3A_75] : memref<4x10000xf32, #tpu.memory_space<vmem>>[vector<16xi32>, vector<16xi32>], vector<16xf32>,
        tpu.vector_store_idx %arg9[%parallel_loop3A_89, %parallel_loop3A_78], %parallel_loop3A_90 {add = true} : memref<4x10000xf32, #tpu.memory_space<vmem>>[vector<16xi32>, vector<16xi32>], vector<16xf32>,
      } {sc.loop_unroll_factor = 4 : i64, sc.parallel_access}
      %add3A_57 = arith.constant 2 : i32
      %add3A_58 = arith.addi %mul3A_45, %add3A_57 : i32
      %lt3A = arith.constant 80 : i32
      %lt3A_59 = arith.cmpi slt, %add3A_58, %lt3A : i32
      %convert_element_type3A = arith.extui %lt3A_59 : i1 to i32
      %cond3A = arith.constant 0 : i32
      %cond3A_60 = arith.cmpi ne, %convert_element_type3A, %cond3A : i32
      scf.if %cond3A_60 {
        %add3A_68 = arith.constant 2 : i32
        %add3A_69 = arith.addi %mul3A_45, %add3A_68 : i32
        %mul3A_70 = arith.constant 4000 : i32
        %mul3A_71 = arith.muli %add3A_69, %mul3A_70 : i32
        %dma_start3A_72 = tpu.memref_slice %arg10[%mul3A_71] : memref<320000xi32, #tpu.memory_space<vmem_shared>> -> memref<4000xi32, #tpu.memory_space<vmem_shared>>
        %dma_start3A_73 = tpu.memref_slice %arg10[%mul3A_71] : memref<320000xi32, #tpu.memory_space<vmem_shared>> -> memref<4000xi32, #tpu.memory_space<vmem_shared>>
        tpu.enqueue_dma source(%dma_start3A_73 : memref<4000xi32, #tpu.memory_space<vmem_shared>>) target(%arg6 : memref<4000xi32, #tpu.memory_space<vmem>>) target_semaphore(%arg12 : memref<!tpu.dma_semaphore, #tpu.memory_space<semaphore_mem>>)
      } else {
      }
      %dma_wait3A_61 = arith.constant 0 : i32
      %dma_wait3A_62 = tpu.memref_slice %arg10[%dma_wait3A_61] : memref<320000xi32, #tpu.memory_space<vmem_shared>> -> memref<4000xi32, #tpu.memory_space<vmem_shared>>
      %dma_wait3A_63 = arith.constant 0 : i32
      %dma_wait3A_64 = tpu.memref_slice %arg10[%dma_wait3A_63] : memref<320000xi32, #tpu.memory_space<vmem_shared>> -> memref<4000xi32, #tpu.memory_space<vmem_shared>>
      tpu.wait_dma2 semaphore(%arg13 : memref<!tpu.dma_semaphore, #tpu.memory_space<semaphore_mem>>) src(%dma_wait3A_64 : memref<4000xi32, #tpu.memory_space<vmem_shared>>) dst(%arg7 : memref<4000xi32, #tpu.memory_space<vmem>>)
      %parallel_loop3A_65 = arith.constant 0 : i32
      %parallel_loop3A_66 = arith.constant 250 : i32
      %parallel_loop3A_67 = arith.constant 1 : i32
      scf.for %parallel_loop3A_68 = %parallel_loop3A_65 to %parallel_loop3A_66 step %parallel_loop3A_67  : i32 {
        %parallel_loop3A_69 = arith.constant 16 : i32
        %parallel_loop3A_70 = arith.muli %parallel_loop3A_68, %parallel_loop3A_69 : i32
        %parallel_loop3A_71 = arith.index_cast %parallel_loop3A_70 : i32 to index
        %parallel_loop3A_72 = tpu.vector_load %arg7[%parallel_loop3A_71] {strides = array<i32>} : memref<4000xi32, #tpu.memory_space<vmem>>, vector<16xi32>,
        %parallel_loop3A_73 = arith.constant 14 : i32
        %parallel_loop3A_74 = vector.broadcast %parallel_loop3A_73 : i32 to vector<16xi32>
        %parallel_loop3A_75 = arith.shrui %parallel_loop3A_72, %parallel_loop3A_74 : vector<16xi32>
        %parallel_loop3A_76 = arith.constant 16383 : i32
        %parallel_loop3A_77 = vector.broadcast %parallel_loop3A_76 : i32 to vector<16xi32>
        %parallel_loop3A_78 = arith.andi %parallel_loop3A_72, %parallel_loop3A_77 : vector<16xi32>
        %parallel_loop3A_79 = arith.constant 0 : i32
        %parallel_loop3A_80 = vector.broadcast %parallel_loop3A_79 : i32 to vector<16xi32>
        %parallel_loop3A_81 = tpu.vector_load_idx %arg8[%parallel_loop3A_80, %parallel_loop3A_75] : memref<4x10000xf32, #tpu.memory_space<vmem>>[vector<16xi32>, vector<16xi32>], vector<16xf32>,
        tpu.vector_store_idx %arg9[%parallel_loop3A_80, %parallel_loop3A_78], %parallel_loop3A_81 {add = true} : memref<4x10000xf32, #tpu.memory_space<vmem>>[vector<16xi32>, vector<16xi32>], vector<16xf32>,
        %parallel_loop3A_82 = arith.constant 1 : i32
        %parallel_loop3A_83 = vector.broadcast %parallel_loop3A_82 : i32 to vector<16xi32>
        %parallel_loop3A_84 = tpu.vector_load_idx %arg8[%parallel_loop3A_83, %parallel_loop3A_75] : memref<4x10000xf32, #tpu.memory_space<vmem>>[vector<16xi32>, vector<16xi32>], vector<16xf32>,
        tpu.vector_store_idx %arg9[%parallel_loop3A_83, %parallel_loop3A_78], %parallel_loop3A_84 {add = true} : memref<4x10000xf32, #tpu.memory_space<vmem>>[vector<16xi32>, vector<16xi32>], vector<16xf32>,
        %parallel_loop3A_85 = arith.constant 2 : i32
        %parallel_loop3A_86 = vector.broadcast %parallel_loop3A_85 : i32 to vector<16xi32>
        %parallel_loop3A_87 = tpu.vector_load_idx %arg8[%parallel_loop3A_86, %parallel_loop3A_75] : memref<4x10000xf32, #tpu.memory_space<vmem>>[vector<16xi32>, vector<16xi32>], vector<16xf32>,
        tpu.vector_store_idx %arg9[%parallel_loop3A_86, %parallel_loop3A_78], %parallel_loop3A_87 {add = true} : memref<4x10000xf32, #tpu.memory_space<vmem>>[vector<16xi32>, vector<16xi32>], vector<16xf32>,
        %parallel_loop3A_88 = arith.constant 3 : i32
        %parallel_loop3A_89 = vector.broadcast %parallel_loop3A_88 : i32 to vector<16xi32>
        %parallel_loop3A_90 = tpu.vector_load_idx %arg8[%parallel_loop3A_89, %parallel_loop3A_75] : memref<4x10000xf32, #tpu.memory_space<vmem>>[vector<16xi32>, vector<16xi32>], vector<16xf32>,
        tpu.vector_store_idx %arg9[%parallel_loop3A_89, %parallel_loop3A_78], %parallel_loop3A_90 {add = true} : memref<4x10000xf32, #tpu.memory_space<vmem>>[vector<16xi32>, vector<16xi32>], vector<16xf32>,
      } {sc.loop_unroll_factor = 4 : i64, sc.parallel_access}
    }
    %scan3A_30 = arith.constant 40 : i32
    "tpu.region"() ({
      %run_scoped3A = tpu.sem_alloc : memref<!tpu.dma_semaphore, #tpu.memory_space<semaphore_mem>>
      %dma_start3A_43 = arith.constant 0 : i32
      %dma_start3A_44 = arith.constant 0 : i32
      %dma_start3A_45 = tpu.memref_slice %arg5[%add3A_22, %dma_start3A_43, %dma_start3A_44] : memref<64x4x10000xf32, #tpu.memory_space<hbm>> -> memref<1x4x10000xf32, #tpu.memory_space<hbm>>
      %dma_start3A_46 = tpu.memref_squeeze %dma_start3A_45 : memref<1x4x10000xf32, #tpu.memory_space<hbm>> -> memref<4x10000xf32, #tpu.memory_space<hbm>>
      %dma_start3A_47 = arith.constant 0 : i32
      %dma_start3A_48 = arith.constant 0 : i32
      %dma_start3A_49 = tpu.memref_slice %arg5[%add3A_22, %dma_start3A_47, %dma_start3A_48] : memref<64x4x10000xf32, #tpu.memory_space<hbm>> -> memref<1x4x10000xf32, #tpu.memory_space<hbm>>
      %dma_start3A_50 = tpu.memref_squeeze %dma_start3A_49 : memref<1x4x10000xf32, #tpu.memory_space<hbm>> -> memref<4x10000xf32, #tpu.memory_space<hbm>>
      tpu.enqueue_dma source(%arg9 : memref<4x10000xf32, #tpu.memory_space<vmem>>) target(%dma_start3A_50 : memref<4x10000xf32, #tpu.memory_space<hbm>>) target_semaphore(%run_scoped3A : memref<!tpu.dma_semaphore, #tpu.memory_space<semaphore_mem>>)
      %dma_wait3A = arith.constant 0 : i32
      %dma_wait3A_51 = arith.constant 0 : i32
      %dma_wait3A_52 = tpu.memref_slice %arg5[%add3A_22, %dma_wait3A, %dma_wait3A_51] : memref<64x4x10000xf32, #tpu.memory_space<hbm>> -> memref<1x4x10000xf32, #tpu.memory_space<hbm>>
      %dma_wait3A_53 = tpu.memref_squeeze %dma_wait3A_52 : memref<1x4x10000xf32, #tpu.memory_space<hbm>> -> memref<4x10000xf32, #tpu.memory_space<hbm>>
      %dma_wait3A_54 = arith.constant 0 : i32
      %dma_wait3A_55 = arith.constant 0 : i32
      %dma_wait3A_56 = tpu.memref_slice %arg5[%add3A_22, %dma_wait3A_54, %dma_wait3A_55] : memref<64x4x10000xf32, #tpu.memory_space<hbm>> -> memref<1x4x10000xf32, #tpu.memory_space<hbm>>
      %dma_wait3A_57 = tpu.memref_squeeze %dma_wait3A_56 : memref<1x4x10000xf32, #tpu.memory_space<hbm>> -> memref<4x10000xf32, #tpu.memory_space<hbm>>
      tpu.wait_dma2 semaphore(%run_scoped3A : memref<!tpu.dma_semaphore, #tpu.memory_space<semaphore_mem>>) src(%arg9 : memref<4x10000xf32, #tpu.memory_space<vmem>>) dst(%dma_wait3A_57 : memref<4x10000xf32, #tpu.memory_space<hbm>>)
      tpu.yield
    }) : () -> ()
    %add3A_31 = arith.constant 32 : i32
    %add3A_32 = arith.addi %add3A_31, %add3A : i32
    "tpu.region"() ({
      %run_scoped3A = tpu.sem_alloc : memref<!tpu.dma_semaphore, #tpu.memory_space<semaphore_mem>>
      %dma_start3A_43 = arith.constant 0 : i32
      %dma_start3A_44 = arith.constant 0 : i32
      %dma_start3A_45 = tpu.memref_slice %arg2[%add3A_32, %dma_start3A_43, %dma_start3A_44] : memref<64x4x10000xf32, #tpu.memory_space<hbm>> -> memref<1x4x10000xf32, #tpu.memory_space<hbm>>
      %dma_start3A_46 = tpu.memref_squeeze %dma_start3A_45 : memref<1x4x10000xf32, #tpu.memory_space<hbm>> -> memref<4x10000xf32, #tpu.memory_space<hbm>>
      %dma_start3A_47 = arith.constant 0 : i32
      %dma_start3A_48 = arith.constant 0 : i32
      %dma_start3A_49 = tpu.memref_slice %arg2[%add3A_32, %dma_start3A_47, %dma_start3A_48] : memref<64x4x10000xf32, #tpu.memory_space<hbm>> -> memref<1x4x10000xf32, #tpu.memory_space<hbm>>
      %dma_start3A_50 = tpu.memref_squeeze %dma_start3A_49 : memref<1x4x10000xf32, #tpu.memory_space<hbm>> -> memref<4x10000xf32, #tpu.memory_space<hbm>>
      tpu.enqueue_dma source(%dma_start3A_50 : memref<4x10000xf32, #tpu.memory_space<hbm>>) target(%arg8 : memref<4x10000xf32, #tpu.memory_space<vmem>>) target_semaphore(%run_scoped3A : memref<!tpu.dma_semaphore, #tpu.memory_space<semaphore_mem>>)
      %dma_wait3A = arith.constant 0 : i32
      %dma_wait3A_51 = arith.constant 0 : i32
      %dma_wait3A_52 = tpu.memref_slice %arg2[%add3A_32, %dma_wait3A, %dma_wait3A_51] : memref<64x4x10000xf32, #tpu.memory_space<hbm>> -> memref<1x4x10000xf32, #tpu.memory_space<hbm>>
      %dma_wait3A_53 = tpu.memref_squeeze %dma_wait3A_52 : memref<1x4x10000xf32, #tpu.memory_space<hbm>> -> memref<4x10000xf32, #tpu.memory_space<hbm>>
      %dma_wait3A_54 = arith.constant 0 : i32
      %dma_wait3A_55 = arith.constant 0 : i32
      %dma_wait3A_56 = tpu.memref_slice %arg2[%add3A_32, %dma_wait3A_54, %dma_wait3A_55] : memref<64x4x10000xf32, #tpu.memory_space<hbm>> -> memref<1x4x10000xf32, #tpu.memory_space<hbm>>
      %dma_wait3A_57 = tpu.memref_squeeze %dma_wait3A_56 : memref<1x4x10000xf32, #tpu.memory_space<hbm>> -> memref<4x10000xf32, #tpu.memory_space<hbm>>
      tpu.wait_dma2 semaphore(%run_scoped3A : memref<!tpu.dma_semaphore, #tpu.memory_space<semaphore_mem>>) src(%dma_wait3A_57 : memref<4x10000xf32, #tpu.memory_space<hbm>>) dst(%arg8 : memref<4x10000xf32, #tpu.memory_space<vmem>>)
      tpu.yield
    }) : () -> ()
    "tpu.region"() ({
      %run_scoped3A = tpu.sem_alloc : memref<!tpu.dma_semaphore, #tpu.memory_space<semaphore_mem>>
      tpu.enqueue_dma source(%arg4 : memref<4x10000xf32, #tpu.memory_space<hbm>>) target(%arg9 : memref<4x10000xf32, #tpu.memory_space<vmem>>) target_semaphore(%run_scoped3A : memref<!tpu.dma_semaphore, #tpu.memory_space<semaphore_mem>>)
      tpu.wait_dma2 semaphore(%run_scoped3A : memref<!tpu.dma_semaphore, #tpu.memory_space<semaphore_mem>>) src(%arg4 : memref<4x10000xf32, #tpu.memory_space<hbm>>) dst(%arg9 : memref<4x10000xf32, #tpu.memory_space<vmem>>)
      tpu.yield
    }) : () -> ()
    %dma_start3A_33 = arith.constant 0 : i32
    %dma_start3A_34 = tpu.memref_slice %arg10[%dma_start3A_33] : memref<320000xi32, #tpu.memory_space<vmem_shared>> -> memref<4000xi32, #tpu.memory_space<vmem_shared>>
    %dma_start3A_35 = arith.constant 0 : i32
    %dma_start3A_36 = tpu.memref_slice %arg10[%dma_start3A_35] : memref<320000xi32, #tpu.memory_space<vmem_shared>> -> memref<4000xi32, #tpu.memory_space<vmem_shared>>
    tpu.enqueue_dma source(%dma_start3A_36 : memref<4000xi32, #tpu.memory_space<vmem_shared>>) target(%arg6 : memref<4000xi32, #tpu.memory_space<vmem>>) target_semaphore(%arg12 : memref<!tpu.dma_semaphore, #tpu.memory_space<semaphore_mem>>)
    %scan3A_37 = arith.constant 0 : i32
    %scan3A_38 = arith.constant 0 : i32
    %scan3A_39 = arith.constant 40 : i32
    %scan3A_40 = arith.addi %scan3A_38, %scan3A_39 : i32
    %scan3A_41 = arith.constant 1 : i32
    scf.for %scan3A_43 = %scan3A_38 to %scan3A_40 step %scan3A_41  : i32 {
      %mul3A_44 = arith.constant 2 : i32
      %mul3A_45 = arith.muli %mul3A_44, %scan3A_43 : i32
      %add3A_46 = arith.constant 1 : i32
      %add3A_47 = arith.addi %mul3A_45, %add3A_46 : i32
      %mul3A_48 = arith.constant 4000 : i32
      %mul3A_49 = arith.muli %add3A_47, %mul3A_48 : i32
      %dma_start3A_50 = tpu.memref_slice %arg10[%mul3A_49] : memref<320000xi32, #tpu.memory_space<vmem_shared>> -> memref<4000xi32, #tpu.memory_space<vmem_shared>>
      %dma_start3A_51 = tpu.memref_slice %arg10[%mul3A_49] : memref<320000xi32, #tpu.memory_space<vmem_shared>> -> memref<4000xi32, #tpu.memory_space<vmem_shared>>
      tpu.enqueue_dma source(%dma_start3A_51 : memref<4000xi32, #tpu.memory_space<vmem_shared>>) target(%arg7 : memref<4000xi32, #tpu.memory_space<vmem>>) target_semaphore(%arg13 : memref<!tpu.dma_semaphore, #tpu.memory_space<semaphore_mem>>)
      %dma_wait3A = arith.constant 0 : i32
      %dma_wait3A_52 = tpu.memref_slice %arg10[%dma_wait3A] : memref<320000xi32, #tpu.memory_space<vmem_shared>> -> memref<4000xi32, #tpu.memory_space<vmem_shared>>
      %dma_wait3A_53 = arith.constant 0 : i32
      %dma_wait3A_54 = tpu.memref_slice %arg10[%dma_wait3A_53] : memref<320000xi32, #tpu.memory_space<vmem_shared>> -> memref<4000xi32, #tpu.memory_space<vmem_shared>>
      tpu.wait_dma2 semaphore(%arg12 : memref<!tpu.dma_semaphore, #tpu.memory_space<semaphore_mem>>) src(%dma_wait3A_54 : memref<4000xi32, #tpu.memory_space<vmem_shared>>) dst(%arg6 : memref<4000xi32, #tpu.memory_space<vmem>>)
      %parallel_loop3A = arith.constant 0 : i32
      %parallel_loop3A_55 = arith.constant 250 : i32
      %parallel_loop3A_56 = arith.constant 1 : i32
      scf.for %parallel_loop3A_68 = %parallel_loop3A to %parallel_loop3A_55 step %parallel_loop3A_56  : i32 {
        %parallel_loop3A_69 = arith.constant 16 : i32
        %parallel_loop3A_70 = arith.muli %parallel_loop3A_68, %parallel_loop3A_69 : i32
        %parallel_loop3A_71 = arith.index_cast %parallel_loop3A_70 : i32 to index
        %parallel_loop3A_72 = tpu.vector_load %arg6[%parallel_loop3A_71] {strides = array<i32>} : memref<4000xi32, #tpu.memory_space<vmem>>, vector<16xi32>,
        %parallel_loop3A_73 = arith.constant 14 : i32
        %parallel_loop3A_74 = vector.broadcast %parallel_loop3A_73 : i32 to vector<16xi32>
        %parallel_loop3A_75 = arith.shrui %parallel_loop3A_72, %parallel_loop3A_74 : vector<16xi32>
        %parallel_loop3A_76 = arith.constant 16383 : i32
        %parallel_loop3A_77 = vector.broadcast %parallel_loop3A_76 : i32 to vector<16xi32>
        %parallel_loop3A_78 = arith.andi %parallel_loop3A_72, %parallel_loop3A_77 : vector<16xi32>
        %parallel_loop3A_79 = arith.constant 0 : i32
        %parallel_loop3A_80 = vector.broadcast %parallel_loop3A_79 : i32 to vector<16xi32>
        %parallel_loop3A_81 = tpu.vector_load_idx %arg8[%parallel_loop3A_80, %parallel_loop3A_75] : memref<4x10000xf32, #tpu.memory_space<vmem>>[vector<16xi32>, vector<16xi32>], vector<16xf32>,
        tpu.vector_store_idx %arg9[%parallel_loop3A_80, %parallel_loop3A_78], %parallel_loop3A_81 {add = true} : memref<4x10000xf32, #tpu.memory_space<vmem>>[vector<16xi32>, vector<16xi32>], vector<16xf32>,
        %parallel_loop3A_82 = arith.constant 1 : i32
        %parallel_loop3A_83 = vector.broadcast %parallel_loop3A_82 : i32 to vector<16xi32>
        %parallel_loop3A_84 = tpu.vector_load_idx %arg8[%parallel_loop3A_83, %parallel_loop3A_75] : memref<4x10000xf32, #tpu.memory_space<vmem>>[vector<16xi32>, vector<16xi32>], vector<16xf32>,
        tpu.vector_store_idx %arg9[%parallel_loop3A_83, %parallel_loop3A_78], %parallel_loop3A_84 {add = true} : memref<4x10000xf32, #tpu.memory_space<vmem>>[vector<16xi32>, vector<16xi32>], vector<16xf32>,
        %parallel_loop3A_85 = arith.constant 2 : i32
        %parallel_loop3A_86 = vector.broadcast %parallel_loop3A_85 : i32 to vector<16xi32>
        %parallel_loop3A_87 = tpu.vector_load_idx %arg8[%parallel_loop3A_86, %parallel_loop3A_75] : memref<4x10000xf32, #tpu.memory_space<vmem>>[vector<16xi32>, vector<16xi32>], vector<16xf32>,
        tpu.vector_store_idx %arg9[%parallel_loop3A_86, %parallel_loop3A_78], %parallel_loop3A_87 {add = true} : memref<4x10000xf32, #tpu.memory_space<vmem>>[vector<16xi32>, vector<16xi32>], vector<16xf32>,
        %parallel_loop3A_88 = arith.constant 3 : i32
        %parallel_loop3A_89 = vector.broadcast %parallel_loop3A_88 : i32 to vector<16xi32>
        %parallel_loop3A_90 = tpu.vector_load_idx %arg8[%parallel_loop3A_89, %parallel_loop3A_75] : memref<4x10000xf32, #tpu.memory_space<vmem>>[vector<16xi32>, vector<16xi32>], vector<16xf32>,
        tpu.vector_store_idx %arg9[%parallel_loop3A_89, %parallel_loop3A_78], %parallel_loop3A_90 {add = true} : memref<4x10000xf32, #tpu.memory_space<vmem>>[vector<16xi32>, vector<16xi32>], vector<16xf32>,
      } {sc.loop_unroll_factor = 4 : i64, sc.parallel_access}
      %add3A_57 = arith.constant 2 : i32
      %add3A_58 = arith.addi %mul3A_45, %add3A_57 : i32
      %lt3A = arith.constant 80 : i32
      %lt3A_59 = arith.cmpi slt, %add3A_58, %lt3A : i32
      %convert_element_type3A = arith.extui %lt3A_59 : i1 to i32
      %cond3A = arith.constant 0 : i32
      %cond3A_60 = arith.cmpi ne, %convert_element_type3A, %cond3A : i32
      scf.if %cond3A_60 {
        %add3A_68 = arith.constant 2 : i32
        %add3A_69 = arith.addi %mul3A_45, %add3A_68 : i32
        %mul3A_70 = arith.constant 4000 : i32
        %mul3A_71 = arith.muli %add3A_69, %mul3A_70 : i32
        %dma_start3A_72 = tpu.memref_slice %arg10[%mul3A_71] : memref<320000xi32, #tpu.memory_space<vmem_shared>> -> memref<4000xi32, #tpu.memory_space<vmem_shared>>
        %dma_start3A_73 = tpu.memref_slice %arg10[%mul3A_71] : memref<320000xi32, #tpu.memory_space<vmem_shared>> -> memref<4000xi32, #tpu.memory_space<vmem_shared>>
        tpu.enqueue_dma source(%dma_start3A_73 : memref<4000xi32, #tpu.memory_space<vmem_shared>>) target(%arg6 : memref<4000xi32, #tpu.memory_space<vmem>>) target_semaphore(%arg12 : memref<!tpu.dma_semaphore, #tpu.memory_space<semaphore_mem>>)
      } else {
      }
      %dma_wait3A_61 = arith.constant 0 : i32
      %dma_wait3A_62 = tpu.memref_slice %arg10[%dma_wait3A_61] : memref<320000xi32, #tpu.memory_space<vmem_shared>> -> memref<4000xi32, #tpu.memory_space<vmem_shared>>
      %dma_wait3A_63 = arith.constant 0 : i32
      %dma_wait3A_64 = tpu.memref_slice %arg10[%dma_wait3A_63] : memref<320000xi32, #tpu.memory_space<vmem_shared>> -> memref<4000xi32, #tpu.memory_space<vmem_shared>>
      tpu.wait_dma2 semaphore(%arg13 : memref<!tpu.dma_semaphore, #tpu.memory_space<semaphore_mem>>) src(%dma_wait3A_64 : memref<4000xi32, #tpu.memory_space<vmem_shared>>) dst(%arg7 : memref<4000xi32, #tpu.memory_space<vmem>>)
      %parallel_loop3A_65 = arith.constant 0 : i32
      %parallel_loop3A_66 = arith.constant 250 : i32
      %parallel_loop3A_67 = arith.constant 1 : i32
      scf.for %parallel_loop3A_68 = %parallel_loop3A_65 to %parallel_loop3A_66 step %parallel_loop3A_67  : i32 {
        %parallel_loop3A_69 = arith.constant 16 : i32
        %parallel_loop3A_70 = arith.muli %parallel_loop3A_68, %parallel_loop3A_69 : i32
        %parallel_loop3A_71 = arith.index_cast %parallel_loop3A_70 : i32 to index
        %parallel_loop3A_72 = tpu.vector_load %arg7[%parallel_loop3A_71] {strides = array<i32>} : memref<4000xi32, #tpu.memory_space<vmem>>, vector<16xi32>,
        %parallel_loop3A_73 = arith.constant 14 : i32
        %parallel_loop3A_74 = vector.broadcast %parallel_loop3A_73 : i32 to vector<16xi32>
        %parallel_loop3A_75 = arith.shrui %parallel_loop3A_72, %parallel_loop3A_74 : vector<16xi32>
        %parallel_loop3A_76 = arith.constant 16383 : i32
        %parallel_loop3A_77 = vector.broadcast %parallel_loop3A_76 : i32 to vector<16xi32>
        %parallel_loop3A_78 = arith.andi %parallel_loop3A_72, %parallel_loop3A_77 : vector<16xi32>
        %parallel_loop3A_79 = arith.constant 0 : i32
        %parallel_loop3A_80 = vector.broadcast %parallel_loop3A_79 : i32 to vector<16xi32>
        %parallel_loop3A_81 = tpu.vector_load_idx %arg8[%parallel_loop3A_80, %parallel_loop3A_75] : memref<4x10000xf32, #tpu.memory_space<vmem>>[vector<16xi32>, vector<16xi32>], vector<16xf32>,
        tpu.vector_store_idx %arg9[%parallel_loop3A_80, %parallel_loop3A_78], %parallel_loop3A_81 {add = true} : memref<4x10000xf32, #tpu.memory_space<vmem>>[vector<16xi32>, vector<16xi32>], vector<16xf32>,
        %parallel_loop3A_82 = arith.constant 1 : i32
        %parallel_loop3A_83 = vector.broadcast %parallel_loop3A_82 : i32 to vector<16xi32>
        %parallel_loop3A_84 = tpu.vector_load_idx %arg8[%parallel_loop3A_83, %parallel_loop3A_75] : memref<4x10000xf32, #tpu.memory_space<vmem>>[vector<16xi32>, vector<16xi32>], vector<16xf32>,
        tpu.vector_store_idx %arg9[%parallel_loop3A_83, %parallel_loop3A_78], %parallel_loop3A_84 {add = true} : memref<4x10000xf32, #tpu.memory_space<vmem>>[vector<16xi32>, vector<16xi32>], vector<16xf32>,
        %parallel_loop3A_85 = arith.constant 2 : i32
        %parallel_loop3A_86 = vector.broadcast %parallel_loop3A_85 : i32 to vector<16xi32>
        %parallel_loop3A_87 = tpu.vector_load_idx %arg8[%parallel_loop3A_86, %parallel_loop3A_75] : memref<4x10000xf32, #tpu.memory_space<vmem>>[vector<16xi32>, vector<16xi32>], vector<16xf32>,
        tpu.vector_store_idx %arg9[%parallel_loop3A_86, %parallel_loop3A_78], %parallel_loop3A_87 {add = true} : memref<4x10000xf32, #tpu.memory_space<vmem>>[vector<16xi32>, vector<16xi32>], vector<16xf32>,
        %parallel_loop3A_88 = arith.constant 3 : i32
        %parallel_loop3A_89 = vector.broadcast %parallel_loop3A_88 : i32 to vector<16xi32>
        %parallel_loop3A_90 = tpu.vector_load_idx %arg8[%parallel_loop3A_89, %parallel_loop3A_75] : memref<4x10000xf32, #tpu.memory_space<vmem>>[vector<16xi32>, vector<16xi32>], vector<16xf32>,
        tpu.vector_store_idx %arg9[%parallel_loop3A_89, %parallel_loop3A_78], %parallel_loop3A_90 {add = true} : memref<4x10000xf32, #tpu.memory_space<vmem>>[vector<16xi32>, vector<16xi32>], vector<16xf32>,
      } {sc.loop_unroll_factor = 4 : i64, sc.parallel_access}
    }
    %scan3A_42 = arith.constant 40 : i32
    "tpu.region"() ({
      %run_scoped3A = tpu.sem_alloc : memref<!tpu.dma_semaphore, #tpu.memory_space<semaphore_mem>>
      %dma_start3A_43 = arith.constant 0 : i32
      %dma_start3A_44 = arith.constant 0 : i32
      %dma_start3A_45 = tpu.memref_slice %arg5[%add3A_32, %dma_start3A_43, %dma_start3A_44] : memref<64x4x10000xf32, #tpu.memory_space<hbm>> -> memref<1x4x10000xf32, #tpu.memory_space<hbm>>
      %dma_start3A_46 = tpu.memref_squeeze %dma_start3A_45 : memref<1x4x10000xf32, #tpu.memory_space<hbm>> -> memref<4x10000xf32, #tpu.memory_space<hbm>>
      %dma_start3A_47 = arith.constant 0 : i32
      %dma_start3A_48 = arith.constant 0 : i32
      %dma_start3A_49 = tpu.memref_slice %arg5[%add3A_32, %dma_start3A_47, %dma_start3A_48] : memref<64x4x10000xf32, #tpu.memory_space<hbm>> -> memref<1x4x10000xf32, #tpu.memory_space<hbm>>
      %dma_start3A_50 = tpu.memref_squeeze %dma_start3A_49 : memref<1x4x10000xf32, #tpu.memory_space<hbm>> -> memref<4x10000xf32, #tpu.memory_space<hbm>>
      tpu.enqueue_dma source(%arg9 : memref<4x10000xf32, #tpu.memory_space<vmem>>) target(%dma_start3A_50 : memref<4x10000xf32, #tpu.memory_space<hbm>>) target_semaphore(%run_scoped3A : memref<!tpu.dma_semaphore, #tpu.memory_space<semaphore_mem>>)
      %dma_wait3A = arith.constant 0 : i32
      %dma_wait3A_51 = arith.constant 0 : i32
      %dma_wait3A_52 = tpu.memref_slice %arg5[%add3A_32, %dma_wait3A, %dma_wait3A_51] : memref<64x4x10000xf32, #tpu.memory_space<hbm>> -> memref<1x4x10000xf32, #tpu.memory_space<hbm>>
      %dma_wait3A_53 = tpu.memref_squeeze %dma_wait3A_52 : memref<1x4x10000xf32, #tpu.memory_space<hbm>> -> memref<4x10000xf32, #tpu.memory_space<hbm>>
      %dma_wait3A_54 = arith.constant 0 : i32
      %dma_wait3A_55 = arith.constant 0 : i32
      %dma_wait3A_56 = tpu.memref_slice %arg5[%add3A_32, %dma_wait3A_54, %dma_wait3A_55] : memref<64x4x10000xf32, #tpu.memory_space<hbm>> -> memref<1x4x10000xf32, #tpu.memory_space<hbm>>
      %dma_wait3A_57 = tpu.memref_squeeze %dma_wait3A_56 : memref<1x4x10000xf32, #tpu.memory_space<hbm>> -> memref<4x10000xf32, #tpu.memory_space<hbm>>
      tpu.wait_dma2 semaphore(%run_scoped3A : memref<!tpu.dma_semaphore, #tpu.memory_space<semaphore_mem>>) src(%arg9 : memref<4x10000xf32, #tpu.memory_space<vmem>>) dst(%dma_wait3A_57 : memref<4x10000xf32, #tpu.memory_space<hbm>>)
      tpu.yield
    }) : () -> ()
    return
  }
}

#map = affine_map<(d0, d1) -> (0, 0, 0)>
#map1 = affine_map<(d0, d1) -> (0)>
#map2 = affine_map<(d0, d1) -> (0, 0)>
module attributes {stable_mosaic.version = 14 : i64} {
  func.func @_aggc_kernel(%arg0: i32, %arg1: i32, %arg2: memref<64x4x10000xf32, #tpu.memory_space<hbm>>, %arg3: memref<320000xi32, #tpu.memory_space<hbm>>, %arg4: memref<4x10000xf32, #tpu.memory_space<hbm>>, %arg5: memref<64x4x10000xf32, #tpu.memory_space<hbm>>, %arg6: memref<4000xi32, #tpu.memory_space<vmem>>, %arg7: memref<4000xi32, #tpu.memory_space<vmem>>, %arg8: memref<4x10000xf32, #tpu.memory_space<vmem>>, %arg9: memref<4x10000xf32, #tpu.memory_space<vmem>>, %arg10: memref<320000xi32, #tpu.memory_space<vmem_shared>>, %arg11: memref<!tpu.dma_semaphore, #tpu.memory_space<semaphore_mem>>, %arg12: memref<!tpu.dma_semaphore, #tpu.memory_space<semaphore_mem>>, %arg13: memref<!tpu.dma_semaphore, #tpu.memory_space<semaphore_mem>>) attributes {dimension_semantics = [#tpu.dimension_semantics<core_parallel>, #tpu.dimension_semantics<subcore_parallel>], iteration_bounds = array<i64: 2, 16>, scalar_prefetch = 0 : i64, scratch_operands = 8 : i64, tpu.core_type = #tpu.core_type<sc_vector_subcore>, window_params = [{transform_indices = #map}, {transform_indices = #map1}, {transform_indices = #map2}, {transform_indices = #map}]} {
    %mul3A = arith.constant 16 : i32
    %mul3A_0 = arith.muli %arg0, %mul3A : i32
    %add3A = arith.addi %mul3A_0, %arg1 : i32
    %mul3A_1 = arith.constant 20000 : i32
    %mul3A_2 = arith.muli %arg1, %mul3A_1 : i32
    %add3A_3 = arith.constant 0 : i32
    %add3A_4 = arith.addi %mul3A_2, %add3A_3 : i32
    "tpu.region"() ({
      %run_scoped3A = tpu.sem_alloc : memref<!tpu.dma_semaphore, #tpu.memory_space<semaphore_mem>>
      %dma_start3A_43 = tpu.memref_slice %arg3[%add3A_4] : memref<320000xi32, #tpu.memory_space<hbm>> -> memref<4000xi32, #tpu.memory_space<hbm>>
      %dma_start3A_44 = tpu.memref_slice %arg3[%add3A_4] : memref<320000xi32, #tpu.memory_space<hbm>> -> memref<4000xi32, #tpu.memory_space<hbm>>
      tpu.enqueue_dma source(%dma_start3A_44 : memref<4000xi32, #tpu.memory_space<hbm>>) target(%arg6 : memref<4000xi32, #tpu.memory_space<vmem>>) target_semaphore(%run_scoped3A : memref<!tpu.dma_semaphore, #tpu.memory_space<semaphore_mem>>)
      %dma_wait3A = tpu.memref_slice %arg3[%add3A_4] : memref<320000xi32, #tpu.memory_space<hbm>> -> memref<4000xi32, #tpu.memory_space<hbm>>
      %dma_wait3A_45 = tpu.memref_slice %arg3[%add3A_4] : memref<320000xi32, #tpu.memory_space<hbm>> -> memref<4000xi32, #tpu.memory_space<hbm>>
      tpu.wait_dma2 semaphore(%run_scoped3A : memref<!tpu.dma_semaphore, #tpu.memory_space<semaphore_mem>>) src(%dma_wait3A_45 : memref<4000xi32, #tpu.memory_space<hbm>>) dst(%arg6 : memref<4000xi32, #tpu.memory_space<vmem>>)
      tpu.yield
    }) : () -> ()
    "tpu.region"() ({
      %run_scoped3A = tpu.sem_alloc : memref<!tpu.dma_semaphore, #tpu.memory_space<semaphore_mem>>
      %dma_start3A_43 = tpu.memref_slice %arg10[%add3A_4] : memref<320000xi32, #tpu.memory_space<vmem_shared>> -> memref<4000xi32, #tpu.memory_space<vmem_shared>>
      %dma_start3A_44 = tpu.memref_slice %arg10[%add3A_4] : memref<320000xi32, #tpu.memory_space<vmem_shared>> -> memref<4000xi32, #tpu.memory_space<vmem_shared>>
      tpu.enqueue_dma source(%arg6 : memref<4000xi32, #tpu.memory_space<vmem>>) target(%dma_start3A_44 : memref<4000xi32, #tpu.memory_space<vmem_shared>>) target_semaphore(%run_scoped3A : memref<!tpu.dma_semaphore, #tpu.memory_space<semaphore_mem>>)
      %dma_wait3A = tpu.memref_slice %arg10[%add3A_4] : memref<320000xi32, #tpu.memory_space<vmem_shared>> -> memref<4000xi32, #tpu.memory_space<vmem_shared>>
      %dma_wait3A_45 = tpu.memref_slice %arg10[%add3A_4] : memref<320000xi32, #tpu.memory_space<vmem_shared>> -> memref<4000xi32, #tpu.memory_space<vmem_shared>>
      tpu.wait_dma2 semaphore(%run_scoped3A : memref<!tpu.dma_semaphore, #tpu.memory_space<semaphore_mem>>) src(%arg6 : memref<4000xi32, #tpu.memory_space<vmem>>) dst(%dma_wait3A_45 : memref<4000xi32, #tpu.memory_space<vmem_shared>>)
      tpu.yield
    }) : () -> ()
    %mul3A_5 = arith.constant 20000 : i32
    %mul3A_6 = arith.muli %arg1, %mul3A_5 : i32
    %add3A_7 = arith.constant 4000 : i32
    %add3A_8 = arith.addi %mul3A_6, %add3A_7 : i32
    "tpu.region"() ({
      %run_scoped3A = tpu.sem_alloc : memref<!tpu.dma_semaphore, #tpu.memory_space<semaphore_mem>>
      %dma_start3A_43 = tpu.memref_slice %arg3[%add3A_8] : memref<320000xi32, #tpu.memory_space<hbm>> -> memref<4000xi32, #tpu.memory_space<hbm>>
      %dma_start3A_44 = tpu.memref_slice %arg3[%add3A_8] : memref<320000xi32, #tpu.memory_space<hbm>> -> memref<4000xi32, #tpu.memory_space<hbm>>
      tpu.enqueue_dma source(%dma_start3A_44 : memref<4000xi32, #tpu.memory_space<hbm>>) target(%arg6 : memref<4000xi32, #tpu.memory_space<vmem>>) target_semaphore(%run_scoped3A : memref<!tpu.dma_semaphore, #tpu.memory_space<semaphore_mem>>)
      %dma_wait3A = tpu.memref_slice %arg3[%add3A_8] : memref<320000xi32, #tpu.memory_space<hbm>> -> memref<4000xi32, #tpu.memory_space<hbm>>
      %dma_wait3A_45 = tpu.memref_slice %arg3[%add3A_8] : memref<320000xi32, #tpu.memory_space<hbm>> -> memref<4000xi32, #tpu.memory_space<hbm>>
      tpu.wait_dma2 semaphore(%run_scoped3A : memref<!tpu.dma_semaphore, #tpu.memory_space<semaphore_mem>>) src(%dma_wait3A_45 : memref<4000xi32, #tpu.memory_space<hbm>>) dst(%arg6 : memref<4000xi32, #tpu.memory_space<vmem>>)
      tpu.yield
    }) : () -> ()
    "tpu.region"() ({
      %run_scoped3A = tpu.sem_alloc : memref<!tpu.dma_semaphore, #tpu.memory_space<semaphore_mem>>
      %dma_start3A_43 = tpu.memref_slice %arg10[%add3A_8] : memref<320000xi32, #tpu.memory_space<vmem_shared>> -> memref<4000xi32, #tpu.memory_space<vmem_shared>>
      %dma_start3A_44 = tpu.memref_slice %arg10[%add3A_8] : memref<320000xi32, #tpu.memory_space<vmem_shared>> -> memref<4000xi32, #tpu.memory_space<vmem_shared>>
      tpu.enqueue_dma source(%arg6 : memref<4000xi32, #tpu.memory_space<vmem>>) target(%dma_start3A_44 : memref<4000xi32, #tpu.memory_space<vmem_shared>>) target_semaphore(%run_scoped3A : memref<!tpu.dma_semaphore, #tpu.memory_space<semaphore_mem>>)
      %dma_wait3A = tpu.memref_slice %arg10[%add3A_8] : memref<320000xi32, #tpu.memory_space<vmem_shared>> -> memref<4000xi32, #tpu.memory_space<vmem_shared>>
      %dma_wait3A_45 = tpu.memref_slice %arg10[%add3A_8] : memref<320000xi32, #tpu.memory_space<vmem_shared>> -> memref<4000xi32, #tpu.memory_space<vmem_shared>>
      tpu.wait_dma2 semaphore(%run_scoped3A : memref<!tpu.dma_semaphore, #tpu.memory_space<semaphore_mem>>) src(%arg6 : memref<4000xi32, #tpu.memory_space<vmem>>) dst(%dma_wait3A_45 : memref<4000xi32, #tpu.memory_space<vmem_shared>>)
      tpu.yield
    }) : () -> ()
    %mul3A_9 = arith.constant 20000 : i32
    %mul3A_10 = arith.muli %arg1, %mul3A_9 : i32
    %add3A_11 = arith.constant 8000 : i32
    %add3A_12 = arith.addi %mul3A_10, %add3A_11 : i32
    "tpu.region"() ({
      %run_scoped3A = tpu.sem_alloc : memref<!tpu.dma_semaphore, #tpu.memory_space<semaphore_mem>>
      %dma_start3A_43 = tpu.memref_slice %arg3[%add3A_12] : memref<320000xi32, #tpu.memory_space<hbm>> -> memref<4000xi32, #tpu.memory_space<hbm>>
      %dma_start3A_44 = tpu.memref_slice %arg3[%add3A_12] : memref<320000xi32, #tpu.memory_space<hbm>> -> memref<4000xi32, #tpu.memory_space<hbm>>
      tpu.enqueue_dma source(%dma_start3A_44 : memref<4000xi32, #tpu.memory_space<hbm>>) target(%arg6 : memref<4000xi32, #tpu.memory_space<vmem>>) target_semaphore(%run_scoped3A : memref<!tpu.dma_semaphore, #tpu.memory_space<semaphore_mem>>)
      %dma_wait3A = tpu.memref_slice %arg3[%add3A_12] : memref<320000xi32, #tpu.memory_space<hbm>> -> memref<4000xi32, #tpu.memory_space<hbm>>
      %dma_wait3A_45 = tpu.memref_slice %arg3[%add3A_12] : memref<320000xi32, #tpu.memory_space<hbm>> -> memref<4000xi32, #tpu.memory_space<hbm>>
      tpu.wait_dma2 semaphore(%run_scoped3A : memref<!tpu.dma_semaphore, #tpu.memory_space<semaphore_mem>>) src(%dma_wait3A_45 : memref<4000xi32, #tpu.memory_space<hbm>>) dst(%arg6 : memref<4000xi32, #tpu.memory_space<vmem>>)
      tpu.yield
    }) : () -> ()
    "tpu.region"() ({
      %run_scoped3A = tpu.sem_alloc : memref<!tpu.dma_semaphore, #tpu.memory_space<semaphore_mem>>
      %dma_start3A_43 = tpu.memref_slice %arg10[%add3A_12] : memref<320000xi32, #tpu.memory_space<vmem_shared>> -> memref<4000xi32, #tpu.memory_space<vmem_shared>>
      %dma_start3A_44 = tpu.memref_slice %arg10[%add3A_12] : memref<320000xi32, #tpu.memory_space<vmem_shared>> -> memref<4000xi32, #tpu.memory_space<vmem_shared>>
      tpu.enqueue_dma source(%arg6 : memref<4000xi32, #tpu.memory_space<vmem>>) target(%dma_start3A_44 : memref<4000xi32, #tpu.memory_space<vmem_shared>>) target_semaphore(%run_scoped3A : memref<!tpu.dma_semaphore, #tpu.memory_space<semaphore_mem>>)
      %dma_wait3A = tpu.memref_slice %arg10[%add3A_12] : memref<320000xi32, #tpu.memory_space<vmem_shared>> -> memref<4000xi32, #tpu.memory_space<vmem_shared>>
      %dma_wait3A_45 = tpu.memref_slice %arg10[%add3A_12] : memref<320000xi32, #tpu.memory_space<vmem_shared>> -> memref<4000xi32, #tpu.memory_space<vmem_shared>>
      tpu.wait_dma2 semaphore(%run_scoped3A : memref<!tpu.dma_semaphore, #tpu.memory_space<semaphore_mem>>) src(%arg6 : memref<4000xi32, #tpu.memory_space<vmem>>) dst(%dma_wait3A_45 : memref<4000xi32, #tpu.memory_space<vmem_shared>>)
      tpu.yield
    }) : () -> ()
    %mul3A_13 = arith.constant 20000 : i32
    %mul3A_14 = arith.muli %arg1, %mul3A_13 : i32
    %add3A_15 = arith.constant 12000 : i32
    %add3A_16 = arith.addi %mul3A_14, %add3A_15 : i32
    "tpu.region"() ({
      %run_scoped3A = tpu.sem_alloc : memref<!tpu.dma_semaphore, #tpu.memory_space<semaphore_mem>>
      %dma_start3A_43 = tpu.memref_slice %arg3[%add3A_16] : memref<320000xi32, #tpu.memory_space<hbm>> -> memref<4000xi32, #tpu.memory_space<hbm>>
      %dma_start3A_44 = tpu.memref_slice %arg3[%add3A_16] : memref<320000xi32, #tpu.memory_space<hbm>> -> memref<4000xi32, #tpu.memory_space<hbm>>
      tpu.enqueue_dma source(%dma_start3A_44 : memref<4000xi32, #tpu.memory_space<hbm>>) target(%arg6 : memref<4000xi32, #tpu.memory_space<vmem>>) target_semaphore(%run_scoped3A : memref<!tpu.dma_semaphore, #tpu.memory_space<semaphore_mem>>)
      %dma_wait3A = tpu.memref_slice %arg3[%add3A_16] : memref<320000xi32, #tpu.memory_space<hbm>> -> memref<4000xi32, #tpu.memory_space<hbm>>
      %dma_wait3A_45 = tpu.memref_slice %arg3[%add3A_16] : memref<320000xi32, #tpu.memory_space<hbm>> -> memref<4000xi32, #tpu.memory_space<hbm>>
      tpu.wait_dma2 semaphore(%run_scoped3A : memref<!tpu.dma_semaphore, #tpu.memory_space<semaphore_mem>>) src(%dma_wait3A_45 : memref<4000xi32, #tpu.memory_space<hbm>>) dst(%arg6 : memref<4000xi32, #tpu.memory_space<vmem>>)
      tpu.yield
    }) : () -> ()
    "tpu.region"() ({
      %run_scoped3A = tpu.sem_alloc : memref<!tpu.dma_semaphore, #tpu.memory_space<semaphore_mem>>
      %dma_start3A_43 = tpu.memref_slice %arg10[%add3A_16] : memref<320000xi32, #tpu.memory_space<vmem_shared>> -> memref<4000xi32, #tpu.memory_space<vmem_shared>>
      %dma_start3A_44 = tpu.memref_slice %arg10[%add3A_16] : memref<320000xi32, #tpu.memory_space<vmem_shared>> -> memref<4000xi32, #tpu.memory_space<vmem_shared>>
      tpu.enqueue_dma source(%arg6 : memref<4000xi32, #tpu.memory_space<vmem>>) target(%dma_start3A_44 : memref<4000xi32, #tpu.memory_space<vmem_shared>>) target_semaphore(%run_scoped3A : memref<!tpu.dma_semaphore, #tpu.memory_space<semaphore_mem>>)
      %dma_wait3A = tpu.memref_slice %arg10[%add3A_16] : memref<320000xi32, #tpu.memory_space<vmem_shared>> -> memref<4000xi32, #tpu.memory_space<vmem_shared>>
      %dma_wait3A_45 = tpu.memref_slice %arg10[%add3A_16] : memref<320000xi32, #tpu.memory_space<vmem_shared>> -> memref<4000xi32, #tpu.memory_space<vmem_shared>>
      tpu.wait_dma2 semaphore(%run_scoped3A : memref<!tpu.dma_semaphore, #tpu.memory_space<semaphore_mem>>) src(%arg6 : memref<4000xi32, #tpu.memory_space<vmem>>) dst(%dma_wait3A_45 : memref<4000xi32, #tpu.memory_space<vmem_shared>>)
      tpu.yield
    }) : () -> ()
    %mul3A_17 = arith.constant 20000 : i32
    %mul3A_18 = arith.muli %arg1, %mul3A_17 : i32
    %add3A_19 = arith.constant 16000 : i32
    %add3A_20 = arith.addi %mul3A_18, %add3A_19 : i32
    "tpu.region"() ({
      %run_scoped3A = tpu.sem_alloc : memref<!tpu.dma_semaphore, #tpu.memory_space<semaphore_mem>>
      %dma_start3A_43 = tpu.memref_slice %arg3[%add3A_20] : memref<320000xi32, #tpu.memory_space<hbm>> -> memref<4000xi32, #tpu.memory_space<hbm>>
      %dma_start3A_44 = tpu.memref_slice %arg3[%add3A_20] : memref<320000xi32, #tpu.memory_space<hbm>> -> memref<4000xi32, #tpu.memory_space<hbm>>
      tpu.enqueue_dma source(%dma_start3A_44 : memref<4000xi32, #tpu.memory_space<hbm>>) target(%arg6 : memref<4000xi32, #tpu.memory_space<vmem>>) target_semaphore(%run_scoped3A : memref<!tpu.dma_semaphore, #tpu.memory_space<semaphore_mem>>)
      %dma_wait3A = tpu.memref_slice %arg3[%add3A_20] : memref<320000xi32, #tpu.memory_space<hbm>> -> memref<4000xi32, #tpu.memory_space<hbm>>
      %dma_wait3A_45 = tpu.memref_slice %arg3[%add3A_20] : memref<320000xi32, #tpu.memory_space<hbm>> -> memref<4000xi32, #tpu.memory_space<hbm>>
      tpu.wait_dma2 semaphore(%run_scoped3A : memref<!tpu.dma_semaphore, #tpu.memory_space<semaphore_mem>>) src(%dma_wait3A_45 : memref<4000xi32, #tpu.memory_space<hbm>>) dst(%arg6 : memref<4000xi32, #tpu.memory_space<vmem>>)
      tpu.yield
    }) : () -> ()
    "tpu.region"() ({
      %run_scoped3A = tpu.sem_alloc : memref<!tpu.dma_semaphore, #tpu.memory_space<semaphore_mem>>
      %dma_start3A_43 = tpu.memref_slice %arg10[%add3A_20] : memref<320000xi32, #tpu.memory_space<vmem_shared>> -> memref<4000xi32, #tpu.memory_space<vmem_shared>>
      %dma_start3A_44 = tpu.memref_slice %arg10[%add3A_20] : memref<320000xi32, #tpu.memory_space<vmem_shared>> -> memref<4000xi32, #tpu.memory_space<vmem_shared>>
      tpu.enqueue_dma source(%arg6 : memref<4000xi32, #tpu.memory_space<vmem>>) target(%dma_start3A_44 : memref<4000xi32, #tpu.memory_space<vmem_shared>>) target_semaphore(%run_scoped3A : memref<!tpu.dma_semaphore, #tpu.memory_space<semaphore_mem>>)
      %dma_wait3A = tpu.memref_slice %arg10[%add3A_20] : memref<320000xi32, #tpu.memory_space<vmem_shared>> -> memref<4000xi32, #tpu.memory_space<vmem_shared>>
      %dma_wait3A_45 = tpu.memref_slice %arg10[%add3A_20] : memref<320000xi32, #tpu.memory_space<vmem_shared>> -> memref<4000xi32, #tpu.memory_space<vmem_shared>>
      tpu.wait_dma2 semaphore(%run_scoped3A : memref<!tpu.dma_semaphore, #tpu.memory_space<semaphore_mem>>) src(%arg6 : memref<4000xi32, #tpu.memory_space<vmem>>) dst(%dma_wait3A_45 : memref<4000xi32, #tpu.memory_space<vmem_shared>>)
      tpu.yield
    }) : () -> ()
    %barrier3A = arith.constant 0 : index
    tpu.barrier barrier_id(%barrier3A)
    %add3A_21 = arith.constant 0 : i32
    %add3A_22 = arith.addi %add3A_21, %add3A : i32
    "tpu.region"() ({
      %run_scoped3A = tpu.sem_alloc : memref<!tpu.dma_semaphore, #tpu.memory_space<semaphore_mem>>
      %dma_start3A_43 = arith.constant 0 : i32
      %dma_start3A_44 = arith.constant 0 : i32
      %dma_start3A_45 = tpu.memref_slice %arg2[%add3A_22, %dma_start3A_43, %dma_start3A_44] : memref<64x4x10000xf32, #tpu.memory_space<hbm>> -> memref<1x4x10000xf32, #tpu.memory_space<hbm>>
      %dma_start3A_46 = tpu.memref_squeeze %dma_start3A_45 : memref<1x4x10000xf32, #tpu.memory_space<hbm>> -> memref<4x10000xf32, #tpu.memory_space<hbm>>
      %dma_start3A_47 = arith.constant 0 : i32
      %dma_start3A_48 = arith.constant 0 : i32
      %dma_start3A_49 = tpu.memref_slice %arg2[%add3A_22, %dma_start3A_47, %dma_start3A_48] : memref<64x4x10000xf32, #tpu.memory_space<hbm>> -> memref<1x4x10000xf32, #tpu.memory_space<hbm>>
      %dma_start3A_50 = tpu.memref_squeeze %dma_start3A_49 : memref<1x4x10000xf32, #tpu.memory_space<hbm>> -> memref<4x10000xf32, #tpu.memory_space<hbm>>
      tpu.enqueue_dma source(%dma_start3A_50 : memref<4x10000xf32, #tpu.memory_space<hbm>>) target(%arg8 : memref<4x10000xf32, #tpu.memory_space<vmem>>) target_semaphore(%run_scoped3A : memref<!tpu.dma_semaphore, #tpu.memory_space<semaphore_mem>>)
      %dma_wait3A = arith.constant 0 : i32
      %dma_wait3A_51 = arith.constant 0 : i32
      %dma_wait3A_52 = tpu.memref_slice %arg2[%add3A_22, %dma_wait3A, %dma_wait3A_51] : memref<64x4x10000xf32, #tpu.memory_space<hbm>> -> memref<1x4x10000xf32, #tpu.memory_space<hbm>>
      %dma_wait3A_53 = tpu.memref_squeeze %dma_wait3A_52 : memref<1x4x10000xf32, #tpu.memory_space<hbm>> -> memref<4x10000xf32, #tpu.memory_space<hbm>>
      %dma_wait3A_54 = arith.constant 0 : i32
      %dma_wait3A_55 = arith.constant 0 : i32
      %dma_wait3A_56 = tpu.memref_slice %arg2[%add3A_22, %dma_wait3A_54, %dma_wait3A_55] : memref<64x4x10000xf32, #tpu.memory_space<hbm>> -> memref<1x4x10000xf32, #tpu.memory_space<hbm>>
      %dma_wait3A_57 = tpu.memref_squeeze %dma_wait3A_56 : memref<1x4x10000xf32, #tpu.memory_space<hbm>> -> memref<4x10000xf32, #tpu.memory_space<hbm>>
      tpu.wait_dma2 semaphore(%run_scoped3A : memref<!tpu.dma_semaphore, #tpu.memory_space<semaphore_mem>>) src(%dma_wait3A_57 : memref<4x10000xf32, #tpu.memory_space<hbm>>) dst(%arg8 : memref<4x10000xf32, #tpu.memory_space<vmem>>)
      tpu.yield
    }) : () -> ()
    "tpu.region"() ({
      %run_scoped3A = tpu.sem_alloc : memref<!tpu.dma_semaphore, #tpu.memory_space<semaphore_mem>>
      tpu.enqueue_dma source(%arg4 : memref<4x10000xf32, #tpu.memory_space<hbm>>) target(%arg9 : memref<4x10000xf32, #tpu.memory_space<vmem>>) target_semaphore(%run_scoped3A : memref<!tpu.dma_semaphore, #tpu.memory_space<semaphore_mem>>)
      tpu.wait_dma2 semaphore(%run_scoped3A : memref<!tpu.dma_semaphore, #tpu.memory_space<semaphore_mem>>) src(%arg4 : memref<4x10000xf32, #tpu.memory_space<hbm>>) dst(%arg9 : memref<4x10000xf32, #tpu.memory_space<vmem>>)
      tpu.yield
    }) : () -> ()
    %dma_start3A = arith.constant 0 : i32
    %dma_start3A_23 = tpu.memref_slice %arg10[%dma_start3A] : memref<320000xi32, #tpu.memory_space<vmem_shared>> -> memref<4000xi32, #tpu.memory_space<vmem_shared>>
    %dma_start3A_24 = arith.constant 0 : i32
    %dma_start3A_25 = tpu.memref_slice %arg10[%dma_start3A_24] : memref<320000xi32, #tpu.memory_space<vmem_shared>> -> memref<4000xi32, #tpu.memory_space<vmem_shared>>
    tpu.enqueue_dma source(%dma_start3A_25 : memref<4000xi32, #tpu.memory_space<vmem_shared>>) target(%arg6 : memref<4000xi32, #tpu.memory_space<vmem>>) target_semaphore(%arg12 : memref<!tpu.dma_semaphore, #tpu.memory_space<semaphore_mem>>)
    %scan3A = arith.constant 0 : i32
    %scan3A_26 = arith.constant 0 : i32
    %scan3A_27 = arith.constant 40 : i32
    %scan3A_28 = arith.addi %scan3A_26, %scan3A_27 : i32
    %scan3A_29 = arith.constant 1 : i32
    scf.for %scan3A_43 = %scan3A_26 to %scan3A_28 step %scan3A_29  : i32 {
      %mul3A_44 = arith.constant 2 : i32
      %mul3A_45 = arith.muli %mul3A_44, %scan3A_43 : i32
      %add3A_46 = arith.constant 1 : i32
      %add3A_47 = arith.addi %mul3A_45, %add3A_46 : i32
      %mul3A_48 = arith.constant 4000 : i32
      %mul3A_49 = arith.muli %add3A_47, %mul3A_48 : i32
      %dma_start3A_50 = tpu.memref_slice %arg10[%mul3A_49] : memref<320000xi32, #tpu.memory_space<vmem_shared>> -> memref<4000xi32, #tpu.memory_space<vmem_shared>>
      %dma_start3A_51 = tpu.memref_slice %arg10[%mul3A_49] : memref<320000xi32, #tpu.memory_space<vmem_shared>> -> memref<4000xi32, #tpu.memory_space<vmem_shared>>
      tpu.enqueue_dma source(%dma_start3A_51 : memref<4000xi32, #tpu.memory_space<vmem_shared>>) target(%arg7 : memref<4000xi32, #tpu.memory_space<vmem>>) target_semaphore(%arg13 : memref<!tpu.dma_semaphore, #tpu.memory_space<semaphore_mem>>)
      %dma_wait3A = arith.constant 0 : i32
      %dma_wait3A_52 = tpu.memref_slice %arg10[%dma_wait3A] : memref<320000xi32, #tpu.memory_space<vmem_shared>> -> memref<4000xi32, #tpu.memory_space<vmem_shared>>
      %dma_wait3A_53 = arith.constant 0 : i32
      %dma_wait3A_54 = tpu.memref_slice %arg10[%dma_wait3A_53] : memref<320000xi32, #tpu.memory_space<vmem_shared>> -> memref<4000xi32, #tpu.memory_space<vmem_shared>>
      tpu.wait_dma2 semaphore(%arg12 : memref<!tpu.dma_semaphore, #tpu.memory_space<semaphore_mem>>) src(%dma_wait3A_54 : memref<4000xi32, #tpu.memory_space<vmem_shared>>) dst(%arg6 : memref<4000xi32, #tpu.memory_space<vmem>>)
      %parallel_loop3A = arith.constant 0 : i32
      %parallel_loop3A_55 = arith.constant 250 : i32
      %parallel_loop3A_56 = arith.constant 1 : i32
      scf.for %parallel_loop3A_68 = %parallel_loop3A to %parallel_loop3A_55 step %parallel_loop3A_56  : i32 {
        %parallel_loop3A_69 = arith.constant 16 : i32
        %parallel_loop3A_70 = arith.muli %parallel_loop3A_68, %parallel_loop3A_69 : i32
        %parallel_loop3A_71 = arith.index_cast %parallel_loop3A_70 : i32 to index
        %parallel_loop3A_72 = tpu.vector_load %arg6[%parallel_loop3A_71] {strides = array<i32>} : memref<4000xi32, #tpu.memory_space<vmem>>, vector<16xi32>,
        %parallel_loop3A_73 = arith.constant 14 : i32
        %parallel_loop3A_74 = vector.broadcast %parallel_loop3A_73 : i32 to vector<16xi32>
        %parallel_loop3A_75 = arith.shrui %parallel_loop3A_72, %parallel_loop3A_74 : vector<16xi32>
        %parallel_loop3A_76 = arith.constant 16383 : i32
        %parallel_loop3A_77 = vector.broadcast %parallel_loop3A_76 : i32 to vector<16xi32>
        %parallel_loop3A_78 = arith.andi %parallel_loop3A_72, %parallel_loop3A_77 : vector<16xi32>
        %parallel_loop3A_79 = arith.constant 0 : i32
        %parallel_loop3A_80 = vector.broadcast %parallel_loop3A_79 : i32 to vector<16xi32>
        %parallel_loop3A_81 = tpu.vector_load_idx %arg8[%parallel_loop3A_80, %parallel_loop3A_75] : memref<4x10000xf32, #tpu.memory_space<vmem>>[vector<16xi32>, vector<16xi32>], vector<16xf32>,
        tpu.vector_store_idx %arg9[%parallel_loop3A_80, %parallel_loop3A_78], %parallel_loop3A_81 {add = true} : memref<4x10000xf32, #tpu.memory_space<vmem>>[vector<16xi32>, vector<16xi32>], vector<16xf32>,
        %parallel_loop3A_82 = arith.constant 1 : i32
        %parallel_loop3A_83 = vector.broadcast %parallel_loop3A_82 : i32 to vector<16xi32>
        %parallel_loop3A_84 = tpu.vector_load_idx %arg8[%parallel_loop3A_83, %parallel_loop3A_75] : memref<4x10000xf32, #tpu.memory_space<vmem>>[vector<16xi32>, vector<16xi32>], vector<16xf32>,
        tpu.vector_store_idx %arg9[%parallel_loop3A_83, %parallel_loop3A_78], %parallel_loop3A_84 {add = true} : memref<4x10000xf32, #tpu.memory_space<vmem>>[vector<16xi32>, vector<16xi32>], vector<16xf32>,
        %parallel_loop3A_85 = arith.constant 2 : i32
        %parallel_loop3A_86 = vector.broadcast %parallel_loop3A_85 : i32 to vector<16xi32>
        %parallel_loop3A_87 = tpu.vector_load_idx %arg8[%parallel_loop3A_86, %parallel_loop3A_75] : memref<4x10000xf32, #tpu.memory_space<vmem>>[vector<16xi32>, vector<16xi32>], vector<16xf32>,
        tpu.vector_store_idx %arg9[%parallel_loop3A_86, %parallel_loop3A_78], %parallel_loop3A_87 {add = true} : memref<4x10000xf32, #tpu.memory_space<vmem>>[vector<16xi32>, vector<16xi32>], vector<16xf32>,
        %parallel_loop3A_88 = arith.constant 3 : i32
        %parallel_loop3A_89 = vector.broadcast %parallel_loop3A_88 : i32 to vector<16xi32>
        %parallel_loop3A_90 = tpu.vector_load_idx %arg8[%parallel_loop3A_89, %parallel_loop3A_75] : memref<4x10000xf32, #tpu.memory_space<vmem>>[vector<16xi32>, vector<16xi32>], vector<16xf32>,
        tpu.vector_store_idx %arg9[%parallel_loop3A_89, %parallel_loop3A_78], %parallel_loop3A_90 {add = true} : memref<4x10000xf32, #tpu.memory_space<vmem>>[vector<16xi32>, vector<16xi32>], vector<16xf32>,
      } {sc.loop_unroll_factor = 4 : i64, sc.parallel_access}
      %add3A_57 = arith.constant 2 : i32
      %add3A_58 = arith.addi %mul3A_45, %add3A_57 : i32
      %lt3A = arith.constant 80 : i32
      %lt3A_59 = arith.cmpi slt, %add3A_58, %lt3A : i32
      %convert_element_type3A = arith.extui %lt3A_59 : i1 to i32
      %cond3A = arith.constant 0 : i32
      %cond3A_60 = arith.cmpi ne, %convert_element_type3A, %cond3A : i32
      scf.if %cond3A_60 {
        %add3A_68 = arith.constant 2 : i32
        %add3A_69 = arith.addi %mul3A_45, %add3A_68 : i32
        %mul3A_70 = arith.constant 4000 : i32
        %mul3A_71 = arith.muli %add3A_69, %mul3A_70 : i32
        %dma_start3A_72 = tpu.memref_slice %arg10[%mul3A_71] : memref<320000xi32, #tpu.memory_space<vmem_shared>> -> memref<4000xi32, #tpu.memory_space<vmem_shared>>
        %dma_start3A_73 = tpu.memref_slice %arg10[%mul3A_71] : memref<320000xi32, #tpu.memory_space<vmem_shared>> -> memref<4000xi32, #tpu.memory_space<vmem_shared>>
        tpu.enqueue_dma source(%dma_start3A_73 : memref<4000xi32, #tpu.memory_space<vmem_shared>>) target(%arg6 : memref<4000xi32, #tpu.memory_space<vmem>>) target_semaphore(%arg12 : memref<!tpu.dma_semaphore, #tpu.memory_space<semaphore_mem>>)
      } else {
      }
      %dma_wait3A_61 = arith.constant 0 : i32
      %dma_wait3A_62 = tpu.memref_slice %arg10[%dma_wait3A_61] : memref<320000xi32, #tpu.memory_space<vmem_shared>> -> memref<4000xi32, #tpu.memory_space<vmem_shared>>
      %dma_wait3A_63 = arith.constant 0 : i32
      %dma_wait3A_64 = tpu.memref_slice %arg10[%dma_wait3A_63] : memref<320000xi32, #tpu.memory_space<vmem_shared>> -> memref<4000xi32, #tpu.memory_space<vmem_shared>>
      tpu.wait_dma2 semaphore(%arg13 : memref<!tpu.dma_semaphore, #tpu.memory_space<semaphore_mem>>) src(%dma_wait3A_64 : memref<4000xi32, #tpu.memory_space<vmem_shared>>) dst(%arg7 : memref<4000xi32, #tpu.memory_space<vmem>>)
      %parallel_loop3A_65 = arith.constant 0 : i32
      %parallel_loop3A_66 = arith.constant 250 : i32
      %parallel_loop3A_67 = arith.constant 1 : i32
      scf.for %parallel_loop3A_68 = %parallel_loop3A_65 to %parallel_loop3A_66 step %parallel_loop3A_67  : i32 {
        %parallel_loop3A_69 = arith.constant 16 : i32
        %parallel_loop3A_70 = arith.muli %parallel_loop3A_68, %parallel_loop3A_69 : i32
        %parallel_loop3A_71 = arith.index_cast %parallel_loop3A_70 : i32 to index
        %parallel_loop3A_72 = tpu.vector_load %arg7[%parallel_loop3A_71] {strides = array<i32>} : memref<4000xi32, #tpu.memory_space<vmem>>, vector<16xi32>,
        %parallel_loop3A_73 = arith.constant 14 : i32
        %parallel_loop3A_74 = vector.broadcast %parallel_loop3A_73 : i32 to vector<16xi32>
        %parallel_loop3A_75 = arith.shrui %parallel_loop3A_72, %parallel_loop3A_74 : vector<16xi32>
        %parallel_loop3A_76 = arith.constant 16383 : i32
        %parallel_loop3A_77 = vector.broadcast %parallel_loop3A_76 : i32 to vector<16xi32>
        %parallel_loop3A_78 = arith.andi %parallel_loop3A_72, %parallel_loop3A_77 : vector<16xi32>
        %parallel_loop3A_79 = arith.constant 0 : i32
        %parallel_loop3A_80 = vector.broadcast %parallel_loop3A_79 : i32 to vector<16xi32>
        %parallel_loop3A_81 = tpu.vector_load_idx %arg8[%parallel_loop3A_80, %parallel_loop3A_75] : memref<4x10000xf32, #tpu.memory_space<vmem>>[vector<16xi32>, vector<16xi32>], vector<16xf32>,
        tpu.vector_store_idx %arg9[%parallel_loop3A_80, %parallel_loop3A_78], %parallel_loop3A_81 {add = true} : memref<4x10000xf32, #tpu.memory_space<vmem>>[vector<16xi32>, vector<16xi32>], vector<16xf32>,
        %parallel_loop3A_82 = arith.constant 1 : i32
        %parallel_loop3A_83 = vector.broadcast %parallel_loop3A_82 : i32 to vector<16xi32>
        %parallel_loop3A_84 = tpu.vector_load_idx %arg8[%parallel_loop3A_83, %parallel_loop3A_75] : memref<4x10000xf32, #tpu.memory_space<vmem>>[vector<16xi32>, vector<16xi32>], vector<16xf32>,
        tpu.vector_store_idx %arg9[%parallel_loop3A_83, %parallel_loop3A_78], %parallel_loop3A_84 {add = true} : memref<4x10000xf32, #tpu.memory_space<vmem>>[vector<16xi32>, vector<16xi32>], vector<16xf32>,
        %parallel_loop3A_85 = arith.constant 2 : i32
        %parallel_loop3A_86 = vector.broadcast %parallel_loop3A_85 : i32 to vector<16xi32>
        %parallel_loop3A_87 = tpu.vector_load_idx %arg8[%parallel_loop3A_86, %parallel_loop3A_75] : memref<4x10000xf32, #tpu.memory_space<vmem>>[vector<16xi32>, vector<16xi32>], vector<16xf32>,
        tpu.vector_store_idx %arg9[%parallel_loop3A_86, %parallel_loop3A_78], %parallel_loop3A_87 {add = true} : memref<4x10000xf32, #tpu.memory_space<vmem>>[vector<16xi32>, vector<16xi32>], vector<16xf32>,
        %parallel_loop3A_88 = arith.constant 3 : i32
        %parallel_loop3A_89 = vector.broadcast %parallel_loop3A_88 : i32 to vector<16xi32>
        %parallel_loop3A_90 = tpu.vector_load_idx %arg8[%parallel_loop3A_89, %parallel_loop3A_75] : memref<4x10000xf32, #tpu.memory_space<vmem>>[vector<16xi32>, vector<16xi32>], vector<16xf32>,
        tpu.vector_store_idx %arg9[%parallel_loop3A_89, %parallel_loop3A_78], %parallel_loop3A_90 {add = true} : memref<4x10000xf32, #tpu.memory_space<vmem>>[vector<16xi32>, vector<16xi32>], vector<16xf32>,
      } {sc.loop_unroll_factor = 4 : i64, sc.parallel_access}
    }
    %scan3A_30 = arith.constant 40 : i32
    "tpu.region"() ({
      %run_scoped3A = tpu.sem_alloc : memref<!tpu.dma_semaphore, #tpu.memory_space<semaphore_mem>>
      %dma_start3A_43 = arith.constant 0 : i32
      %dma_start3A_44 = arith.constant 0 : i32
      %dma_start3A_45 = tpu.memref_slice %arg5[%add3A_22, %dma_start3A_43, %dma_start3A_44] : memref<64x4x10000xf32, #tpu.memory_space<hbm>> -> memref<1x4x10000xf32, #tpu.memory_space<hbm>>
      %dma_start3A_46 = tpu.memref_squeeze %dma_start3A_45 : memref<1x4x10000xf32, #tpu.memory_space<hbm>> -> memref<4x10000xf32, #tpu.memory_space<hbm>>
      %dma_start3A_47 = arith.constant 0 : i32
      %dma_start3A_48 = arith.constant 0 : i32
      %dma_start3A_49 = tpu.memref_slice %arg5[%add3A_22, %dma_start3A_47, %dma_start3A_48] : memref<64x4x10000xf32, #tpu.memory_space<hbm>> -> memref<1x4x10000xf32, #tpu.memory_space<hbm>>
      %dma_start3A_50 = tpu.memref_squeeze %dma_start3A_49 : memref<1x4x10000xf32, #tpu.memory_space<hbm>> -> memref<4x10000xf32, #tpu.memory_space<hbm>>
      tpu.enqueue_dma source(%arg9 : memref<4x10000xf32, #tpu.memory_space<vmem>>) target(%dma_start3A_50 : memref<4x10000xf32, #tpu.memory_space<hbm>>) target_semaphore(%run_scoped3A : memref<!tpu.dma_semaphore, #tpu.memory_space<semaphore_mem>>)
      %dma_wait3A = arith.constant 0 : i32
      %dma_wait3A_51 = arith.constant 0 : i32
      %dma_wait3A_52 = tpu.memref_slice %arg5[%add3A_22, %dma_wait3A, %dma_wait3A_51] : memref<64x4x10000xf32, #tpu.memory_space<hbm>> -> memref<1x4x10000xf32, #tpu.memory_space<hbm>>
      %dma_wait3A_53 = tpu.memref_squeeze %dma_wait3A_52 : memref<1x4x10000xf32, #tpu.memory_space<hbm>> -> memref<4x10000xf32, #tpu.memory_space<hbm>>
      %dma_wait3A_54 = arith.constant 0 : i32
      %dma_wait3A_55 = arith.constant 0 : i32
      %dma_wait3A_56 = tpu.memref_slice %arg5[%add3A_22, %dma_wait3A_54, %dma_wait3A_55] : memref<64x4x10000xf32, #tpu.memory_space<hbm>> -> memref<1x4x10000xf32, #tpu.memory_space<hbm>>
      %dma_wait3A_57 = tpu.memref_squeeze %dma_wait3A_56 : memref<1x4x10000xf32, #tpu.memory_space<hbm>> -> memref<4x10000xf32, #tpu.memory_space<hbm>>
      tpu.wait_dma2 semaphore(%run_scoped3A : memref<!tpu.dma_semaphore, #tpu.memory_space<semaphore_mem>>) src(%arg9 : memref<4x10000xf32, #tpu.memory_space<vmem>>) dst(%dma_wait3A_57 : memref<4x10000xf32, #tpu.memory_space<hbm>>)
      tpu.yield
    }) : () -> ()
    %add3A_31 = arith.constant 32 : i32
    %add3A_32 = arith.addi %add3A_31, %add3A : i32
    "tpu.region"() ({
      %run_scoped3A = tpu.sem_alloc : memref<!tpu.dma_semaphore, #tpu.memory_space<semaphore_mem>>
      %dma_start3A_43 = arith.constant 0 : i32
      %dma_start3A_44 = arith.constant 0 : i32
      %dma_start3A_45 = tpu.memref_slice %arg2[%add3A_32, %dma_start3A_43, %dma_start3A_44] : memref<64x4x10000xf32, #tpu.memory_space<hbm>> -> memref<1x4x10000xf32, #tpu.memory_space<hbm>>
      %dma_start3A_46 = tpu.memref_squeeze %dma_start3A_45 : memref<1x4x10000xf32, #tpu.memory_space<hbm>> -> memref<4x10000xf32, #tpu.memory_space<hbm>>
      %dma_start3A_47 = arith.constant 0 : i32
      %dma_start3A_48 = arith.constant 0 : i32
      %dma_start3A_49 = tpu.memref_slice %arg2[%add3A_32, %dma_start3A_47, %dma_start3A_48] : memref<64x4x10000xf32, #tpu.memory_space<hbm>> -> memref<1x4x10000xf32, #tpu.memory_space<hbm>>
      %dma_start3A_50 = tpu.memref_squeeze %dma_start3A_49 : memref<1x4x10000xf32, #tpu.memory_space<hbm>> -> memref<4x10000xf32, #tpu.memory_space<hbm>>
      tpu.enqueue_dma source(%dma_start3A_50 : memref<4x10000xf32, #tpu.memory_space<hbm>>) target(%arg8 : memref<4x10000xf32, #tpu.memory_space<vmem>>) target_semaphore(%run_scoped3A : memref<!tpu.dma_semaphore, #tpu.memory_space<semaphore_mem>>)
      %dma_wait3A = arith.constant 0 : i32
      %dma_wait3A_51 = arith.constant 0 : i32
      %dma_wait3A_52 = tpu.memref_slice %arg2[%add3A_32, %dma_wait3A, %dma_wait3A_51] : memref<64x4x10000xf32, #tpu.memory_space<hbm>> -> memref<1x4x10000xf32, #tpu.memory_space<hbm>>
      %dma_wait3A_53 = tpu.memref_squeeze %dma_wait3A_52 : memref<1x4x10000xf32, #tpu.memory_space<hbm>> -> memref<4x10000xf32, #tpu.memory_space<hbm>>
      %dma_wait3A_54 = arith.constant 0 : i32
      %dma_wait3A_55 = arith.constant 0 : i32
      %dma_wait3A_56 = tpu.memref_slice %arg2[%add3A_32, %dma_wait3A_54, %dma_wait3A_55] : memref<64x4x10000xf32, #tpu.memory_space<hbm>> -> memref<1x4x10000xf32, #tpu.memory_space<hbm>>
      %dma_wait3A_57 = tpu.memref_squeeze %dma_wait3A_56 : memref<1x4x10000xf32, #tpu.memory_space<hbm>> -> memref<4x10000xf32, #tpu.memory_space<hbm>>
      tpu.wait_dma2 semaphore(%run_scoped3A : memref<!tpu.dma_semaphore, #tpu.memory_space<semaphore_mem>>) src(%dma_wait3A_57 : memref<4x10000xf32, #tpu.memory_space<hbm>>) dst(%arg8 : memref<4x10000xf32, #tpu.memory_space<vmem>>)
      tpu.yield
    }) : () -> ()
    "tpu.region"() ({
      %run_scoped3A = tpu.sem_alloc : memref<!tpu.dma_semaphore, #tpu.memory_space<semaphore_mem>>
      tpu.enqueue_dma source(%arg4 : memref<4x10000xf32, #tpu.memory_space<hbm>>) target(%arg9 : memref<4x10000xf32, #tpu.memory_space<vmem>>) target_semaphore(%run_scoped3A : memref<!tpu.dma_semaphore, #tpu.memory_space<semaphore_mem>>)
      tpu.wait_dma2 semaphore(%run_scoped3A : memref<!tpu.dma_semaphore, #tpu.memory_space<semaphore_mem>>) src(%arg4 : memref<4x10000xf32, #tpu.memory_space<hbm>>) dst(%arg9 : memref<4x10000xf32, #tpu.memory_space<vmem>>)
      tpu.yield
    }) : () -> ()
    %dma_start3A_33 = arith.constant 0 : i32
    %dma_start3A_34 = tpu.memref_slice %arg10[%dma_start3A_33] : memref<320000xi32, #tpu.memory_space<vmem_shared>> -> memref<4000xi32, #tpu.memory_space<vmem_shared>>
    %dma_start3A_35 = arith.constant 0 : i32
    %dma_start3A_36 = tpu.memref_slice %arg10[%dma_start3A_35] : memref<320000xi32, #tpu.memory_space<vmem_shared>> -> memref<4000xi32, #tpu.memory_space<vmem_shared>>
    tpu.enqueue_dma source(%dma_start3A_36 : memref<4000xi32, #tpu.memory_space<vmem_shared>>) target(%arg6 : memref<4000xi32, #tpu.memory_space<vmem>>) target_semaphore(%arg12 : memref<!tpu.dma_semaphore, #tpu.memory_space<semaphore_mem>>)
    %scan3A_37 = arith.constant 0 : i32
    %scan3A_38 = arith.constant 0 : i32
    %scan3A_39 = arith.constant 40 : i32
    %scan3A_40 = arith.addi %scan3A_38, %scan3A_39 : i32
    %scan3A_41 = arith.constant 1 : i32
    scf.for %scan3A_43 = %scan3A_38 to %scan3A_40 step %scan3A_41  : i32 {
      %mul3A_44 = arith.constant 2 : i32
      %mul3A_45 = arith.muli %mul3A_44, %scan3A_43 : i32
      %add3A_46 = arith.constant 1 : i32
      %add3A_47 = arith.addi %mul3A_45, %add3A_46 : i32
      %mul3A_48 = arith.constant 4000 : i32
      %mul3A_49 = arith.muli %add3A_47, %mul3A_48 : i32
      %dma_start3A_50 = tpu.memref_slice %arg10[%mul3A_49] : memref<320000xi32, #tpu.memory_space<vmem_shared>> -> memref<4000xi32, #tpu.memory_space<vmem_shared>>
      %dma_start3A_51 = tpu.memref_slice %arg10[%mul3A_49] : memref<320000xi32, #tpu.memory_space<vmem_shared>> -> memref<4000xi32, #tpu.memory_space<vmem_shared>>
      tpu.enqueue_dma source(%dma_start3A_51 : memref<4000xi32, #tpu.memory_space<vmem_shared>>) target(%arg7 : memref<4000xi32, #tpu.memory_space<vmem>>) target_semaphore(%arg13 : memref<!tpu.dma_semaphore, #tpu.memory_space<semaphore_mem>>)
      %dma_wait3A = arith.constant 0 : i32
      %dma_wait3A_52 = tpu.memref_slice %arg10[%dma_wait3A] : memref<320000xi32, #tpu.memory_space<vmem_shared>> -> memref<4000xi32, #tpu.memory_space<vmem_shared>>
      %dma_wait3A_53 = arith.constant 0 : i32
      %dma_wait3A_54 = tpu.memref_slice %arg10[%dma_wait3A_53] : memref<320000xi32, #tpu.memory_space<vmem_shared>> -> memref<4000xi32, #tpu.memory_space<vmem_shared>>
      tpu.wait_dma2 semaphore(%arg12 : memref<!tpu.dma_semaphore, #tpu.memory_space<semaphore_mem>>) src(%dma_wait3A_54 : memref<4000xi32, #tpu.memory_space<vmem_shared>>) dst(%arg6 : memref<4000xi32, #tpu.memory_space<vmem>>)
      %parallel_loop3A = arith.constant 0 : i32
      %parallel_loop3A_55 = arith.constant 250 : i32
      %parallel_loop3A_56 = arith.constant 1 : i32
      scf.for %parallel_loop3A_68 = %parallel_loop3A to %parallel_loop3A_55 step %parallel_loop3A_56  : i32 {
        %parallel_loop3A_69 = arith.constant 16 : i32
        %parallel_loop3A_70 = arith.muli %parallel_loop3A_68, %parallel_loop3A_69 : i32
        %parallel_loop3A_71 = arith.index_cast %parallel_loop3A_70 : i32 to index
        %parallel_loop3A_72 = tpu.vector_load %arg6[%parallel_loop3A_71] {strides = array<i32>} : memref<4000xi32, #tpu.memory_space<vmem>>, vector<16xi32>,
        %parallel_loop3A_73 = arith.constant 14 : i32
        %parallel_loop3A_74 = vector.broadcast %parallel_loop3A_73 : i32 to vector<16xi32>
        %parallel_loop3A_75 = arith.shrui %parallel_loop3A_72, %parallel_loop3A_74 : vector<16xi32>
        %parallel_loop3A_76 = arith.constant 16383 : i32
        %parallel_loop3A_77 = vector.broadcast %parallel_loop3A_76 : i32 to vector<16xi32>
        %parallel_loop3A_78 = arith.andi %parallel_loop3A_72, %parallel_loop3A_77 : vector<16xi32>
        %parallel_loop3A_79 = arith.constant 0 : i32
        %parallel_loop3A_80 = vector.broadcast %parallel_loop3A_79 : i32 to vector<16xi32>
        %parallel_loop3A_81 = tpu.vector_load_idx %arg8[%parallel_loop3A_80, %parallel_loop3A_75] : memref<4x10000xf32, #tpu.memory_space<vmem>>[vector<16xi32>, vector<16xi32>], vector<16xf32>,
        tpu.vector_store_idx %arg9[%parallel_loop3A_80, %parallel_loop3A_78], %parallel_loop3A_81 {add = true} : memref<4x10000xf32, #tpu.memory_space<vmem>>[vector<16xi32>, vector<16xi32>], vector<16xf32>,
        %parallel_loop3A_82 = arith.constant 1 : i32
        %parallel_loop3A_83 = vector.broadcast %parallel_loop3A_82 : i32 to vector<16xi32>
        %parallel_loop3A_84 = tpu.vector_load_idx %arg8[%parallel_loop3A_83, %parallel_loop3A_75] : memref<4x10000xf32, #tpu.memory_space<vmem>>[vector<16xi32>, vector<16xi32>], vector<16xf32>,
        tpu.vector_store_idx %arg9[%parallel_loop3A_83, %parallel_loop3A_78], %parallel_loop3A_84 {add = true} : memref<4x10000xf32, #tpu.memory_space<vmem>>[vector<16xi32>, vector<16xi32>], vector<16xf32>,
        %parallel_loop3A_85 = arith.constant 2 : i32
        %parallel_loop3A_86 = vector.broadcast %parallel_loop3A_85 : i32 to vector<16xi32>
        %parallel_loop3A_87 = tpu.vector_load_idx %arg8[%parallel_loop3A_86, %parallel_loop3A_75] : memref<4x10000xf32, #tpu.memory_space<vmem>>[vector<16xi32>, vector<16xi32>], vector<16xf32>,
        tpu.vector_store_idx %arg9[%parallel_loop3A_86, %parallel_loop3A_78], %parallel_loop3A_87 {add = true} : memref<4x10000xf32, #tpu.memory_space<vmem>>[vector<16xi32>, vector<16xi32>], vector<16xf32>,
        %parallel_loop3A_88 = arith.constant 3 : i32
        %parallel_loop3A_89 = vector.broadcast %parallel_loop3A_88 : i32 to vector<16xi32>
        %parallel_loop3A_90 = tpu.vector_load_idx %arg8[%parallel_loop3A_89, %parallel_loop3A_75] : memref<4x10000xf32, #tpu.memory_space<vmem>>[vector<16xi32>, vector<16xi32>], vector<16xf32>,
        tpu.vector_store_idx %arg9[%parallel_loop3A_89, %parallel_loop3A_78], %parallel_loop3A_90 {add = true} : memref<4x10000xf32, #tpu.memory_space<vmem>>[vector<16xi32>, vector<16xi32>], vector<16xf32>,
      } {sc.loop_unroll_factor = 4 : i64, sc.parallel_access}
      %add3A_57 = arith.constant 2 : i32
      %add3A_58 = arith.addi %mul3A_45, %add3A_57 : i32
      %lt3A = arith.constant 80 : i32
      %lt3A_59 = arith.cmpi slt, %add3A_58, %lt3A : i32
      %convert_element_type3A = arith.extui %lt3A_59 : i1 to i32
      %cond3A = arith.constant 0 : i32
      %cond3A_60 = arith.cmpi ne, %convert_element_type3A, %cond3A : i32
      scf.if %cond3A_60 {
        %add3A_68 = arith.constant 2 : i32
        %add3A_69 = arith.addi %mul3A_45, %add3A_68 : i32
        %mul3A_70 = arith.constant 4000 : i32
        %mul3A_71 = arith.muli %add3A_69, %mul3A_70 : i32
        %dma_start3A_72 = tpu.memref_slice %arg10[%mul3A_71] : memref<320000xi32, #tpu.memory_space<vmem_shared>> -> memref<4000xi32, #tpu.memory_space<vmem_shared>>
        %dma_start3A_73 = tpu.memref_slice %arg10[%mul3A_71] : memref<320000xi32, #tpu.memory_space<vmem_shared>> -> memref<4000xi32, #tpu.memory_space<vmem_shared>>
        tpu.enqueue_dma source(%dma_start3A_73 : memref<4000xi32, #tpu.memory_space<vmem_shared>>) target(%arg6 : memref<4000xi32, #tpu.memory_space<vmem>>) target_semaphore(%arg12 : memref<!tpu.dma_semaphore, #tpu.memory_space<semaphore_mem>>)
      } else {
      }
      %dma_wait3A_61 = arith.constant 0 : i32
      %dma_wait3A_62 = tpu.memref_slice %arg10[%dma_wait3A_61] : memref<320000xi32, #tpu.memory_space<vmem_shared>> -> memref<4000xi32, #tpu.memory_space<vmem_shared>>
      %dma_wait3A_63 = arith.constant 0 : i32
      %dma_wait3A_64 = tpu.memref_slice %arg10[%dma_wait3A_63] : memref<320000xi32, #tpu.memory_space<vmem_shared>> -> memref<4000xi32, #tpu.memory_space<vmem_shared>>
      tpu.wait_dma2 semaphore(%arg13 : memref<!tpu.dma_semaphore, #tpu.memory_space<semaphore_mem>>) src(%dma_wait3A_64 : memref<4000xi32, #tpu.memory_space<vmem_shared>>) dst(%arg7 : memref<4000xi32, #tpu.memory_space<vmem>>)
      %parallel_loop3A_65 = arith.constant 0 : i32
      %parallel_loop3A_66 = arith.constant 250 : i32
      %parallel_loop3A_67 = arith.constant 1 : i32
      scf.for %parallel_loop3A_68 = %parallel_loop3A_65 to %parallel_loop3A_66 step %parallel_loop3A_67  : i32 {
        %parallel_loop3A_69 = arith.constant 16 : i32
        %parallel_loop3A_70 = arith.muli %parallel_loop3A_68, %parallel_loop3A_69 : i32
        %parallel_loop3A_71 = arith.index_cast %parallel_loop3A_70 : i32 to index
        %parallel_loop3A_72 = tpu.vector_load %arg7[%parallel_loop3A_71] {strides = array<i32>} : memref<4000xi32, #tpu.memory_space<vmem>>, vector<16xi32>,
        %parallel_loop3A_73 = arith.constant 14 : i32
        %parallel_loop3A_74 = vector.broadcast %parallel_loop3A_73 : i32 to vector<16xi32>
        %parallel_loop3A_75 = arith.shrui %parallel_loop3A_72, %parallel_loop3A_74 : vector<16xi32>
        %parallel_loop3A_76 = arith.constant 16383 : i32
        %parallel_loop3A_77 = vector.broadcast %parallel_loop3A_76 : i32 to vector<16xi32>
        %parallel_loop3A_78 = arith.andi %parallel_loop3A_72, %parallel_loop3A_77 : vector<16xi32>
        %parallel_loop3A_79 = arith.constant 0 : i32
        %parallel_loop3A_80 = vector.broadcast %parallel_loop3A_79 : i32 to vector<16xi32>
        %parallel_loop3A_81 = tpu.vector_load_idx %arg8[%parallel_loop3A_80, %parallel_loop3A_75] : memref<4x10000xf32, #tpu.memory_space<vmem>>[vector<16xi32>, vector<16xi32>], vector<16xf32>,
        tpu.vector_store_idx %arg9[%parallel_loop3A_80, %parallel_loop3A_78], %parallel_loop3A_81 {add = true} : memref<4x10000xf32, #tpu.memory_space<vmem>>[vector<16xi32>, vector<16xi32>], vector<16xf32>,
        %parallel_loop3A_82 = arith.constant 1 : i32
        %parallel_loop3A_83 = vector.broadcast %parallel_loop3A_82 : i32 to vector<16xi32>
        %parallel_loop3A_84 = tpu.vector_load_idx %arg8[%parallel_loop3A_83, %parallel_loop3A_75] : memref<4x10000xf32, #tpu.memory_space<vmem>>[vector<16xi32>, vector<16xi32>], vector<16xf32>,
        tpu.vector_store_idx %arg9[%parallel_loop3A_83, %parallel_loop3A_78], %parallel_loop3A_84 {add = true} : memref<4x10000xf32, #tpu.memory_space<vmem>>[vector<16xi32>, vector<16xi32>], vector<16xf32>,
        %parallel_loop3A_85 = arith.constant 2 : i32
        %parallel_loop3A_86 = vector.broadcast %parallel_loop3A_85 : i32 to vector<16xi32>
        %parallel_loop3A_87 = tpu.vector_load_idx %arg8[%parallel_loop3A_86, %parallel_loop3A_75] : memref<4x10000xf32, #tpu.memory_space<vmem>>[vector<16xi32>, vector<16xi32>], vector<16xf32>,
        tpu.vector_store_idx %arg9[%parallel_loop3A_86, %parallel_loop3A_78], %parallel_loop3A_87 {add = true} : memref<4x10000xf32, #tpu.memory_space<vmem>>[vector<16xi32>, vector<16xi32>], vector<16xf32>,
        %parallel_loop3A_88 = arith.constant 3 : i32
        %parallel_loop3A_89 = vector.broadcast %parallel_loop3A_88 : i32 to vector<16xi32>
        %parallel_loop3A_90 = tpu.vector_load_idx %arg8[%parallel_loop3A_89, %parallel_loop3A_75] : memref<4x10000xf32, #tpu.memory_space<vmem>>[vector<16xi32>, vector<16xi32>], vector<16xf32>,
        tpu.vector_store_idx %arg9[%parallel_loop3A_89, %parallel_loop3A_78], %parallel_loop3A_90 {add = true} : memref<4x10000xf32, #tpu.memory_space<vmem>>[vector<16xi32>, vector<16xi32>], vector<16xf32>,
      } {sc.loop_unroll_factor = 4 : i64, sc.parallel_access}
    }
    %scan3A_42 = arith.constant 40 : i32
    "tpu.region"() ({
      %run_scoped3A = tpu.sem_alloc : memref<!tpu.dma_semaphore, #tpu.memory_space<semaphore_mem>>
      %dma_start3A_43 = arith.constant 0 : i32
      %dma_start3A_44 = arith.constant 0 : i32
      %dma_start3A_45 = tpu.memref_slice %arg5[%add3A_32, %dma_start3A_43, %dma_start3A_44] : memref<64x4x10000xf32, #tpu.memory_space<hbm>> -> memref<1x4x10000xf32, #tpu.memory_space<hbm>>
      %dma_start3A_46 = tpu.memref_squeeze %dma_start3A_45 : memref<1x4x10000xf32, #tpu.memory_space<hbm>> -> memref<4x10000xf32, #tpu.memory_space<hbm>>
      %dma_start3A_47 = arith.constant 0 : i32
      %dma_start3A_48 = arith.constant 0 : i32
      %dma_start3A_49 = tpu.memref_slice %arg5[%add3A_32, %dma_start3A_47, %dma_start3A_48] : memref<64x4x10000xf32, #tpu.memory_space<hbm>> -> memref<1x4x10000xf32, #tpu.memory_space<hbm>>
      %dma_start3A_50 = tpu.memref_squeeze %dma_start3A_49 : memref<1x4x10000xf32, #tpu.memory_space<hbm>> -> memref<4x10000xf32, #tpu.memory_space<hbm>>
      tpu.enqueue_dma source(%arg9 : memref<4x10000xf32, #tpu.memory_space<vmem>>) target(%dma_start3A_50 : memref<4x10000xf32, #tpu.memory_space<hbm>>) target_semaphore(%run_scoped3A : memref<!tpu.dma_semaphore, #tpu.memory_space<semaphore_mem>>)
      %dma_wait3A = arith.constant 0 : i32
      %dma_wait3A_51 = arith.constant 0 : i32
      %dma_wait3A_52 = tpu.memref_slice %arg5[%add3A_32, %dma_wait3A, %dma_wait3A_51] : memref<64x4x10000xf32, #tpu.memory_space<hbm>> -> memref<1x4x10000xf32, #tpu.memory_space<hbm>>
      %dma_wait3A_53 = tpu.memref_squeeze %dma_wait3A_52 : memref<1x4x10000xf32, #tpu.memory_space<hbm>> -> memref<4x10000xf32, #tpu.memory_space<hbm>>
      %dma_wait3A_54 = arith.constant 0 : i32
      %dma_wait3A_55 = arith.constant 0 : i32
      %dma_wait3A_56 = tpu.memref_slice %arg5[%add3A_32, %dma_wait3A_54, %dma_wait3A_55] : memref<64x4x10000xf32, #tpu.memory_space<hbm>> -> memref<1x4x10000xf32, #tpu.memory_space<hbm>>
      %dma_wait3A_57 = tpu.memref_squeeze %dma_wait3A_56 : memref<1x4x10000xf32, #tpu.memory_space<hbm>> -> memref<4x10000xf32, #tpu.memory_space<hbm>>
      tpu.wait_dma2 semaphore(%run_scoped3A : memref<!tpu.dma_semaphore, #tpu.memory_space<semaphore_mem>>) src(%arg9 : memref<4x10000xf32, #tpu.memory_space<vmem>>) dst(%dma_wait3A_57 : memref<4x10000xf32, #tpu.memory_space<hbm>>)
      tpu.yield
    }) : () -> ()
    return
  }
}

module attributes {stable_mosaic.version = 14 : i64} {
  func.func @_enc_body(%arg0: memref<10000x128xf32, #tpu.memory_space<vmem>>, %arg1: memref<256x128xf32, #tpu.memory_space<vmem>>, %arg2: memref<256xf32, #tpu.memory_space<vmem>>, %arg3: memref<256xf32, #tpu.memory_space<vmem>>, %arg4: memref<256xf32, #tpu.memory_space<vmem>>, %arg5: memref<2x320000xi32, #tpu.memory_space<vmem>>, %arg6: memref<10000x256xf32, #tpu.memory_space<vmem>>, %arg7: memref<1x320000xi32, #tpu.memory_space<vmem>>) attributes {dimension_semantics = [], scalar_prefetch = 0 : i64, scratch_operands = 0 : i64, tpu.core_type = #tpu.core_type<tc>} {
    %get3A = arith.constant 0 : index
    %get3A_0 = arith.constant 0 : index
    %get3A_1 = vector.load %arg0[%get3A, %get3A_0] : memref<10000x128xf32, #tpu.memory_space<vmem>>, vector<10000x128xf32>
    %get3A_2 = arith.constant 0 : index
    %get3A_3 = arith.constant 0 : index
    %get3A_4 = vector.load %arg1[%get3A_2, %get3A_3] : memref<256x128xf32, #tpu.memory_space<vmem>>, vector<256x128xf32>
    %transpose3A = tpu.transpose %get3A_4, [1, 0] : vector<256x128xf32> -> vector<128x256xf32>
    %dot_general3A = arith.constant dense<0.000000e+00> : vector<10000x256xf32>
    %dot_general3A_5 = tpu.matmul %get3A_1, %transpose3A, %dot_general3A {dimension_numbers = #tpu.dot_dimension_numbers<[1], [0], [0], [1], [0, 0, 1, 1], [], []>, transpose_lhs_hint = false} : vector<10000x128xf32>, vector<128x256xf32>, vector<10000x256xf32> -> vector<10000x256xf32>
    %get3A_6 = arith.constant 0 : index
    %get3A_7 = vector.load %arg2[%get3A_6] : memref<256xf32, #tpu.memory_space<vmem>>, vector<256xf32>
    %broadcast_in_dim3A = vector.shape_cast %get3A_7 : vector<256xf32> to vector<1x256xf32>
    %add3A = vector.broadcast %broadcast_in_dim3A : vector<1x256xf32> to vector<10000x256xf32>
    %add3A_8 = arith.addf %dot_general3A_5, %add3A : vector<10000x256xf32>
    %reduce_sum3A = arith.constant dense<0.000000e+00> : vector<256xf32>
    %reduce_sum3A_9 = vector.multi_reduction <add>, %add3A_8, %reduce_sum3A [0] : vector<10000x256xf32> to vector<256xf32>
    %broadcast_in_dim3A_10 = vector.shape_cast %reduce_sum3A_9 : vector<256xf32> to vector<1x256xf32>
    %div3A = arith.constant 1.000000e+04 : f32
    %div3A_11 = vector.broadcast %div3A : f32 to vector<1x256xf32>
    %div3A_12 = arith.divf %broadcast_in_dim3A_10, %div3A_11 : vector<1x256xf32>
    %sub3A = vector.broadcast %div3A_12 : vector<1x256xf32> to vector<10000x256xf32>
    %sub3A_13 = arith.subf %add3A_8, %sub3A : vector<10000x256xf32>
    %integer_pow3A = arith.mulf %sub3A_13, %sub3A_13 : vector<10000x256xf32>
    %reduce_sum3A_14 = arith.constant dense<0.000000e+00> : vector<256xf32>
    %reduce_sum3A_15 = vector.multi_reduction <add>, %integer_pow3A, %reduce_sum3A_14 [0] : vector<10000x256xf32> to vector<256xf32>
    %broadcast_in_dim3A_16 = vector.shape_cast %reduce_sum3A_15 : vector<256xf32> to vector<1x256xf32>
    %div3A_17 = arith.constant 1.000000e+04 : f32
    %div3A_18 = vector.broadcast %div3A_17 : f32 to vector<1x256xf32>
    %div3A_19 = arith.divf %broadcast_in_dim3A_16, %div3A_18 : vector<1x256xf32>
    %get3A_20 = arith.constant 0 : index
    %get3A_21 = vector.load %arg3[%get3A_20] : memref<256xf32, #tpu.memory_space<vmem>>, vector<256xf32>
    %broadcast_in_dim3A_22 = vector.shape_cast %get3A_21 : vector<256xf32> to vector<1x256xf32>
    %sub3A_23 = vector.broadcast %div3A_12 : vector<1x256xf32> to vector<10000x256xf32>
    %sub3A_24 = arith.subf %add3A_8, %sub3A_23 : vector<10000x256xf32>
    %mul3A = vector.broadcast %broadcast_in_dim3A_22 : vector<1x256xf32> to vector<10000x256xf32>
    %mul3A_25 = arith.mulf %mul3A, %sub3A_24 : vector<10000x256xf32>
    %add3A_26 = arith.constant 9.99999974E-6 : f32
    %add3A_27 = vector.broadcast %add3A_26 : f32 to vector<1x256xf32>
    %add3A_28 = arith.addf %div3A_19, %add3A_27 : vector<1x256xf32>
    %sqrt3A = math.sqrt %add3A_28 : vector<1x256xf32>
    %div3A_29 = vector.broadcast %sqrt3A : vector<1x256xf32> to vector<10000x256xf32>
    %div3A_30 = arith.divf %mul3A_25, %div3A_29 : vector<10000x256xf32>
    %get3A_31 = arith.constant 0 : index
    %get3A_32 = vector.load %arg4[%get3A_31] : memref<256xf32, #tpu.memory_space<vmem>>, vector<256xf32>
    %broadcast_in_dim3A_33 = vector.shape_cast %get3A_32 : vector<256xf32> to vector<1x256xf32>
    %add3A_34 = vector.broadcast %broadcast_in_dim3A_33 : vector<1x256xf32> to vector<10000x256xf32>
    %add3A_35 = arith.addf %div3A_30, %add3A_34 : vector<10000x256xf32>
    %swap3A = arith.constant 0 : index
    %swap3A_36 = arith.constant 0 : index
    %swap3A_37 = vector.load %arg6[%swap3A, %swap3A_36] : memref<10000x256xf32, #tpu.memory_space<vmem>>, vector<10000x256xf32>
    tpu.vector_store %arg6[%swap3A, %swap3A_36], %add3A_35 {strides = array<i32>} : memref<10000x256xf32, #tpu.memory_space<vmem>>, vector<10000x256xf32>,
    %get3A_38 = arith.constant 0 : index
    %get3A_39 = arith.constant 0 : index
    %get3A_40 = vector.load %arg5[%get3A_38, %get3A_39] : memref<2x320000xi32, #tpu.memory_space<vmem>>, vector<1x320000xi32>
    %mul3A_41 = arith.constant 16384 : i32
    %mul3A_42 = vector.broadcast %mul3A_41 : i32 to vector<1x320000xi32>
    %mul3A_43 = arith.muli %get3A_40, %mul3A_42 : vector<1x320000xi32>
    %get3A_44 = arith.constant 1 : index
    %get3A_45 = arith.constant 0 : index
    %get3A_46 = vector.load %arg5[%get3A_44, %get3A_45] : memref<2x320000xi32, #tpu.memory_space<vmem>>, vector<1x320000xi32>
    %add3A_47 = arith.addi %mul3A_43, %get3A_46 : vector<1x320000xi32>
    %swap3A_48 = arith.constant 0 : index
    %swap3A_49 = arith.constant 0 : index
    %swap3A_50 = vector.load %arg7[%swap3A_48, %swap3A_49] : memref<1x320000xi32, #tpu.memory_space<vmem>>, vector<1x320000xi32>
    tpu.vector_store %arg7[%swap3A_48, %swap3A_49], %add3A_47 {strides = array<i32>} : memref<1x320000xi32, #tpu.memory_space<vmem>>, vector<1x320000xi32>,
    return
  }
}

module attributes {stable_mosaic.version = 14 : i64} {
  func.func @_tr_body(%arg0: memref<10000x256xf32, #tpu.memory_space<vmem>>, %arg1: memref<256x10000xf32, #tpu.memory_space<vmem>>) attributes {dimension_semantics = [], scalar_prefetch = 0 : i64, scratch_operands = 0 : i64, tpu.core_type = #tpu.core_type<tc>} {
    %get3A = arith.constant 0 : index
    %get3A_0 = arith.constant 0 : index
    %get3A_1 = vector.load %arg0[%get3A, %get3A_0] : memref<10000x256xf32, #tpu.memory_space<vmem>>, vector<10000x256xf32>
    %transpose3A = tpu.transpose %get3A_1, [1, 0] : vector<10000x256xf32> -> vector<256x10000xf32>
    %swap3A = arith.constant 0 : index
    %swap3A_2 = arith.constant 0 : index
    %swap3A_3 = vector.load %arg1[%swap3A, %swap3A_2] : memref<256x10000xf32, #tpu.memory_space<vmem>>, vector<256x10000xf32>
    tpu.vector_store %arg1[%swap3A, %swap3A_2], %transpose3A {strides = array<i32>} : memref<256x10000xf32, #tpu.memory_space<vmem>>, vector<256x10000xf32>,
    return
  }
}

module attributes {stable_mosaic.version = 14 : i64} {
  func.func @_prep_body(%arg0: memref<32x10000xf32, #tpu.memory_space<vmem>>, %arg1: memref<1x10000xf32, #tpu.memory_space<vmem>>) attributes {dimension_semantics = [], scalar_prefetch = 0 : i64, scratch_operands = 0 : i64, tpu.core_type = #tpu.core_type<tc>} {
    %get3A = arith.constant 0 : index
    %get3A_0 = arith.constant 0 : index
    %get3A_1 = vector.load %arg0[%get3A, %get3A_0] : memref<32x10000xf32, #tpu.memory_space<vmem>>, vector<32x10000xf32>
    %reduce_sum3A = arith.constant dense<0.000000e+00> : vector<10000xf32>
    %reduce_sum3A_2 = vector.multi_reduction <add>, %get3A_1, %reduce_sum3A [0] : vector<32x10000xf32> to vector<10000xf32>
    %broadcast_in_dim3A = vector.shape_cast %reduce_sum3A_2 : vector<10000xf32> to vector<1x10000xf32>
    %max3A = arith.constant 1.000000e+00 : f32
    %max3A_3 = vector.broadcast %max3A : f32 to vector<1x10000xf32>
    %max3A_4 = arith.maximumf %broadcast_in_dim3A, %max3A_3 : vector<1x10000xf32>
    %div3A = arith.constant 1.000000e+00 : f32
    %div3A_5 = vector.broadcast %div3A : f32 to vector<1x10000xf32>
    %div3A_6 = arith.divf %div3A_5, %max3A_4 : vector<1x10000xf32>
    %swap3A = arith.constant 0 : index
    %swap3A_7 = arith.constant 0 : index
    %swap3A_8 = vector.load %arg1[%swap3A, %swap3A_7] : memref<1x10000xf32, #tpu.memory_space<vmem>>, vector<1x10000xf32>
    tpu.vector_store %arg1[%swap3A, %swap3A_7], %div3A_6 {strides = array<i32>} : memref<1x10000xf32, #tpu.memory_space<vmem>>, vector<1x10000xf32>,
    return
  }
}

module attributes {stable_mosaic.version = 14 : i64} {
  func.func @_layer_body(%arg0: memref<256x10000xf32, #tpu.memory_space<vmem>>, %arg1: memref<1x10000xf32, #tpu.memory_space<vmem>>, %arg2: memref<10000x256xf32, #tpu.memory_space<vmem>>, %arg3: memref<256x256xf32, #tpu.memory_space<vmem>>, %arg4: memref<256xf32, #tpu.memory_space<vmem>>, %arg5: memref<256x256xf32, #tpu.memory_space<vmem>>, %arg6: memref<10000x256xf32, #tpu.memory_space<vmem>>) attributes {dimension_semantics = [], scalar_prefetch = 0 : i64, scratch_operands = 0 : i64, tpu.core_type = #tpu.core_type<tc>} {
    %get3A = arith.constant 0 : index
    %get3A_0 = arith.constant 0 : index
    %get3A_1 = vector.load %arg0[%get3A, %get3A_0] : memref<256x10000xf32, #tpu.memory_space<vmem>>, vector<256x10000xf32>
    %get3A_2 = arith.constant 0 : index
    %get3A_3 = arith.constant 0 : index
    %get3A_4 = vector.load %arg1[%get3A_2, %get3A_3] : memref<1x10000xf32, #tpu.memory_space<vmem>>, vector<1x10000xf32>
    %mul3A = vector.broadcast %get3A_4 : vector<1x10000xf32> to vector<256x10000xf32>
    %mul3A_5 = arith.mulf %get3A_1, %mul3A : vector<256x10000xf32>
    %get3A_6 = arith.constant 0 : index
    %get3A_7 = arith.constant 0 : index
    %get3A_8 = vector.load %arg3[%get3A_6, %get3A_7] : memref<256x256xf32, #tpu.memory_space<vmem>>, vector<256x256xf32>
    %dot_general3A = arith.constant dense<0.000000e+00> : vector<10000x256xf32>
    %dot_general3A_9 = tpu.matmul %mul3A_5, %get3A_8, %dot_general3A {dimension_numbers = #tpu.dot_dimension_numbers<[0], [1], [1], [0], [0, 1, 1, 0], [], []>, transpose_lhs_hint = false} : vector<256x10000xf32>, vector<256x256xf32>, vector<10000x256xf32> -> vector<10000x256xf32>
    %get3A_10 = arith.constant 0 : index
    %get3A_11 = vector.load %arg4[%get3A_10] : memref<256xf32, #tpu.memory_space<vmem>>, vector<256xf32>
    %broadcast_in_dim3A = vector.shape_cast %get3A_11 : vector<256xf32> to vector<1x256xf32>
    %add3A = vector.broadcast %broadcast_in_dim3A : vector<1x256xf32> to vector<10000x256xf32>
    %add3A_12 = arith.addf %dot_general3A_9, %add3A : vector<10000x256xf32>
    %get3A_13 = arith.constant 0 : index
    %get3A_14 = arith.constant 0 : index
    %get3A_15 = vector.load %arg2[%get3A_13, %get3A_14] : memref<10000x256xf32, #tpu.memory_space<vmem>>, vector<10000x256xf32>
    %get3A_16 = arith.constant 0 : index
    %get3A_17 = arith.constant 0 : index
    %get3A_18 = vector.load %arg5[%get3A_16, %get3A_17] : memref<256x256xf32, #tpu.memory_space<vmem>>, vector<256x256xf32>
    %transpose3A = tpu.transpose %get3A_18, [1, 0] : vector<256x256xf32> -> vector<256x256xf32>
    %dot_general3A_19 = arith.constant dense<0.000000e+00> : vector<10000x256xf32>
    %dot_general3A_20 = tpu.matmul %get3A_15, %transpose3A, %dot_general3A_19 {dimension_numbers = #tpu.dot_dimension_numbers<[1], [0], [0], [1], [0, 0, 1, 1], [], []>, transpose_lhs_hint = false} : vector<10000x256xf32>, vector<256x256xf32>, vector<10000x256xf32> -> vector<10000x256xf32>
    %add3A_21 = arith.addf %add3A_12, %dot_general3A_20 : vector<10000x256xf32>
    %max3A = arith.constant 0.000000e+00 : f32
    %max3A_22 = vector.broadcast %max3A : f32 to vector<10000x256xf32>
    %max3A_23 = arith.maximumf %add3A_21, %max3A_22 : vector<10000x256xf32>
    %swap3A = arith.constant 0 : index
    %swap3A_24 = arith.constant 0 : index
    %swap3A_25 = vector.load %arg6[%swap3A, %swap3A_24] : memref<10000x256xf32, #tpu.memory_space<vmem>>, vector<10000x256xf32>
    tpu.vector_store %arg6[%swap3A, %swap3A_24], %max3A_23 {strides = array<i32>} : memref<10000x256xf32, #tpu.memory_space<vmem>>, vector<10000x256xf32>,
    return
  }
}

module attributes {stable_mosaic.version = 14 : i64} {
  func.func @_head_body(%arg0: memref<10000x256xf32, #tpu.memory_space<vmem>>, %arg1: memref<10000x256xf32, #tpu.memory_space<vmem>>, %arg2: memref<10000x256xf32, #tpu.memory_space<vmem>>, %arg3: memref<256x768xf32, #tpu.memory_space<vmem>>, %arg4: memref<256xf32, #tpu.memory_space<vmem>>, %arg5: memref<256x256xf32, #tpu.memory_space<vmem>>, %arg6: memref<256xf32, #tpu.memory_space<vmem>>, %arg7: memref<256xf32, #tpu.memory_space<vmem>>, %arg8: memref<256xf32, #tpu.memory_space<vmem>>, %arg9: memref<256x256xf32, #tpu.memory_space<vmem>>, %arg10: memref<256xf32, #tpu.memory_space<vmem>>, %arg11: memref<256xf32, #tpu.memory_space<vmem>>, %arg12: memref<256xf32, #tpu.memory_space<vmem>>, %arg13: memref<256x256xf32, #tpu.memory_space<vmem>>, %arg14: memref<256xf32, #tpu.memory_space<vmem>>, %arg15: memref<256xf32, #tpu.memory_space<vmem>>, %arg16: memref<256xf32, #tpu.memory_space<vmem>>, %arg17: memref<256x256xf32, #tpu.memory_space<vmem>>, %arg18: memref<256xf32, #tpu.memory_space<vmem>>, %arg19: memref<256xf32, #tpu.memory_space<vmem>>, %arg20: memref<256xf32, #tpu.memory_space<vmem>>, %arg21: memref<1x256xf32, #tpu.memory_space<vmem>>, %arg22: memref<1x1xf32, #tpu.memory_space<vmem>>, %arg23: memref<10000x1xf32, #tpu.memory_space<vmem>>) attributes {dimension_semantics = [], scalar_prefetch = 0 : i64, scratch_operands = 0 : i64, tpu.core_type = #tpu.core_type<tc>} {
    %get3A = arith.constant 0 : index
    %get3A_0 = arith.constant 0 : index
    %get3A_1 = vector.load %arg3[%get3A, %get3A_0] : memref<256x768xf32, #tpu.memory_space<vmem>>, vector<256x768xf32>
    %get3A_2 = arith.constant 0 : index
    %get3A_3 = arith.constant 0 : index
    %get3A_4 = vector.load %arg0[%get3A_2, %get3A_3] : memref<10000x256xf32, #tpu.memory_space<vmem>>, vector<10000x256xf32>
    %slice3A = vector.extract_strided_slice %get3A_1 {offsets = [0, 0], sizes = [256, 256], strides = [1, 1]} : vector<256x768xf32> to vector<256x256xf32>
    %transpose3A = tpu.transpose %slice3A, [1, 0] : vector<256x256xf32> -> vector<256x256xf32>
    %dot_general3A = arith.constant dense<0.000000e+00> : vector<10000x256xf32>
    %dot_general3A_5 = tpu.matmul %get3A_4, %transpose3A, %dot_general3A {dimension_numbers = #tpu.dot_dimension_numbers<[1], [0], [0], [1], [0, 0, 1, 1], [], []>, transpose_lhs_hint = false} : vector<10000x256xf32>, vector<256x256xf32>, vector<10000x256xf32> -> vector<10000x256xf32>
    %get3A_6 = arith.constant 0 : index
    %get3A_7 = arith.constant 0 : index
    %get3A_8 = vector.load %arg1[%get3A_6, %get3A_7] : memref<10000x256xf32, #tpu.memory_space<vmem>>, vector<10000x256xf32>
    %slice3A_9 = vector.extract_strided_slice %get3A_1 {offsets = [0, 256], sizes = [256, 256], strides = [1, 1]} : vector<256x768xf32> to vector<256x256xf32>
    %transpose3A_10 = tpu.transpose %slice3A_9, [1, 0] : vector<256x256xf32> -> vector<256x256xf32>
    %dot_general3A_11 = arith.constant dense<0.000000e+00> : vector<10000x256xf32>
    %dot_general3A_12 = tpu.matmul %get3A_8, %transpose3A_10, %dot_general3A_11 {dimension_numbers = #tpu.dot_dimension_numbers<[1], [0], [0], [1], [0, 0, 1, 1], [], []>, transpose_lhs_hint = false} : vector<10000x256xf32>, vector<256x256xf32>, vector<10000x256xf32> -> vector<10000x256xf32>
    %add3A = arith.addf %dot_general3A_5, %dot_general3A_12 : vector<10000x256xf32>
    %get3A_13 = arith.constant 0 : index
    %get3A_14 = arith.constant 0 : index
    %get3A_15 = vector.load %arg2[%get3A_13, %get3A_14] : memref<10000x256xf32, #tpu.memory_space<vmem>>, vector<10000x256xf32>
    %slice3A_16 = vector.extract_strided_slice %get3A_1 {offsets = [0, 512], sizes = [256, 256], strides = [1, 1]} : vector<256x768xf32> to vector<256x256xf32>
    %transpose3A_17 = tpu.transpose %slice3A_16, [1, 0] : vector<256x256xf32> -> vector<256x256xf32>
    %dot_general3A_18 = arith.constant dense<0.000000e+00> : vector<10000x256xf32>
    %dot_general3A_19 = tpu.matmul %get3A_15, %transpose3A_17, %dot_general3A_18 {dimension_numbers = #tpu.dot_dimension_numbers<[1], [0], [0], [1], [0, 0, 1, 1], [], []>, transpose_lhs_hint = false} : vector<10000x256xf32>, vector<256x256xf32>, vector<10000x256xf32> -> vector<10000x256xf32>
    %add3A_20 = arith.addf %add3A, %dot_general3A_19 : vector<10000x256xf32>
    %get3A_21 = arith.constant 0 : index
    %get3A_22 = vector.load %arg4[%get3A_21] : memref<256xf32, #tpu.memory_space<vmem>>, vector<256xf32>
    %broadcast_in_dim3A = vector.shape_cast %get3A_22 : vector<256xf32> to vector<1x256xf32>
    %add3A_23 = vector.broadcast %broadcast_in_dim3A : vector<1x256xf32> to vector<10000x256xf32>
    %add3A_24 = arith.addf %add3A_20, %add3A_23 : vector<10000x256xf32>
    %get3A_25 = arith.constant 0 : index
    %get3A_26 = arith.constant 0 : index
    %get3A_27 = vector.load %arg5[%get3A_25, %get3A_26] : memref<256x256xf32, #tpu.memory_space<vmem>>, vector<256x256xf32>
    %transpose3A_28 = tpu.transpose %get3A_27, [1, 0] : vector<256x256xf32> -> vector<256x256xf32>
    %dot_general3A_29 = arith.constant dense<0.000000e+00> : vector<10000x256xf32>
    %dot_general3A_30 = tpu.matmul %add3A_24, %transpose3A_28, %dot_general3A_29 {dimension_numbers = #tpu.dot_dimension_numbers<[1], [0], [0], [1], [0, 0, 1, 1], [], []>, transpose_lhs_hint = false} : vector<10000x256xf32>, vector<256x256xf32>, vector<10000x256xf32> -> vector<10000x256xf32>
    %get3A_31 = arith.constant 0 : index
    %get3A_32 = vector.load %arg6[%get3A_31] : memref<256xf32, #tpu.memory_space<vmem>>, vector<256xf32>
    %broadcast_in_dim3A_33 = vector.shape_cast %get3A_32 : vector<256xf32> to vector<1x256xf32>
    %add3A_34 = vector.broadcast %broadcast_in_dim3A_33 : vector<1x256xf32> to vector<10000x256xf32>
    %add3A_35 = arith.addf %dot_general3A_30, %add3A_34 : vector<10000x256xf32>
    %reduce_sum3A = arith.constant dense<0.000000e+00> : vector<256xf32>
    %reduce_sum3A_36 = vector.multi_reduction <add>, %add3A_35, %reduce_sum3A [0] : vector<10000x256xf32> to vector<256xf32>
    %broadcast_in_dim3A_37 = vector.shape_cast %reduce_sum3A_36 : vector<256xf32> to vector<1x256xf32>
    %div3A = arith.constant 1.000000e+04 : f32
    %div3A_38 = vector.broadcast %div3A : f32 to vector<1x256xf32>
    %div3A_39 = arith.divf %broadcast_in_dim3A_37, %div3A_38 : vector<1x256xf32>
    %sub3A = vector.broadcast %div3A_39 : vector<1x256xf32> to vector<10000x256xf32>
    %sub3A_40 = arith.subf %add3A_35, %sub3A : vector<10000x256xf32>
    %integer_pow3A = arith.mulf %sub3A_40, %sub3A_40 : vector<10000x256xf32>
    %reduce_sum3A_41 = arith.constant dense<0.000000e+00> : vector<256xf32>
    %reduce_sum3A_42 = vector.multi_reduction <add>, %integer_pow3A, %reduce_sum3A_41 [0] : vector<10000x256xf32> to vector<256xf32>
    %broadcast_in_dim3A_43 = vector.shape_cast %reduce_sum3A_42 : vector<256xf32> to vector<1x256xf32>
    %div3A_44 = arith.constant 1.000000e+04 : f32
    %div3A_45 = vector.broadcast %div3A_44 : f32 to vector<1x256xf32>
    %div3A_46 = arith.divf %broadcast_in_dim3A_43, %div3A_45 : vector<1x256xf32>
    %get3A_47 = arith.constant 0 : index
    %get3A_48 = vector.load %arg7[%get3A_47] : memref<256xf32, #tpu.memory_space<vmem>>, vector<256xf32>
    %broadcast_in_dim3A_49 = vector.shape_cast %get3A_48 : vector<256xf32> to vector<1x256xf32>
    %sub3A_50 = vector.broadcast %div3A_39 : vector<1x256xf32> to vector<10000x256xf32>
    %sub3A_51 = arith.subf %add3A_35, %sub3A_50 : vector<10000x256xf32>
    %mul3A = vector.broadcast %broadcast_in_dim3A_49 : vector<1x256xf32> to vector<10000x256xf32>
    %mul3A_52 = arith.mulf %mul3A, %sub3A_51 : vector<10000x256xf32>
    %add3A_53 = arith.constant 9.99999974E-6 : f32
    %add3A_54 = vector.broadcast %add3A_53 : f32 to vector<1x256xf32>
    %add3A_55 = arith.addf %div3A_46, %add3A_54 : vector<1x256xf32>
    %sqrt3A = math.sqrt %add3A_55 : vector<1x256xf32>
    %div3A_56 = vector.broadcast %sqrt3A : vector<1x256xf32> to vector<10000x256xf32>
    %div3A_57 = arith.divf %mul3A_52, %div3A_56 : vector<10000x256xf32>
    %get3A_58 = arith.constant 0 : index
    %get3A_59 = vector.load %arg8[%get3A_58] : memref<256xf32, #tpu.memory_space<vmem>>, vector<256xf32>
    %broadcast_in_dim3A_60 = vector.shape_cast %get3A_59 : vector<256xf32> to vector<1x256xf32>
    %add3A_61 = vector.broadcast %broadcast_in_dim3A_60 : vector<1x256xf32> to vector<10000x256xf32>
    %add3A_62 = arith.addf %div3A_57, %add3A_61 : vector<10000x256xf32>
    %max3A = arith.constant 0.000000e+00 : f32
    %max3A_63 = vector.broadcast %max3A : f32 to vector<10000x256xf32>
    %max3A_64 = arith.maximumf %add3A_62, %max3A_63 : vector<10000x256xf32>
    %get3A_65 = arith.constant 0 : index
    %get3A_66 = arith.constant 0 : index
    %get3A_67 = vector.load %arg9[%get3A_65, %get3A_66] : memref<256x256xf32, #tpu.memory_space<vmem>>, vector<256x256xf32>
    %transpose3A_68 = tpu.transpose %get3A_67, [1, 0] : vector<256x256xf32> -> vector<256x256xf32>
    %dot_general3A_69 = arith.constant dense<0.000000e+00> : vector<10000x256xf32>
    %dot_general3A_70 = tpu.matmul %max3A_64, %transpose3A_68, %dot_general3A_69 {dimension_numbers = #tpu.dot_dimension_numbers<[1], [0], [0], [1], [0, 0, 1, 1], [], []>, transpose_lhs_hint = false} : vector<10000x256xf32>, vector<256x256xf32>, vector<10000x256xf32> -> vector<10000x256xf32>
    %get3A_71 = arith.constant 0 : index
    %get3A_72 = vector.load %arg10[%get3A_71] : memref<256xf32, #tpu.memory_space<vmem>>, vector<256xf32>
    %broadcast_in_dim3A_73 = vector.shape_cast %get3A_72 : vector<256xf32> to vector<1x256xf32>
    %add3A_74 = vector.broadcast %broadcast_in_dim3A_73 : vector<1x256xf32> to vector<10000x256xf32>
    %add3A_75 = arith.addf %dot_general3A_70, %add3A_74 : vector<10000x256xf32>
    %reduce_sum3A_76 = arith.constant dense<0.000000e+00> : vector<256xf32>
    %reduce_sum3A_77 = vector.multi_reduction <add>, %add3A_75, %reduce_sum3A_76 [0] : vector<10000x256xf32> to vector<256xf32>
    %broadcast_in_dim3A_78 = vector.shape_cast %reduce_sum3A_77 : vector<256xf32> to vector<1x256xf32>
    %div3A_79 = arith.constant 1.000000e+04 : f32
    %div3A_80 = vector.broadcast %div3A_79 : f32 to vector<1x256xf32>
    %div3A_81 = arith.divf %broadcast_in_dim3A_78, %div3A_80 : vector<1x256xf32>
    %sub3A_82 = vector.broadcast %div3A_81 : vector<1x256xf32> to vector<10000x256xf32>
    %sub3A_83 = arith.subf %add3A_75, %sub3A_82 : vector<10000x256xf32>
    %integer_pow3A_84 = arith.mulf %sub3A_83, %sub3A_83 : vector<10000x256xf32>
    %reduce_sum3A_85 = arith.constant dense<0.000000e+00> : vector<256xf32>
    %reduce_sum3A_86 = vector.multi_reduction <add>, %integer_pow3A_84, %reduce_sum3A_85 [0] : vector<10000x256xf32> to vector<256xf32>
    %broadcast_in_dim3A_87 = vector.shape_cast %reduce_sum3A_86 : vector<256xf32> to vector<1x256xf32>
    %div3A_88 = arith.constant 1.000000e+04 : f32
    %div3A_89 = vector.broadcast %div3A_88 : f32 to vector<1x256xf32>
    %div3A_90 = arith.divf %broadcast_in_dim3A_87, %div3A_89 : vector<1x256xf32>
    %get3A_91 = arith.constant 0 : index
    %get3A_92 = vector.load %arg11[%get3A_91] : memref<256xf32, #tpu.memory_space<vmem>>, vector<256xf32>
    %broadcast_in_dim3A_93 = vector.shape_cast %get3A_92 : vector<256xf32> to vector<1x256xf32>
    %sub3A_94 = vector.broadcast %div3A_81 : vector<1x256xf32> to vector<10000x256xf32>
    %sub3A_95 = arith.subf %add3A_75, %sub3A_94 : vector<10000x256xf32>
    %mul3A_96 = vector.broadcast %broadcast_in_dim3A_93 : vector<1x256xf32> to vector<10000x256xf32>
    %mul3A_97 = arith.mulf %mul3A_96, %sub3A_95 : vector<10000x256xf32>
    %add3A_98 = arith.constant 9.99999974E-6 : f32
    %add3A_99 = vector.broadcast %add3A_98 : f32 to vector<1x256xf32>
    %add3A_100 = arith.addf %div3A_90, %add3A_99 : vector<1x256xf32>
    %sqrt3A_101 = math.sqrt %add3A_100 : vector<1x256xf32>
    %div3A_102 = vector.broadcast %sqrt3A_101 : vector<1x256xf32> to vector<10000x256xf32>
    %div3A_103 = arith.divf %mul3A_97, %div3A_102 : vector<10000x256xf32>
    %get3A_104 = arith.constant 0 : index
    %get3A_105 = vector.load %arg12[%get3A_104] : memref<256xf32, #tpu.memory_space<vmem>>, vector<256xf32>
    %broadcast_in_dim3A_106 = vector.shape_cast %get3A_105 : vector<256xf32> to vector<1x256xf32>
    %add3A_107 = vector.broadcast %broadcast_in_dim3A_106 : vector<1x256xf32> to vector<10000x256xf32>
    %add3A_108 = arith.addf %div3A_103, %add3A_107 : vector<10000x256xf32>
    %max3A_109 = arith.constant 0.000000e+00 : f32
    %max3A_110 = vector.broadcast %max3A_109 : f32 to vector<10000x256xf32>
    %max3A_111 = arith.maximumf %add3A_108, %max3A_110 : vector<10000x256xf32>
    %get3A_112 = arith.constant 0 : index
    %get3A_113 = arith.constant 0 : index
    %get3A_114 = vector.load %arg13[%get3A_112, %get3A_113] : memref<256x256xf32, #tpu.memory_space<vmem>>, vector<256x256xf32>
    %transpose3A_115 = tpu.transpose %get3A_114, [1, 0] : vector<256x256xf32> -> vector<256x256xf32>
    %dot_general3A_116 = arith.constant dense<0.000000e+00> : vector<10000x256xf32>
    %dot_general3A_117 = tpu.matmul %max3A_111, %transpose3A_115, %dot_general3A_116 {dimension_numbers = #tpu.dot_dimension_numbers<[1], [0], [0], [1], [0, 0, 1, 1], [], []>, transpose_lhs_hint = false} : vector<10000x256xf32>, vector<256x256xf32>, vector<10000x256xf32> -> vector<10000x256xf32>
    %get3A_118 = arith.constant 0 : index
    %get3A_119 = vector.load %arg14[%get3A_118] : memref<256xf32, #tpu.memory_space<vmem>>, vector<256xf32>
    %broadcast_in_dim3A_120 = vector.shape_cast %get3A_119 : vector<256xf32> to vector<1x256xf32>
    %add3A_121 = vector.broadcast %broadcast_in_dim3A_120 : vector<1x256xf32> to vector<10000x256xf32>
    %add3A_122 = arith.addf %dot_general3A_117, %add3A_121 : vector<10000x256xf32>
    %reduce_sum3A_123 = arith.constant dense<0.000000e+00> : vector<256xf32>
    %reduce_sum3A_124 = vector.multi_reduction <add>, %add3A_122, %reduce_sum3A_123 [0] : vector<10000x256xf32> to vector<256xf32>
    %broadcast_in_dim3A_125 = vector.shape_cast %reduce_sum3A_124 : vector<256xf32> to vector<1x256xf32>
    %div3A_126 = arith.constant 1.000000e+04 : f32
    %div3A_127 = vector.broadcast %div3A_126 : f32 to vector<1x256xf32>
    %div3A_128 = arith.divf %broadcast_in_dim3A_125, %div3A_127 : vector<1x256xf32>
    %sub3A_129 = vector.broadcast %div3A_128 : vector<1x256xf32> to vector<10000x256xf32>
    %sub3A_130 = arith.subf %add3A_122, %sub3A_129 : vector<10000x256xf32>
    %integer_pow3A_131 = arith.mulf %sub3A_130, %sub3A_130 : vector<10000x256xf32>
    %reduce_sum3A_132 = arith.constant dense<0.000000e+00> : vector<256xf32>
    %reduce_sum3A_133 = vector.multi_reduction <add>, %integer_pow3A_131, %reduce_sum3A_132 [0] : vector<10000x256xf32> to vector<256xf32>
    %broadcast_in_dim3A_134 = vector.shape_cast %reduce_sum3A_133 : vector<256xf32> to vector<1x256xf32>
    %div3A_135 = arith.constant 1.000000e+04 : f32
    %div3A_136 = vector.broadcast %div3A_135 : f32 to vector<1x256xf32>
    %div3A_137 = arith.divf %broadcast_in_dim3A_134, %div3A_136 : vector<1x256xf32>
    %get3A_138 = arith.constant 0 : index
    %get3A_139 = vector.load %arg15[%get3A_138] : memref<256xf32, #tpu.memory_space<vmem>>, vector<256xf32>
    %broadcast_in_dim3A_140 = vector.shape_cast %get3A_139 : vector<256xf32> to vector<1x256xf32>
    %sub3A_141 = vector.broadcast %div3A_128 : vector<1x256xf32> to vector<10000x256xf32>
    %sub3A_142 = arith.subf %add3A_122, %sub3A_141 : vector<10000x256xf32>
    %mul3A_143 = vector.broadcast %broadcast_in_dim3A_140 : vector<1x256xf32> to vector<10000x256xf32>
    %mul3A_144 = arith.mulf %mul3A_143, %sub3A_142 : vector<10000x256xf32>
    %add3A_145 = arith.constant 9.99999974E-6 : f32
    %add3A_146 = vector.broadcast %add3A_145 : f32 to vector<1x256xf32>
    %add3A_147 = arith.addf %div3A_137, %add3A_146 : vector<1x256xf32>
    %sqrt3A_148 = math.sqrt %add3A_147 : vector<1x256xf32>
    %div3A_149 = vector.broadcast %sqrt3A_148 : vector<1x256xf32> to vector<10000x256xf32>
    %div3A_150 = arith.divf %mul3A_144, %div3A_149 : vector<10000x256xf32>
    %get3A_151 = arith.constant 0 : index
    %get3A_152 = vector.load %arg16[%get3A_151] : memref<256xf32, #tpu.memory_space<vmem>>, vector<256xf32>
    %broadcast_in_dim3A_153 = vector.shape_cast %get3A_152 : vector<256xf32> to vector<1x256xf32>
    %add3A_154 = vector.broadcast %broadcast_in_dim3A_153 : vector<1x256xf32> to vector<10000x256xf32>
    %add3A_155 = arith.addf %div3A_150, %add3A_154 : vector<10000x256xf32>
    %max3A_156 = arith.constant 0.000000e+00 : f32
    %max3A_157 = vector.broadcast %max3A_156 : f32 to vector<10000x256xf32>
    %max3A_158 = arith.maximumf %add3A_155, %max3A_157 : vector<10000x256xf32>
    %get3A_159 = arith.constant 0 : index
    %get3A_160 = arith.constant 0 : index
    %get3A_161 = vector.load %arg17[%get3A_159, %get3A_160] : memref<256x256xf32, #tpu.memory_space<vmem>>, vector<256x256xf32>
    %transpose3A_162 = tpu.transpose %get3A_161, [1, 0] : vector<256x256xf32> -> vector<256x256xf32>
    %dot_general3A_163 = arith.constant dense<0.000000e+00> : vector<10000x256xf32>
    %dot_general3A_164 = tpu.matmul %max3A_158, %transpose3A_162, %dot_general3A_163 {dimension_numbers = #tpu.dot_dimension_numbers<[1], [0], [0], [1], [0, 0, 1, 1], [], []>, transpose_lhs_hint = false} : vector<10000x256xf32>, vector<256x256xf32>, vector<10000x256xf32> -> vector<10000x256xf32>
    %get3A_165 = arith.constant 0 : index
    %get3A_166 = vector.load %arg18[%get3A_165] : memref<256xf32, #tpu.memory_space<vmem>>, vector<256xf32>
    %broadcast_in_dim3A_167 = vector.shape_cast %get3A_166 : vector<256xf32> to vector<1x256xf32>
    %add3A_168 = vector.broadcast %broadcast_in_dim3A_167 : vector<1x256xf32> to vector<10000x256xf32>
    %add3A_169 = arith.addf %dot_general3A_164, %add3A_168 : vector<10000x256xf32>
    %reduce_sum3A_170 = arith.constant dense<0.000000e+00> : vector<256xf32>
    %reduce_sum3A_171 = vector.multi_reduction <add>, %add3A_169, %reduce_sum3A_170 [0] : vector<10000x256xf32> to vector<256xf32>
    %broadcast_in_dim3A_172 = vector.shape_cast %reduce_sum3A_171 : vector<256xf32> to vector<1x256xf32>
    %div3A_173 = arith.constant 1.000000e+04 : f32
    %div3A_174 = vector.broadcast %div3A_173 : f32 to vector<1x256xf32>
    %div3A_175 = arith.divf %broadcast_in_dim3A_172, %div3A_174 : vector<1x256xf32>
    %sub3A_176 = vector.broadcast %div3A_175 : vector<1x256xf32> to vector<10000x256xf32>
    %sub3A_177 = arith.subf %add3A_169, %sub3A_176 : vector<10000x256xf32>
    %integer_pow3A_178 = arith.mulf %sub3A_177, %sub3A_177 : vector<10000x256xf32>
    %reduce_sum3A_179 = arith.constant dense<0.000000e+00> : vector<256xf32>
    %reduce_sum3A_180 = vector.multi_reduction <add>, %integer_pow3A_178, %reduce_sum3A_179 [0] : vector<10000x256xf32> to vector<256xf32>
    %broadcast_in_dim3A_181 = vector.shape_cast %reduce_sum3A_180 : vector<256xf32> to vector<1x256xf32>
    %div3A_182 = arith.constant 1.000000e+04 : f32
    %div3A_183 = vector.broadcast %div3A_182 : f32 to vector<1x256xf32>
    %div3A_184 = arith.divf %broadcast_in_dim3A_181, %div3A_183 : vector<1x256xf32>
    %get3A_185 = arith.constant 0 : index
    %get3A_186 = vector.load %arg19[%get3A_185] : memref<256xf32, #tpu.memory_space<vmem>>, vector<256xf32>
    %broadcast_in_dim3A_187 = vector.shape_cast %get3A_186 : vector<256xf32> to vector<1x256xf32>
    %sub3A_188 = vector.broadcast %div3A_175 : vector<1x256xf32> to vector<10000x256xf32>
    %sub3A_189 = arith.subf %add3A_169, %sub3A_188 : vector<10000x256xf32>
    %mul3A_190 = vector.broadcast %broadcast_in_dim3A_187 : vector<1x256xf32> to vector<10000x256xf32>
    %mul3A_191 = arith.mulf %mul3A_190, %sub3A_189 : vector<10000x256xf32>
    %add3A_192 = arith.constant 9.99999974E-6 : f32
    %add3A_193 = vector.broadcast %add3A_192 : f32 to vector<1x256xf32>
    %add3A_194 = arith.addf %div3A_184, %add3A_193 : vector<1x256xf32>
    %sqrt3A_195 = math.sqrt %add3A_194 : vector<1x256xf32>
    %div3A_196 = vector.broadcast %sqrt3A_195 : vector<1x256xf32> to vector<10000x256xf32>
    %div3A_197 = arith.divf %mul3A_191, %div3A_196 : vector<10000x256xf32>
    %get3A_198 = arith.constant 0 : index
    %get3A_199 = vector.load %arg20[%get3A_198] : memref<256xf32, #tpu.memory_space<vmem>>, vector<256xf32>
    %broadcast_in_dim3A_200 = vector.shape_cast %get3A_199 : vector<256xf32> to vector<1x256xf32>
    %add3A_201 = vector.broadcast %broadcast_in_dim3A_200 : vector<1x256xf32> to vector<10000x256xf32>
    %add3A_202 = arith.addf %div3A_197, %add3A_201 : vector<10000x256xf32>
    %max3A_203 = arith.constant 0.000000e+00 : f32
    %max3A_204 = vector.broadcast %max3A_203 : f32 to vector<10000x256xf32>
    %max3A_205 = arith.maximumf %add3A_202, %max3A_204 : vector<10000x256xf32>
    %get3A_206 = arith.constant 0 : index
    %get3A_207 = arith.constant 0 : index
    %get3A_208 = vector.load %arg21[%get3A_206, %get3A_207] : memref<1x256xf32, #tpu.memory_space<vmem>>, vector<1x256xf32>
    %mul3A_209 = vector.broadcast %get3A_208 : vector<1x256xf32> to vector<10000x256xf32>
    %mul3A_210 = arith.mulf %max3A_205, %mul3A_209 : vector<10000x256xf32>
    %reduce_sum3A_211 = arith.constant dense<0.000000e+00> : vector<10000xf32>
    %reduce_sum3A_212 = vector.multi_reduction <add>, %mul3A_210, %reduce_sum3A_211 [1] : vector<10000x256xf32> to vector<10000xf32>
    %broadcast_in_dim3A_213 = vector.shape_cast %reduce_sum3A_212 : vector<10000xf32> to vector<10000x1xf32>
    %get3A_214 = arith.constant 0 : index
    %get3A_215 = arith.constant 0 : index
    %get3A_216 = vector.load %arg22[%get3A_214, %get3A_215] : memref<1x1xf32, #tpu.memory_space<vmem>>, vector<1x1xf32>
    %add3A_217 = vector.broadcast %get3A_216 : vector<1x1xf32> to vector<10000x1xf32>
    %add3A_218 = arith.addf %broadcast_in_dim3A_213, %add3A_217 : vector<10000x1xf32>
    %logistic3A = arith.negf %add3A_218 : vector<10000x1xf32>
    %logistic3A_219 = math.exp %logistic3A : vector<10000x1xf32>
    %logistic3A_220 = arith.constant 1.000000e+00 : f32
    %logistic3A_221 = vector.broadcast %logistic3A_220 : f32 to vector<10000x1xf32>
    %logistic3A_222 = arith.addf %logistic3A_221, %logistic3A_219 : vector<10000x1xf32>
    %logistic3A_223 = arith.divf %logistic3A_221, %logistic3A_222 : vector<10000x1xf32>
    %swap3A = arith.constant 0 : index
    %swap3A_224 = arith.constant 0 : index
    %swap3A_225 = vector.load %arg23[%swap3A, %swap3A_224] : memref<10000x1xf32, #tpu.memory_space<vmem>>, vector<10000x1xf32>
    tpu.vector_store %arg23[%swap3A, %swap3A_224], %logistic3A_223 {strides = array<i32>} : memref<10000x1xf32, #tpu.memory_space<vmem>>, vector<10000x1xf32>,
    return
  }
}

</mosaic_0001>

<sc_bundles>
// kernel: kernel.15.cloned.1.call-start
scs
__scs_entry_jumppad:
0x0: {  	(pc) =	sbr.rel $0x88, $3  }
0x1: {  	(tag) =	ssettag $0x0;
	lr =	simm.s32 $0x1  }
0x2: {  	[smem:$0x3F7E] =	sst lr;
	_ =	strace $0xD0000000  }
0x3: {  	_ = 	snop  }
0x4: {  	_ = 	snop  }
0x5: {  	_ = 	snop  }
0x6: {  	_ = 	snop  }
0x7: {  	_ = 	snop  }
__scs_overlays_trampoline_lowered:
0x8: {  	[smem:$0x3F8D] =	sst s0  }
0x9: {  	[smem:$0x3F8E] =	sst s1  }
0xa: {  	[smem:$0x3F8F] =	sst s2  }
0xb: {  	[smem:$0x3F90] =	sst s3  }
0xc: {  	[smem:$0x3F91] =	sst s4  }
0xd: {  	[smem:$0x3F92] =	sst s5  }
0xe: {  	[smem:$0x3F93] =	sst s6  }
0xf: {  	[smem:$0x3F94] =	sst s7  }
0x10: {  	[smem:$0x3F95] =	sst s8  }
0x11: {  	[smem:$0x3F96] =	sst s9;
	s0 =	simm.s32 @!p0 $0x0  }
0x12: {  	s1 =	sld [smem:$0x3F7C];
	s0 =	simm.s32 @p0 $0x1  }
0x13: {  	[smem:$0x3F97] =	sst s0;
	s0 =	simm.s32 @!p1 $0x0  }
0x14: {  	s2 =	sld [smem:$0x3F7B];
	s0 =	simm.s32 @p1 $0x1  }
0x15: {  	[smem:$0x3F98] =	sst s0;
	s0 =	simm.s32 @!p2 $0x0  }
0x16: {  	s3 =	sld [smem:$0x3FDB];
	s0 =	simm.s32 @p2 $0x1  }
0x17: {  	s4 =	simm.s32 $0x1BF5;
	[smem:$0x3F9A] =	sst s0  }
0x18: {  	s0 =	sld [smem:$0x3F7D];
	_ =	swait.ge [sflag:s4], $0x0  }
0x19: {  	s7 =	sld [smem:$0x3F7E]  }
0x1a: {  	s8 =	sadd.s32 $0xFFFFE003, lr  }
0x1b: {  	s9 =	sadd.s32 $0xFFFFFEF7, lr;
	s5 =	simm.s32 $0xFFFFFFFF;
	p2 =	slt.u32 s8, $0xFFFFF086  }
0x1c: {  	p1 =	slt.u32 s9, $0xF7A;
	s5 =	simm.s32 @!p2 $0x0  }
0x1d: {  	s5 =	simm.s32 @p1 $0x1;
	p0 =	seq.s32 s7, s2  }
0x1e: {  	s7 =	smul.u32 @!p0 $0xF7A, s2;
	p2 =	seq.s32 @!p0 s5, $0x0  }
0x1f: {  	s9 =	smul.u32 $0xF7A, s1;
	s8 =	simm.s32 @!p0 $0x1BF5;
	p2 =	por !p2, p0  }
0x20: {  	[sflag:s8] =	ssyncset.s32 @!p0 $0xFFFFF086;
	s6 =	sadd.s32 @!p0 s3, s7;
	s7 =	simm.s32 @!p0 $0x108  }
0x21: {  	s3 =	sadd.s32 s3, s9;
	s6 =	sadd.s32 @!p0 $0x88, s6;
	s7 =	simm.s32 @p2 $0x1082  }
0x22: {  	[simem:s7], [sflag:s8] =	dma.local @!p0 [hbm:s6], $0xF7A  }
0x23: {  	s9 =	sor.u32 $0xD0000000, s2;
	s6 =	simm.s32 $0x108;
	_ =	swait.ge @!p0 [sflag:s8], $0x0  }
0x24: {  	s3 =	sadd.s32 $0x88, s3;
	s6 =	simm.s32 @!p1 $0x1082;
	[sflag:s4] =	ssyncset.s32 $0xFFFFF086  }
0x25: {  	[simem:s6], [sflag:s4] =	dma.local [hbm:s3], $0xF7A  }
0x26: {  	[smem:$0x3F7E] =	sst s1;
	(tag) =	ssettag s2;
	_ =	strace s9  }
0x27: {  	s1 =	sld [smem:$0x3F8E]  }
0x28: {  	s2 =	sld [smem:$0x3F8F]  }
0x29: {  	s4 =	sld [smem:$0x3F91]  }
0x2a: {  	p0 =	seq.s32 s5, $0x0;
	s5 =	sld [smem:$0x3F92]  }
0x2b: {  	s6 =	sld [smem:$0x3F93]  }
0x2c: {  	s7 =	sld [smem:$0x3F94]  }
0x2d: {  	s3 =	simm.s32 $0x108;
	s8 =	sld [smem:$0x3F95]  }
0x2e: {  	s3 =	simm.s32 @!p0 $0x1082;
	s9 =	sld [smem:$0x3F96]  }
0x2f: {  	lr =	sadd.s32 s0, s3;
	s0 =	sld [smem:$0x3F8D]  }
0x30: {  	s3 =	sld [smem:$0x3F90]  }
0x31: {  	[smem:$0x3F99] =	sst s10  }
0x32: {  	s10 =	sld [smem:$0x3F97];
	_ =	sdelay $0x3  }
0x33: {  	p0 =	seq.s32 s10, $0x1;
	s10 =	sld [smem:$0x3F99];
	_ =	sdelay $0x3  }
0x34: {  	[smem:$0x3F99] =	sst s10  }
0x35: {  	s10 =	sld [smem:$0x3F98];
	_ =	sdelay $0x3  }
0x36: {  	p1 =	seq.s32 s10, $0x1;
	s10 =	sld [smem:$0x3F99];
	_ =	sdelay $0x3  }
0x37: {  	[smem:$0x3F99] =	sst s10  }
0x38: {  	s10 =	sld [smem:$0x3F9A]  }
0x39: {  	_ = 	snop;
	(pc) =	sbr.ind lr, $3  }
0x3a: {  	_ = 	snop  }
0x3b: {  	_ = 	snop  }
0x3c: {  	p2 =	seq.s32 s10, $0x1;
	s10 =	sld [smem:$0x3F99]  }
0x3d: {  	_ =	shalt  }
0x3e: {  	_ =	shalt  }
0x3f: {  	_ =	shalt  }
0x40: {  	_ =	shalt  }
0x41: {  	_ =	shalt  }
0x42: {  	_ =	shalt  }
0x43: {  	_ =	shalt  }
0x44: {  	_ =	shalt  }
0x45: {  	_ =	shalt  }
0x46: {  	_ =	shalt  }
0x47: {  	_ =	shalt  }
0x48: {  	_ =	shalt  }
0x49: {  	_ =	shalt  }
0x4a: {  	_ =	shalt  }
0x4b: {  	_ =	shalt  }
0x4c: {  	_ =	shalt  }
0x4d: {  	_ =	shalt  }
0x4e: {  	_ =	shalt  }
0x4f: {  	_ =	shalt  }
0x50: {  	_ =	shalt  }
0x51: {  	_ =	shalt  }
0x52: {  	_ =	shalt  }
0x53: {  	_ =	shalt  }
0x54: {  	_ =	shalt  }
0x55: {  	_ =	shalt  }
0x56: {  	_ =	shalt  }
0x57: {  	_ =	shalt  }
0x58: {  	_ =	shalt  }
0x59: {  	_ =	shalt  }
0x5a: {  	_ =	shalt  }
0x5b: {  	_ =	shalt  }
0x5c: {  	_ =	shalt  }
0x5d: {  	_ =	shalt  }
0x5e: {  	_ =	shalt  }
0x5f: {  	_ =	shalt  }
0x60: {  	_ =	shalt  }
0x61: {  	_ =	shalt  }
0x62: {  	_ =	shalt  }
0x63: {  	_ =	shalt  }
0x64: {  	_ =	shalt  }
0x65: {  	_ =	shalt  }
0x66: {  	_ =	shalt  }
0x67: {  	_ =	shalt  }
0x68: {  	_ =	shalt  }
0x69: {  	_ =	shalt  }
0x6a: {  	_ =	shalt  }
0x6b: {  	_ =	shalt  }
0x6c: {  	_ =	shalt  }
0x6d: {  	_ =	shalt  }
0x6e: {  	_ =	shalt  }
0x6f: {  	_ =	shalt  }
0x70: {  	_ =	shalt  }
0x71: {  	_ =	shalt  }
0x72: {  	_ =	shalt  }
0x73: {  	_ =	shalt  }
0x74: {  	_ =	shalt  }
0x75: {  	_ =	shalt  }
0x76: {  	_ =	shalt  }
0x77: {  	_ =	shalt  }
0x78: {  	_ =	shalt  }
0x79: {  	_ =	shalt  }
0x7a: {  	_ =	shalt  }
0x7b: {  	_ =	shalt  }
0x7c: {  	_ =	shalt  }
0x7d: {  	_ =	shalt  }
0x7e: {  	_ =	shalt  }
0x7f: {  	_ =	shalt  }
0x80: {  	_ =	shalt  }
0x81: {  	_ =	shalt  }
0x82: {  	_ =	shalt  }
0x83: {  	_ =	shalt  }
0x84: {  	_ =	shalt  }
0x85: {  	_ =	shalt  }
0x86: {  	_ =	shalt  }
0x87: {  	_ =	shalt  }
.Lfunc_end0:
.L_simem_size_0:
called_computation_lowered:
.L_overlay_start_0:
0x88: {  	s2 =	sld [smem:$0x3FD9]  }
0x89: {  	s3 =	sld [smem:$0x3FFE];
	_ =	sdelay $0x1  }
0x8a: {  	s1 =	srdreg.scid  }
0x8b: {  	s0 =	sand.u32 $0x1, s1  }
0x8c: {  	s17 =	sshll.u32 s0, $0xA;
	s2 =	sadd.s32 s3, s2  }
0x8d: {  	s2 =	sadd.s32 s2, s17  }
0x8e: {  	[smem:$0x3FA5] =	sst s2  }
0x8f: {  	_ = 	snop  }
0x90: {  	s2 =	sld [smem:$0x3FD0];
	(tm) =	ssettm $0x1  }
0x91: {  	s18 =	sld [smem:$0x3FFB];
	_ =	sdelay $0x3  }
0x92: {  	_ =	strace s18  }
0x93: {  	s3 =	sld [smem:$0x3FFC];
	_ =	sdelay $0x3  }
0x94: {  	_ =	strace s3  }
0x95: {  	s3 =	sld [smem:$0x3FFD];
	_ =	sdelay $0x3  }
0x96: {  	_ =	strace s3  }
0x97: {  	_ =	strace $0x8FFFFFFF  }
0x98: {  	s19 =	sld [smem:$0x3FDB];
	_ =	sdelay $0x1  }
0x99: {  	s4 =	simm.s32 $_scs_section_size  }
0x9a: {  	s5 =	simm.s32 $_size__tile_overlayer_lowered;
	s6 =	simm.s32 $_tile_overlayer_lowered  }
0x9b: {  	s22 =	simm.s32 $0x1BFF;
	s21 =	sshll.u32 s6, $0x1;
	s3 =	sadd.s32 s4, s19  }
0x9c: {  	s7 =	simm.s32 $0x0;
	s20 =	sshll.u32 s5, $0x1;
	s5 =	sadd.s32 s21, s3  }
0x9d: {  	[timem:s7], [sflag:s22] =	dma.local [hbm:s5], s20  }
0x9e: {  	_ =	swait.ge [sflag:s22], s20  }
0x9f: {  	s4 =	ssub.s32 $0x0, s20;
	[sflag:s22] =	ssyncset.done $0x0  }
0xa0: {  	[sflag:s22] =	ssyncadd.s32 s4;
	_ =	sdelay $0x1  }
0xa1: {  	s23 =	simm.s32 $0x1B8B  }
0xa2: {  	_ =	swait.ge [sflag:s23], $0x1  }
0xa3: {  	[sflag:s23] =	ssyncset.done $0x0  }
0xa4: {  	s25 =	simm.s32 $0x1B8E;
	s24 =	sld [smem:$0x3FFE];
	[sflag:s23] =	ssyncadd.s32 $0xFFFFFFFF  }
0xa5: {  	s26 =	simm.s32 $execute0_lowered;
	[smem:$0x3FD2] =	sst s25  }
0xa6: {  	s5 =	sshll.u32 s26, $0x1;
	_ =	strace $0x80000046;
	[dreg:$0x1] =	wrdreg $0xFFFFFFFF  }
0xa7: {  	s28 =	simm.s32 $_size_execute0_lowered;
	s3 =	sadd.s32 s3, s5;
	[dreg:$0x0] =	wrdreg $0x0  }
0xa8: {  	s5 =	sshll.u32 s28, $0x1;
	[dreg:$0x2] =	wrdreg s3  }
0xa9: {  	[dreg:$0x3] =	wrdreg s5  }
0xaa: {  	[dreg:$0x4] =	wrdreg $0xC0  }
0xab: {  	_ =	task [dreg:s7], $0x5FFFF  }
0xac: {  	[dreg:$0x1] =	wrdreg $0xFFFFFFFF  }
0xad: {  	[dreg:$0x0] =	wrdreg $0x60  }
0xae: {  	[dreg:$0x2] =	wrdreg s24  }
0xaf: {  	[dreg:$0x3] =	wrdreg s2  }
0xb0: {  	[dreg:$0x4] =	wrdreg $0x9  }
0xb1: {  	_ =	task.clear_ibuf [dreg:s7], $0x5FFFF;
	_ =	strace $0x90000046  }
0xb2: {  	s29 =	simm.s32 $0x9;
	_ =	strace $0x80000048  }
0xb3: {  	_ =	swait.ge [sflag:s29], $0x1  }
0xb4: {  	[sflag:s29] =	ssyncadd.s32 $0xFFFFFFFF  }
0xb5: {  	_ =	strace $0x90000048  }
0xb6: {  	_ =	sfence  }
0xb7: {  	s30 =	sld [smem:$0x0];
	_ =	sdelay $0x2  }
0xb8: {  	s31 =	sshll.u32 s1, $0xD;
	s1 =	sshrl.u32 s1, $0x2  }
0xb9: {  	s3 =	sand.u32 $0x4000, s31;
	s1 =	sadd.s32 s1, s30  }
0xba: {  	s0 =	sor.u32 s3, s0;
	s1 =	sshll.u32 s1, $0x11  }
0xbb: {  	s0 =	sor.u32 s1, s0  }
0xbc: {  	s0 =	sadd.s32 $0x8F2B, s0  }
0xbd: {  	[sflag:s0] =	ssyncadd.remote.s32 $0x1  }
0xbe: {  	_ =	sfence.sel $0xFFFF  }
0xbf: {  	[dreg:$0x0] =	wrdreg $0xFFFFFFFF;
	(pc) =	sbr.abs _section_cstart, $3  }
0xc0: {  	[dreg:$0x1] =	wrdreg $0xFFFFFFFF  }
0xc1: {  	_ =	task.clear_ibuf [dreg:s7], $0x2FFFF;
	_ =	strace $0x9FFFFFFF  }
0xc2: {  	(tm) =	ssettm $0x7FFFFFFF  }
0xc3: {  	_ =	shalt  }
tec
execute0_lowered:
.L_overlay_start_1:
0x0: {  	(tag) =	ssettag $0x1  }
0x1: {  	s0 =	srdreg.scid;
	s5 =	rddreg [dreg:$0x0]  }
0x2: {  	s2 =	rddreg [dreg:$0x1];
	s1 =	stileid.u32;
	s4 =	sand.u32 $0x1, s0  }
0x3: {  	s3 =	simm.s32 $0x0;
	s10 =	simm.s32 $0x0;
	s6 =	sshll.u32 s4, $0x4  }
0x4: {  	s0 =	rddreg [dreg:$0x2];
	s8 =	ssub.s32 $0x2, s4;
	s6 =	sor.u32 s1, s6  }
0x5: {  	[smem:$0x7FF] =	sst s3;
	s9 =	sshrl.u32 s8, $0x1;
	s7 =	smul.u32 $0x4F0, s6  }
0x6: {  	_ =	strace $0x80000047;
	s4 =	sadd.s32 $0x6C00, s5;
	s8 =	ssub.s32 s8, s9  }
0x7: {  	s9 =	simm.s32 $0x1;
	s7 =	sadd.s32 s7, s5;
	s5 =	smul.u32 $0x2710, s6  }
0x8: {  	v0 =	vimm.f32 $1.000000000e+00;
	s6 =	sadd.s32 $0x10A00, s7;
	s7 =	smax.u32 s8, $0x1;
	s8 =	simm.s32 $0x800  }
.LBB2_1:
0x9: {  	[tilespmem:s8], [sflag:$0x1] =	stream.linear.gather [hbm4b:s2+s3], $0x2780, $0x38;
	[tilespmem:$0x2F80] =	vst v63  }
0xa: {  	_ =	swait.ge [sflag:s9], $0x2780  }
0xb: {  	[sflag:s9] =	ssyncset.done $0x0  }
0xc: {  	s11 =	simm.s32 $0x0;
	[sflag:s9] =	ssyncadd.s32 $0xFFFFD880  }
.LBB2_2:
0xd: {  	s12 =	smul.u32 $0x7D0, s11;
	_ =	sdelay $0x1  }
0xe: {  	s12 =	sadd.s32 s5, s12  }
0xf: {  	s12 =	sshrl.u32 s12, $0x3  }
0x10: {  	s12 =	sadd.s32 s4, s12  }
0x11: {  	[tilespmem:s3], [sflag:$0x1] =	stream.linear.gather [hbm4b:s12+s3], $0x7D0, $0x38;
	[tilespmem:$0x2F80] =	vst v63  }
0x12: {  	_ =	swait.ge [sflag:s9], $0x7D0  }
0x13: {  	[sflag:s9] =	ssyncset.done $0x0  }
0x14: {  	s12 =	simm.s32 $0x40;
	[sflag:s9] =	ssyncadd.s32 $0xFFFFF830  }
0x15: {  	v2 =	vld [tilespmem:s12+$0xFFFFFFC0]  }
0x16: {  	v3 =	vld [tilespmem:s12+$0x30]  }
0x17: {  	v4 =	vld [tilespmem:s12+$0x20]  }
0x18: {  	v5 =	vld [tilespmem:s12+$0x10]  }
0x19: {  	v6 =	vld [tilespmem:s12+$0x0]  }
0x1a: {  	v7 =	vld [tilespmem:s12+$0xFFFFFFF0]  }
0x1b: {  	v8 =	vld [tilespmem:s12+$0xFFFFFFE0]  }
0x1c: {  	v1 =	vld [tilespmem:s12+$0xFFFFFFD0]  }
0x1d: {  	[tilespmem:v2+s8+$0x0] =	vst.idx.add.f32.msk $0xffff, v0  }
0x1e: {  	[tilespmem:v3+s8+$0x0] =	vst.idx.add.f32.msk $0xffff, v0  }
0x1f: {  	[tilespmem:v4+s8+$0x0] =	vst.idx.add.f32.msk $0xffff, v0  }
0x20: {  	[tilespmem:v5+s8+$0x0] =	vst.idx.add.f32.msk $0xffff, v0  }
0x21: {  	[tilespmem:v6+s8+$0x0] =	vst.idx.add.f32.msk $0xffff, v0  }
0x22: {  	[tilespmem:v7+s8+$0x0] =	vst.idx.add.f32.msk $0xffff, v0  }
0x23: {  	s13 =	simm.s32 $0x0;
	[tilespmem:v8+s8+$0x0] =	vst.idx.add.f32.msk $0xffff, v0  }
.LBB2_3:
0x24: {  	s13 =	sadd.s32 $0x8, s13;
	[tilespmem:v1+s8+$0x0] =	vst.idx.add.f32.msk $0xffff, v0;
	s12 =	sadd.s32 $0x80, s12  }
0x25: {  	v2 =	vld [tilespmem:s12+$0xFFFFFFC0];
	p0 =	slt.u32 s13, $0x70  }
0x26: {  	v3 =	vld [tilespmem:s12+$0x30]  }
0x27: {  	v4 =	vld [tilespmem:s12+$0x20]  }
0x28: {  	v5 =	vld [tilespmem:s12+$0x10]  }
0x29: {  	v6 =	vld [tilespmem:s12+$0x0]  }
0x2a: {  	v7 =	vld [tilespmem:s12+$0xFFFFFFF0]  }
0x2b: {  	v8 =	vld [tilespmem:s12+$0xFFFFFFE0]  }
0x2c: {  	v1 =	vld [tilespmem:s12+$0xFFFFFFD0]  }
0x2d: {  	[tilespmem:v2+s8+$0x0] =	vst.idx.add.f32.msk $0xffff, v0  }
0x2e: {  	[tilespmem:v3+s8+$0x0] =	vst.idx.add.f32.msk $0xffff, v0  }
.Ltmp0:
0x2f: {  	[tilespmem:v4+s8+$0x0] =	vst.idx.add.f32.msk $0xffff, v0;
	(pc) =	sbr.rel @p0 .LBB2_3-.Ltmp0, $4  }
0x30: {  	[tilespmem:v5+s8+$0x0] =	vst.idx.add.f32.msk $0xffff, v0  }
0x31: {  	[tilespmem:v6+s8+$0x0] =	vst.idx.add.f32.msk $0xffff, v0  }
0x32: {  	[tilespmem:v7+s8+$0x0] =	vst.idx.add.f32.msk $0xffff, v0  }
0x33: {  	[tilespmem:v8+s8+$0x0] =	vst.idx.add.f32.msk $0xffff, v0  }
0x34: {  	_ =	sdelay $0x3  }
0x35: {  	[tilespmem:v1+s8+$0x0] =	vst.idx.add.f32.msk $0xffff, v0;
	s12 =	simm.s32 $0x0  }
.LBB2_5:
0x36: {  	s13 =	sshra.s32 s12, $0x2  }
0x37: {  	v1 =	vld [tilespmem:s13+$0x780];
	_ =	sdelay $0x2  }
0x38: {  	p0 =	sne.s32 s12, $0x100  }
.Ltmp1:
0x39: {  	_ = 	snop;
	(pc) =	sbr.rel @p0 .LBB2_5-.Ltmp1, $2  }
0x3a: {  	_ =	sdelay $0x2  }
0x3b: {  	s12 =	sadd.s32 $0x40, s12;
	[tilespmem:v1+s8+$0x0] =	vst.idx.add.f32.msk $0xffff, v0  }
0x3c: {  	s11 =	sadd.s32 $0x1, s11  }
0x3d: {  	p0 =	sne.s32 s11, $0x5  }
.Ltmp2:
0x3e: {  	_ = 	snop;
	(pc) =	sbr.rel @p0 .LBB2_2-.Ltmp2, $1  }
0x3f: {  	_ =	sdelay $0x3  }
0x40: {  	s10 =	sadd.s32 $0x1, s10  }
0x41: {  	p0 =	sne.s32 s10, s7  }
.Ltmp3:
0x42: {  	_ = 	snop;
	(pc) =	sbr.rel @p0 .LBB2_1-.Ltmp3, $4  }
0x43: {  	[hbm4b:s6+s3] =	stream.linear.scatter [tilespmem:s8], [sflag:$0x1], $0x2780, $0x38;
	[tilespmem:$0x2F80] =	vst v63  }
0x44: {  	_ =	swait.ge [sflag:s9], $0x2780  }
0x45: {  	[sflag:s9] =	ssyncset.done $0x0  }
0x46: {  	[sflag:s9] =	ssyncadd.s32 $0xFFFFD880  }
0x47: {  	_ =	sfence.sel $0x180000  }
0x48: {  	[bflag:$0x0] =	sbarrier.arrive $0xFFFF  }
0x49: {  	p0 =	sne.s32 s1, $0x0;
	_ =	strace $0x90000047  }
0x4a: {  	s0 =	sadd.s32 @!p0 $0x100000, s0;
	[bflag:$0x2] =	sbarrier.arrive $0xFFFF  }
0x4b: {  	[sflag:s0] =	ssyncadd.tile.s32 @!p0 $0x1;
	_ =	shalt  }
.Lfunc_end2:
_tile_overlayer_lowered:
.L_overlay_start_2:
0x4c: {  	(tag) =	ssettag $0x2  }
0x4d: {  	s0 =	rddreg [dreg:$0x0];
	s2 =	stileid.u32  }
0x4e: {  	s1 =	rddreg [dreg:$0x1];
	p0 =	sne.s32 s2, $0x0  }
0x4f: {  	s3 =	rddreg [dreg:$0x2];
	[bflag:$0x3] =	sbarrier.arrive $0xFFFF;
	s2 =	simm.s32 @!p0 $0x1C01  }
0x50: {  	[timem:s3], [sflag:s2] =	dma.local @!p0 [hbm:s0], s1  }
0x51: {  	s0 =	simm.s32 @!p0 $0x1  }
0x52: {  	_ =	swait.ge @!p0 [sflag:s0], s1  }
0x53: {  	s1 =	ssub.s32 @!p0 $0x0, s1;
	[sflag:s0] =	ssyncset.done @!p0 $0x0  }
0x54: {  	[sflag:s0] =	ssyncadd.s32 @!p0 s1  }
0x55: {  	[bflag:$0x3] =	sbarrier.arrive $0xFFFF  }
0x56: {  	_ =	shalt  }

// kernel: kernel.18.cloned.1.call-start
scs
__scs_entry_jumppad:
0x0: {  	(pc) =	sbr.rel $0x88, $3  }
0x1: {  	(tag) =	ssettag $0x0;
	lr =	simm.s32 $0x1  }
0x2: {  	[smem:$0x3F7E] =	sst lr;
	_ =	strace $0xD0000000  }
0x3: {  	_ = 	snop  }
0x4: {  	_ = 	snop  }
0x5: {  	_ = 	snop  }
0x6: {  	_ = 	snop  }
0x7: {  	_ = 	snop  }
__scs_overlays_trampoline_lowered:
0x8: {  	[smem:$0x3F8D] =	sst s0  }
0x9: {  	[smem:$0x3F8E] =	sst s1  }
0xa: {  	[smem:$0x3F8F] =	sst s2  }
0xb: {  	[smem:$0x3F90] =	sst s3  }
0xc: {  	[smem:$0x3F91] =	sst s4  }
0xd: {  	[smem:$0x3F92] =	sst s5  }
0xe: {  	[smem:$0x3F93] =	sst s6  }
0xf: {  	[smem:$0x3F94] =	sst s7  }
0x10: {  	[smem:$0x3F95] =	sst s8  }
0x11: {  	[smem:$0x3F96] =	sst s9;
	s0 =	simm.s32 @!p0 $0x0  }
0x12: {  	s1 =	sld [smem:$0x3F7C];
	s0 =	simm.s32 @p0 $0x1  }
0x13: {  	[smem:$0x3F97] =	sst s0;
	s0 =	simm.s32 @!p1 $0x0  }
0x14: {  	s2 =	sld [smem:$0x3F7B];
	s0 =	simm.s32 @p1 $0x1  }
0x15: {  	[smem:$0x3F98] =	sst s0;
	s0 =	simm.s32 @!p2 $0x0  }
0x16: {  	s3 =	sld [smem:$0x3FDB];
	s0 =	simm.s32 @p2 $0x1  }
0x17: {  	s4 =	simm.s32 $0x1BF5;
	[smem:$0x3F9A] =	sst s0  }
0x18: {  	s0 =	sld [smem:$0x3F7D];
	_ =	swait.ge [sflag:s4], $0x0  }
0x19: {  	s7 =	sld [smem:$0x3F7E]  }
0x1a: {  	s8 =	sadd.s32 $0xFFFFE003, lr  }
0x1b: {  	s9 =	sadd.s32 $0xFFFFFEF7, lr;
	s5 =	simm.s32 $0xFFFFFFFF;
	p2 =	slt.u32 s8, $0xFFFFF086  }
0x1c: {  	p1 =	slt.u32 s9, $0xF7A;
	s5 =	simm.s32 @!p2 $0x0  }
0x1d: {  	s5 =	simm.s32 @p1 $0x1;
	p0 =	seq.s32 s7, s2  }
0x1e: {  	s7 =	smul.u32 @!p0 $0xF7A, s2;
	p2 =	seq.s32 @!p0 s5, $0x0  }
0x1f: {  	s9 =	smul.u32 $0xF7A, s1;
	s8 =	simm.s32 @!p0 $0x1BF5;
	p2 =	por !p2, p0  }
0x20: {  	[sflag:s8] =	ssyncset.s32 @!p0 $0xFFFFF086;
	s6 =	sadd.s32 @!p0 s3, s7;
	s7 =	simm.s32 @!p0 $0x108  }
0x21: {  	s3 =	sadd.s32 s3, s9;
	s6 =	sadd.s32 @!p0 $0x88, s6;
	s7 =	simm.s32 @p2 $0x1082  }
0x22: {  	[simem:s7], [sflag:s8] =	dma.local @!p0 [hbm:s6], $0xF7A  }
0x23: {  	s9 =	sor.u32 $0xD0000000, s2;
	s6 =	simm.s32 $0x108;
	_ =	swait.ge @!p0 [sflag:s8], $0x0  }
0x24: {  	s3 =	sadd.s32 $0x88, s3;
	s6 =	simm.s32 @!p1 $0x1082;
	[sflag:s4] =	ssyncset.s32 $0xFFFFF086  }
0x25: {  	[simem:s6], [sflag:s4] =	dma.local [hbm:s3], $0xF7A  }
0x26: {  	[smem:$0x3F7E] =	sst s1;
	(tag) =	ssettag s2;
	_ =	strace s9  }
0x27: {  	s1 =	sld [smem:$0x3F8E]  }
0x28: {  	s2 =	sld [smem:$0x3F8F]  }
0x29: {  	s4 =	sld [smem:$0x3F91]  }
0x2a: {  	p0 =	seq.s32 s5, $0x0;
	s5 =	sld [smem:$0x3F92]  }
0x2b: {  	s6 =	sld [smem:$0x3F93]  }
0x2c: {  	s7 =	sld [smem:$0x3F94]  }
0x2d: {  	s3 =	simm.s32 $0x108;
	s8 =	sld [smem:$0x3F95]  }
0x2e: {  	s3 =	simm.s32 @!p0 $0x1082;
	s9 =	sld [smem:$0x3F96]  }
0x2f: {  	lr =	sadd.s32 s0, s3;
	s0 =	sld [smem:$0x3F8D]  }
0x30: {  	s3 =	sld [smem:$0x3F90]  }
0x31: {  	[smem:$0x3F99] =	sst s10  }
0x32: {  	s10 =	sld [smem:$0x3F97];
	_ =	sdelay $0x3  }
0x33: {  	p0 =	seq.s32 s10, $0x1;
	s10 =	sld [smem:$0x3F99];
	_ =	sdelay $0x3  }
0x34: {  	[smem:$0x3F99] =	sst s10  }
0x35: {  	s10 =	sld [smem:$0x3F98];
	_ =	sdelay $0x3  }
0x36: {  	p1 =	seq.s32 s10, $0x1;
	s10 =	sld [smem:$0x3F99];
	_ =	sdelay $0x3  }
0x37: {  	[smem:$0x3F99] =	sst s10  }
0x38: {  	s10 =	sld [smem:$0x3F9A]  }
0x39: {  	_ = 	snop;
	(pc) =	sbr.ind lr, $3  }
0x3a: {  	_ = 	snop  }
0x3b: {  	_ = 	snop  }
0x3c: {  	p2 =	seq.s32 s10, $0x1;
	s10 =	sld [smem:$0x3F99]  }
0x3d: {  	_ =	shalt  }
0x3e: {  	_ =	shalt  }
0x3f: {  	_ =	shalt  }
0x40: {  	_ =	shalt  }
0x41: {  	_ =	shalt  }
0x42: {  	_ =	shalt  }
0x43: {  	_ =	shalt  }
0x44: {  	_ =	shalt  }
0x45: {  	_ =	shalt  }
0x46: {  	_ =	shalt  }
0x47: {  	_ =	shalt  }
0x48: {  	_ =	shalt  }
0x49: {  	_ =	shalt  }
0x4a: {  	_ =	shalt  }
0x4b: {  	_ =	shalt  }
0x4c: {  	_ =	shalt  }
0x4d: {  	_ =	shalt  }
0x4e: {  	_ =	shalt  }
0x4f: {  	_ =	shalt  }
0x50: {  	_ =	shalt  }
0x51: {  	_ =	shalt  }
0x52: {  	_ =	shalt  }
0x53: {  	_ =	shalt  }
0x54: {  	_ =	shalt  }
0x55: {  	_ =	shalt  }
0x56: {  	_ =	shalt  }
0x57: {  	_ =	shalt  }
0x58: {  	_ =	shalt  }
0x59: {  	_ =	shalt  }
0x5a: {  	_ =	shalt  }
0x5b: {  	_ =	shalt  }
0x5c: {  	_ =	shalt  }
0x5d: {  	_ =	shalt  }
0x5e: {  	_ =	shalt  }
0x5f: {  	_ =	shalt  }
0x60: {  	_ =	shalt  }
0x61: {  	_ =	shalt  }
0x62: {  	_ =	shalt  }
0x63: {  	_ =	shalt  }
0x64: {  	_ =	shalt  }
0x65: {  	_ =	shalt  }
0x66: {  	_ =	shalt  }
0x67: {  	_ =	shalt  }
0x68: {  	_ =	shalt  }
0x69: {  	_ =	shalt  }
0x6a: {  	_ =	shalt  }
0x6b: {  	_ =	shalt  }
0x6c: {  	_ =	shalt  }
0x6d: {  	_ =	shalt  }
0x6e: {  	_ =	shalt  }
0x6f: {  	_ =	shalt  }
0x70: {  	_ =	shalt  }
0x71: {  	_ =	shalt  }
0x72: {  	_ =	shalt  }
0x73: {  	_ =	shalt  }
0x74: {  	_ =	shalt  }
0x75: {  	_ =	shalt  }
0x76: {  	_ =	shalt  }
0x77: {  	_ =	shalt  }
0x78: {  	_ =	shalt  }
0x79: {  	_ =	shalt  }
0x7a: {  	_ =	shalt  }
0x7b: {  	_ =	shalt  }
0x7c: {  	_ =	shalt  }
0x7d: {  	_ =	shalt  }
0x7e: {  	_ =	shalt  }
0x7f: {  	_ =	shalt  }
0x80: {  	_ =	shalt  }
0x81: {  	_ =	shalt  }
0x82: {  	_ =	shalt  }
0x83: {  	_ =	shalt  }
0x84: {  	_ =	shalt  }
0x85: {  	_ =	shalt  }
0x86: {  	_ =	shalt  }
0x87: {  	_ =	shalt  }
.Lfunc_end0:
.L_simem_size_0:
called_computation.1_lowered:
.L_overlay_start_0:
0x88: {  	s2 =	sld [smem:$0x3FD9]  }
0x89: {  	s3 =	sld [smem:$0x3FFE];
	_ =	sdelay $0x1  }
0x8a: {  	s1 =	srdreg.scid  }
0x8b: {  	s0 =	sand.u32 $0x1, s1  }
0x8c: {  	s17 =	sshll.u32 s0, $0xA;
	s2 =	sadd.s32 s3, s2  }
0x8d: {  	s2 =	sadd.s32 s2, s17  }
0x8e: {  	[smem:$0x3FA5] =	sst s2  }
0x8f: {  	_ = 	snop  }
0x90: {  	(tm) =	ssettm $0x1  }
0x91: {  	s18 =	sld [smem:$0x3FFB];
	_ =	sdelay $0x3  }
0x92: {  	_ =	strace s18  }
0x93: {  	s2 =	sld [smem:$0x3FFC];
	_ =	sdelay $0x3  }
0x94: {  	_ =	strace s2  }
0x95: {  	s2 =	sld [smem:$0x3FFD];
	_ =	sdelay $0x3  }
0x96: {  	_ =	strace s2  }
0x97: {  	_ =	strace $0x8FFFFFFF  }
0x98: {  	s19 =	sld [smem:$0x3FDB];
	_ =	sdelay $0x1  }
0x99: {  	s20 =	simm.s32 $_scs_section_size  }
0x9a: {  	s4 =	simm.s32 $_size__tile_overlayer_lowered;
	s5 =	simm.s32 $_tile_overlayer_lowered  }
0x9b: {  	s6 =	simm.s32 $0x1BFF;
	s21 =	sshll.u32 s5, $0x1;
	s3 =	sadd.s32 s20, s19  }
0x9c: {  	s22 =	simm.s32 $0x0;
	s4 =	sshll.u32 s4, $0x1;
	s5 =	sadd.s32 s21, s3  }
0x9d: {  	[timem:s22], [sflag:s6] =	dma.local [hbm:s5], s4  }
0x9e: {  	_ =	swait.ge [sflag:s6], s4  }
0x9f: {  	s4 =	ssub.s32 $0x0, s4;
	[sflag:s6] =	ssyncset.done $0x0  }
0xa0: {  	[sflag:s6] =	ssyncadd.s32 s4;
	_ =	sdelay $0x1  }
0xa1: {  	s23 =	simm.s32 $0x1B8B  }
0xa2: {  	_ =	swait.ge [sflag:s23], $0x1  }
0xa3: {  	[sflag:s23] =	ssyncset.done $0x0  }
0xa4: {  	[sflag:s23] =	ssyncadd.s32 $0xFFFFFFFF  }
0xa5: {  	s4 =	sld [smem:$0x0]  }
0xa6: {  	s5 =	sand.u32 $0xFFFFFFFE, s1  }
0xa7: {  	p0 =	sne.s32 s1, s5  }
0xa8: {  	s5 =	sshll.u32 @p0 s5, $0xE  }
0xa9: {  	s5 =	sadd.s32 @p0 $0x11B8D, s5;
	s6 =	sshll.u32 @p0 s4, $0x11  }
0xaa: {  	s5 =	sor.u32 @p0 s6, s5  }
0xab: {  	[sflag:s5] =	ssyncadd.remote.s32 @p0 $0x1;
	_ =	sdelay $0x1  }
0xac: {  	s5 =	simm.s32 @p0 $0x1B8D  }
0xad: {  	_ =	swait.eq @p0 [sflag:s5], $0x1  }
0xae: {  	[sflag:s5] =	ssyncadd.s32 @p0 $0xFFFFFFFF  }
0xaf: {  	s6 =	sshll.u32 @!p0 s1, $0xE  }
0xb0: {  	s6 =	sor.u32 @!p0 $0x4000, s6;
	s5 =	simm.s32 @!p0 $0x1B8D  }
0xb1: {  	s4 =	sshll.u32 @!p0 s4, $0x11;
	s6 =	sadd.s32 @!p0 $0x11B8D, s6;
	_ =	swait.eq @!p0 [sflag:s5], $0x1  }
0xb2: {  	s4 =	sor.u32 @!p0 s4, s6;
	[sflag:s5] =	ssyncadd.s32 @!p0 $0xFFFFFFFF  }
0xb3: {  	s25 =	simm.s32 $0x1B8E;
	s24 =	sld [smem:$0x3FFE];
	[sflag:s4] =	ssyncadd.remote.s32 @!p0 $0x1  }
0xb4: {  	s26 =	simm.s32 $execute0_lowered;
	[smem:$0x3FD2] =	sst s25  }
0xb5: {  	s5 =	sshll.u32 s26, $0x1;
	_ =	strace $0x80000049;
	[dreg:$0x1] =	wrdreg $0xFFFFFFFF  }
0xb6: {  	s28 =	simm.s32 $_size_execute0_lowered;
	s3 =	sadd.s32 s3, s5;
	[dreg:$0x0] =	wrdreg $0x0  }
0xb7: {  	s5 =	sshll.u32 s28, $0x1;
	[dreg:$0x2] =	wrdreg s3  }
0xb8: {  	[dreg:$0x3] =	wrdreg s5  }
0xb9: {  	[dreg:$0x4] =	wrdreg $0xC0  }
0xba: {  	_ =	task [dreg:s22], $0x5FFFF  }
0xbb: {  	[dreg:$0x1] =	wrdreg $0xFFFFFFFF  }
0xbc: {  	[dreg:$0x0] =	wrdreg $0x60  }
0xbd: {  	[dreg:$0x2] =	wrdreg s24  }
0xbe: {  	[dreg:$0x3] =	wrdreg $0x15C000  }
0xbf: {  	[dreg:$0x4] =	wrdreg $0xA  }
0xc0: {  	_ =	task.clear_ibuf [dreg:s22], $0x5FFFF;
	_ =	strace $0x90000049  }
0xc1: {  	s29 =	simm.s32 $0xA;
	_ =	strace $0x8000004B  }
0xc2: {  	_ =	swait.ge [sflag:s29], $0x1  }
0xc3: {  	[sflag:s29] =	ssyncadd.s32 $0xFFFFFFFF  }
0xc4: {  	_ =	strace $0x9000004B  }
0xc5: {  	_ =	sfence  }
0xc6: {  	s30 =	sld [smem:$0x0];
	_ =	sdelay $0x2  }
0xc7: {  	s31 =	sshll.u32 s1, $0xD;
	s1 =	sshrl.u32 s1, $0x2  }
0xc8: {  	s4 =	sand.u32 $0x4000, s31;
	s1 =	sadd.s32 s1, s30  }
0xc9: {  	s0 =	sor.u32 s4, s0;
	s1 =	sshll.u32 s1, $0x11  }
0xca: {  	s0 =	sor.u32 s1, s0  }
0xcb: {  	s0 =	sadd.s32 $0x8F2B, s0  }
0xcc: {  	[sflag:s0] =	ssyncadd.remote.s32 $0x1  }
0xcd: {  	_ =	sfence.sel $0xFFFF  }
0xce: {  	[dreg:$0x0] =	wrdreg $0xFFFFFFFF;
	(pc) =	sbr.abs _section_cstart, $3  }
0xcf: {  	[dreg:$0x1] =	wrdreg $0xFFFFFFFF  }
0xd0: {  	_ =	task.clear_ibuf [dreg:s22], $0x2FFFF;
	_ =	strace $0x9FFFFFFF  }
0xd1: {  	(tm) =	ssettm $0x7FFFFFFF  }
tec
execute0_lowered:
.L_overlay_start_1:
0x0: {  	(tag) =	ssettag $0x1  }
0x1: {  	s5 =	rddreg [dreg:$0x0]  }
0x2: {  	s1 =	rddreg [dreg:$0x1]  }
0x3: {  	s0 =	rddreg [dreg:$0x2]  }
0x4: {  	s2 =	simm.s32 $0x0;
	s3 =	srdreg.scid;
	s22 =	simm.s32 $0xBE00  }
0x5: {  	s23 =	simm.s32 $0x1000;
	s24 =	simm.s32 $0x1;
	[smem:$0x7FF] =	sst s2  }
0x6: {  	s17 =	sadd.s32 $0x68A00, s5;
	s6 =	sand.u32 $0x1, s3;
	s13 =	sadd.s32 $0xB7A00, s5  }
0x7: {  	s3 =	stileid.u32;
	s4 =	sadd.s32 $0xC1800, s5;
	s18 =	sadd.s32 $0xC2C00, s5  }
0x8: {  	s7 =	ssub.s32 $0x2, s6;
	s14 =	smul.u32 $0x4E20, s3;
	s25 =	sshll.u32 s6, $0x4  }
0x9: {  	_ =	strace $0x8000004A;
	s8 =	sshrl.u32 s7, $0x1;
	s15 =	sor.u32 s3, s25  }
0xa: {  	s25 =	simm.s32 $0x2;
	s19 =	ssub.s32 s7, s8;
	s26 =	sshrl.u32 s14, $0x3  }
0xb: {  	s28 =	sadd.s32 $0xFA0, s14;
	s10 =	sadd.s32 $0x1F40, s14;
	s6 =	sadd.s32 s14, s1  }
0xc: {  	s12 =	sadd.s32 $0x2EE0, s14;
	s16 =	smul.u32 $0x9E00, s15;
	s14 =	sadd.s32 $0x3E80, s14  }
0xd: {  	s21 =	smul.u32 $0x13C0, s15;
	s5 =	sadd.s32 s13, s26;
	s29 =	sshrl.u32 s28, $0x3  }
0xe: {  	s9 =	sshrl.u32 s10, $0x3;
	s8 =	sadd.s32 s28, s1;
	s10 =	sadd.s32 s10, s1  }
0xf: {  	s11 =	sshrl.u32 s12, $0x3;
	s12 =	sadd.s32 s12, s1;
	s20 =	sshrl.u32 s14, $0x3  }
0x10: {  	s14 =	sadd.s32 s14, s1;
	s19 =	smax.u32 s19, $0x1;
	s26 =	simm.s32 $0x0  }
0x11: {  	s7 =	sadd.s32 s13, s29;
	s9 =	sadd.s32 s13, s9;
	s11 =	sadd.s32 s13, s11  }
0x12: {  	s30 =	sshrl.u32 s16, $0x3;
	s13 =	sadd.s32 s13, s20;
	s15 =	sadd.s32 s17, s21  }
0x13: {  	s16 =	sadd.s32 s18, s21;
	s20 =	simm.s32 $0x3;
	s31 =	sadd.s32 $0x27800, s30  }
0x14: {  	s21 =	simm.s32 $0x2000;
	s17 =	sadd.s32 s17, s31;
	s18 =	sadd.s32 s18, s31  }
.LBB2_1:
0x15: {  	[tilespmem:s2], [sflag:$0x3] =	stream.linear.gather [hbm4b:s5+s2], $0xFA0, $0x38;
	[tilespmem:$0x1AA20] =	vst v63  }
0x16: {  	_ =	swait.ge [sflag:s20], $0xFA0  }
0x17: {  	[sflag:s20] =	ssyncset.done $0x0  }
0x18: {  	[sflag:s20] =	ssyncadd.s32 $0xFFFFF060  }
0x19: {  	[spmem:s6] =	stream.linear.scatter [tilespmem:s2], [sflag:$0x3], $0xFA0, $0x38;
	[tilespmem:$0x1AA20] =	vst v63  }
0x1a: {  	_ =	swait.ge [sflag:s20], $0xFA0  }
0x1b: {  	[sflag:s20] =	ssyncset.done $0x0  }
0x1c: {  	[sflag:s20] =	ssyncadd.s32 $0xFFFFF060  }
0x1d: {  	[tilespmem:s2], [sflag:$0x3] =	stream.linear.gather [hbm4b:s7+s2], $0xFA0, $0x38;
	[tilespmem:$0x1AA20] =	vst v63  }
0x1e: {  	_ =	swait.ge [sflag:s20], $0xFA0  }
0x1f: {  	[sflag:s20] =	ssyncset.done $0x0  }
0x20: {  	[sflag:s20] =	ssyncadd.s32 $0xFFFFF060  }
0x21: {  	[spmem:s8] =	stream.linear.scatter [tilespmem:s2], [sflag:$0x3], $0xFA0, $0x38;
	[tilespmem:$0x1AA20] =	vst v63  }
0x22: {  	_ =	swait.ge [sflag:s20], $0xFA0  }
0x23: {  	[sflag:s20] =	ssyncset.done $0x0  }
0x24: {  	[sflag:s20] =	ssyncadd.s32 $0xFFFFF060  }
0x25: {  	[tilespmem:s2], [sflag:$0x3] =	stream.linear.gather [hbm4b:s9+s2], $0xFA0, $0x38;
	[tilespmem:$0x1AA20] =	vst v63  }
0x26: {  	_ =	swait.ge [sflag:s20], $0xFA0  }
0x27: {  	[sflag:s20] =	ssyncset.done $0x0  }
0x28: {  	[sflag:s20] =	ssyncadd.s32 $0xFFFFF060  }
0x29: {  	[spmem:s10] =	stream.linear.scatter [tilespmem:s2], [sflag:$0x3], $0xFA0, $0x38;
	[tilespmem:$0x1AA20] =	vst v63  }
0x2a: {  	_ =	swait.ge [sflag:s20], $0xFA0  }
0x2b: {  	[sflag:s20] =	ssyncset.done $0x0  }
0x2c: {  	[sflag:s20] =	ssyncadd.s32 $0xFFFFF060  }
0x2d: {  	[tilespmem:s2], [sflag:$0x3] =	stream.linear.gather [hbm4b:s11+s2], $0xFA0, $0x38;
	[tilespmem:$0x1AA20] =	vst v63  }
0x2e: {  	_ =	swait.ge [sflag:s20], $0xFA0  }
0x2f: {  	[sflag:s20] =	ssyncset.done $0x0  }
0x30: {  	[sflag:s20] =	ssyncadd.s32 $0xFFFFF060  }
0x31: {  	[spmem:s12] =	stream.linear.scatter [tilespmem:s2], [sflag:$0x3], $0xFA0, $0x38;
	[tilespmem:$0x1AA20] =	vst v63  }
0x32: {  	_ =	swait.ge [sflag:s20], $0xFA0  }
0x33: {  	[sflag:s20] =	ssyncset.done $0x0  }
0x34: {  	[sflag:s20] =	ssyncadd.s32 $0xFFFFF060  }
0x35: {  	[tilespmem:s2], [sflag:$0x3] =	stream.linear.gather [hbm4b:s13+s2], $0xFA0, $0x38;
	[tilespmem:$0x1AA20] =	vst v63  }
0x36: {  	_ =	swait.ge [sflag:s20], $0xFA0  }
0x37: {  	[sflag:s20] =	ssyncset.done $0x0  }
0x38: {  	[sflag:s20] =	ssyncadd.s32 $0xFFFFF060  }
0x39: {  	[spmem:s14] =	stream.linear.scatter [tilespmem:s2], [sflag:$0x3], $0xFA0, $0x38;
	[tilespmem:$0x1AA20] =	vst v63  }
0x3a: {  	_ =	swait.ge [sflag:s20], $0xFA0  }
0x3b: {  	[sflag:s20] =	ssyncset.done $0x0  }
0x3c: {  	[sflag:s20] =	ssyncadd.s32 $0xFFFFF060  }
0x3d: {  	[bflag:$0x0] =	sbarrier.arrive $0xFFFF  }
0x3e: {  	[tilespmem:s21], [sflag:$0x3] =	stream.linear.gather [hbm4b:s15+s2], $0x9E00, $0x38;
	[tilespmem:$0x1AA20] =	vst v63  }
0x3f: {  	_ =	swait.ge [sflag:s20], $0x9E00  }
0x40: {  	[sflag:s20] =	ssyncset.done $0x0  }
0x41: {  	[sflag:s20] =	ssyncadd.s32 $0xFFFF6200  }
0x42: {  	[tilespmem:s22], [sflag:$0x3] =	stream.linear.gather [hbm4b:s4+s2], $0x9E00, $0x38;
	[tilespmem:$0x1AA20] =	vst v63  }
0x43: {  	_ =	swait.ge [sflag:s20], $0x9E00  }
0x44: {  	[sflag:s20] =	ssyncset.done $0x0  }
0x45: {  	s28 =	simm.s32 $0x0;
	[sflag:s20] =	ssyncadd.s32 $0xFFFF6200  }
0x46: {  	[tilespmem:s2], [sflag:$0x1] =	stream.linear.gather [spmem:s1], $0xFA0, $0x38;
	[tilespmem:$0x1AA20] =	vst v63  }
.LBB2_2:
0x47: {  	s29 =	smul.u32 $0x7D00, s28;
	_ =	sdelay $0x1  }
0x48: {  	s29 =	sshra.s32 s29, $0x2  }
0x49: {  	s29 =	sadd.s32 s29, s1  }
0x4a: {  	s30 =	sadd.s32 $0xFA0, s29  }
0x4b: {  	[tilespmem:s23], [sflag:$0x2] =	stream.linear.gather [spmem:s30], $0xFA0, $0x38;
	[tilespmem:$0x1AA20] =	vst v63  }
0x4c: {  	_ =	swait.ge [sflag:s24], $0xFA0  }
0x4d: {  	[sflag:s24] =	ssyncset.done $0x0  }
0x4e: {  	s30 =	simm.s32 $0x20;
	[sflag:s24] =	ssyncadd.s32 $0xFFFFF060  }
0x4f: {  	v0 =	vld [tilespmem:s30+$0x10]  }
0x50: {  	v1 =	vld [tilespmem:s30+$0xFFFFFFF0]  }
0x51: {  	v2 =	vld [tilespmem:s30+$0x0]  }
0x52: {  	v3 =	vld [tilespmem:s30+$0xFFFFFFE0];
	_ =	sdelay $0x1  }
0x53: {  	v4 =	vshrl.u32 v0, $0xE  }
0x54: {  	v5 =	vshrl.u32 v0, $0xC;
	v6 =	vshrl.u32 v1, $0xE;
	v7 =	vshrl.u32 v1, $0xC  }
0x55: {  	v8 =	vshrl.u32 v2, $0xE;
	v4 =	vand.u32 $0x7F, v4;
	v5 =	vand.u32 $0xFFE00, v5  }
0x56: {  	v9 =	vshrl.u32 v3, $0xC;
	v10 =	vshrl.u32 v2, $0xC;
	v4 =	vor.u32 v4, v5  }
0x57: {  	v11 =	vshll.u32 v1, $0x2;
	v5 =	vand.u32 $0x7F, v6;
	v6 =	vshrl.u32 v3, $0xE  }
0x58: {  	v7 =	vand.u32 $0xFFE00, v7;
	v9 =	vand.u32 $0xFFE00, v9;
	v6 =	vand.u32 $0x7F, v6  }
0x59: {  	v5 =	vor.u32 v5, v7;
	v6 =	vor.u32 v6, v9;
	v9 =	vshll.u32 v0, $0x2  }
0x5a: {  	v1 =	vand.u32 $0x7F, v1;
	v0 =	vand.u32 $0x7F, v0;
	v7 =	vand.u32 $0xFE00, v9  }
0x5b: {  	v8 =	vand.u32 $0x7F, v8;
	v9 =	vand.u32 $0xFFE00, v10;
	v0 =	vor.u32 v0, v7;
	v10 =	vld.idx.msk [tilespmem:v4+s21+$0x0], $0xffff  }
0x5c: {  	v7 =	vor.u32 v8, v9;
	v8 =	vshll.u32 v3, $0x2;
	v9 =	vor.u32 $0x80, v4  }
0x5d: {  	v11 =	vand.u32 $0xFE00, v11;
	v3 =	vand.u32 $0x7F, v3;
	v8 =	vand.u32 $0xFE00, v8  }
0x5e: {  	v11 =	vor.u32 v1, v11;
	v3 =	vor.u32 v3, v8;
	v8 =	vld.idx.msk [tilespmem:v5+s21+$0x0], $0xffff  }
0x5f: {  	v12 =	vld.idx.msk [tilespmem:v6+s21+$0x0], $0xffff  }
0x60: {  	v1 =	vor.u32 $0x80, v6;
	[tilespmem:v0+s22+$0x0] =	vst.idx.add.f32.msk $0xffff, v10  }
0x61: {  	v13 =	vor.u32 $0x80, v0;
	v10 =	vshll.u32 v2, $0x2;
	v9 =	vld.idx.msk [tilespmem:v9+s21+$0x0], $0xffff  }
0x62: {  	v15 =	vor.u32 $0x100, v4;
	v14 =	vld.idx.msk [tilespmem:v7+s21+$0x0], $0xffff;
	v2 =	vand.u32 $0x7F, v2;
	v10 =	vand.u32 $0xFE00, v10  }
0x63: {  	[tilespmem:v11+s22+$0x0] =	vst.idx.add.f32.msk $0xffff, v8;
	v10 =	vor.u32 v2, v10  }
0x64: {  	[tilespmem:v3+s22+$0x0] =	vst.idx.add.f32.msk $0xffff, v12;
	v2 =	vor.u32 $0x80, v5  }
0x65: {  	v8 =	vor.u32 $0x80, v7;
	v1 =	vld.idx.msk [tilespmem:v1+s21+$0x0], $0xffff  }
0x66: {  	v12 =	vor.u32 $0x80, v3;
	[tilespmem:v13+s22+$0x0] =	vst.idx.add.f32.msk $0xffff, v9  }
0x67: {  	v13 =	vld.idx.msk [tilespmem:v15+s21+$0x0], $0xffff  }
0x68: {  	v9 =	vor.u32 $0x100, v6;
	[tilespmem:v10+s22+$0x0] =	vst.idx.add.f32.msk $0xffff, v14  }
0x69: {  	v14 =	vor.u32 $0x100, v0;
	v2 =	vld.idx.msk [tilespmem:v2+s21+$0x0], $0xffff  }
0x6a: {  	v15 =	vor.u32 $0x80, v11;
	v8 =	vld.idx.msk [tilespmem:v8+s21+$0x0], $0xffff  }
0x6b: {  	s30 =	simm.s32 $0x60;
	[tilespmem:v12+s22+$0x0] =	vst.idx.add.f32.msk $0xffff, v1  }
0x6c: {  	v4 =	vor.u32 $0x180, v4;
	v12 =	vld [tilespmem:s30+$0x10]  }
0x6d: {  	v1 =	vor.u32 $0x80, v10;
	v9 =	vld.idx.msk [tilespmem:v9+s21+$0x0], $0xffff  }
0x6e: {  	[tilespmem:v14+s22+$0x0] =	vst.idx.add.f32.msk $0xffff, v13  }
0x6f: {  	[tilespmem:v15+s22+$0x0] =	vst.idx.add.f32.msk $0xffff, v2  }
0x70: {  	v13 =	vor.u32 $0x100, v5;
	v2 =	vld [tilespmem:s30+$0xFFFFFFF0]  }
0x71: {  	v0 =	vor.u32 $0x180, v0;
	v4 =	vld.idx.msk [tilespmem:v4+s21+$0x0], $0xffff  }
0x72: {  	[tilespmem:v1+s22+$0x0] =	vst.idx.add.f32.msk $0xffff, v8;
	v1 =	vor.u32 $0x100, v7  }
0x73: {  	v14 =	vld [tilespmem:s30+$0xFFFFFFE0];
	v8 =	vor.u32 $0x100, v3  }
0x74: {  	v6 =	vor.u32 $0x180, v6;
	v15 =	vld [tilespmem:s30+$0x0];
	v16 =	vshrl.u32 v12, $0xE;
	v17 =	vshrl.u32 v12, $0xC  }
0x75: {  	v18 =	vor.u32 $0x100, v11;
	v16 =	vand.u32 $0x7F, v16;
	v17 =	vand.u32 $0xFFE00, v17;
	v13 =	vld.idx.msk [tilespmem:v13+s21+$0x0], $0xffff  }
0x76: {  	v5 =	vor.u32 $0x180, v5;
	[tilespmem:v0+s22+$0x0] =	vst.idx.add.f32.msk $0xffff, v4;
	v4 =	vor.u32 v16, v17  }
0x77: {  	v7 =	vor.u32 $0x180, v7;
	v3 =	vor.u32 $0x180, v3;
	v0 =	vor.u32 $0x100, v10;
	v1 =	vld.idx.msk [tilespmem:v1+s21+$0x0], $0xffff  }
0x78: {  	v16 =	vshrl.u32 v2, $0xE;
	[tilespmem:v8+s22+$0x0] =	vst.idx.add.f32.msk $0xffff, v9;
	v8 =	vshrl.u32 v14, $0xE;
	v9 =	vshrl.u32 v14, $0xC  }
0x79: {  	v17 =	vshrl.u32 v2, $0xC;
	v6 =	vld.idx.msk [tilespmem:v6+s21+$0x0], $0xffff;
	v8 =	vand.u32 $0x7F, v8;
	v9 =	vand.u32 $0xFFE00, v9  }
0x7a: {  	v16 =	vand.u32 $0x7F, v16;
	v17 =	vand.u32 $0xFFE00, v17;
	v8 =	vor.u32 v8, v9;
	[tilespmem:v18+s22+$0x0] =	vst.idx.add.f32.msk $0xffff, v13  }
0x7b: {  	v9 =	vshll.u32 v12, $0x2;
	v16 =	vor.u32 v16, v17;
	v12 =	vand.u32 $0x7F, v12;
	v13 =	vld.idx.msk [tilespmem:v4+s21+$0x0], $0xffff  }
0x7c: {  	v17 =	vshrl.u32 v15, $0xE;
	v9 =	vand.u32 $0xFE00, v9;
	v18 =	vshrl.u32 v15, $0xC;
	[tilespmem:v0+s22+$0x0] =	vst.idx.add.f32.msk $0xffff, v1  }
0x7d: {  	v19 =	vor.u32 v12, v9;
	v1 =	vand.u32 $0x7F, v17;
	v9 =	vand.u32 $0xFFE00, v18;
	v0 =	vld.idx.msk [tilespmem:v5+s21+$0x0], $0xffff  }
0x7e: {  	v12 =	vor.u32 $0x80, v4;
	v5 =	vshll.u32 v14, $0x2;
	v17 =	vor.u32 v1, v9;
	v1 =	vld.idx.msk [tilespmem:v7+s21+$0x0], $0xffff  }
0x7f: {  	v7 =	vshll.u32 v2, $0x2;
	v5 =	vand.u32 $0xFE00, v5;
	v9 =	vand.u32 $0x7F, v14;
	[tilespmem:v3+s22+$0x0] =	vst.idx.add.f32.msk $0xffff, v6  }
0x80: {  	v2 =	vand.u32 $0x7F, v2;
	v14 =	vld.idx.msk [tilespmem:v8+s21+$0x0], $0xffff;
	v7 =	vand.u32 $0xFE00, v7;
	v18 =	vor.u32 v9, v5  }
0x81: {  	v5 =	vld.idx.msk [tilespmem:v16+s21+$0x0], $0xffff;
	v20 =	vor.u32 v2, v7  }
0x82: {  	v2 =	vor.u32 $0x80, v8;
	[tilespmem:v19+s22+$0x0] =	vst.idx.add.f32.msk $0xffff, v13  }
0x83: {  	v3 =	vor.u32 $0x80, v16;
	v9 =	vshll.u32 v15, $0x2;
	v7 =	vld.idx.msk [tilespmem:v12+s21+$0x0], $0xffff  }
0x84: {  	v15 =	vand.u32 $0x7F, v15;
	v9 =	vand.u32 $0xFE00, v9;
	v13 =	vor.u32 $0x80, v19;
	v12 =	vld.idx.msk [tilespmem:v17+s21+$0x0], $0xffff  }
0x85: {  	v22 =	vor.u32 v15, v9;
	[tilespmem:v18+s22+$0x0] =	vst.idx.add.f32.msk $0xffff, v14  }
0x86: {  	v21 =	vor.u32 $0x100, v4;
	[tilespmem:v20+s22+$0x0] =	vst.idx.add.f32.msk $0xffff, v5  }
0x87: {  	v5 =	vor.u32 $0x80, v17;
	v2 =	vld.idx.msk [tilespmem:v2+s21+$0x0], $0xffff  }
0x88: {  	v6 =	vor.u32 $0x80, v18;
	v23 =	vld.idx.msk [tilespmem:v3+s21+$0x0], $0xffff  }
0x89: {  	v24 =	vor.u32 $0x80, v20;
	[tilespmem:v13+s22+$0x0] =	vst.idx.add.f32.msk $0xffff, v7  }
0x8a: {  	v7 =	vor.u32 $0x100, v8;
	[tilespmem:v22+s22+$0x0] =	vst.idx.add.f32.msk $0xffff, v12  }
0x8b: {  	v63 =	vor.u32 $0x100, v19;
	v13 =	vld.idx.msk [tilespmem:v21+s21+$0x0], $0xffff  }
0x8c: {  	v4 =	vor.u32 $0x180, v4;
	v25 =	vld.idx.msk [tilespmem:v5+s21+$0x0], $0xffff  }
0x8d: {  	v26 =	vor.u32 $0x80, v22;
	[tilespmem:v6+s22+$0x0] =	vst.idx.add.f32.msk $0xffff, v2  }
0x8e: {  	v9 =	vor.u32 $0x100, v18;
	v14 =	vor.u32 $0x100, v16;
	[tilespmem:v24+s22+$0x0] =	vst.idx.add.f32.msk $0xffff, v23  }
0x8f: {  	v3 =	vor.u32 $0x180, v10;
	v10 =	vor.u32 $0x180, v20;
	v12 =	vor.u32 $0x100, v17;
	v15 =	vld.idx.msk [tilespmem:v7+s21+$0x0], $0xffff  }
0x90: {  	v2 =	vor.u32 $0x180, v11;
	v5 =	vor.u32 $0x180, v16;
	v6 =	vor.u32 $0x180, v17;
	[tilespmem:v63+s22+$0x0] =	vst.idx.add.f32.msk $0xffff, v13  }
0x91: {  	v11 =	vor.u32 $0x180, v22;
	v17 =	vor.u32 $0x180, v19;
	v7 =	vor.u32 $0x100, v20;
	v16 =	vld.idx.msk [tilespmem:v4+s21+$0x0], $0xffff  }
0x92: {  	s31 =	simm.s32 $0xA0;
	s30 =	simm.s32 $0x4;
	v13 =	vor.u32 $0x180, v8;
	v8 =	vor.u32 $0x100, v22;
	v4 =	vor.u32 $0x180, v18;
	[tilespmem:v26+s22+$0x0] =	vst.idx.add.f32.msk $0xffff, v25  }
.LBB2_3:
0x93: {  	v18 =	vld [tilespmem:s31+$0x10];
	s30 =	sadd.s32 $0x4, s30  }
0x94: {  	v19 =	vld [tilespmem:s31+$0xFFFFFFF0];
	p0 =	slt.u32 s30, $0xF4  }
0x95: {  	v20 =	vld [tilespmem:s31+$0x0]  }
0x96: {  	[tilespmem:v17+s22+$0x0] =	vst.idx.add.f32.msk $0xffff, v16  }
0x97: {  	v16 =	vld [tilespmem:s31+$0xFFFFFFE0]  }
0x98: {  	v17 =	vshrl.u32 v18, $0xE;
	v21 =	vshrl.u32 v18, $0xC;
	v14 =	vld.idx.msk [tilespmem:v14+s21+$0x0], $0xffff  }
0x99: {  	v22 =	vshrl.u32 v19, $0xE;
	v17 =	vand.u32 $0x7F, v17;
	v21 =	vand.u32 $0xFFE00, v21;
	v12 =	vld.idx.msk [tilespmem:v12+s21+$0x0], $0xffff  }
0x9a: {  	v23 =	vshrl.u32 v19, $0xC;
	v24 =	vshrl.u32 v20, $0xE;
	v17 =	vor.u32 v17, v21;
	[tilespmem:v9+s22+$0x0] =	vst.idx.add.f32.msk $0xffff, v15  }
0x9b: {  	v9 =	vand.u32 $0x7F, v22;
	v15 =	vand.u32 $0xFFE00, v23;
	v21 =	vshrl.u32 v20, $0xC;
	v13 =	vld.idx.msk [tilespmem:v13+s21+$0x0], $0xffff  }
0x9c: {  	v24 =	vand.u32 $0x7F, v24;
	v22 =	vshrl.u32 v16, $0xE;
	v23 =	vshrl.u32 v16, $0xC;
	[tilespmem:v2+s22+$0x0] =	vst.idx.add.f32.msk $0xffff, v0;
	v2 =	vmovc v10  }
0x9d: {  	v21 =	vand.u32 $0xFFE00, v21;
	v0 =	vand.u32 $0x7F, v22;
	v10 =	vand.u32 $0xFFE00, v23;
	[tilespmem:v3+s22+$0x0] =	vst.idx.add.f32.msk $0xffff, v1;
	v3 =	vmovc v11  }
0x9e: {  	v11 =	vor.u32 v9, v15;
	v10 =	vor.u32 v0, v10;
	v0 =	vshll.u32 v18, $0x2;
	[tilespmem:v7+s22+$0x0] =	vst.idx.add.f32.msk $0xffff, v14  }
0x9f: {  	v15 =	vor.u32 v24, v21;
	v1 =	vand.u32 $0x7F, v18;
	v7 =	vld.idx.msk [tilespmem:v17+s21+$0x0], $0xffff;
	v0 =	vand.u32 $0xFE00, v0  }
0xa0: {  	v9 =	vshll.u32 v16, $0x2;
	v14 =	vshll.u32 v19, $0x2;
	v18 =	vor.u32 v1, v0;
	[tilespmem:v8+s22+$0x0] =	vst.idx.add.f32.msk $0xffff, v12  }
0xa1: {  	v8 =	vand.u32 $0xFE00, v9;
	v1 =	vshll.u32 v20, $0x2;
	v9 =	vor.u32 $0x80, v17;
	v0 =	vld.idx.msk [tilespmem:v5+s21+$0x0], $0xffff  }
0xa2: {  	v12 =	vand.u32 $0xFE00, v14;
	v5 =	vand.u32 $0x7F, v16;
	v14 =	vand.u32 $0xFE00, v1;
	v1 =	vld.idx.msk [tilespmem:v6+s21+$0x0], $0xffff  }
0xa3: {  	v16 =	vor.u32 v5, v8;
	v5 =	vand.u32 $0x7F, v19;
	v8 =	vand.u32 $0x7F, v20;
	v6 =	vld.idx.msk [tilespmem:v10+s21+$0x0], $0xffff  }
0xa4: {  	v19 =	vor.u32 $0x80, v10;
	v21 =	vor.u32 v5, v12;
	v22 =	vor.u32 v8, v14;
	v20 =	vld.idx.msk [tilespmem:v11+s21+$0x0], $0xffff  }
0xa5: {  	v24 =	vor.u32 $0x80, v11;
	v25 =	vor.u32 $0x80, v15;
	v23 =	vor.u32 $0x80, v16;
	[tilespmem:v18+s22+$0x0] =	vst.idx.add.f32.msk $0xffff, v7  }
0xa6: {  	v26 =	vor.u32 $0x100, v10;
	v27 =	vor.u32 $0x80, v21;
	v28 =	vor.u32 $0x80, v22;
	v29 =	vld.idx.msk [tilespmem:v9+s21+$0x0], $0xffff  }
0xa7: {  	v31 =	vor.u32 $0x80, v18;
	v14 =	vor.u32 $0x100, v11;
	v12 =	vor.u32 $0x100, v15;
	v30 =	vld.idx.msk [tilespmem:v15+s21+$0x0], $0xffff  }
0xa8: {  	v32 =	vor.u32 $0x100, v17;
	v7 =	vor.u32 $0x100, v21;
	v9 =	vor.u32 $0x100, v16;
	[tilespmem:v4+s22+$0x0] =	vst.idx.add.f32.msk $0xffff, v13  }
0xa9: {  	v5 =	vor.u32 $0x180, v11;
	v8 =	vor.u32 $0x100, v22;
	v13 =	vor.u32 $0x180, v10;
	[tilespmem:v16+s22+$0x0] =	vst.idx.add.f32.msk $0xffff, v6  }
0xaa: {  	v4 =	vor.u32 $0x180, v16;
	v10 =	vor.u32 $0x180, v21;
	v6 =	vor.u32 $0x180, v15;
	[tilespmem:v21+s22+$0x0] =	vst.idx.add.f32.msk $0xffff, v20  }
0xab: {  	v11 =	vor.u32 $0x180, v22;
	v15 =	vld.idx.msk [tilespmem:v19+s21+$0x0], $0xffff  }
0xac: {  	[tilespmem:v31+s22+$0x0] =	vst.idx.add.f32.msk $0xffff, v29  }
0xad: {  	v16 =	vld.idx.msk [tilespmem:v32+s21+$0x0], $0xffff  }
0xae: {  	v19 =	vor.u32 $0x100, v18;
	[tilespmem:v22+s22+$0x0] =	vst.idx.add.f32.msk $0xffff, v30  }
0xaf: {  	v17 =	vor.u32 $0x180, v17;
	v20 =	vld.idx.msk [tilespmem:v24+s21+$0x0], $0xffff  }
0xb0: {  	v21 =	vld.idx.msk [tilespmem:v25+s21+$0x0], $0xffff  }
0xb1: {  	[tilespmem:v23+s22+$0x0] =	vst.idx.add.f32.msk $0xffff, v15  }
.Ltmp0:
0xb2: {  	v15 =	vld.idx.msk [tilespmem:v26+s21+$0x0], $0xffff;
	(pc) =	sbr.rel @p0 .LBB2_3-.Ltmp0, $4  }
0xb3: {  	[tilespmem:v19+s22+$0x0] =	vst.idx.add.f32.msk $0xffff, v16  }
0xb4: {  	v16 =	vld.idx.msk [tilespmem:v17+s21+$0x0], $0xffff  }
0xb5: {  	v17 =	vor.u32 $0x180, v18;
	[tilespmem:v27+s22+$0x0] =	vst.idx.add.f32.msk $0xffff, v20  }
0xb6: {  	s31 =	sadd.s32 $0x40, s31;
	[tilespmem:v28+s22+$0x0] =	vst.idx.add.f32.msk $0xffff, v21  }
0xb7: {  	_ =	sdelay $0x3  }
0xb8: {  	v14 =	vld.idx.msk [tilespmem:v14+s21+$0x0], $0xffff  }
0xb9: {  	v12 =	vld.idx.msk [tilespmem:v12+s21+$0x0], $0xffff  }
0xba: {  	[tilespmem:v9+s22+$0x0] =	vst.idx.add.f32.msk $0xffff, v15  }
0xbb: {  	[tilespmem:v2+s22+$0x0] =	vst.idx.add.f32.msk $0xffff, v0  }
0xbc: {  	v9 =	vld.idx.msk [tilespmem:v13+s21+$0x0], $0xffff  }
0xbd: {  	[tilespmem:v7+s22+$0x0] =	vst.idx.add.f32.msk $0xffff, v14  }
0xbe: {  	[tilespmem:v8+s22+$0x0] =	vst.idx.add.f32.msk $0xffff, v12  }
0xbf: {  	v5 =	vld.idx.msk [tilespmem:v5+s21+$0x0], $0xffff  }
0xc0: {  	v6 =	vld.idx.msk [tilespmem:v6+s21+$0x0], $0xffff  }
0xc1: {  	[tilespmem:v3+s22+$0x0] =	vst.idx.add.f32.msk $0xffff, v1  }
0xc2: {  	[tilespmem:v17+s22+$0x0] =	vst.idx.add.f32.msk $0xffff, v16  }
0xc3: {  	[tilespmem:v4+s22+$0x0] =	vst.idx.add.f32.msk $0xffff, v9  }
0xc4: {  	[tilespmem:v10+s22+$0x0] =	vst.idx.add.f32.msk $0xffff, v5  }
0xc5: {  	s30 =	simm.s32 $0x0;
	[tilespmem:v11+s22+$0x0] =	vst.idx.add.f32.msk $0xffff, v6  }
.LBB2_5:
0xc6: {  	s31 =	sshra.s32 s30, $0x2  }
0xc7: {  	v0 =	vld [tilespmem:s31+$0xF80];
	_ =	sdelay $0x4  }
0xc8: {  	v1 =	vshrl.u32 v0, $0xE;
	v2 =	vshrl.u32 v0, $0xC  }
0xc9: {  	v1 =	vand.u32 $0x7F, v1;
	v2 =	vand.u32 $0xFFE00, v2  }
0xca: {  	v1 =	vor.u32 v1, v2;
	_ =	sdelay $0x2  }
0xcb: {  	v60 =	vshll.u32 v0, $0x2  }
0xcc: {  	v0 =	vand.u32 $0x7F, v0;
	v2 =	vand.u32 $0xFE00, v60  }
0xcd: {  	v0 =	vor.u32 v0, v2;
	v3 =	vld.idx.msk [tilespmem:v1+s21+$0x0], $0xffff  }
0xce: {  	v61 =	vor.u32 $0x80, v1;
	_ =	sdelay $0x3  }
0xcf: {  	[tilespmem:v0+s22+$0x0] =	vst.idx.add.f32.msk $0xffff, v3  }
0xd0: {  	v62 =	vor.u32 $0x80, v0;
	v2 =	vld.idx.msk [tilespmem:v61+s21+$0x0], $0xffff  }
0xd1: {  	v4 =	vor.u32 $0x100, v1;
	_ =	sdelay $0x3  }
0xd2: {  	[tilespmem:v62+s22+$0x0] =	vst.idx.add.f32.msk $0xffff, v2  }
0xd3: {  	v63 =	vor.u32 $0x100, v0;
	v2 =	vld.idx.msk [tilespmem:v4+s21+$0x0], $0xffff  }
0xd4: {  	v1 =	vor.u32 $0x180, v1;
	_ =	sdelay $0x3  }
0xd5: {  	[tilespmem:v63+s22+$0x0] =	vst.idx.add.f32.msk $0xffff, v2  }
0xd6: {  	p0 =	sne.s32 s30, $0x40;
	v0 =	vor.u32 $0x180, v0;
	v1 =	vld.idx.msk [tilespmem:v1+s21+$0x0], $0xffff  }
.Ltmp1:
0xd7: {  	_ = 	snop;
	(pc) =	sbr.rel @p0 .LBB2_5-.Ltmp1, $2  }
0xd8: {  	_ =	sdelay $0x2  }
0xd9: {  	s30 =	sadd.s32 $0x40, s30;
	[tilespmem:v0+s22+$0x0] =	vst.idx.add.f32.msk $0xffff, v1  }
0xda: {  	p0 =	seq.s32 s28, $0x27  }
0xdb: {  	s29 =	sadd.s32 @!p0 $0x1F40, s29;
	s30 =	simm.s32 @!p0 $0x0  }
0xdc: {  	[tilespmem:s30], [sflag:$0x1] =	stream.linear.gather @!p0 [spmem:s29], $0xFA0, $0x38;
	[tilespmem:$0x1AA20] =	vst v63  }
0xdd: {  	_ =	swait.ge [sflag:s25], $0xFA0  }
0xde: {  	[sflag:s25] =	ssyncset.done $0x0  }
0xdf: {  	s29 =	simm.s32 $0x1020;
	[sflag:s25] =	ssyncadd.s32 $0xFFFFF060  }
0xe0: {  	v0 =	vld [tilespmem:s29+$0x10]  }
0xe1: {  	v1 =	vld [tilespmem:s29+$0xFFFFFFF0]  }
0xe2: {  	v2 =	vld [tilespmem:s29+$0x0]  }
0xe3: {  	v3 =	vld [tilespmem:s29+$0xFFFFFFE0];
	_ =	sdelay $0x1  }
0xe4: {  	v4 =	vshrl.u32 v0, $0xE  }
0xe5: {  	v5 =	vshrl.u32 v0, $0xC;
	v6 =	vshrl.u32 v1, $0xE;
	v7 =	vshrl.u32 v1, $0xC  }
0xe6: {  	v8 =	vshrl.u32 v2, $0xE;
	v4 =	vand.u32 $0x7F, v4;
	v5 =	vand.u32 $0xFFE00, v5  }
0xe7: {  	v9 =	vshrl.u32 v3, $0xC;
	v10 =	vshrl.u32 v2, $0xC;
	v4 =	vor.u32 v4, v5  }
0xe8: {  	v11 =	vshll.u32 v1, $0x2;
	v5 =	vand.u32 $0x7F, v6;
	v6 =	vshrl.u32 v3, $0xE  }
0xe9: {  	v7 =	vand.u32 $0xFFE00, v7;
	v9 =	vand.u32 $0xFFE00, v9;
	v6 =	vand.u32 $0x7F, v6  }
0xea: {  	v5 =	vor.u32 v5, v7;
	v6 =	vor.u32 v6, v9;
	v9 =	vshll.u32 v0, $0x2  }
0xeb: {  	v1 =	vand.u32 $0x7F, v1;
	v0 =	vand.u32 $0x7F, v0;
	v7 =	vand.u32 $0xFE00, v9  }
0xec: {  	v8 =	vand.u32 $0x7F, v8;
	v9 =	vand.u32 $0xFFE00, v10;
	v0 =	vor.u32 v0, v7;
	v10 =	vld.idx.msk [tilespmem:v4+s21+$0x0], $0xffff  }
0xed: {  	v7 =	vor.u32 v8, v9;
	v8 =	vshll.u32 v3, $0x2;
	v9 =	vor.u32 $0x80, v4  }
0xee: {  	v11 =	vand.u32 $0xFE00, v11;
	v3 =	vand.u32 $0x7F, v3;
	v8 =	vand.u32 $0xFE00, v8  }
0xef: {  	v11 =	vor.u32 v1, v11;
	v3 =	vor.u32 v3, v8;
	v8 =	vld.idx.msk [tilespmem:v5+s21+$0x0], $0xffff  }
0xf0: {  	v12 =	vld.idx.msk [tilespmem:v6+s21+$0x0], $0xffff  }
0xf1: {  	v1 =	vor.u32 $0x80, v6;
	[tilespmem:v0+s22+$0x0] =	vst.idx.add.f32.msk $0xffff, v10  }
0xf2: {  	v13 =	vor.u32 $0x80, v0;
	v10 =	vshll.u32 v2, $0x2;
	v9 =	vld.idx.msk [tilespmem:v9+s21+$0x0], $0xffff  }
0xf3: {  	v15 =	vor.u32 $0x100, v4;
	v14 =	vld.idx.msk [tilespmem:v7+s21+$0x0], $0xffff;
	v2 =	vand.u32 $0x7F, v2;
	v10 =	vand.u32 $0xFE00, v10  }
0xf4: {  	[tilespmem:v11+s22+$0x0] =	vst.idx.add.f32.msk $0xffff, v8;
	v10 =	vor.u32 v2, v10  }
0xf5: {  	[tilespmem:v3+s22+$0x0] =	vst.idx.add.f32.msk $0xffff, v12;
	v2 =	vor.u32 $0x80, v5  }
0xf6: {  	v8 =	vor.u32 $0x80, v7;
	v1 =	vld.idx.msk [tilespmem:v1+s21+$0x0], $0xffff  }
0xf7: {  	v12 =	vor.u32 $0x80, v3;
	[tilespmem:v13+s22+$0x0] =	vst.idx.add.f32.msk $0xffff, v9  }
0xf8: {  	v13 =	vld.idx.msk [tilespmem:v15+s21+$0x0], $0xffff  }
0xf9: {  	v9 =	vor.u32 $0x100, v6;
	[tilespmem:v10+s22+$0x0] =	vst.idx.add.f32.msk $0xffff, v14  }
0xfa: {  	v14 =	vor.u32 $0x100, v0;
	v2 =	vld.idx.msk [tilespmem:v2+s21+$0x0], $0xffff  }
0xfb: {  	v15 =	vor.u32 $0x80, v11;
	v8 =	vld.idx.msk [tilespmem:v8+s21+$0x0], $0xffff  }
0xfc: {  	s29 =	simm.s32 $0x1060;
	[tilespmem:v12+s22+$0x0] =	vst.idx.add.f32.msk $0xffff, v1  }
0xfd: {  	v4 =	vor.u32 $0x180, v4;
	v12 =	vld [tilespmem:s29+$0x10]  }
0xfe: {  	v1 =	vor.u32 $0x80, v10;
	v9 =	vld.idx.msk [tilespmem:v9+s21+$0x0], $0xffff  }
0xff: {  	[tilespmem:v14+s22+$0x0] =	vst.idx.add.f32.msk $0xffff, v13  }
0x100: {  	[tilespmem:v15+s22+$0x0] =	vst.idx.add.f32.msk $0xffff, v2  }
0x101: {  	v13 =	vor.u32 $0x100, v5;
	v2 =	vld [tilespmem:s29+$0xFFFFFFF0]  }
0x102: {  	v0 =	vor.u32 $0x180, v0;
	v4 =	vld.idx.msk [tilespmem:v4+s21+$0x0], $0xffff  }
0x103: {  	[tilespmem:v1+s22+$0x0] =	vst.idx.add.f32.msk $0xffff, v8;
	v1 =	vor.u32 $0x100, v7  }
0x104: {  	v14 =	vld [tilespmem:s29+$0xFFFFFFE0];
	v8 =	vor.u32 $0x100, v3  }
0x105: {  	v6 =	vor.u32 $0x180, v6;
	v15 =	vld [tilespmem:s29+$0x0];
	v16 =	vshrl.u32 v12, $0xE;
	v17 =	vshrl.u32 v12, $0xC  }
0x106: {  	v18 =	vor.u32 $0x100, v11;
	v16 =	vand.u32 $0x7F, v16;
	v17 =	vand.u32 $0xFFE00, v17;
	v13 =	vld.idx.msk [tilespmem:v13+s21+$0x0], $0xffff  }
0x107: {  	v5 =	vor.u32 $0x180, v5;
	[tilespmem:v0+s22+$0x0] =	vst.idx.add.f32.msk $0xffff, v4;
	v4 =	vor.u32 v16, v17  }
0x108: {  	v7 =	vor.u32 $0x180, v7;
	v3 =	vor.u32 $0x180, v3;
	v0 =	vor.u32 $0x100, v10;
	v1 =	vld.idx.msk [tilespmem:v1+s21+$0x0], $0xffff  }
0x109: {  	v16 =	vshrl.u32 v2, $0xE;
	[tilespmem:v8+s22+$0x0] =	vst.idx.add.f32.msk $0xffff, v9;
	v8 =	vshrl.u32 v14, $0xE;
	v9 =	vshrl.u32 v14, $0xC  }
0x10a: {  	v17 =	vshrl.u32 v2, $0xC;
	v6 =	vld.idx.msk [tilespmem:v6+s21+$0x0], $0xffff;
	v8 =	vand.u32 $0x7F, v8;
	v9 =	vand.u32 $0xFFE00, v9  }
0x10b: {  	v16 =	vand.u32 $0x7F, v16;
	v17 =	vand.u32 $0xFFE00, v17;
	v8 =	vor.u32 v8, v9;
	[tilespmem:v18+s22+$0x0] =	vst.idx.add.f32.msk $0xffff, v13  }
0x10c: {  	v9 =	vshll.u32 v12, $0x2;
	v16 =	vor.u32 v16, v17;
	v12 =	vand.u32 $0x7F, v12;
	v13 =	vld.idx.msk [tilespmem:v4+s21+$0x0], $0xffff  }
0x10d: {  	v17 =	vshrl.u32 v15, $0xE;
	v9 =	vand.u32 $0xFE00, v9;
	v18 =	vshrl.u32 v15, $0xC;
	[tilespmem:v0+s22+$0x0] =	vst.idx.add.f32.msk $0xffff, v1  }
0x10e: {  	v19 =	vor.u32 v12, v9;
	v1 =	vand.u32 $0x7F, v17;
	v9 =	vand.u32 $0xFFE00, v18;
	v0 =	vld.idx.msk [tilespmem:v5+s21+$0x0], $0xffff  }
0x10f: {  	v12 =	vor.u32 $0x80, v4;
	v5 =	vshll.u32 v14, $0x2;
	v17 =	vor.u32 v1, v9;
	v1 =	vld.idx.msk [tilespmem:v7+s21+$0x0], $0xffff  }
0x110: {  	v7 =	vshll.u32 v2, $0x2;
	v5 =	vand.u32 $0xFE00, v5;
	v9 =	vand.u32 $0x7F, v14;
	[tilespmem:v3+s22+$0x0] =	vst.idx.add.f32.msk $0xffff, v6  }
0x111: {  	v2 =	vand.u32 $0x7F, v2;
	v14 =	vld.idx.msk [tilespmem:v8+s21+$0x0], $0xffff;
	v7 =	vand.u32 $0xFE00, v7;
	v18 =	vor.u32 v9, v5  }
0x112: {  	v5 =	vld.idx.msk [tilespmem:v16+s21+$0x0], $0xffff;
	v20 =	vor.u32 v2, v7  }
0x113: {  	v2 =	vor.u32 $0x80, v8;
	[tilespmem:v19+s22+$0x0] =	vst.idx.add.f32.msk $0xffff, v13  }
0x114: {  	v3 =	vor.u32 $0x80, v16;
	v9 =	vshll.u32 v15, $0x2;
	v7 =	vld.idx.msk [tilespmem:v12+s21+$0x0], $0xffff  }
0x115: {  	v15 =	vand.u32 $0x7F, v15;
	v9 =	vand.u32 $0xFE00, v9;
	v13 =	vor.u32 $0x80, v19;
	v12 =	vld.idx.msk [tilespmem:v17+s21+$0x0], $0xffff  }
0x116: {  	v22 =	vor.u32 v15, v9;
	[tilespmem:v18+s22+$0x0] =	vst.idx.add.f32.msk $0xffff, v14  }
0x117: {  	v21 =	vor.u32 $0x100, v4;
	[tilespmem:v20+s22+$0x0] =	vst.idx.add.f32.msk $0xffff, v5  }
0x118: {  	v5 =	vor.u32 $0x80, v17;
	v2 =	vld.idx.msk [tilespmem:v2+s21+$0x0], $0xffff  }
0x119: {  	v6 =	vor.u32 $0x80, v18;
	v23 =	vld.idx.msk [tilespmem:v3+s21+$0x0], $0xffff  }
0x11a: {  	v24 =	vor.u32 $0x80, v20;
	[tilespmem:v13+s22+$0x0] =	vst.idx.add.f32.msk $0xffff, v7  }
0x11b: {  	v7 =	vor.u32 $0x100, v8;
	[tilespmem:v22+s22+$0x0] =	vst.idx.add.f32.msk $0xffff, v12  }
0x11c: {  	v63 =	vor.u32 $0x100, v19;
	v13 =	vld.idx.msk [tilespmem:v21+s21+$0x0], $0xffff  }
0x11d: {  	v4 =	vor.u32 $0x180, v4;
	v25 =	vld.idx.msk [tilespmem:v5+s21+$0x0], $0xffff  }
0x11e: {  	v26 =	vor.u32 $0x80, v22;
	[tilespmem:v6+s22+$0x0] =	vst.idx.add.f32.msk $0xffff, v2  }
0x11f: {  	v9 =	vor.u32 $0x100, v18;
	v14 =	vor.u32 $0x100, v16;
	[tilespmem:v24+s22+$0x0] =	vst.idx.add.f32.msk $0xffff, v23  }
0x120: {  	v3 =	vor.u32 $0x180, v10;
	v10 =	vor.u32 $0x180, v20;
	v12 =	vor.u32 $0x100, v17;
	v15 =	vld.idx.msk [tilespmem:v7+s21+$0x0], $0xffff  }
0x121: {  	v2 =	vor.u32 $0x180, v11;
	v5 =	vor.u32 $0x180, v16;
	v6 =	vor.u32 $0x180, v17;
	[tilespmem:v63+s22+$0x0] =	vst.idx.add.f32.msk $0xffff, v13  }
0x122: {  	v11 =	vor.u32 $0x180, v22;
	v17 =	vor.u32 $0x180, v19;
	v7 =	vor.u32 $0x100, v20;
	v16 =	vld.idx.msk [tilespmem:v4+s21+$0x0], $0xffff  }
0x123: {  	s30 =	simm.s32 $0x10A0;
	s29 =	simm.s32 $0x4;
	v13 =	vor.u32 $0x180, v8;
	v8 =	vor.u32 $0x100, v22;
	v4 =	vor.u32 $0x180, v18;
	[tilespmem:v26+s22+$0x0] =	vst.idx.add.f32.msk $0xffff, v25  }
.LBB2_7:
0x124: {  	v18 =	vld [tilespmem:s30+$0x10];
	s29 =	sadd.s32 $0x4, s29  }
0x125: {  	v19 =	vld [tilespmem:s30+$0xFFFFFFF0];
	p0 =	slt.u32 s29, $0xF4  }
0x126: {  	v20 =	vld [tilespmem:s30+$0x0]  }
0x127: {  	[tilespmem:v17+s22+$0x0] =	vst.idx.add.f32.msk $0xffff, v16  }
0x128: {  	v16 =	vld [tilespmem:s30+$0xFFFFFFE0]  }
0x129: {  	v17 =	vshrl.u32 v18, $0xE;
	v21 =	vshrl.u32 v18, $0xC;
	v14 =	vld.idx.msk [tilespmem:v14+s21+$0x0], $0xffff  }
0x12a: {  	v22 =	vshrl.u32 v19, $0xE;
	v17 =	vand.u32 $0x7F, v17;
	v21 =	vand.u32 $0xFFE00, v21;
	v12 =	vld.idx.msk [tilespmem:v12+s21+$0x0], $0xffff  }
0x12b: {  	v23 =	vshrl.u32 v19, $0xC;
	v24 =	vshrl.u32 v20, $0xE;
	v17 =	vor.u32 v17, v21;
	[tilespmem:v9+s22+$0x0] =	vst.idx.add.f32.msk $0xffff, v15  }
0x12c: {  	v9 =	vand.u32 $0x7F, v22;
	v15 =	vand.u32 $0xFFE00, v23;
	v21 =	vshrl.u32 v20, $0xC;
	v13 =	vld.idx.msk [tilespmem:v13+s21+$0x0], $0xffff  }
0x12d: {  	v24 =	vand.u32 $0x7F, v24;
	v22 =	vshrl.u32 v16, $0xE;
	v23 =	vshrl.u32 v16, $0xC;
	[tilespmem:v2+s22+$0x0] =	vst.idx.add.f32.msk $0xffff, v0;
	v2 =	vmovc v10  }
0x12e: {  	v21 =	vand.u32 $0xFFE00, v21;
	v0 =	vand.u32 $0x7F, v22;
	v10 =	vand.u32 $0xFFE00, v23;
	[tilespmem:v3+s22+$0x0] =	vst.idx.add.f32.msk $0xffff, v1;
	v3 =	vmovc v11  }
0x12f: {  	v11 =	vor.u32 v9, v15;
	v10 =	vor.u32 v0, v10;
	v0 =	vshll.u32 v18, $0x2;
	[tilespmem:v7+s22+$0x0] =	vst.idx.add.f32.msk $0xffff, v14  }
0x130: {  	v15 =	vor.u32 v24, v21;
	v1 =	vand.u32 $0x7F, v18;
	v7 =	vld.idx.msk [tilespmem:v17+s21+$0x0], $0xffff;
	v0 =	vand.u32 $0xFE00, v0  }
0x131: {  	v9 =	vshll.u32 v16, $0x2;
	v14 =	vshll.u32 v19, $0x2;
	v18 =	vor.u32 v1, v0;
	[tilespmem:v8+s22+$0x0] =	vst.idx.add.f32.msk $0xffff, v12  }
0x132: {  	v8 =	vand.u32 $0xFE00, v9;
	v1 =	vshll.u32 v20, $0x2;
	v9 =	vor.u32 $0x80, v17;
	v0 =	vld.idx.msk [tilespmem:v5+s21+$0x0], $0xffff  }
0x133: {  	v12 =	vand.u32 $0xFE00, v14;
	v5 =	vand.u32 $0x7F, v16;
	v14 =	vand.u32 $0xFE00, v1;
	v1 =	vld.idx.msk [tilespmem:v6+s21+$0x0], $0xffff  }
0x134: {  	v16 =	vor.u32 v5, v8;
	v5 =	vand.u32 $0x7F, v19;
	v8 =	vand.u32 $0x7F, v20;
	v6 =	vld.idx.msk [tilespmem:v10+s21+$0x0], $0xffff  }
0x135: {  	v19 =	vor.u32 $0x80, v10;
	v21 =	vor.u32 v5, v12;
	v22 =	vor.u32 v8, v14;
	v20 =	vld.idx.msk [tilespmem:v11+s21+$0x0], $0xffff  }
0x136: {  	v24 =	vor.u32 $0x80, v11;
	v25 =	vor.u32 $0x80, v15;
	v23 =	vor.u32 $0x80, v16;
	[tilespmem:v18+s22+$0x0] =	vst.idx.add.f32.msk $0xffff, v7  }
0x137: {  	v26 =	vor.u32 $0x100, v10;
	v27 =	vor.u32 $0x80, v21;
	v28 =	vor.u32 $0x80, v22;
	v29 =	vld.idx.msk [tilespmem:v9+s21+$0x0], $0xffff  }
0x138: {  	v31 =	vor.u32 $0x80, v18;
	v14 =	vor.u32 $0x100, v11;
	v12 =	vor.u32 $0x100, v15;
	v30 =	vld.idx.msk [tilespmem:v15+s21+$0x0], $0xffff  }
0x139: {  	v32 =	vor.u32 $0x100, v17;
	v7 =	vor.u32 $0x100, v21;
	v9 =	vor.u32 $0x100, v16;
	[tilespmem:v4+s22+$0x0] =	vst.idx.add.f32.msk $0xffff, v13  }
0x13a: {  	v5 =	vor.u32 $0x180, v11;
	v8 =	vor.u32 $0x100, v22;
	v13 =	vor.u32 $0x180, v10;
	[tilespmem:v16+s22+$0x0] =	vst.idx.add.f32.msk $0xffff, v6  }
0x13b: {  	v4 =	vor.u32 $0x180, v16;
	v10 =	vor.u32 $0x180, v21;
	v6 =	vor.u32 $0x180, v15;
	[tilespmem:v21+s22+$0x0] =	vst.idx.add.f32.msk $0xffff, v20  }
0x13c: {  	v11 =	vor.u32 $0x180, v22;
	v15 =	vld.idx.msk [tilespmem:v19+s21+$0x0], $0xffff  }
0x13d: {  	[tilespmem:v31+s22+$0x0] =	vst.idx.add.f32.msk $0xffff, v29  }
0x13e: {  	v16 =	vld.idx.msk [tilespmem:v32+s21+$0x0], $0xffff  }
0x13f: {  	v19 =	vor.u32 $0x100, v18;
	[tilespmem:v22+s22+$0x0] =	vst.idx.add.f32.msk $0xffff, v30  }
0x140: {  	v17 =	vor.u32 $0x180, v17;
	v20 =	vld.idx.msk [tilespmem:v24+s21+$0x0], $0xffff  }
0x141: {  	v21 =	vld.idx.msk [tilespmem:v25+s21+$0x0], $0xffff  }
0x142: {  	[tilespmem:v23+s22+$0x0] =	vst.idx.add.f32.msk $0xffff, v15  }
.Ltmp2:
0x143: {  	v15 =	vld.idx.msk [tilespmem:v26+s21+$0x0], $0xffff;
	(pc) =	sbr.rel @p0 .LBB2_7-.Ltmp2, $4  }
0x144: {  	[tilespmem:v19+s22+$0x0] =	vst.idx.add.f32.msk $0xffff, v16  }
0x145: {  	v16 =	vld.idx.msk [tilespmem:v17+s21+$0x0], $0xffff  }
0x146: {  	v17 =	vor.u32 $0x180, v18;
	[tilespmem:v27+s22+$0x0] =	vst.idx.add.f32.msk $0xffff, v20  }
0x147: {  	s30 =	sadd.s32 $0x40, s30;
	[tilespmem:v28+s22+$0x0] =	vst.idx.add.f32.msk $0xffff, v21  }
0x148: {  	_ =	sdelay $0x3  }
0x149: {  	v14 =	vld.idx.msk [tilespmem:v14+s21+$0x0], $0xffff  }
0x14a: {  	v12 =	vld.idx.msk [tilespmem:v12+s21+$0x0], $0xffff  }
0x14b: {  	[tilespmem:v9+s22+$0x0] =	vst.idx.add.f32.msk $0xffff, v15  }
0x14c: {  	[tilespmem:v2+s22+$0x0] =	vst.idx.add.f32.msk $0xffff, v0  }
0x14d: {  	v9 =	vld.idx.msk [tilespmem:v13+s21+$0x0], $0xffff  }
0x14e: {  	[tilespmem:v7+s22+$0x0] =	vst.idx.add.f32.msk $0xffff, v14  }
0x14f: {  	[tilespmem:v8+s22+$0x0] =	vst.idx.add.f32.msk $0xffff, v12  }
0x150: {  	v5 =	vld.idx.msk [tilespmem:v5+s21+$0x0], $0xffff  }
0x151: {  	v6 =	vld.idx.msk [tilespmem:v6+s21+$0x0], $0xffff  }
0x152: {  	[tilespmem:v3+s22+$0x0] =	vst.idx.add.f32.msk $0xffff, v1  }
0x153: {  	[tilespmem:v17+s22+$0x0] =	vst.idx.add.f32.msk $0xffff, v16  }
0x154: {  	[tilespmem:v4+s22+$0x0] =	vst.idx.add.f32.msk $0xffff, v9  }
0x155: {  	[tilespmem:v10+s22+$0x0] =	vst.idx.add.f32.msk $0xffff, v5  }
0x156: {  	s29 =	simm.s32 $0x0;
	[tilespmem:v11+s22+$0x0] =	vst.idx.add.f32.msk $0xffff, v6  }
.LBB2_9:
0x157: {  	s30 =	sshra.s32 s29, $0x2  }
0x158: {  	v0 =	vld [tilespmem:s30+$0x1F80];
	_ =	sdelay $0x4  }
0x159: {  	v1 =	vshrl.u32 v0, $0xE;
	v2 =	vshrl.u32 v0, $0xC  }
0x15a: {  	v1 =	vand.u32 $0x7F, v1;
	v2 =	vand.u32 $0xFFE00, v2  }
0x15b: {  	v1 =	vor.u32 v1, v2;
	_ =	sdelay $0x2  }
0x15c: {  	v60 =	vshll.u32 v0, $0x2  }
0x15d: {  	v0 =	vand.u32 $0x7F, v0;
	v2 =	vand.u32 $0xFE00, v60  }
0x15e: {  	v0 =	vor.u32 v0, v2;
	v3 =	vld.idx.msk [tilespmem:v1+s21+$0x0], $0xffff  }
0x15f: {  	v61 =	vor.u32 $0x80, v1;
	_ =	sdelay $0x3  }
0x160: {  	[tilespmem:v0+s22+$0x0] =	vst.idx.add.f32.msk $0xffff, v3  }
0x161: {  	v62 =	vor.u32 $0x80, v0;
	v2 =	vld.idx.msk [tilespmem:v61+s21+$0x0], $0xffff  }
0x162: {  	v4 =	vor.u32 $0x100, v1;
	_ =	sdelay $0x3  }
0x163: {  	[tilespmem:v62+s22+$0x0] =	vst.idx.add.f32.msk $0xffff, v2  }
0x164: {  	v63 =	vor.u32 $0x100, v0;
	v2 =	vld.idx.msk [tilespmem:v4+s21+$0x0], $0xffff  }
0x165: {  	v1 =	vor.u32 $0x180, v1;
	_ =	sdelay $0x3  }
0x166: {  	[tilespmem:v63+s22+$0x0] =	vst.idx.add.f32.msk $0xffff, v2  }
0x167: {  	p0 =	sne.s32 s29, $0x40;
	v0 =	vor.u32 $0x180, v0;
	v1 =	vld.idx.msk [tilespmem:v1+s21+$0x0], $0xffff  }
.Ltmp3:
0x168: {  	_ = 	snop;
	(pc) =	sbr.rel @p0 .LBB2_9-.Ltmp3, $2  }
0x169: {  	_ =	sdelay $0x2  }
0x16a: {  	s29 =	sadd.s32 $0x40, s29;
	[tilespmem:v0+s22+$0x0] =	vst.idx.add.f32.msk $0xffff, v1  }
0x16b: {  	s28 =	sadd.s32 $0x1, s28  }
0x16c: {  	p0 =	sne.s32 s28, $0x28  }
.Ltmp4:
0x16d: {  	_ = 	snop;
	(pc) =	sbr.rel @p0 .LBB2_2-.Ltmp4, $1  }
0x16e: {  	_ =	sdelay $0x3  }
0x16f: {  	s28 =	simm.s32 $0x0  }
0x170: {  	[hbm4b:s16+s28] =	stream.linear.scatter [tilespmem:s22], [sflag:$0x3], $0x9E00, $0x38;
	[tilespmem:$0x1AA20] =	vst v63  }
0x171: {  	_ =	swait.ge [sflag:s20], $0x9E00  }
0x172: {  	[sflag:s20] =	ssyncset.done $0x0  }
0x173: {  	[sflag:s20] =	ssyncadd.s32 $0xFFFF6200  }
0x174: {  	[tilespmem:s21], [sflag:$0x3] =	stream.linear.gather [hbm4b:s17+s28], $0x9E00, $0x38;
	[tilespmem:$0x1AA20] =	vst v63  }
0x175: {  	_ =	swait.ge [sflag:s20], $0x9E00  }
0x176: {  	[sflag:s20] =	ssyncset.done $0x0  }
0x177: {  	[sflag:s20] =	ssyncadd.s32 $0xFFFF6200  }
0x178: {  	[tilespmem:s22], [sflag:$0x3] =	stream.linear.gather [hbm4b:s4+s28], $0x9E00, $0x38;
	[tilespmem:$0x1AA20] =	vst v63  }
0x179: {  	_ =	swait.ge [sflag:s20], $0x9E00  }
0x17a: {  	[sflag:s20] =	ssyncset.done $0x0  }
0x17b: {  	[sflag:s20] =	ssyncadd.s32 $0xFFFF6200  }
0x17c: {  	[tilespmem:s28], [sflag:$0x1] =	stream.linear.gather [spmem:s1], $0xFA0, $0x38;
	[tilespmem:$0x1AA20] =	vst v63  }
.LBB2_12:
0x17d: {  	s29 =	smul.u32 $0x7D00, s28;
	_ =	sdelay $0x1  }
0x17e: {  	s29 =	sshra.s32 s29, $0x2  }
0x17f: {  	s29 =	sadd.s32 s29, s1  }
0x180: {  	s30 =	sadd.s32 $0xFA0, s29  }
0x181: {  	[tilespmem:s23], [sflag:$0x2] =	stream.linear.gather [spmem:s30], $0xFA0, $0x38;
	[tilespmem:$0x1AA20] =	vst v63  }
0x182: {  	_ =	swait.ge [sflag:s24], $0xFA0  }
0x183: {  	[sflag:s24] =	ssyncset.done $0x0  }
0x184: {  	s30 =	simm.s32 $0x20;
	[sflag:s24] =	ssyncadd.s32 $0xFFFFF060  }
0x185: {  	v0 =	vld [tilespmem:s30+$0x10]  }
0x186: {  	v1 =	vld [tilespmem:s30+$0xFFFFFFF0]  }
0x187: {  	v2 =	vld [tilespmem:s30+$0x0]  }
0x188: {  	v3 =	vld [tilespmem:s30+$0xFFFFFFE0];
	_ =	sdelay $0x1  }
0x189: {  	v4 =	vshrl.u32 v0, $0xE  }
0x18a: {  	v5 =	vshrl.u32 v0, $0xC;
	v6 =	vshrl.u32 v1, $0xE;
	v7 =	vshrl.u32 v1, $0xC  }
0x18b: {  	v8 =	vshrl.u32 v2, $0xE;
	v4 =	vand.u32 $0x7F, v4;
	v5 =	vand.u32 $0xFFE00, v5  }
0x18c: {  	v9 =	vshrl.u32 v3, $0xC;
	v10 =	vshrl.u32 v2, $0xC;
	v4 =	vor.u32 v4, v5  }
0x18d: {  	v11 =	vshll.u32 v1, $0x2;
	v5 =	vand.u32 $0x7F, v6;
	v6 =	vshrl.u32 v3, $0xE  }
0x18e: {  	v7 =	vand.u32 $0xFFE00, v7;
	v9 =	vand.u32 $0xFFE00, v9;
	v6 =	vand.u32 $0x7F, v6  }
0x18f: {  	v5 =	vor.u32 v5, v7;
	v6 =	vor.u32 v6, v9;
	v9 =	vshll.u32 v0, $0x2  }
0x190: {  	v1 =	vand.u32 $0x7F, v1;
	v0 =	vand.u32 $0x7F, v0;
	v7 =	vand.u32 $0xFE00, v9  }
0x191: {  	v8 =	vand.u32 $0x7F, v8;
	v9 =	vand.u32 $0xFFE00, v10;
	v0 =	vor.u32 v0, v7;
	v10 =	vld.idx.msk [tilespmem:v4+s21+$0x0], $0xffff  }
0x192: {  	v7 =	vor.u32 v8, v9;
	v8 =	vshll.u32 v3, $0x2;
	v9 =	vor.u32 $0x80, v4  }
0x193: {  	v11 =	vand.u32 $0xFE00, v11;
	v3 =	vand.u32 $0x7F, v3;
	v8 =	vand.u32 $0xFE00, v8  }
0x194: {  	v11 =	vor.u32 v1, v11;
	v3 =	vor.u32 v3, v8;
	v8 =	vld.idx.msk [tilespmem:v5+s21+$0x0], $0xffff  }
0x195: {  	v12 =	vld.idx.msk [tilespmem:v6+s21+$0x0], $0xffff  }
0x196: {  	v1 =	vor.u32 $0x80, v6;
	[tilespmem:v0+s22+$0x0] =	vst.idx.add.f32.msk $0xffff, v10  }
0x197: {  	v13 =	vor.u32 $0x80, v0;
	v10 =	vshll.u32 v2, $0x2;
	v9 =	vld.idx.msk [tilespmem:v9+s21+$0x0], $0xffff  }
0x198: {  	v15 =	vor.u32 $0x100, v4;
	v14 =	vld.idx.msk [tilespmem:v7+s21+$0x0], $0xffff;
	v2 =	vand.u32 $0x7F, v2;
	v10 =	vand.u32 $0xFE00, v10  }
0x199: {  	[tilespmem:v11+s22+$0x0] =	vst.idx.add.f32.msk $0xffff, v8;
	v10 =	vor.u32 v2, v10  }
0x19a: {  	[tilespmem:v3+s22+$0x0] =	vst.idx.add.f32.msk $0xffff, v12;
	v2 =	vor.u32 $0x80, v5  }
0x19b: {  	v8 =	vor.u32 $0x80, v7;
	v1 =	vld.idx.msk [tilespmem:v1+s21+$0x0], $0xffff  }
0x19c: {  	v12 =	vor.u32 $0x80, v3;
	[tilespmem:v13+s22+$0x0] =	vst.idx.add.f32.msk $0xffff, v9  }
0x19d: {  	v13 =	vld.idx.msk [tilespmem:v15+s21+$0x0], $0xffff  }
0x19e: {  	v9 =	vor.u32 $0x100, v6;
	[tilespmem:v10+s22+$0x0] =	vst.idx.add.f32.msk $0xffff, v14  }
0x19f: {  	v14 =	vor.u32 $0x100, v0;
	v2 =	vld.idx.msk [tilespmem:v2+s21+$0x0], $0xffff  }
0x1a0: {  	v15 =	vor.u32 $0x80, v11;
	v8 =	vld.idx.msk [tilespmem:v8+s21+$0x0], $0xffff  }
0x1a1: {  	s30 =	simm.s32 $0x60;
	[tilespmem:v12+s22+$0x0] =	vst.idx.add.f32.msk $0xffff, v1  }
0x1a2: {  	v4 =	vor.u32 $0x180, v4;
	v12 =	vld [tilespmem:s30+$0x10]  }
0x1a3: {  	v1 =	vor.u32 $0x80, v10;
	v9 =	vld.idx.msk [tilespmem:v9+s21+$0x0], $0xffff  }
0x1a4: {  	[tilespmem:v14+s22+$0x0] =	vst.idx.add.f32.msk $0xffff, v13  }
0x1a5: {  	[tilespmem:v15+s22+$0x0] =	vst.idx.add.f32.msk $0xffff, v2  }
0x1a6: {  	v13 =	vor.u32 $0x100, v5;
	v2 =	vld [tilespmem:s30+$0xFFFFFFF0]  }
0x1a7: {  	v0 =	vor.u32 $0x180, v0;
	v4 =	vld.idx.msk [tilespmem:v4+s21+$0x0], $0xffff  }
0x1a8: {  	[tilespmem:v1+s22+$0x0] =	vst.idx.add.f32.msk $0xffff, v8;
	v1 =	vor.u32 $0x100, v7  }
0x1a9: {  	v14 =	vld [tilespmem:s30+$0xFFFFFFE0];
	v8 =	vor.u32 $0x100, v3  }
0x1aa: {  	v6 =	vor.u32 $0x180, v6;
	v15 =	vld [tilespmem:s30+$0x0];
	v16 =	vshrl.u32 v12, $0xE;
	v17 =	vshrl.u32 v12, $0xC  }
0x1ab: {  	v18 =	vor.u32 $0x100, v11;
	v16 =	vand.u32 $0x7F, v16;
	v17 =	vand.u32 $0xFFE00, v17;
	v13 =	vld.idx.msk [tilespmem:v13+s21+$0x0], $0xffff  }
0x1ac: {  	v5 =	vor.u32 $0x180, v5;
	[tilespmem:v0+s22+$0x0] =	vst.idx.add.f32.msk $0xffff, v4;
	v4 =	vor.u32 v16, v17  }
0x1ad: {  	v7 =	vor.u32 $0x180, v7;
	v3 =	vor.u32 $0x180, v3;
	v0 =	vor.u32 $0x100, v10;
	v1 =	vld.idx.msk [tilespmem:v1+s21+$0x0], $0xffff  }
0x1ae: {  	v16 =	vshrl.u32 v2, $0xE;
	[tilespmem:v8+s22+$0x0] =	vst.idx.add.f32.msk $0xffff, v9;
	v8 =	vshrl.u32 v14, $0xE;
	v9 =	vshrl.u32 v14, $0xC  }
0x1af: {  	v17 =	vshrl.u32 v2, $0xC;
	v6 =	vld.idx.msk [tilespmem:v6+s21+$0x0], $0xffff;
	v8 =	vand.u32 $0x7F, v8;
	v9 =	vand.u32 $0xFFE00, v9  }
0x1b0: {  	v16 =	vand.u32 $0x7F, v16;
	v17 =	vand.u32 $0xFFE00, v17;
	v8 =	vor.u32 v8, v9;
	[tilespmem:v18+s22+$0x0] =	vst.idx.add.f32.msk $0xffff, v13  }
0x1b1: {  	v9 =	vshll.u32 v12, $0x2;
	v16 =	vor.u32 v16, v17;
	v12 =	vand.u32 $0x7F, v12;
	v13 =	vld.idx.msk [tilespmem:v4+s21+$0x0], $0xffff  }
0x1b2: {  	v17 =	vshrl.u32 v15, $0xE;
	v9 =	vand.u32 $0xFE00, v9;
	v18 =	vshrl.u32 v15, $0xC;
	[tilespmem:v0+s22+$0x0] =	vst.idx.add.f32.msk $0xffff, v1  }
0x1b3: {  	v19 =	vor.u32 v12, v9;
	v1 =	vand.u32 $0x7F, v17;
	v9 =	vand.u32 $0xFFE00, v18;
	v0 =	vld.idx.msk [tilespmem:v5+s21+$0x0], $0xffff  }
0x1b4: {  	v12 =	vor.u32 $0x80, v4;
	v5 =	vshll.u32 v14, $0x2;
	v17 =	vor.u32 v1, v9;
	v1 =	vld.idx.msk [tilespmem:v7+s21+$0x0], $0xffff  }
0x1b5: {  	v7 =	vshll.u32 v2, $0x2;
	v5 =	vand.u32 $0xFE00, v5;
	v9 =	vand.u32 $0x7F, v14;
	[tilespmem:v3+s22+$0x0] =	vst.idx.add.f32.msk $0xffff, v6  }
0x1b6: {  	v2 =	vand.u32 $0x7F, v2;
	v14 =	vld.idx.msk [tilespmem:v8+s21+$0x0], $0xffff;
	v7 =	vand.u32 $0xFE00, v7;
	v18 =	vor.u32 v9, v5  }
0x1b7: {  	v5 =	vld.idx.msk [tilespmem:v16+s21+$0x0], $0xffff;
	v20 =	vor.u32 v2, v7  }
0x1b8: {  	v2 =	vor.u32 $0x80, v8;
	[tilespmem:v19+s22+$0x0] =	vst.idx.add.f32.msk $0xffff, v13  }
0x1b9: {  	v3 =	vor.u32 $0x80, v16;
	v9 =	vshll.u32 v15, $0x2;
	v7 =	vld.idx.msk [tilespmem:v12+s21+$0x0], $0xffff  }
0x1ba: {  	v15 =	vand.u32 $0x7F, v15;
	v9 =	vand.u32 $0xFE00, v9;
	v13 =	vor.u32 $0x80, v19;
	v12 =	vld.idx.msk [tilespmem:v17+s21+$0x0], $0xffff  }
0x1bb: {  	v22 =	vor.u32 v15, v9;
	[tilespmem:v18+s22+$0x0] =	vst.idx.add.f32.msk $0xffff, v14  }
0x1bc: {  	v21 =	vor.u32 $0x100, v4;
	[tilespmem:v20+s22+$0x0] =	vst.idx.add.f32.msk $0xffff, v5  }
0x1bd: {  	v5 =	vor.u32 $0x80, v17;
	v2 =	vld.idx.msk [tilespmem:v2+s21+$0x0], $0xffff  }
0x1be: {  	v6 =	vor.u32 $0x80, v18;
	v23 =	vld.idx.msk [tilespmem:v3+s21+$0x0], $0xffff  }
0x1bf: {  	v24 =	vor.u32 $0x80, v20;
	[tilespmem:v13+s22+$0x0] =	vst.idx.add.f32.msk $0xffff, v7  }
0x1c0: {  	v7 =	vor.u32 $0x100, v8;
	[tilespmem:v22+s22+$0x0] =	vst.idx.add.f32.msk $0xffff, v12  }
0x1c1: {  	v63 =	vor.u32 $0x100, v19;
	v13 =	vld.idx.msk [tilespmem:v21+s21+$0x0], $0xffff  }
0x1c2: {  	v4 =	vor.u32 $0x180, v4;
	v25 =	vld.idx.msk [tilespmem:v5+s21+$0x0], $0xffff  }
0x1c3: {  	v26 =	vor.u32 $0x80, v22;
	[tilespmem:v6+s22+$0x0] =	vst.idx.add.f32.msk $0xffff, v2  }
0x1c4: {  	v9 =	vor.u32 $0x100, v18;
	v14 =	vor.u32 $0x100, v16;
	[tilespmem:v24+s22+$0x0] =	vst.idx.add.f32.msk $0xffff, v23  }
0x1c5: {  	v3 =	vor.u32 $0x180, v10;
	v10 =	vor.u32 $0x180, v20;
	v12 =	vor.u32 $0x100, v17;
	v15 =	vld.idx.msk [tilespmem:v7+s21+$0x0], $0xffff  }
0x1c6: {  	v2 =	vor.u32 $0x180, v11;
	v5 =	vor.u32 $0x180, v16;
	v6 =	vor.u32 $0x180, v17;
	[tilespmem:v63+s22+$0x0] =	vst.idx.add.f32.msk $0xffff, v13  }
0x1c7: {  	v11 =	vor.u32 $0x180, v22;
	v17 =	vor.u32 $0x180, v19;
	v7 =	vor.u32 $0x100, v20;
	v16 =	vld.idx.msk [tilespmem:v4+s21+$0x0], $0xffff  }
0x1c8: {  	s31 =	simm.s32 $0xA0;
	s30 =	simm.s32 $0x4;
	v13 =	vor.u32 $0x180, v8;
	v8 =	vor.u32 $0x100, v22;
	v4 =	vor.u32 $0x180, v18;
	[tilespmem:v26+s22+$0x0] =	vst.idx.add.f32.msk $0xffff, v25  }
.LBB2_13:
0x1c9: {  	v18 =	vld [tilespmem:s31+$0x10];
	s30 =	sadd.s32 $0x4, s30  }
0x1ca: {  	v19 =	vld [tilespmem:s31+$0xFFFFFFF0];
	p0 =	slt.u32 s30, $0xF4  }
0x1cb: {  	v20 =	vld [tilespmem:s31+$0x0]  }
0x1cc: {  	[tilespmem:v17+s22+$0x0] =	vst.idx.add.f32.msk $0xffff, v16  }
0x1cd: {  	v16 =	vld [tilespmem:s31+$0xFFFFFFE0]  }
0x1ce: {  	v17 =	vshrl.u32 v18, $0xE;
	v21 =	vshrl.u32 v18, $0xC;
	v14 =	vld.idx.msk [tilespmem:v14+s21+$0x0], $0xffff  }
0x1cf: {  	v22 =	vshrl.u32 v19, $0xE;
	v17 =	vand.u32 $0x7F, v17;
	v21 =	vand.u32 $0xFFE00, v21;
	v12 =	vld.idx.msk [tilespmem:v12+s21+$0x0], $0xffff  }
0x1d0: {  	v23 =	vshrl.u32 v19, $0xC;
	v24 =	vshrl.u32 v20, $0xE;
	v17 =	vor.u32 v17, v21;
	[tilespmem:v9+s22+$0x0] =	vst.idx.add.f32.msk $0xffff, v15  }
0x1d1: {  	v9 =	vand.u32 $0x7F, v22;
	v15 =	vand.u32 $0xFFE00, v23;
	v21 =	vshrl.u32 v20, $0xC;
	v13 =	vld.idx.msk [tilespmem:v13+s21+$0x0], $0xffff  }
0x1d2: {  	v24 =	vand.u32 $0x7F, v24;
	v22 =	vshrl.u32 v16, $0xE;
	v23 =	vshrl.u32 v16, $0xC;
	[tilespmem:v2+s22+$0x0] =	vst.idx.add.f32.msk $0xffff, v0;
	v2 =	vmovc v10  }
0x1d3: {  	v21 =	vand.u32 $0xFFE00, v21;
	v0 =	vand.u32 $0x7F, v22;
	v10 =	vand.u32 $0xFFE00, v23;
	[tilespmem:v3+s22+$0x0] =	vst.idx.add.f32.msk $0xffff, v1;
	v3 =	vmovc v11  }
0x1d4: {  	v11 =	vor.u32 v9, v15;
	v10 =	vor.u32 v0, v10;
	v0 =	vshll.u32 v18, $0x2;
	[tilespmem:v7+s22+$0x0] =	vst.idx.add.f32.msk $0xffff, v14  }
0x1d5: {  	v15 =	vor.u32 v24, v21;
	v1 =	vand.u32 $0x7F, v18;
	v7 =	vld.idx.msk [tilespmem:v17+s21+$0x0], $0xffff;
	v0 =	vand.u32 $0xFE00, v0  }
0x1d6: {  	v9 =	vshll.u32 v16, $0x2;
	v14 =	vshll.u32 v19, $0x2;
	v18 =	vor.u32 v1, v0;
	[tilespmem:v8+s22+$0x0] =	vst.idx.add.f32.msk $0xffff, v12  }
0x1d7: {  	v8 =	vand.u32 $0xFE00, v9;
	v1 =	vshll.u32 v20, $0x2;
	v9 =	vor.u32 $0x80, v17;
	v0 =	vld.idx.msk [tilespmem:v5+s21+$0x0], $0xffff  }
0x1d8: {  	v12 =	vand.u32 $0xFE00, v14;
	v5 =	vand.u32 $0x7F, v16;
	v14 =	vand.u32 $0xFE00, v1;
	v1 =	vld.idx.msk [tilespmem:v6+s21+$0x0], $0xffff  }
0x1d9: {  	v16 =	vor.u32 v5, v8;
	v5 =	vand.u32 $0x7F, v19;
	v8 =	vand.u32 $0x7F, v20;
	v6 =	vld.idx.msk [tilespmem:v10+s21+$0x0], $0xffff  }
0x1da: {  	v19 =	vor.u32 $0x80, v10;
	v21 =	vor.u32 v5, v12;
	v22 =	vor.u32 v8, v14;
	v20 =	vld.idx.msk [tilespmem:v11+s21+$0x0], $0xffff  }
0x1db: {  	v24 =	vor.u32 $0x80, v11;
	v25 =	vor.u32 $0x80, v15;
	v23 =	vor.u32 $0x80, v16;
	[tilespmem:v18+s22+$0x0] =	vst.idx.add.f32.msk $0xffff, v7  }
0x1dc: {  	v26 =	vor.u32 $0x100, v10;
	v27 =	vor.u32 $0x80, v21;
	v28 =	vor.u32 $0x80, v22;
	v29 =	vld.idx.msk [tilespmem:v9+s21+$0x0], $0xffff  }
0x1dd: {  	v31 =	vor.u32 $0x80, v18;
	v14 =	vor.u32 $0x100, v11;
	v12 =	vor.u32 $0x100, v15;
	v30 =	vld.idx.msk [tilespmem:v15+s21+$0x0], $0xffff  }
0x1de: {  	v32 =	vor.u32 $0x100, v17;
	v7 =	vor.u32 $0x100, v21;
	v9 =	vor.u32 $0x100, v16;
	[tilespmem:v4+s22+$0x0] =	vst.idx.add.f32.msk $0xffff, v13  }
0x1df: {  	v5 =	vor.u32 $0x180, v11;
	v8 =	vor.u32 $0x100, v22;
	v13 =	vor.u32 $0x180, v10;
	[tilespmem:v16+s22+$0x0] =	vst.idx.add.f32.msk $0xffff, v6  }
0x1e0: {  	v4 =	vor.u32 $0x180, v16;
	v10 =	vor.u32 $0x180, v21;
	v6 =	vor.u32 $0x180, v15;
	[tilespmem:v21+s22+$0x0] =	vst.idx.add.f32.msk $0xffff, v20  }
0x1e1: {  	v11 =	vor.u32 $0x180, v22;
	v15 =	vld.idx.msk [tilespmem:v19+s21+$0x0], $0xffff  }
0x1e2: {  	[tilespmem:v31+s22+$0x0] =	vst.idx.add.f32.msk $0xffff, v29  }
0x1e3: {  	v16 =	vld.idx.msk [tilespmem:v32+s21+$0x0], $0xffff  }
0x1e4: {  	v19 =	vor.u32 $0x100, v18;
	[tilespmem:v22+s22+$0x0] =	vst.idx.add.f32.msk $0xffff, v30  }
0x1e5: {  	v17 =	vor.u32 $0x180, v17;
	v20 =	vld.idx.msk [tilespmem:v24+s21+$0x0], $0xffff  }
0x1e6: {  	v21 =	vld.idx.msk [tilespmem:v25+s21+$0x0], $0xffff  }
0x1e7: {  	[tilespmem:v23+s22+$0x0] =	vst.idx.add.f32.msk $0xffff, v15  }
.Ltmp5:
0x1e8: {  	v15 =	vld.idx.msk [tilespmem:v26+s21+$0x0], $0xffff;
	(pc) =	sbr.rel @p0 .LBB2_13-.Ltmp5, $4  }
0x1e9: {  	[tilespmem:v19+s22+$0x0] =	vst.idx.add.f32.msk $0xffff, v16  }
0x1ea: {  	v16 =	vld.idx.msk [tilespmem:v17+s21+$0x0], $0xffff  }
0x1eb: {  	v17 =	vor.u32 $0x180, v18;
	[tilespmem:v27+s22+$0x0] =	vst.idx.add.f32.msk $0xffff, v20  }
0x1ec: {  	s31 =	sadd.s32 $0x40, s31;
	[tilespmem:v28+s22+$0x0] =	vst.idx.add.f32.msk $0xffff, v21  }
0x1ed: {  	_ =	sdelay $0x3  }
0x1ee: {  	v14 =	vld.idx.msk [tilespmem:v14+s21+$0x0], $0xffff  }
0x1ef: {  	v12 =	vld.idx.msk [tilespmem:v12+s21+$0x0], $0xffff  }
0x1f0: {  	[tilespmem:v9+s22+$0x0] =	vst.idx.add.f32.msk $0xffff, v15  }
0x1f1: {  	[tilespmem:v2+s22+$0x0] =	vst.idx.add.f32.msk $0xffff, v0  }
0x1f2: {  	v9 =	vld.idx.msk [tilespmem:v13+s21+$0x0], $0xffff  }
0x1f3: {  	[tilespmem:v7+s22+$0x0] =	vst.idx.add.f32.msk $0xffff, v14  }
0x1f4: {  	[tilespmem:v8+s22+$0x0] =	vst.idx.add.f32.msk $0xffff, v12  }
0x1f5: {  	v5 =	vld.idx.msk [tilespmem:v5+s21+$0x0], $0xffff  }
0x1f6: {  	v6 =	vld.idx.msk [tilespmem:v6+s21+$0x0], $0xffff  }
0x1f7: {  	[tilespmem:v3+s22+$0x0] =	vst.idx.add.f32.msk $0xffff, v1  }
0x1f8: {  	[tilespmem:v17+s22+$0x0] =	vst.idx.add.f32.msk $0xffff, v16  }
0x1f9: {  	[tilespmem:v4+s22+$0x0] =	vst.idx.add.f32.msk $0xffff, v9  }
0x1fa: {  	[tilespmem:v10+s22+$0x0] =	vst.idx.add.f32.msk $0xffff, v5  }
0x1fb: {  	s30 =	simm.s32 $0x0;
	[tilespmem:v11+s22+$0x0] =	vst.idx.add.f32.msk $0xffff, v6  }
.LBB2_15:
0x1fc: {  	s31 =	sshra.s32 s30, $0x2  }
0x1fd: {  	v0 =	vld [tilespmem:s31+$0xF80];
	_ =	sdelay $0x4  }
0x1fe: {  	v1 =	vshrl.u32 v0, $0xE;
	v2 =	vshrl.u32 v0, $0xC  }
0x1ff: {  	v1 =	vand.u32 $0x7F, v1;
	v2 =	vand.u32 $0xFFE00, v2  }
0x200: {  	v1 =	vor.u32 v1, v2;
	_ =	sdelay $0x2  }
0x201: {  	v60 =	vshll.u32 v0, $0x2  }
0x202: {  	v0 =	vand.u32 $0x7F, v0;
	v2 =	vand.u32 $0xFE00, v60  }
0x203: {  	v0 =	vor.u32 v0, v2;
	v3 =	vld.idx.msk [tilespmem:v1+s21+$0x0], $0xffff  }
0x204: {  	v61 =	vor.u32 $0x80, v1;
	_ =	sdelay $0x3  }
0x205: {  	[tilespmem:v0+s22+$0x0] =	vst.idx.add.f32.msk $0xffff, v3  }
0x206: {  	v62 =	vor.u32 $0x80, v0;
	v2 =	vld.idx.msk [tilespmem:v61+s21+$0x0], $0xffff  }
0x207: {  	v4 =	vor.u32 $0x100, v1;
	_ =	sdelay $0x3  }
0x208: {  	[tilespmem:v62+s22+$0x0] =	vst.idx.add.f32.msk $0xffff, v2  }
0x209: {  	v63 =	vor.u32 $0x100, v0;
	v2 =	vld.idx.msk [tilespmem:v4+s21+$0x0], $0xffff  }
0x20a: {  	v1 =	vor.u32 $0x180, v1;
	_ =	sdelay $0x3  }
0x20b: {  	[tilespmem:v63+s22+$0x0] =	vst.idx.add.f32.msk $0xffff, v2  }
0x20c: {  	p0 =	sne.s32 s30, $0x40;
	v0 =	vor.u32 $0x180, v0;
	v1 =	vld.idx.msk [tilespmem:v1+s21+$0x0], $0xffff  }
.Ltmp6:
0x20d: {  	_ = 	snop;
	(pc) =	sbr.rel @p0 .LBB2_15-.Ltmp6, $2  }
0x20e: {  	_ =	sdelay $0x2  }
0x20f: {  	s30 =	sadd.s32 $0x40, s30;
	[tilespmem:v0+s22+$0x0] =	vst.idx.add.f32.msk $0xffff, v1  }
0x210: {  	p0 =	seq.s32 s28, $0x27  }
0x211: {  	s29 =	sadd.s32 @!p0 $0x1F40, s29;
	s30 =	simm.s32 @!p0 $0x0  }
0x212: {  	[tilespmem:s30], [sflag:$0x1] =	stream.linear.gather @!p0 [spmem:s29], $0xFA0, $0x38;
	[tilespmem:$0x1AA20] =	vst v63  }
0x213: {  	_ =	swait.ge [sflag:s25], $0xFA0  }
0x214: {  	[sflag:s25] =	ssyncset.done $0x0  }
0x215: {  	s29 =	simm.s32 $0x1020;
	[sflag:s25] =	ssyncadd.s32 $0xFFFFF060  }
0x216: {  	v0 =	vld [tilespmem:s29+$0x10]  }
0x217: {  	v1 =	vld [tilespmem:s29+$0xFFFFFFF0]  }
0x218: {  	v2 =	vld [tilespmem:s29+$0x0]  }
0x219: {  	v3 =	vld [tilespmem:s29+$0xFFFFFFE0];
	_ =	sdelay $0x1  }
0x21a: {  	v4 =	vshrl.u32 v0, $0xE  }
0x21b: {  	v5 =	vshrl.u32 v0, $0xC;
	v6 =	vshrl.u32 v1, $0xE;
	v7 =	vshrl.u32 v1, $0xC  }
0x21c: {  	v8 =	vshrl.u32 v2, $0xE;
	v4 =	vand.u32 $0x7F, v4;
	v5 =	vand.u32 $0xFFE00, v5  }
0x21d: {  	v9 =	vshrl.u32 v3, $0xC;
	v10 =	vshrl.u32 v2, $0xC;
	v4 =	vor.u32 v4, v5  }
0x21e: {  	v11 =	vshll.u32 v1, $0x2;
	v5 =	vand.u32 $0x7F, v6;
	v6 =	vshrl.u32 v3, $0xE  }
0x21f: {  	v7 =	vand.u32 $0xFFE00, v7;
	v9 =	vand.u32 $0xFFE00, v9;
	v6 =	vand.u32 $0x7F, v6  }
0x220: {  	v5 =	vor.u32 v5, v7;
	v6 =	vor.u32 v6, v9;
	v9 =	vshll.u32 v0, $0x2  }
0x221: {  	v1 =	vand.u32 $0x7F, v1;
	v0 =	vand.u32 $0x7F, v0;
	v7 =	vand.u32 $0xFE00, v9  }
0x222: {  	v8 =	vand.u32 $0x7F, v8;
	v9 =	vand.u32 $0xFFE00, v10;
	v0 =	vor.u32 v0, v7;
	v10 =	vld.idx.msk [tilespmem:v4+s21+$0x0], $0xffff  }
0x223: {  	v7 =	vor.u32 v8, v9;
	v8 =	vshll.u32 v3, $0x2;
	v9 =	vor.u32 $0x80, v4  }
0x224: {  	v11 =	vand.u32 $0xFE00, v11;
	v3 =	vand.u32 $0x7F, v3;
	v8 =	vand.u32 $0xFE00, v8  }
0x225: {  	v11 =	vor.u32 v1, v11;
	v3 =	vor.u32 v3, v8;
	v8 =	vld.idx.msk [tilespmem:v5+s21+$0x0], $0xffff  }
0x226: {  	v12 =	vld.idx.msk [tilespmem:v6+s21+$0x0], $0xffff  }
0x227: {  	v1 =	vor.u32 $0x80, v6;
	[tilespmem:v0+s22+$0x0] =	vst.idx.add.f32.msk $0xffff, v10  }
0x228: {  	v13 =	vor.u32 $0x80, v0;
	v10 =	vshll.u32 v2, $0x2;
	v9 =	vld.idx.msk [tilespmem:v9+s21+$0x0], $0xffff  }
0x229: {  	v15 =	vor.u32 $0x100, v4;
	v14 =	vld.idx.msk [tilespmem:v7+s21+$0x0], $0xffff;
	v2 =	vand.u32 $0x7F, v2;
	v10 =	vand.u32 $0xFE00, v10  }
0x22a: {  	[tilespmem:v11+s22+$0x0] =	vst.idx.add.f32.msk $0xffff, v8;
	v10 =	vor.u32 v2, v10  }
0x22b: {  	[tilespmem:v3+s22+$0x0] =	vst.idx.add.f32.msk $0xffff, v12;
	v2 =	vor.u32 $0x80, v5  }
0x22c: {  	v8 =	vor.u32 $0x80, v7;
	v1 =	vld.idx.msk [tilespmem:v1+s21+$0x0], $0xffff  }
0x22d: {  	v12 =	vor.u32 $0x80, v3;
	[tilespmem:v13+s22+$0x0] =	vst.idx.add.f32.msk $0xffff, v9  }
0x22e: {  	v13 =	vld.idx.msk [tilespmem:v15+s21+$0x0], $0xffff  }
0x22f: {  	v9 =	vor.u32 $0x100, v6;
	[tilespmem:v10+s22+$0x0] =	vst.idx.add.f32.msk $0xffff, v14  }
0x230: {  	v14 =	vor.u32 $0x100, v0;
	v2 =	vld.idx.msk [tilespmem:v2+s21+$0x0], $0xffff  }
0x231: {  	v15 =	vor.u32 $0x80, v11;
	v8 =	vld.idx.msk [tilespmem:v8+s21+$0x0], $0xffff  }
0x232: {  	s29 =	simm.s32 $0x1060;
	[tilespmem:v12+s22+$0x0] =	vst.idx.add.f32.msk $0xffff, v1  }
0x233: {  	v4 =	vor.u32 $0x180, v4;
	v12 =	vld [tilespmem:s29+$0x10]  }
0x234: {  	v1 =	vor.u32 $0x80, v10;
	v9 =	vld.idx.msk [tilespmem:v9+s21+$0x0], $0xffff  }
0x235: {  	[tilespmem:v14+s22+$0x0] =	vst.idx.add.f32.msk $0xffff, v13  }
0x236: {  	[tilespmem:v15+s22+$0x0] =	vst.idx.add.f32.msk $0xffff, v2  }
0x237: {  	v13 =	vor.u32 $0x100, v5;
	v2 =	vld [tilespmem:s29+$0xFFFFFFF0]  }
0x238: {  	v0 =	vor.u32 $0x180, v0;
	v4 =	vld.idx.msk [tilespmem:v4+s21+$0x0], $0xffff  }
0x239: {  	[tilespmem:v1+s22+$0x0] =	vst.idx.add.f32.msk $0xffff, v8;
	v1 =	vor.u32 $0x100, v7  }
0x23a: {  	v14 =	vld [tilespmem:s29+$0xFFFFFFE0];
	v8 =	vor.u32 $0x100, v3  }
0x23b: {  	v6 =	vor.u32 $0x180, v6;
	v15 =	vld [tilespmem:s29+$0x0];
	v16 =	vshrl.u32 v12, $0xE;
	v17 =	vshrl.u32 v12, $0xC  }
0x23c: {  	v18 =	vor.u32 $0x100, v11;
	v16 =	vand.u32 $0x7F, v16;
	v17 =	vand.u32 $0xFFE00, v17;
	v13 =	vld.idx.msk [tilespmem:v13+s21+$0x0], $0xffff  }
0x23d: {  	v5 =	vor.u32 $0x180, v5;
	[tilespmem:v0+s22+$0x0] =	vst.idx.add.f32.msk $0xffff, v4;
	v4 =	vor.u32 v16, v17  }
0x23e: {  	v7 =	vor.u32 $0x180, v7;
	v3 =	vor.u32 $0x180, v3;
	v0 =	vor.u32 $0x100, v10;
	v1 =	vld.idx.msk [tilespmem:v1+s21+$0x0], $0xffff  }
0x23f: {  	v16 =	vshrl.u32 v2, $0xE;
	[tilespmem:v8+s22+$0x0] =	vst.idx.add.f32.msk $0xffff, v9;
	v8 =	vshrl.u32 v14, $0xE;
	v9 =	vshrl.u32 v14, $0xC  }
0x240: {  	v17 =	vshrl.u32 v2, $0xC;
	v6 =	vld.idx.msk [tilespmem:v6+s21+$0x0], $0xffff;
	v8 =	vand.u32 $0x7F, v8;
	v9 =	vand.u32 $0xFFE00, v9  }
0x241: {  	v16 =	vand.u32 $0x7F, v16;
	v17 =	vand.u32 $0xFFE00, v17;
	v8 =	vor.u32 v8, v9;
	[tilespmem:v18+s22+$0x0] =	vst.idx.add.f32.msk $0xffff, v13  }
0x242: {  	v9 =	vshll.u32 v12, $0x2;
	v16 =	vor.u32 v16, v17;
	v12 =	vand.u32 $0x7F, v12;
	v13 =	vld.idx.msk [tilespmem:v4+s21+$0x0], $0xffff  }
0x243: {  	v17 =	vshrl.u32 v15, $0xE;
	v9 =	vand.u32 $0xFE00, v9;
	v18 =	vshrl.u32 v15, $0xC;
	[tilespmem:v0+s22+$0x0] =	vst.idx.add.f32.msk $0xffff, v1  }
0x244: {  	v19 =	vor.u32 v12, v9;
	v1 =	vand.u32 $0x7F, v17;
	v9 =	vand.u32 $0xFFE00, v18;
	v0 =	vld.idx.msk [tilespmem:v5+s21+$0x0], $0xffff  }
0x245: {  	v12 =	vor.u32 $0x80, v4;
	v5 =	vshll.u32 v14, $0x2;
	v17 =	vor.u32 v1, v9;
	v1 =	vld.idx.msk [tilespmem:v7+s21+$0x0], $0xffff  }
0x246: {  	v7 =	vshll.u32 v2, $0x2;
	v5 =	vand.u32 $0xFE00, v5;
	v9 =	vand.u32 $0x7F, v14;
	[tilespmem:v3+s22+$0x0] =	vst.idx.add.f32.msk $0xffff, v6  }
0x247: {  	v2 =	vand.u32 $0x7F, v2;
	v14 =	vld.idx.msk [tilespmem:v8+s21+$0x0], $0xffff;
	v7 =	vand.u32 $0xFE00, v7;
	v18 =	vor.u32 v9, v5  }
0x248: {  	v5 =	vld.idx.msk [tilespmem:v16+s21+$0x0], $0xffff;
	v20 =	vor.u32 v2, v7  }
0x249: {  	v2 =	vor.u32 $0x80, v8;
	[tilespmem:v19+s22+$0x0] =	vst.idx.add.f32.msk $0xffff, v13  }
0x24a: {  	v3 =	vor.u32 $0x80, v16;
	v9 =	vshll.u32 v15, $0x2;
	v7 =	vld.idx.msk [tilespmem:v12+s21+$0x0], $0xffff  }
0x24b: {  	v15 =	vand.u32 $0x7F, v15;
	v9 =	vand.u32 $0xFE00, v9;
	v13 =	vor.u32 $0x80, v19;
	v12 =	vld.idx.msk [tilespmem:v17+s21+$0x0], $0xffff  }
0x24c: {  	v22 =	vor.u32 v15, v9;
	[tilespmem:v18+s22+$0x0] =	vst.idx.add.f32.msk $0xffff, v14  }
0x24d: {  	v21 =	vor.u32 $0x100, v4;
	[tilespmem:v20+s22+$0x0] =	vst.idx.add.f32.msk $0xffff, v5  }
0x24e: {  	v5 =	vor.u32 $0x80, v17;
	v2 =	vld.idx.msk [tilespmem:v2+s21+$0x0], $0xffff  }
0x24f: {  	v6 =	vor.u32 $0x80, v18;
	v23 =	vld.idx.msk [tilespmem:v3+s21+$0x0], $0xffff  }
0x250: {  	v24 =	vor.u32 $0x80, v20;
	[tilespmem:v13+s22+$0x0] =	vst.idx.add.f32.msk $0xffff, v7  }
0x251: {  	v7 =	vor.u32 $0x100, v8;
	[tilespmem:v22+s22+$0x0] =	vst.idx.add.f32.msk $0xffff, v12  }
0x252: {  	v63 =	vor.u32 $0x100, v19;
	v13 =	vld.idx.msk [tilespmem:v21+s21+$0x0], $0xffff  }
0x253: {  	v4 =	vor.u32 $0x180, v4;
	v25 =	vld.idx.msk [tilespmem:v5+s21+$0x0], $0xffff  }
0x254: {  	v26 =	vor.u32 $0x80, v22;
	[tilespmem:v6+s22+$0x0] =	vst.idx.add.f32.msk $0xffff, v2  }
0x255: {  	v9 =	vor.u32 $0x100, v18;
	v14 =	vor.u32 $0x100, v16;
	[tilespmem:v24+s22+$0x0] =	vst.idx.add.f32.msk $0xffff, v23  }
0x256: {  	v3 =	vor.u32 $0x180, v10;
	v10 =	vor.u32 $0x180, v20;
	v12 =	vor.u32 $0x100, v17;
	v15 =	vld.idx.msk [tilespmem:v7+s21+$0x0], $0xffff  }
0x257: {  	v2 =	vor.u32 $0x180, v11;
	v5 =	vor.u32 $0x180, v16;
	v6 =	vor.u32 $0x180, v17;
	[tilespmem:v63+s22+$0x0] =	vst.idx.add.f32.msk $0xffff, v13  }
0x258: {  	v11 =	vor.u32 $0x180, v22;
	v17 =	vor.u32 $0x180, v19;
	v7 =	vor.u32 $0x100, v20;
	v16 =	vld.idx.msk [tilespmem:v4+s21+$0x0], $0xffff  }
0x259: {  	s30 =	simm.s32 $0x10A0;
	s29 =	simm.s32 $0x4;
	v13 =	vor.u32 $0x180, v8;
	v8 =	vor.u32 $0x100, v22;
	v4 =	vor.u32 $0x180, v18;
	[tilespmem:v26+s22+$0x0] =	vst.idx.add.f32.msk $0xffff, v25  }
.LBB2_17:
0x25a: {  	v18 =	vld [tilespmem:s30+$0x10];
	s29 =	sadd.s32 $0x4, s29  }
0x25b: {  	v19 =	vld [tilespmem:s30+$0xFFFFFFF0];
	p0 =	slt.u32 s29, $0xF4  }
0x25c: {  	v20 =	vld [tilespmem:s30+$0x0]  }
0x25d: {  	[tilespmem:v17+s22+$0x0] =	vst.idx.add.f32.msk $0xffff, v16  }
0x25e: {  	v16 =	vld [tilespmem:s30+$0xFFFFFFE0]  }
0x25f: {  	v17 =	vshrl.u32 v18, $0xE;
	v21 =	vshrl.u32 v18, $0xC;
	v14 =	vld.idx.msk [tilespmem:v14+s21+$0x0], $0xffff  }
0x260: {  	v22 =	vshrl.u32 v19, $0xE;
	v17 =	vand.u32 $0x7F, v17;
	v21 =	vand.u32 $0xFFE00, v21;
	v12 =	vld.idx.msk [tilespmem:v12+s21+$0x0], $0xffff  }
0x261: {  	v23 =	vshrl.u32 v19, $0xC;
	v24 =	vshrl.u32 v20, $0xE;
	v17 =	vor.u32 v17, v21;
	[tilespmem:v9+s22+$0x0] =	vst.idx.add.f32.msk $0xffff, v15  }
0x262: {  	v9 =	vand.u32 $0x7F, v22;
	v15 =	vand.u32 $0xFFE00, v23;
	v21 =	vshrl.u32 v20, $0xC;
	v13 =	vld.idx.msk [tilespmem:v13+s21+$0x0], $0xffff  }
0x263: {  	v24 =	vand.u32 $0x7F, v24;
	v22 =	vshrl.u32 v16, $0xE;
	v23 =	vshrl.u32 v16, $0xC;
	[tilespmem:v2+s22+$0x0] =	vst.idx.add.f32.msk $0xffff, v0;
	v2 =	vmovc v10  }
0x264: {  	v21 =	vand.u32 $0xFFE00, v21;
	v0 =	vand.u32 $0x7F, v22;
	v10 =	vand.u32 $0xFFE00, v23;
	[tilespmem:v3+s22+$0x0] =	vst.idx.add.f32.msk $0xffff, v1;
	v3 =	vmovc v11  }
0x265: {  	v11 =	vor.u32 v9, v15;
	v10 =	vor.u32 v0, v10;
	v0 =	vshll.u32 v18, $0x2;
	[tilespmem:v7+s22+$0x0] =	vst.idx.add.f32.msk $0xffff, v14  }
0x266: {  	v15 =	vor.u32 v24, v21;
	v1 =	vand.u32 $0x7F, v18;
	v7 =	vld.idx.msk [tilespmem:v17+s21+$0x0], $0xffff;
	v0 =	vand.u32 $0xFE00, v0  }
0x267: {  	v9 =	vshll.u32 v16, $0x2;
	v14 =	vshll.u32 v19, $0x2;
	v18 =	vor.u32 v1, v0;
	[tilespmem:v8+s22+$0x0] =	vst.idx.add.f32.msk $0xffff, v12  }
0x268: {  	v8 =	vand.u32 $0xFE00, v9;
	v1 =	vshll.u32 v20, $0x2;
	v9 =	vor.u32 $0x80, v17;
	v0 =	vld.idx.msk [tilespmem:v5+s21+$0x0], $0xffff  }
0x269: {  	v12 =	vand.u32 $0xFE00, v14;
	v5 =	vand.u32 $0x7F, v16;
	v14 =	vand.u32 $0xFE00, v1;
	v1 =	vld.idx.msk [tilespmem:v6+s21+$0x0], $0xffff  }
0x26a: {  	v16 =	vor.u32 v5, v8;
	v5 =	vand.u32 $0x7F, v19;
	v8 =	vand.u32 $0x7F, v20;
	v6 =	vld.idx.msk [tilespmem:v10+s21+$0x0], $0xffff  }
0x26b: {  	v19 =	vor.u32 $0x80, v10;
	v21 =	vor.u32 v5, v12;
	v22 =	vor.u32 v8, v14;
	v20 =	vld.idx.msk [tilespmem:v11+s21+$0x0], $0xffff  }
0x26c: {  	v24 =	vor.u32 $0x80, v11;
	v25 =	vor.u32 $0x80, v15;
	v23 =	vor.u32 $0x80, v16;
	[tilespmem:v18+s22+$0x0] =	vst.idx.add.f32.msk $0xffff, v7  }
0x26d: {  	v26 =	vor.u32 $0x100, v10;
	v27 =	vor.u32 $0x80, v21;
	v28 =	vor.u32 $0x80, v22;
	v29 =	vld.idx.msk [tilespmem:v9+s21+$0x0], $0xffff  }
0x26e: {  	v31 =	vor.u32 $0x80, v18;
	v14 =	vor.u32 $0x100, v11;
	v12 =	vor.u32 $0x100, v15;
	v30 =	vld.idx.msk [tilespmem:v15+s21+$0x0], $0xffff  }
0x26f: {  	v32 =	vor.u32 $0x100, v17;
	v7 =	vor.u32 $0x100, v21;
	v9 =	vor.u32 $0x100, v16;
	[tilespmem:v4+s22+$0x0] =	vst.idx.add.f32.msk $0xffff, v13  }
0x270: {  	v5 =	vor.u32 $0x180, v11;
	v8 =	vor.u32 $0x100, v22;
	v13 =	vor.u32 $0x180, v10;
	[tilespmem:v16+s22+$0x0] =	vst.idx.add.f32.msk $0xffff, v6  }
0x271: {  	v4 =	vor.u32 $0x180, v16;
	v10 =	vor.u32 $0x180, v21;
	v6 =	vor.u32 $0x180, v15;
	[tilespmem:v21+s22+$0x0] =	vst.idx.add.f32.msk $0xffff, v20  }
0x272: {  	v11 =	vor.u32 $0x180, v22;
	v15 =	vld.idx.msk [tilespmem:v19+s21+$0x0], $0xffff  }
0x273: {  	[tilespmem:v31+s22+$0x0] =	vst.idx.add.f32.msk $0xffff, v29  }
0x274: {  	v16 =	vld.idx.msk [tilespmem:v32+s21+$0x0], $0xffff  }
0x275: {  	v19 =	vor.u32 $0x100, v18;
	[tilespmem:v22+s22+$0x0] =	vst.idx.add.f32.msk $0xffff, v30  }
0x276: {  	v17 =	vor.u32 $0x180, v17;
	v20 =	vld.idx.msk [tilespmem:v24+s21+$0x0], $0xffff  }
0x277: {  	v21 =	vld.idx.msk [tilespmem:v25+s21+$0x0], $0xffff  }
0x278: {  	[tilespmem:v23+s22+$0x0] =	vst.idx.add.f32.msk $0xffff, v15  }
.Ltmp7:
0x279: {  	v15 =	vld.idx.msk [tilespmem:v26+s21+$0x0], $0xffff;
	(pc) =	sbr.rel @p0 .LBB2_17-.Ltmp7, $4  }
0x27a: {  	[tilespmem:v19+s22+$0x0] =	vst.idx.add.f32.msk $0xffff, v16  }
0x27b: {  	v16 =	vld.idx.msk [tilespmem:v17+s21+$0x0], $0xffff  }
0x27c: {  	v17 =	vor.u32 $0x180, v18;
	[tilespmem:v27+s22+$0x0] =	vst.idx.add.f32.msk $0xffff, v20  }
0x27d: {  	s30 =	sadd.s32 $0x40, s30;
	[tilespmem:v28+s22+$0x0] =	vst.idx.add.f32.msk $0xffff, v21  }
0x27e: {  	_ =	sdelay $0x3  }
0x27f: {  	v14 =	vld.idx.msk [tilespmem:v14+s21+$0x0], $0xffff  }
0x280: {  	v12 =	vld.idx.msk [tilespmem:v12+s21+$0x0], $0xffff  }
0x281: {  	[tilespmem:v9+s22+$0x0] =	vst.idx.add.f32.msk $0xffff, v15  }
0x282: {  	[tilespmem:v2+s22+$0x0] =	vst.idx.add.f32.msk $0xffff, v0  }
0x283: {  	v9 =	vld.idx.msk [tilespmem:v13+s21+$0x0], $0xffff  }
0x284: {  	[tilespmem:v7+s22+$0x0] =	vst.idx.add.f32.msk $0xffff, v14  }
0x285: {  	[tilespmem:v8+s22+$0x0] =	vst.idx.add.f32.msk $0xffff, v12  }
0x286: {  	v5 =	vld.idx.msk [tilespmem:v5+s21+$0x0], $0xffff  }
0x287: {  	v6 =	vld.idx.msk [tilespmem:v6+s21+$0x0], $0xffff  }
0x288: {  	[tilespmem:v3+s22+$0x0] =	vst.idx.add.f32.msk $0xffff, v1  }
0x289: {  	[tilespmem:v17+s22+$0x0] =	vst.idx.add.f32.msk $0xffff, v16  }
0x28a: {  	[tilespmem:v4+s22+$0x0] =	vst.idx.add.f32.msk $0xffff, v9  }
0x28b: {  	[tilespmem:v10+s22+$0x0] =	vst.idx.add.f32.msk $0xffff, v5  }
0x28c: {  	s29 =	simm.s32 $0x0;
	[tilespmem:v11+s22+$0x0] =	vst.idx.add.f32.msk $0xffff, v6  }
.LBB2_19:
0x28d: {  	s30 =	sshra.s32 s29, $0x2  }
0x28e: {  	v0 =	vld [tilespmem:s30+$0x1F80];
	_ =	sdelay $0x4  }
0x28f: {  	v1 =	vshrl.u32 v0, $0xE;
	v2 =	vshrl.u32 v0, $0xC  }
0x290: {  	v1 =	vand.u32 $0x7F, v1;
	v2 =	vand.u32 $0xFFE00, v2  }
0x291: {  	v1 =	vor.u32 v1, v2;
	_ =	sdelay $0x2  }
0x292: {  	v60 =	vshll.u32 v0, $0x2  }
0x293: {  	v0 =	vand.u32 $0x7F, v0;
	v2 =	vand.u32 $0xFE00, v60  }
0x294: {  	v0 =	vor.u32 v0, v2;
	v3 =	vld.idx.msk [tilespmem:v1+s21+$0x0], $0xffff  }
0x295: {  	v61 =	vor.u32 $0x80, v1;
	_ =	sdelay $0x3  }
0x296: {  	[tilespmem:v0+s22+$0x0] =	vst.idx.add.f32.msk $0xffff, v3  }
0x297: {  	v62 =	vor.u32 $0x80, v0;
	v2 =	vld.idx.msk [tilespmem:v61+s21+$0x0], $0xffff  }
0x298: {  	v4 =	vor.u32 $0x100, v1;
	_ =	sdelay $0x3  }
0x299: {  	[tilespmem:v62+s22+$0x0] =	vst.idx.add.f32.msk $0xffff, v2  }
0x29a: {  	v63 =	vor.u32 $0x100, v0;
	v2 =	vld.idx.msk [tilespmem:v4+s21+$0x0], $0xffff  }
0x29b: {  	v1 =	vor.u32 $0x180, v1;
	_ =	sdelay $0x3  }
0x29c: {  	[tilespmem:v63+s22+$0x0] =	vst.idx.add.f32.msk $0xffff, v2  }
0x29d: {  	p0 =	sne.s32 s29, $0x40;
	v0 =	vor.u32 $0x180, v0;
	v1 =	vld.idx.msk [tilespmem:v1+s21+$0x0], $0xffff  }
.Ltmp8:
0x29e: {  	_ = 	snop;
	(pc) =	sbr.rel @p0 .LBB2_19-.Ltmp8, $2  }
0x29f: {  	_ =	sdelay $0x2  }
0x2a0: {  	s29 =	sadd.s32 $0x40, s29;
	[tilespmem:v0+s22+$0x0] =	vst.idx.add.f32.msk $0xffff, v1  }
0x2a1: {  	s28 =	sadd.s32 $0x1, s28  }
0x2a2: {  	p0 =	sne.s32 s28, $0x28  }
.Ltmp9:
0x2a3: {  	_ = 	snop;
	(pc) =	sbr.rel @p0 .LBB2_12-.Ltmp9, $1  }
0x2a4: {  	_ =	sdelay $0x3  }
0x2a5: {  	s26 =	sadd.s32 $0x1, s26  }
0x2a6: {  	p0 =	sne.s32 s26, s19  }
.Ltmp10:
0x2a7: {  	_ = 	snop;
	(pc) =	sbr.rel @p0 .LBB2_1-.Ltmp10, $4  }
0x2a8: {  	[hbm4b:s18+s2] =	stream.linear.scatter [tilespmem:s22], [sflag:$0x3], $0x9E00, $0x38;
	[tilespmem:$0x1AA20] =	vst v63  }
0x2a9: {  	_ =	swait.ge [sflag:s20], $0x9E00  }
0x2aa: {  	[sflag:s20] =	ssyncset.done $0x0  }
0x2ab: {  	[sflag:s20] =	ssyncadd.s32 $0xFFFF6200  }
0x2ac: {  	_ =	sfence.sel $0x180000  }
0x2ad: {  	[bflag:$0x0] =	sbarrier.arrive $0xFFFF  }
0x2ae: {  	p0 =	sne.s32 s3, $0x0;
	_ =	strace $0x9000004A  }
0x2af: {  	s0 =	sadd.s32 @!p0 $0x100000, s0;
	[bflag:$0x2] =	sbarrier.arrive $0xFFFF  }
0x2b0: {  	[sflag:s0] =	ssyncadd.tile.s32 @!p0 $0x1;
	_ =	shalt  }
.Lfunc_end2:
_tile_overlayer_lowered:
.L_overlay_start_2:
0x2b1: {  	(tag) =	ssettag $0x2  }
0x2b2: {  	s0 =	rddreg [dreg:$0x0];
	s2 =	stileid.u32  }
0x2b3: {  	s1 =	rddreg [dreg:$0x1];
	p0 =	sne.s32 s2, $0x0  }
0x2b4: {  	s3 =	rddreg [dreg:$0x2];
	[bflag:$0x3] =	sbarrier.arrive $0xFFFF;
	s2 =	simm.s32 @!p0 $0x1C03  }
0x2b5: {  	[timem:s3], [sflag:s2] =	dma.local @!p0 [hbm:s0], s1  }
0x2b6: {  	s0 =	simm.s32 @!p0 $0x3  }
0x2b7: {  	_ =	swait.ge @!p0 [sflag:s0], s1  }
0x2b8: {  	s1 =	ssub.s32 @!p0 $0x0, s1;
	[sflag:s0] =	ssyncset.done @!p0 $0x0  }
0x2b9: {  	[sflag:s0] =	ssyncadd.s32 @!p0 s1  }
0x2ba: {  	[bflag:$0x3] =	sbarrier.arrive $0xFFFF  }
0x2bb: {  	_ =	shalt  }

// kernel: kernel.21.cloned.1.call-start
scs
__scs_entry_jumppad:
0x0: {  	(pc) =	sbr.rel $0x88, $3  }
0x1: {  	(tag) =	ssettag $0x0;
	lr =	simm.s32 $0x1  }
0x2: {  	[smem:$0x3F7E] =	sst lr;
	_ =	strace $0xD0000000  }
0x3: {  	_ = 	snop  }
0x4: {  	_ = 	snop  }
0x5: {  	_ = 	snop  }
0x6: {  	_ = 	snop  }
0x7: {  	_ = 	snop  }
__scs_overlays_trampoline_lowered:
0x8: {  	[smem:$0x3F8D] =	sst s0  }
0x9: {  	[smem:$0x3F8E] =	sst s1  }
0xa: {  	[smem:$0x3F8F] =	sst s2  }
0xb: {  	[smem:$0x3F90] =	sst s3  }
0xc: {  	[smem:$0x3F91] =	sst s4  }
0xd: {  	[smem:$0x3F92] =	sst s5  }
0xe: {  	[smem:$0x3F93] =	sst s6  }
0xf: {  	[smem:$0x3F94] =	sst s7  }
0x10: {  	[smem:$0x3F95] =	sst s8  }
0x11: {  	[smem:$0x3F96] =	sst s9;
	s0 =	simm.s32 @!p0 $0x0  }
0x12: {  	s1 =	sld [smem:$0x3F7C];
	s0 =	simm.s32 @p0 $0x1  }
0x13: {  	[smem:$0x3F97] =	sst s0;
	s0 =	simm.s32 @!p1 $0x0  }
0x14: {  	s2 =	sld [smem:$0x3F7B];
	s0 =	simm.s32 @p1 $0x1  }
0x15: {  	[smem:$0x3F98] =	sst s0;
	s0 =	simm.s32 @!p2 $0x0  }
0x16: {  	s3 =	sld [smem:$0x3FDB];
	s0 =	simm.s32 @p2 $0x1  }
0x17: {  	s4 =	simm.s32 $0x1BF5;
	[smem:$0x3F9A] =	sst s0  }
0x18: {  	s0 =	sld [smem:$0x3F7D];
	_ =	swait.ge [sflag:s4], $0x0  }
0x19: {  	s7 =	sld [smem:$0x3F7E]  }
0x1a: {  	s8 =	sadd.s32 $0xFFFFE003, lr  }
0x1b: {  	s9 =	sadd.s32 $0xFFFFFEF7, lr;
	s5 =	simm.s32 $0xFFFFFFFF;
	p2 =	slt.u32 s8, $0xFFFFF086  }
0x1c: {  	p1 =	slt.u32 s9, $0xF7A;
	s5 =	simm.s32 @!p2 $0x0  }
0x1d: {  	s5 =	simm.s32 @p1 $0x1;
	p0 =	seq.s32 s7, s2  }
0x1e: {  	s7 =	smul.u32 @!p0 $0xF7A, s2;
	p2 =	seq.s32 @!p0 s5, $0x0  }
0x1f: {  	s9 =	smul.u32 $0xF7A, s1;
	s8 =	simm.s32 @!p0 $0x1BF5;
	p2 =	por !p2, p0  }
0x20: {  	[sflag:s8] =	ssyncset.s32 @!p0 $0xFFFFF086;
	s6 =	sadd.s32 @!p0 s3, s7;
	s7 =	simm.s32 @!p0 $0x108  }
0x21: {  	s3 =	sadd.s32 s3, s9;
	s6 =	sadd.s32 @!p0 $0x88, s6;
	s7 =	simm.s32 @p2 $0x1082  }
0x22: {  	[simem:s7], [sflag:s8] =	dma.local @!p0 [hbm:s6], $0xF7A  }
0x23: {  	s9 =	sor.u32 $0xD0000000, s2;
	s6 =	simm.s32 $0x108;
	_ =	swait.ge @!p0 [sflag:s8], $0x0  }
0x24: {  	s3 =	sadd.s32 $0x88, s3;
	s6 =	simm.s32 @!p1 $0x1082;
	[sflag:s4] =	ssyncset.s32 $0xFFFFF086  }
0x25: {  	[simem:s6], [sflag:s4] =	dma.local [hbm:s3], $0xF7A  }
0x26: {  	[smem:$0x3F7E] =	sst s1;
	(tag) =	ssettag s2;
	_ =	strace s9  }
0x27: {  	s1 =	sld [smem:$0x3F8E]  }
0x28: {  	s2 =	sld [smem:$0x3F8F]  }
0x29: {  	s4 =	sld [smem:$0x3F91]  }
0x2a: {  	p0 =	seq.s32 s5, $0x0;
	s5 =	sld [smem:$0x3F92]  }
0x2b: {  	s6 =	sld [smem:$0x3F93]  }
0x2c: {  	s7 =	sld [smem:$0x3F94]  }
0x2d: {  	s3 =	simm.s32 $0x108;
	s8 =	sld [smem:$0x3F95]  }
0x2e: {  	s3 =	simm.s32 @!p0 $0x1082;
	s9 =	sld [smem:$0x3F96]  }
0x2f: {  	lr =	sadd.s32 s0, s3;
	s0 =	sld [smem:$0x3F8D]  }
0x30: {  	s3 =	sld [smem:$0x3F90]  }
0x31: {  	[smem:$0x3F99] =	sst s10  }
0x32: {  	s10 =	sld [smem:$0x3F97];
	_ =	sdelay $0x3  }
0x33: {  	p0 =	seq.s32 s10, $0x1;
	s10 =	sld [smem:$0x3F99];
	_ =	sdelay $0x3  }
0x34: {  	[smem:$0x3F99] =	sst s10  }
0x35: {  	s10 =	sld [smem:$0x3F98];
	_ =	sdelay $0x3  }
0x36: {  	p1 =	seq.s32 s10, $0x1;
	s10 =	sld [smem:$0x3F99];
	_ =	sdelay $0x3  }
0x37: {  	[smem:$0x3F99] =	sst s10  }
0x38: {  	s10 =	sld [smem:$0x3F9A]  }
0x39: {  	_ = 	snop;
	(pc) =	sbr.ind lr, $3  }
0x3a: {  	_ = 	snop  }
0x3b: {  	_ = 	snop  }
0x3c: {  	p2 =	seq.s32 s10, $0x1;
	s10 =	sld [smem:$0x3F99]  }
0x3d: {  	_ =	shalt  }
0x3e: {  	_ =	shalt  }
0x3f: {  	_ =	shalt  }
0x40: {  	_ =	shalt  }
0x41: {  	_ =	shalt  }
0x42: {  	_ =	shalt  }
0x43: {  	_ =	shalt  }
0x44: {  	_ =	shalt  }
0x45: {  	_ =	shalt  }
0x46: {  	_ =	shalt  }
0x47: {  	_ =	shalt  }
0x48: {  	_ =	shalt  }
0x49: {  	_ =	shalt  }
0x4a: {  	_ =	shalt  }
0x4b: {  	_ =	shalt  }
0x4c: {  	_ =	shalt  }
0x4d: {  	_ =	shalt  }
0x4e: {  	_ =	shalt  }
0x4f: {  	_ =	shalt  }
0x50: {  	_ =	shalt  }
0x51: {  	_ =	shalt  }
0x52: {  	_ =	shalt  }
0x53: {  	_ =	shalt  }
0x54: {  	_ =	shalt  }
0x55: {  	_ =	shalt  }
0x56: {  	_ =	shalt  }
0x57: {  	_ =	shalt  }
0x58: {  	_ =	shalt  }
0x59: {  	_ =	shalt  }
0x5a: {  	_ =	shalt  }
0x5b: {  	_ =	shalt  }
0x5c: {  	_ =	shalt  }
0x5d: {  	_ =	shalt  }
0x5e: {  	_ =	shalt  }
0x5f: {  	_ =	shalt  }
0x60: {  	_ =	shalt  }
0x61: {  	_ =	shalt  }
0x62: {  	_ =	shalt  }
0x63: {  	_ =	shalt  }
0x64: {  	_ =	shalt  }
0x65: {  	_ =	shalt  }
0x66: {  	_ =	shalt  }
0x67: {  	_ =	shalt  }
0x68: {  	_ =	shalt  }
0x69: {  	_ =	shalt  }
0x6a: {  	_ =	shalt  }
0x6b: {  	_ =	shalt  }
0x6c: {  	_ =	shalt  }
0x6d: {  	_ =	shalt  }
0x6e: {  	_ =	shalt  }
0x6f: {  	_ =	shalt  }
0x70: {  	_ =	shalt  }
0x71: {  	_ =	shalt  }
0x72: {  	_ =	shalt  }
0x73: {  	_ =	shalt  }
0x74: {  	_ =	shalt  }
0x75: {  	_ =	shalt  }
0x76: {  	_ =	shalt  }
0x77: {  	_ =	shalt  }
0x78: {  	_ =	shalt  }
0x79: {  	_ =	shalt  }
0x7a: {  	_ =	shalt  }
0x7b: {  	_ =	shalt  }
0x7c: {  	_ =	shalt  }
0x7d: {  	_ =	shalt  }
0x7e: {  	_ =	shalt  }
0x7f: {  	_ =	shalt  }
0x80: {  	_ =	shalt  }
0x81: {  	_ =	shalt  }
0x82: {  	_ =	shalt  }
0x83: {  	_ =	shalt  }
0x84: {  	_ =	shalt  }
0x85: {  	_ =	shalt  }
0x86: {  	_ =	shalt  }
0x87: {  	_ =	shalt  }
.Lfunc_end0:
.L_simem_size_0:
called_computation.2_lowered:
.L_overlay_start_0:
0x88: {  	s2 =	sld [smem:$0x3FD9]  }
0x89: {  	s3 =	sld [smem:$0x3FFE];
	_ =	sdelay $0x1  }
0x8a: {  	s1 =	srdreg.scid  }
0x8b: {  	s0 =	sand.u32 $0x1, s1  }
0x8c: {  	s16 =	sshll.u32 s0, $0xA;
	s2 =	sadd.s32 s3, s2  }
0x8d: {  	s2 =	sadd.s32 s2, s16  }
0x8e: {  	[smem:$0x3FA5] =	sst s2  }
0x8f: {  	_ = 	snop  }
0x90: {  	(tm) =	ssettm $0x1  }
0x91: {  	s17 =	sld [smem:$0x3FFB];
	_ =	sdelay $0x3  }
0x92: {  	_ =	strace s17  }
0x93: {  	s2 =	sld [smem:$0x3FFC];
	_ =	sdelay $0x3  }
0x94: {  	_ =	strace s2  }
0x95: {  	s2 =	sld [smem:$0x3FFD];
	_ =	sdelay $0x3  }
0x96: {  	_ =	strace s2  }
0x97: {  	_ =	strace $0x8FFFFFFF  }
0x98: {  	s18 =	sld [smem:$0x3FDB];
	_ =	sdelay $0x1  }
0x99: {  	s19 =	simm.s32 $_scs_section_size  }
0x9a: {  	s4 =	simm.s32 $_size__tile_overlayer_lowered;
	s5 =	simm.s32 $_tile_overlayer_lowered  }
0x9b: {  	s22 =	simm.s32 $0x1BFF;
	s21 =	sshll.u32 s5, $0x1;
	s2 =	sadd.s32 s19, s18  }
0x9c: {  	s6 =	simm.s32 $0x0;
	s20 =	sshll.u32 s4, $0x1;
	s4 =	sadd.s32 s21, s2  }
0x9d: {  	[timem:s6], [sflag:s22] =	dma.local [hbm:s4], s20  }
0x9e: {  	_ =	swait.ge [sflag:s22], s20  }
0x9f: {  	s3 =	ssub.s32 $0x0, s20;
	[sflag:s22] =	ssyncset.done $0x0  }
0xa0: {  	[sflag:s22] =	ssyncadd.s32 s3;
	_ =	sdelay $0x1  }
0xa1: {  	s23 =	simm.s32 $0x1B8B  }
0xa2: {  	_ =	swait.ge [sflag:s23], $0x1  }
0xa3: {  	[sflag:s23] =	ssyncset.done $0x0  }
0xa4: {  	s25 =	simm.s32 $0x1B8E;
	s24 =	sld [smem:$0x3FFE];
	[sflag:s23] =	ssyncadd.s32 $0xFFFFFFFF  }
0xa5: {  	s26 =	simm.s32 $execute0_lowered;
	[smem:$0x3FD2] =	sst s25  }
0xa6: {  	s4 =	sshll.u32 s26, $0x1;
	_ =	strace $0x8000004C;
	[dreg:$0x1] =	wrdreg $0xFFFFFFFF  }
0xa7: {  	s28 =	simm.s32 $_size_execute0_lowered;
	s2 =	sadd.s32 s2, s4;
	[dreg:$0x0] =	wrdreg $0x0  }
0xa8: {  	s4 =	sshll.u32 s28, $0x1;
	[dreg:$0x2] =	wrdreg s2  }
0xa9: {  	[dreg:$0x3] =	wrdreg s4  }
0xaa: {  	[dreg:$0x4] =	wrdreg $0xC0  }
0xab: {  	_ =	task [dreg:s6], $0x5FFFF  }
0xac: {  	[dreg:$0x1] =	wrdreg $0xFFFFFFFF  }
0xad: {  	[dreg:$0x0] =	wrdreg $0x60  }
0xae: {  	[dreg:$0x2] =	wrdreg s24  }
0xaf: {  	[dreg:$0x3] =	wrdreg $0x15C000  }
0xb0: {  	[dreg:$0x4] =	wrdreg $0x9  }
0xb1: {  	_ =	task.clear_ibuf [dreg:s6], $0x5FFFF;
	_ =	strace $0x9000004C  }
0xb2: {  	s29 =	simm.s32 $0x9;
	_ =	strace $0x8000004E  }
0xb3: {  	_ =	swait.ge [sflag:s29], $0x1  }
0xb4: {  	[sflag:s29] =	ssyncadd.s32 $0xFFFFFFFF  }
0xb5: {  	_ =	strace $0x9000004E  }
0xb6: {  	_ =	sfence  }
0xb7: {  	s30 =	sld [smem:$0x0];
	_ =	sdelay $0x2  }
0xb8: {  	s31 =	sshll.u32 s1, $0xD;
	s1 =	sshrl.u32 s1, $0x2  }
0xb9: {  	s3 =	sand.u32 $0x4000, s31;
	s1 =	sadd.s32 s1, s30  }
0xba: {  	s0 =	sor.u32 s3, s0;
	s1 =	sshll.u32 s1, $0x11  }
0xbb: {  	s0 =	sor.u32 s1, s0  }
0xbc: {  	s0 =	sadd.s32 $0x8F2B, s0  }
0xbd: {  	[sflag:s0] =	ssyncadd.remote.s32 $0x1  }
0xbe: {  	_ =	sfence.sel $0xFFFF  }
0xbf: {  	[dreg:$0x0] =	wrdreg $0xFFFFFFFF;
	(pc) =	sbr.abs _section_cstart, $3  }
0xc0: {  	[dreg:$0x1] =	wrdreg $0xFFFFFFFF  }
0xc1: {  	_ =	task.clear_ibuf [dreg:s6], $0x2FFFF;
	_ =	strace $0x9FFFFFFF  }
0xc2: {  	(tm) =	ssettm $0x7FFFFFFF  }
0xc3: {  	_ =	shalt  }
tec
execute0_lowered:
.L_overlay_start_1:
0x0: {  	(tag) =	ssettag $0x1  }
0x1: {  	s5 =	rddreg [dreg:$0x0]  }
0x2: {  	s1 =	rddreg [dreg:$0x1]  }
0x3: {  	s0 =	rddreg [dreg:$0x2]  }
0x4: {  	s2 =	simm.s32 $0x0;
	s3 =	srdreg.scid;
	s22 =	simm.s32 $0xBE00  }
0x5: {  	s23 =	simm.s32 $0x1000;
	s24 =	simm.s32 $0x1;
	[smem:$0x7FF] =	sst s2  }
0x6: {  	s17 =	sadd.s32 $0x6C00, s5;
	s6 =	sand.u32 $0x1, s3;
	s13 =	sadd.s32 $0xB7A00, s5  }
0x7: {  	s3 =	stileid.u32;
	s4 =	sadd.s32 $0xC1800, s5;
	s18 =	sadd.s32 $0x55C00, s5  }
0x8: {  	s7 =	ssub.s32 $0x2, s6;
	s14 =	smul.u32 $0x4E20, s3;
	s25 =	sshll.u32 s6, $0x4  }
0x9: {  	_ =	strace $0x8000004D;
	s8 =	sshrl.u32 s7, $0x1;
	s15 =	sor.u32 s3, s25  }
0xa: {  	s25 =	simm.s32 $0x2;
	s19 =	ssub.s32 s7, s8;
	s26 =	sshrl.u32 s14, $0x3  }
0xb: {  	s28 =	sadd.s32 $0xFA0, s14;
	s10 =	sadd.s32 $0x1F40, s14;
	s6 =	sadd.s32 s14, s1  }
0xc: {  	s12 =	sadd.s32 $0x2EE0, s14;
	s16 =	smul.u32 $0x9E00, s15;
	s14 =	sadd.s32 $0x3E80, s14  }
0xd: {  	s21 =	smul.u32 $0x13C0, s15;
	s5 =	sadd.s32 s13, s26;
	s29 =	sshrl.u32 s28, $0x3  }
0xe: {  	s9 =	sshrl.u32 s10, $0x3;
	s8 =	sadd.s32 s28, s1;
	s10 =	sadd.s32 s10, s1  }
0xf: {  	s11 =	sshrl.u32 s12, $0x3;
	s12 =	sadd.s32 s12, s1;
	s20 =	sshrl.u32 s14, $0x3  }
0x10: {  	s14 =	sadd.s32 s14, s1;
	s19 =	smax.u32 s19, $0x1;
	s26 =	simm.s32 $0x0  }
0x11: {  	s7 =	sadd.s32 s13, s29;
	s9 =	sadd.s32 s13, s9;
	s11 =	sadd.s32 s13, s11  }
0x12: {  	s30 =	sshrl.u32 s16, $0x3;
	s13 =	sadd.s32 s13, s20;
	s15 =	sadd.s32 s17, s21  }
0x13: {  	s16 =	sadd.s32 s18, s21;
	s20 =	simm.s32 $0x3;
	s31 =	sadd.s32 $0x27800, s30  }
0x14: {  	s21 =	simm.s32 $0x2000;
	s17 =	sadd.s32 s17, s31;
	s18 =	sadd.s32 s18, s31  }
.LBB2_1:
0x15: {  	[tilespmem:s2], [sflag:$0x3] =	stream.linear.gather [hbm4b:s5+s2], $0xFA0, $0x38;
	[tilespmem:$0x1AA20] =	vst v63  }
0x16: {  	_ =	swait.ge [sflag:s20], $0xFA0  }
0x17: {  	[sflag:s20] =	ssyncset.done $0x0  }
0x18: {  	[sflag:s20] =	ssyncadd.s32 $0xFFFFF060  }
0x19: {  	[spmem:s6] =	stream.linear.scatter [tilespmem:s2], [sflag:$0x3], $0xFA0, $0x38;
	[tilespmem:$0x1AA20] =	vst v63  }
0x1a: {  	_ =	swait.ge [sflag:s20], $0xFA0  }
0x1b: {  	[sflag:s20] =	ssyncset.done $0x0  }
0x1c: {  	[sflag:s20] =	ssyncadd.s32 $0xFFFFF060  }
0x1d: {  	[tilespmem:s2], [sflag:$0x3] =	stream.linear.gather [hbm4b:s7+s2], $0xFA0, $0x38;
	[tilespmem:$0x1AA20] =	vst v63  }
0x1e: {  	_ =	swait.ge [sflag:s20], $0xFA0  }
0x1f: {  	[sflag:s20] =	ssyncset.done $0x0  }
0x20: {  	[sflag:s20] =	ssyncadd.s32 $0xFFFFF060  }
0x21: {  	[spmem:s8] =	stream.linear.scatter [tilespmem:s2], [sflag:$0x3], $0xFA0, $0x38;
	[tilespmem:$0x1AA20] =	vst v63  }
0x22: {  	_ =	swait.ge [sflag:s20], $0xFA0  }
0x23: {  	[sflag:s20] =	ssyncset.done $0x0  }
0x24: {  	[sflag:s20] =	ssyncadd.s32 $0xFFFFF060  }
0x25: {  	[tilespmem:s2], [sflag:$0x3] =	stream.linear.gather [hbm4b:s9+s2], $0xFA0, $0x38;
	[tilespmem:$0x1AA20] =	vst v63  }
0x26: {  	_ =	swait.ge [sflag:s20], $0xFA0  }
0x27: {  	[sflag:s20] =	ssyncset.done $0x0  }
0x28: {  	[sflag:s20] =	ssyncadd.s32 $0xFFFFF060  }
0x29: {  	[spmem:s10] =	stream.linear.scatter [tilespmem:s2], [sflag:$0x3], $0xFA0, $0x38;
	[tilespmem:$0x1AA20] =	vst v63  }
0x2a: {  	_ =	swait.ge [sflag:s20], $0xFA0  }
0x2b: {  	[sflag:s20] =	ssyncset.done $0x0  }
0x2c: {  	[sflag:s20] =	ssyncadd.s32 $0xFFFFF060  }
0x2d: {  	[tilespmem:s2], [sflag:$0x3] =	stream.linear.gather [hbm4b:s11+s2], $0xFA0, $0x38;
	[tilespmem:$0x1AA20] =	vst v63  }
0x2e: {  	_ =	swait.ge [sflag:s20], $0xFA0  }
0x2f: {  	[sflag:s20] =	ssyncset.done $0x0  }
0x30: {  	[sflag:s20] =	ssyncadd.s32 $0xFFFFF060  }
0x31: {  	[spmem:s12] =	stream.linear.scatter [tilespmem:s2], [sflag:$0x3], $0xFA0, $0x38;
	[tilespmem:$0x1AA20] =	vst v63  }
0x32: {  	_ =	swait.ge [sflag:s20], $0xFA0  }
0x33: {  	[sflag:s20] =	ssyncset.done $0x0  }
0x34: {  	[sflag:s20] =	ssyncadd.s32 $0xFFFFF060  }
0x35: {  	[tilespmem:s2], [sflag:$0x3] =	stream.linear.gather [hbm4b:s13+s2], $0xFA0, $0x38;
	[tilespmem:$0x1AA20] =	vst v63  }
0x36: {  	_ =	swait.ge [sflag:s20], $0xFA0  }
0x37: {  	[sflag:s20] =	ssyncset.done $0x0  }
0x38: {  	[sflag:s20] =	ssyncadd.s32 $0xFFFFF060  }
0x39: {  	[spmem:s14] =	stream.linear.scatter [tilespmem:s2], [sflag:$0x3], $0xFA0, $0x38;
	[tilespmem:$0x1AA20] =	vst v63  }
0x3a: {  	_ =	swait.ge [sflag:s20], $0xFA0  }
0x3b: {  	[sflag:s20] =	ssyncset.done $0x0  }
0x3c: {  	[sflag:s20] =	ssyncadd.s32 $0xFFFFF060  }
0x3d: {  	[bflag:$0x0] =	sbarrier.arrive $0xFFFF  }
0x3e: {  	[tilespmem:s21], [sflag:$0x3] =	stream.linear.gather [hbm4b:s15+s2], $0x9E00, $0x38;
	[tilespmem:$0x1AA20] =	vst v63  }
0x3f: {  	_ =	swait.ge [sflag:s20], $0x9E00  }
0x40: {  	[sflag:s20] =	ssyncset.done $0x0  }
0x41: {  	[sflag:s20] =	ssyncadd.s32 $0xFFFF6200  }
0x42: {  	[tilespmem:s22], [sflag:$0x3] =	stream.linear.gather [hbm4b:s4+s2], $0x9E00, $0x38;
	[tilespmem:$0x1AA20] =	vst v63  }
0x43: {  	_ =	swait.ge [sflag:s20], $0x9E00  }
0x44: {  	[sflag:s20] =	ssyncset.done $0x0  }
0x45: {  	s28 =	simm.s32 $0x0;
	[sflag:s20] =	ssyncadd.s32 $0xFFFF6200  }
0x46: {  	[tilespmem:s2], [sflag:$0x1] =	stream.linear.gather [spmem:s1], $0xFA0, $0x38;
	[tilespmem:$0x1AA20] =	vst v63  }
.LBB2_2:
0x47: {  	s29 =	smul.u32 $0x7D00, s28;
	_ =	sdelay $0x1  }
0x48: {  	s29 =	sshra.s32 s29, $0x2  }
0x49: {  	s29 =	sadd.s32 s29, s1  }
0x4a: {  	s30 =	sadd.s32 $0xFA0, s29  }
0x4b: {  	[tilespmem:s23], [sflag:$0x2] =	stream.linear.gather [spmem:s30], $0xFA0, $0x38;
	[tilespmem:$0x1AA20] =	vst v63  }
0x4c: {  	_ =	swait.ge [sflag:s24], $0xFA0  }
0x4d: {  	[sflag:s24] =	ssyncset.done $0x0  }
0x4e: {  	s30 =	simm.s32 $0x20;
	[sflag:s24] =	ssyncadd.s32 $0xFFFFF060  }
0x4f: {  	v0 =	vld [tilespmem:s30+$0x10]  }
0x50: {  	v1 =	vld [tilespmem:s30+$0xFFFFFFF0]  }
0x51: {  	v2 =	vld [tilespmem:s30+$0x0]  }
0x52: {  	v3 =	vld [tilespmem:s30+$0xFFFFFFE0];
	_ =	sdelay $0x1  }
0x53: {  	v4 =	vshrl.u32 v0, $0xE  }
0x54: {  	v5 =	vshrl.u32 v0, $0xC;
	v6 =	vshrl.u32 v1, $0xE;
	v7 =	vshrl.u32 v1, $0xC  }
0x55: {  	v8 =	vshrl.u32 v2, $0xE;
	v4 =	vand.u32 $0x7F, v4;
	v5 =	vand.u32 $0xFFE00, v5  }
0x56: {  	v9 =	vshrl.u32 v3, $0xC;
	v10 =	vshrl.u32 v2, $0xC;
	v4 =	vor.u32 v4, v5  }
0x57: {  	v11 =	vshll.u32 v1, $0x2;
	v5 =	vand.u32 $0x7F, v6;
	v6 =	vshrl.u32 v3, $0xE  }
0x58: {  	v7 =	vand.u32 $0xFFE00, v7;
	v9 =	vand.u32 $0xFFE00, v9;
	v6 =	vand.u32 $0x7F, v6  }
0x59: {  	v5 =	vor.u32 v5, v7;
	v6 =	vor.u32 v6, v9;
	v9 =	vshll.u32 v0, $0x2  }
0x5a: {  	v1 =	vand.u32 $0x7F, v1;
	v0 =	vand.u32 $0x7F, v0;
	v7 =	vand.u32 $0xFE00, v9  }
0x5b: {  	v8 =	vand.u32 $0x7F, v8;
	v9 =	vand.u32 $0xFFE00, v10;
	v0 =	vor.u32 v0, v7;
	v10 =	vld.idx.msk [tilespmem:v4+s21+$0x0], $0xffff  }
0x5c: {  	v7 =	vor.u32 v8, v9;
	v8 =	vshll.u32 v3, $0x2;
	v9 =	vor.u32 $0x80, v4  }
0x5d: {  	v11 =	vand.u32 $0xFE00, v11;
	v3 =	vand.u32 $0x7F, v3;
	v8 =	vand.u32 $0xFE00, v8  }
0x5e: {  	v11 =	vor.u32 v1, v11;
	v3 =	vor.u32 v3, v8;
	v8 =	vld.idx.msk [tilespmem:v5+s21+$0x0], $0xffff  }
0x5f: {  	v12 =	vld.idx.msk [tilespmem:v6+s21+$0x0], $0xffff  }
0x60: {  	v1 =	vor.u32 $0x80, v6;
	[tilespmem:v0+s22+$0x0] =	vst.idx.add.f32.msk $0xffff, v10  }
0x61: {  	v13 =	vor.u32 $0x80, v0;
	v10 =	vshll.u32 v2, $0x2;
	v9 =	vld.idx.msk [tilespmem:v9+s21+$0x0], $0xffff  }
0x62: {  	v15 =	vor.u32 $0x100, v4;
	v14 =	vld.idx.msk [tilespmem:v7+s21+$0x0], $0xffff;
	v2 =	vand.u32 $0x7F, v2;
	v10 =	vand.u32 $0xFE00, v10  }
0x63: {  	[tilespmem:v11+s22+$0x0] =	vst.idx.add.f32.msk $0xffff, v8;
	v10 =	vor.u32 v2, v10  }
0x64: {  	[tilespmem:v3+s22+$0x0] =	vst.idx.add.f32.msk $0xffff, v12;
	v2 =	vor.u32 $0x80, v5  }
0x65: {  	v8 =	vor.u32 $0x80, v7;
	v1 =	vld.idx.msk [tilespmem:v1+s21+$0x0], $0xffff  }
0x66: {  	v12 =	vor.u32 $0x80, v3;
	[tilespmem:v13+s22+$0x0] =	vst.idx.add.f32.msk $0xffff, v9  }
0x67: {  	v13 =	vld.idx.msk [tilespmem:v15+s21+$0x0], $0xffff  }
0x68: {  	v9 =	vor.u32 $0x100, v6;
	[tilespmem:v10+s22+$0x0] =	vst.idx.add.f32.msk $0xffff, v14  }
0x69: {  	v14 =	vor.u32 $0x100, v0;
	v2 =	vld.idx.msk [tilespmem:v2+s21+$0x0], $0xffff  }
0x6a: {  	v15 =	vor.u32 $0x80, v11;
	v8 =	vld.idx.msk [tilespmem:v8+s21+$0x0], $0xffff  }
0x6b: {  	s30 =	simm.s32 $0x60;
	[tilespmem:v12+s22+$0x0] =	vst.idx.add.f32.msk $0xffff, v1  }
0x6c: {  	v4 =	vor.u32 $0x180, v4;
	v12 =	vld [tilespmem:s30+$0x10]  }
0x6d: {  	v1 =	vor.u32 $0x80, v10;
	v9 =	vld.idx.msk [tilespmem:v9+s21+$0x0], $0xffff  }
0x6e: {  	[tilespmem:v14+s22+$0x0] =	vst.idx.add.f32.msk $0xffff, v13  }
0x6f: {  	[tilespmem:v15+s22+$0x0] =	vst.idx.add.f32.msk $0xffff, v2  }
0x70: {  	v13 =	vor.u32 $0x100, v5;
	v2 =	vld [tilespmem:s30+$0xFFFFFFF0]  }
0x71: {  	v0 =	vor.u32 $0x180, v0;
	v4 =	vld.idx.msk [tilespmem:v4+s21+$0x0], $0xffff  }
0x72: {  	[tilespmem:v1+s22+$0x0] =	vst.idx.add.f32.msk $0xffff, v8;
	v1 =	vor.u32 $0x100, v7  }
0x73: {  	v14 =	vld [tilespmem:s30+$0xFFFFFFE0];
	v8 =	vor.u32 $0x100, v3  }
0x74: {  	v6 =	vor.u32 $0x180, v6;
	v15 =	vld [tilespmem:s30+$0x0];
	v16 =	vshrl.u32 v12, $0xE;
	v17 =	vshrl.u32 v12, $0xC  }
0x75: {  	v18 =	vor.u32 $0x100, v11;
	v16 =	vand.u32 $0x7F, v16;
	v17 =	vand.u32 $0xFFE00, v17;
	v13 =	vld.idx.msk [tilespmem:v13+s21+$0x0], $0xffff  }
0x76: {  	v5 =	vor.u32 $0x180, v5;
	[tilespmem:v0+s22+$0x0] =	vst.idx.add.f32.msk $0xffff, v4;
	v4 =	vor.u32 v16, v17  }
0x77: {  	v7 =	vor.u32 $0x180, v7;
	v3 =	vor.u32 $0x180, v3;
	v0 =	vor.u32 $0x100, v10;
	v1 =	vld.idx.msk [tilespmem:v1+s21+$0x0], $0xffff  }
0x78: {  	v16 =	vshrl.u32 v2, $0xE;
	[tilespmem:v8+s22+$0x0] =	vst.idx.add.f32.msk $0xffff, v9;
	v8 =	vshrl.u32 v14, $0xE;
	v9 =	vshrl.u32 v14, $0xC  }
0x79: {  	v17 =	vshrl.u32 v2, $0xC;
	v6 =	vld.idx.msk [tilespmem:v6+s21+$0x0], $0xffff;
	v8 =	vand.u32 $0x7F, v8;
	v9 =	vand.u32 $0xFFE00, v9  }
0x7a: {  	v16 =	vand.u32 $0x7F, v16;
	v17 =	vand.u32 $0xFFE00, v17;
	v8 =	vor.u32 v8, v9;
	[tilespmem:v18+s22+$0x0] =	vst.idx.add.f32.msk $0xffff, v13  }
0x7b: {  	v9 =	vshll.u32 v12, $0x2;
	v16 =	vor.u32 v16, v17;
	v12 =	vand.u32 $0x7F, v12;
	v13 =	vld.idx.msk [tilespmem:v4+s21+$0x0], $0xffff  }
0x7c: {  	v17 =	vshrl.u32 v15, $0xE;
	v9 =	vand.u32 $0xFE00, v9;
	v18 =	vshrl.u32 v15, $0xC;
	[tilespmem:v0+s22+$0x0] =	vst.idx.add.f32.msk $0xffff, v1  }
0x7d: {  	v19 =	vor.u32 v12, v9;
	v1 =	vand.u32 $0x7F, v17;
	v9 =	vand.u32 $0xFFE00, v18;
	v0 =	vld.idx.msk [tilespmem:v5+s21+$0x0], $0xffff  }
0x7e: {  	v12 =	vor.u32 $0x80, v4;
	v5 =	vshll.u32 v14, $0x2;
	v17 =	vor.u32 v1, v9;
	v1 =	vld.idx.msk [tilespmem:v7+s21+$0x0], $0xffff  }
0x7f: {  	v7 =	vshll.u32 v2, $0x2;
	v5 =	vand.u32 $0xFE00, v5;
	v9 =	vand.u32 $0x7F, v14;
	[tilespmem:v3+s22+$0x0] =	vst.idx.add.f32.msk $0xffff, v6  }
0x80: {  	v2 =	vand.u32 $0x7F, v2;
	v14 =	vld.idx.msk [tilespmem:v8+s21+$0x0], $0xffff;
	v7 =	vand.u32 $0xFE00, v7;
	v18 =	vor.u32 v9, v5  }
0x81: {  	v5 =	vld.idx.msk [tilespmem:v16+s21+$0x0], $0xffff;
	v20 =	vor.u32 v2, v7  }
0x82: {  	v2 =	vor.u32 $0x80, v8;
	[tilespmem:v19+s22+$0x0] =	vst.idx.add.f32.msk $0xffff, v13  }
0x83: {  	v3 =	vor.u32 $0x80, v16;
	v9 =	vshll.u32 v15, $0x2;
	v7 =	vld.idx.msk [tilespmem:v12+s21+$0x0], $0xffff  }
0x84: {  	v15 =	vand.u32 $0x7F, v15;
	v9 =	vand.u32 $0xFE00, v9;
	v13 =	vor.u32 $0x80, v19;
	v12 =	vld.idx.msk [tilespmem:v17+s21+$0x0], $0xffff  }
0x85: {  	v22 =	vor.u32 v15, v9;
	[tilespmem:v18+s22+$0x0] =	vst.idx.add.f32.msk $0xffff, v14  }
0x86: {  	v21 =	vor.u32 $0x100, v4;
	[tilespmem:v20+s22+$0x0] =	vst.idx.add.f32.msk $0xffff, v5  }
0x87: {  	v5 =	vor.u32 $0x80, v17;
	v2 =	vld.idx.msk [tilespmem:v2+s21+$0x0], $0xffff  }
0x88: {  	v6 =	vor.u32 $0x80, v18;
	v23 =	vld.idx.msk [tilespmem:v3+s21+$0x0], $0xffff  }
0x89: {  	v24 =	vor.u32 $0x80, v20;
	[tilespmem:v13+s22+$0x0] =	vst.idx.add.f32.msk $0xffff, v7  }
0x8a: {  	v7 =	vor.u32 $0x100, v8;
	[tilespmem:v22+s22+$0x0] =	vst.idx.add.f32.msk $0xffff, v12  }
0x8b: {  	v63 =	vor.u32 $0x100, v19;
	v13 =	vld.idx.msk [tilespmem:v21+s21+$0x0], $0xffff  }
0x8c: {  	v4 =	vor.u32 $0x180, v4;
	v25 =	vld.idx.msk [tilespmem:v5+s21+$0x0], $0xffff  }
0x8d: {  	v26 =	vor.u32 $0x80, v22;
	[tilespmem:v6+s22+$0x0] =	vst.idx.add.f32.msk $0xffff, v2  }
0x8e: {  	v9 =	vor.u32 $0x100, v18;
	v14 =	vor.u32 $0x100, v16;
	[tilespmem:v24+s22+$0x0] =	vst.idx.add.f32.msk $0xffff, v23  }
0x8f: {  	v3 =	vor.u32 $0x180, v10;
	v10 =	vor.u32 $0x180, v20;
	v12 =	vor.u32 $0x100, v17;
	v15 =	vld.idx.msk [tilespmem:v7+s21+$0x0], $0xffff  }
0x90: {  	v2 =	vor.u32 $0x180, v11;
	v5 =	vor.u32 $0x180, v16;
	v6 =	vor.u32 $0x180, v17;
	[tilespmem:v63+s22+$0x0] =	vst.idx.add.f32.msk $0xffff, v13  }
0x91: {  	v11 =	vor.u32 $0x180, v22;
	v17 =	vor.u32 $0x180, v19;
	v7 =	vor.u32 $0x100, v20;
	v16 =	vld.idx.msk [tilespmem:v4+s21+$0x0], $0xffff  }
0x92: {  	s31 =	simm.s32 $0xA0;
	s30 =	simm.s32 $0x4;
	v13 =	vor.u32 $0x180, v8;
	v8 =	vor.u32 $0x100, v22;
	v4 =	vor.u32 $0x180, v18;
	[tilespmem:v26+s22+$0x0] =	vst.idx.add.f32.msk $0xffff, v25  }
.LBB2_3:
0x93: {  	v18 =	vld [tilespmem:s31+$0x10];
	s30 =	sadd.s32 $0x4, s30  }
0x94: {  	v19 =	vld [tilespmem:s31+$0xFFFFFFF0];
	p0 =	slt.u32 s30, $0xF4  }
0x95: {  	v20 =	vld [tilespmem:s31+$0x0]  }
0x96: {  	[tilespmem:v17+s22+$0x0] =	vst.idx.add.f32.msk $0xffff, v16  }
0x97: {  	v16 =	vld [tilespmem:s31+$0xFFFFFFE0]  }
0x98: {  	v17 =	vshrl.u32 v18, $0xE;
	v21 =	vshrl.u32 v18, $0xC;
	v14 =	vld.idx.msk [tilespmem:v14+s21+$0x0], $0xffff  }
0x99: {  	v22 =	vshrl.u32 v19, $0xE;
	v17 =	vand.u32 $0x7F, v17;
	v21 =	vand.u32 $0xFFE00, v21;
	v12 =	vld.idx.msk [tilespmem:v12+s21+$0x0], $0xffff  }
0x9a: {  	v23 =	vshrl.u32 v19, $0xC;
	v24 =	vshrl.u32 v20, $0xE;
	v17 =	vor.u32 v17, v21;
	[tilespmem:v9+s22+$0x0] =	vst.idx.add.f32.msk $0xffff, v15  }
0x9b: {  	v9 =	vand.u32 $0x7F, v22;
	v15 =	vand.u32 $0xFFE00, v23;
	v21 =	vshrl.u32 v20, $0xC;
	v13 =	vld.idx.msk [tilespmem:v13+s21+$0x0], $0xffff  }
0x9c: {  	v24 =	vand.u32 $0x7F, v24;
	v22 =	vshrl.u32 v16, $0xE;
	v23 =	vshrl.u32 v16, $0xC;
	[tilespmem:v2+s22+$0x0] =	vst.idx.add.f32.msk $0xffff, v0;
	v2 =	vmovc v10  }
0x9d: {  	v21 =	vand.u32 $0xFFE00, v21;
	v0 =	vand.u32 $0x7F, v22;
	v10 =	vand.u32 $0xFFE00, v23;
	[tilespmem:v3+s22+$0x0] =	vst.idx.add.f32.msk $0xffff, v1;
	v3 =	vmovc v11  }
0x9e: {  	v11 =	vor.u32 v9, v15;
	v10 =	vor.u32 v0, v10;
	v0 =	vshll.u32 v18, $0x2;
	[tilespmem:v7+s22+$0x0] =	vst.idx.add.f32.msk $0xffff, v14  }
0x9f: {  	v15 =	vor.u32 v24, v21;
	v1 =	vand.u32 $0x7F, v18;
	v7 =	vld.idx.msk [tilespmem:v17+s21+$0x0], $0xffff;
	v0 =	vand.u32 $0xFE00, v0  }
0xa0: {  	v9 =	vshll.u32 v16, $0x2;
	v14 =	vshll.u32 v19, $0x2;
	v18 =	vor.u32 v1, v0;
	[tilespmem:v8+s22+$0x0] =	vst.idx.add.f32.msk $0xffff, v12  }
0xa1: {  	v8 =	vand.u32 $0xFE00, v9;
	v1 =	vshll.u32 v20, $0x2;
	v9 =	vor.u32 $0x80, v17;
	v0 =	vld.idx.msk [tilespmem:v5+s21+$0x0], $0xffff  }
0xa2: {  	v12 =	vand.u32 $0xFE00, v14;
	v5 =	vand.u32 $0x7F, v16;
	v14 =	vand.u32 $0xFE00, v1;
	v1 =	vld.idx.msk [tilespmem:v6+s21+$0x0], $0xffff  }
0xa3: {  	v16 =	vor.u32 v5, v8;
	v5 =	vand.u32 $0x7F, v19;
	v8 =	vand.u32 $0x7F, v20;
	v6 =	vld.idx.msk [tilespmem:v10+s21+$0x0], $0xffff  }
0xa4: {  	v19 =	vor.u32 $0x80, v10;
	v21 =	vor.u32 v5, v12;
	v22 =	vor.u32 v8, v14;
	v20 =	vld.idx.msk [tilespmem:v11+s21+$0x0], $0xffff  }
0xa5: {  	v24 =	vor.u32 $0x80, v11;
	v25 =	vor.u32 $0x80, v15;
	v23 =	vor.u32 $0x80, v16;
	[tilespmem:v18+s22+$0x0] =	vst.idx.add.f32.msk $0xffff, v7  }
0xa6: {  	v26 =	vor.u32 $0x100, v10;
	v27 =	vor.u32 $0x80, v21;
	v28 =	vor.u32 $0x80, v22;
	v29 =	vld.idx.msk [tilespmem:v9+s21+$0x0], $0xffff  }
0xa7: {  	v31 =	vor.u32 $0x80, v18;
	v14 =	vor.u32 $0x100, v11;
	v12 =	vor.u32 $0x100, v15;
	v30 =	vld.idx.msk [tilespmem:v15+s21+$0x0], $0xffff  }
0xa8: {  	v32 =	vor.u32 $0x100, v17;
	v7 =	vor.u32 $0x100, v21;
	v9 =	vor.u32 $0x100, v16;
	[tilespmem:v4+s22+$0x0] =	vst.idx.add.f32.msk $0xffff, v13  }
0xa9: {  	v5 =	vor.u32 $0x180, v11;
	v8 =	vor.u32 $0x100, v22;
	v13 =	vor.u32 $0x180, v10;
	[tilespmem:v16+s22+$0x0] =	vst.idx.add.f32.msk $0xffff, v6  }
0xaa: {  	v4 =	vor.u32 $0x180, v16;
	v10 =	vor.u32 $0x180, v21;
	v6 =	vor.u32 $0x180, v15;
	[tilespmem:v21+s22+$0x0] =	vst.idx.add.f32.msk $0xffff, v20  }
0xab: {  	v11 =	vor.u32 $0x180, v22;
	v15 =	vld.idx.msk [tilespmem:v19+s21+$0x0], $0xffff  }
0xac: {  	[tilespmem:v31+s22+$0x0] =	vst.idx.add.f32.msk $0xffff, v29  }
0xad: {  	v16 =	vld.idx.msk [tilespmem:v32+s21+$0x0], $0xffff  }
0xae: {  	v19 =	vor.u32 $0x100, v18;
	[tilespmem:v22+s22+$0x0] =	vst.idx.add.f32.msk $0xffff, v30  }
0xaf: {  	v17 =	vor.u32 $0x180, v17;
	v20 =	vld.idx.msk [tilespmem:v24+s21+$0x0], $0xffff  }
0xb0: {  	v21 =	vld.idx.msk [tilespmem:v25+s21+$0x0], $0xffff  }
0xb1: {  	[tilespmem:v23+s22+$0x0] =	vst.idx.add.f32.msk $0xffff, v15  }
.Ltmp0:
0xb2: {  	v15 =	vld.idx.msk [tilespmem:v26+s21+$0x0], $0xffff;
	(pc) =	sbr.rel @p0 .LBB2_3-.Ltmp0, $4  }
0xb3: {  	[tilespmem:v19+s22+$0x0] =	vst.idx.add.f32.msk $0xffff, v16  }
0xb4: {  	v16 =	vld.idx.msk [tilespmem:v17+s21+$0x0], $0xffff  }
0xb5: {  	v17 =	vor.u32 $0x180, v18;
	[tilespmem:v27+s22+$0x0] =	vst.idx.add.f32.msk $0xffff, v20  }
0xb6: {  	s31 =	sadd.s32 $0x40, s31;
	[tilespmem:v28+s22+$0x0] =	vst.idx.add.f32.msk $0xffff, v21  }
0xb7: {  	_ =	sdelay $0x3  }
0xb8: {  	v14 =	vld.idx.msk [tilespmem:v14+s21+$0x0], $0xffff  }
0xb9: {  	v12 =	vld.idx.msk [tilespmem:v12+s21+$0x0], $0xffff  }
0xba: {  	[tilespmem:v9+s22+$0x0] =	vst.idx.add.f32.msk $0xffff, v15  }
0xbb: {  	[tilespmem:v2+s22+$0x0] =	vst.idx.add.f32.msk $0xffff, v0  }
0xbc: {  	v9 =	vld.idx.msk [tilespmem:v13+s21+$0x0], $0xffff  }
0xbd: {  	[tilespmem:v7+s22+$0x0] =	vst.idx.add.f32.msk $0xffff, v14  }
0xbe: {  	[tilespmem:v8+s22+$0x0] =	vst.idx.add.f32.msk $0xffff, v12  }
0xbf: {  	v5 =	vld.idx.msk [tilespmem:v5+s21+$0x0], $0xffff  }
0xc0: {  	v6 =	vld.idx.msk [tilespmem:v6+s21+$0x0], $0xffff  }
0xc1: {  	[tilespmem:v3+s22+$0x0] =	vst.idx.add.f32.msk $0xffff, v1  }
0xc2: {  	[tilespmem:v17+s22+$0x0] =	vst.idx.add.f32.msk $0xffff, v16  }
0xc3: {  	[tilespmem:v4+s22+$0x0] =	vst.idx.add.f32.msk $0xffff, v9  }
0xc4: {  	[tilespmem:v10+s22+$0x0] =	vst.idx.add.f32.msk $0xffff, v5  }
0xc5: {  	s30 =	simm.s32 $0x0;
	[tilespmem:v11+s22+$0x0] =	vst.idx.add.f32.msk $0xffff, v6  }
.LBB2_5:
0xc6: {  	s31 =	sshra.s32 s30, $0x2  }
0xc7: {  	v0 =	vld [tilespmem:s31+$0xF80];
	_ =	sdelay $0x4  }
0xc8: {  	v1 =	vshrl.u32 v0, $0xE;
	v2 =	vshrl.u32 v0, $0xC  }
0xc9: {  	v1 =	vand.u32 $0x7F, v1;
	v2 =	vand.u32 $0xFFE00, v2  }
0xca: {  	v1 =	vor.u32 v1, v2;
	_ =	sdelay $0x2  }
0xcb: {  	v60 =	vshll.u32 v0, $0x2  }
0xcc: {  	v0 =	vand.u32 $0x7F, v0;
	v2 =	vand.u32 $0xFE00, v60  }
0xcd: {  	v0 =	vor.u32 v0, v2;
	v3 =	vld.idx.msk [tilespmem:v1+s21+$0x0], $0xffff  }
0xce: {  	v61 =	vor.u32 $0x80, v1;
	_ =	sdelay $0x3  }
0xcf: {  	[tilespmem:v0+s22+$0x0] =	vst.idx.add.f32.msk $0xffff, v3  }
0xd0: {  	v62 =	vor.u32 $0x80, v0;
	v2 =	vld.idx.msk [tilespmem:v61+s21+$0x0], $0xffff  }
0xd1: {  	v4 =	vor.u32 $0x100, v1;
	_ =	sdelay $0x3  }
0xd2: {  	[tilespmem:v62+s22+$0x0] =	vst.idx.add.f32.msk $0xffff, v2  }
0xd3: {  	v63 =	vor.u32 $0x100, v0;
	v2 =	vld.idx.msk [tilespmem:v4+s21+$0x0], $0xffff  }
0xd4: {  	v1 =	vor.u32 $0x180, v1;
	_ =	sdelay $0x3  }
0xd5: {  	[tilespmem:v63+s22+$0x0] =	vst.idx.add.f32.msk $0xffff, v2  }
0xd6: {  	p0 =	sne.s32 s30, $0x40;
	v0 =	vor.u32 $0x180, v0;
	v1 =	vld.idx.msk [tilespmem:v1+s21+$0x0], $0xffff  }
.Ltmp1:
0xd7: {  	_ = 	snop;
	(pc) =	sbr.rel @p0 .LBB2_5-.Ltmp1, $2  }
0xd8: {  	_ =	sdelay $0x2  }
0xd9: {  	s30 =	sadd.s32 $0x40, s30;
	[tilespmem:v0+s22+$0x0] =	vst.idx.add.f32.msk $0xffff, v1  }
0xda: {  	p0 =	seq.s32 s28, $0x27  }
0xdb: {  	s29 =	sadd.s32 @!p0 $0x1F40, s29;
	s30 =	simm.s32 @!p0 $0x0  }
0xdc: {  	[tilespmem:s30], [sflag:$0x1] =	stream.linear.gather @!p0 [spmem:s29], $0xFA0, $0x38;
	[tilespmem:$0x1AA20] =	vst v63  }
0xdd: {  	_ =	swait.ge [sflag:s25], $0xFA0  }
0xde: {  	[sflag:s25] =	ssyncset.done $0x0  }
0xdf: {  	s29 =	simm.s32 $0x1020;
	[sflag:s25] =	ssyncadd.s32 $0xFFFFF060  }
0xe0: {  	v0 =	vld [tilespmem:s29+$0x10]  }
0xe1: {  	v1 =	vld [tilespmem:s29+$0xFFFFFFF0]  }
0xe2: {  	v2 =	vld [tilespmem:s29+$0x0]  }
0xe3: {  	v3 =	vld [tilespmem:s29+$0xFFFFFFE0];
	_ =	sdelay $0x1  }
0xe4: {  	v4 =	vshrl.u32 v0, $0xE  }
0xe5: {  	v5 =	vshrl.u32 v0, $0xC;
	v6 =	vshrl.u32 v1, $0xE;
	v7 =	vshrl.u32 v1, $0xC  }
0xe6: {  	v8 =	vshrl.u32 v2, $0xE;
	v4 =	vand.u32 $0x7F, v4;
	v5 =	vand.u32 $0xFFE00, v5  }
0xe7: {  	v9 =	vshrl.u32 v3, $0xC;
	v10 =	vshrl.u32 v2, $0xC;
	v4 =	vor.u32 v4, v5  }
0xe8: {  	v11 =	vshll.u32 v1, $0x2;
	v5 =	vand.u32 $0x7F, v6;
	v6 =	vshrl.u32 v3, $0xE  }
0xe9: {  	v7 =	vand.u32 $0xFFE00, v7;
	v9 =	vand.u32 $0xFFE00, v9;
	v6 =	vand.u32 $0x7F, v6  }
0xea: {  	v5 =	vor.u32 v5, v7;
	v6 =	vor.u32 v6, v9;
	v9 =	vshll.u32 v0, $0x2  }
0xeb: {  	v1 =	vand.u32 $0x7F, v1;
	v0 =	vand.u32 $0x7F, v0;
	v7 =	vand.u32 $0xFE00, v9  }
0xec: {  	v8 =	vand.u32 $0x7F, v8;
	v9 =	vand.u32 $0xFFE00, v10;
	v0 =	vor.u32 v0, v7;
	v10 =	vld.idx.msk [tilespmem:v4+s21+$0x0], $0xffff  }
0xed: {  	v7 =	vor.u32 v8, v9;
	v8 =	vshll.u32 v3, $0x2;
	v9 =	vor.u32 $0x80, v4  }
0xee: {  	v11 =	vand.u32 $0xFE00, v11;
	v3 =	vand.u32 $0x7F, v3;
	v8 =	vand.u32 $0xFE00, v8  }
0xef: {  	v11 =	vor.u32 v1, v11;
	v3 =	vor.u32 v3, v8;
	v8 =	vld.idx.msk [tilespmem:v5+s21+$0x0], $0xffff  }
0xf0: {  	v12 =	vld.idx.msk [tilespmem:v6+s21+$0x0], $0xffff  }
0xf1: {  	v1 =	vor.u32 $0x80, v6;
	[tilespmem:v0+s22+$0x0] =	vst.idx.add.f32.msk $0xffff, v10  }
0xf2: {  	v13 =	vor.u32 $0x80, v0;
	v10 =	vshll.u32 v2, $0x2;
	v9 =	vld.idx.msk [tilespmem:v9+s21+$0x0], $0xffff  }
0xf3: {  	v15 =	vor.u32 $0x100, v4;
	v14 =	vld.idx.msk [tilespmem:v7+s21+$0x0], $0xffff;
	v2 =	vand.u32 $0x7F, v2;
	v10 =	vand.u32 $0xFE00, v10  }
0xf4: {  	[tilespmem:v11+s22+$0x0] =	vst.idx.add.f32.msk $0xffff, v8;
	v10 =	vor.u32 v2, v10  }
0xf5: {  	[tilespmem:v3+s22+$0x0] =	vst.idx.add.f32.msk $0xffff, v12;
	v2 =	vor.u32 $0x80, v5  }
0xf6: {  	v8 =	vor.u32 $0x80, v7;
	v1 =	vld.idx.msk [tilespmem:v1+s21+$0x0], $0xffff  }
0xf7: {  	v12 =	vor.u32 $0x80, v3;
	[tilespmem:v13+s22+$0x0] =	vst.idx.add.f32.msk $0xffff, v9  }
0xf8: {  	v13 =	vld.idx.msk [tilespmem:v15+s21+$0x0], $0xffff  }
0xf9: {  	v9 =	vor.u32 $0x100, v6;
	[tilespmem:v10+s22+$0x0] =	vst.idx.add.f32.msk $0xffff, v14  }
0xfa: {  	v14 =	vor.u32 $0x100, v0;
	v2 =	vld.idx.msk [tilespmem:v2+s21+$0x0], $0xffff  }
0xfb: {  	v15 =	vor.u32 $0x80, v11;
	v8 =	vld.idx.msk [tilespmem:v8+s21+$0x0], $0xffff  }
0xfc: {  	s29 =	simm.s32 $0x1060;
	[tilespmem:v12+s22+$0x0] =	vst.idx.add.f32.msk $0xffff, v1  }
0xfd: {  	v4 =	vor.u32 $0x180, v4;
	v12 =	vld [tilespmem:s29+$0x10]  }
0xfe: {  	v1 =	vor.u32 $0x80, v10;
	v9 =	vld.idx.msk [tilespmem:v9+s21+$0x0], $0xffff  }
0xff: {  	[tilespmem:v14+s22+$0x0] =	vst.idx.add.f32.msk $0xffff, v13  }
0x100: {  	[tilespmem:v15+s22+$0x0] =	vst.idx.add.f32.msk $0xffff, v2  }
0x101: {  	v13 =	vor.u32 $0x100, v5;
	v2 =	vld [tilespmem:s29+$0xFFFFFFF0]  }
0x102: {  	v0 =	vor.u32 $0x180, v0;
	v4 =	vld.idx.msk [tilespmem:v4+s21+$0x0], $0xffff  }
0x103: {  	[tilespmem:v1+s22+$0x0] =	vst.idx.add.f32.msk $0xffff, v8;
	v1 =	vor.u32 $0x100, v7  }
0x104: {  	v14 =	vld [tilespmem:s29+$0xFFFFFFE0];
	v8 =	vor.u32 $0x100, v3  }
0x105: {  	v6 =	vor.u32 $0x180, v6;
	v15 =	vld [tilespmem:s29+$0x0];
	v16 =	vshrl.u32 v12, $0xE;
	v17 =	vshrl.u32 v12, $0xC  }
0x106: {  	v18 =	vor.u32 $0x100, v11;
	v16 =	vand.u32 $0x7F, v16;
	v17 =	vand.u32 $0xFFE00, v17;
	v13 =	vld.idx.msk [tilespmem:v13+s21+$0x0], $0xffff  }
0x107: {  	v5 =	vor.u32 $0x180, v5;
	[tilespmem:v0+s22+$0x0] =	vst.idx.add.f32.msk $0xffff, v4;
	v4 =	vor.u32 v16, v17  }
0x108: {  	v7 =	vor.u32 $0x180, v7;
	v3 =	vor.u32 $0x180, v3;
	v0 =	vor.u32 $0x100, v10;
	v1 =	vld.idx.msk [tilespmem:v1+s21+$0x0], $0xffff  }
0x109: {  	v16 =	vshrl.u32 v2, $0xE;
	[tilespmem:v8+s22+$0x0] =	vst.idx.add.f32.msk $0xffff, v9;
	v8 =	vshrl.u32 v14, $0xE;
	v9 =	vshrl.u32 v14, $0xC  }
0x10a: {  	v17 =	vshrl.u32 v2, $0xC;
	v6 =	vld.idx.msk [tilespmem:v6+s21+$0x0], $0xffff;
	v8 =	vand.u32 $0x7F, v8;
	v9 =	vand.u32 $0xFFE00, v9  }
0x10b: {  	v16 =	vand.u32 $0x7F, v16;
	v17 =	vand.u32 $0xFFE00, v17;
	v8 =	vor.u32 v8, v9;
	[tilespmem:v18+s22+$0x0] =	vst.idx.add.f32.msk $0xffff, v13  }
0x10c: {  	v9 =	vshll.u32 v12, $0x2;
	v16 =	vor.u32 v16, v17;
	v12 =	vand.u32 $0x7F, v12;
	v13 =	vld.idx.msk [tilespmem:v4+s21+$0x0], $0xffff  }
0x10d: {  	v17 =	vshrl.u32 v15, $0xE;
	v9 =	vand.u32 $0xFE00, v9;
	v18 =	vshrl.u32 v15, $0xC;
	[tilespmem:v0+s22+$0x0] =	vst.idx.add.f32.msk $0xffff, v1  }
0x10e: {  	v19 =	vor.u32 v12, v9;
	v1 =	vand.u32 $0x7F, v17;
	v9 =	vand.u32 $0xFFE00, v18;
	v0 =	vld.idx.msk [tilespmem:v5+s21+$0x0], $0xffff  }
0x10f: {  	v12 =	vor.u32 $0x80, v4;
	v5 =	vshll.u32 v14, $0x2;
	v17 =	vor.u32 v1, v9;
	v1 =	vld.idx.msk [tilespmem:v7+s21+$0x0], $0xffff  }
0x110: {  	v7 =	vshll.u32 v2, $0x2;
	v5 =	vand.u32 $0xFE00, v5;
	v9 =	vand.u32 $0x7F, v14;
	[tilespmem:v3+s22+$0x0] =	vst.idx.add.f32.msk $0xffff, v6  }
0x111: {  	v2 =	vand.u32 $0x7F, v2;
	v14 =	vld.idx.msk [tilespmem:v8+s21+$0x0], $0xffff;
	v7 =	vand.u32 $0xFE00, v7;
	v18 =	vor.u32 v9, v5  }
0x112: {  	v5 =	vld.idx.msk [tilespmem:v16+s21+$0x0], $0xffff;
	v20 =	vor.u32 v2, v7  }
0x113: {  	v2 =	vor.u32 $0x80, v8;
	[tilespmem:v19+s22+$0x0] =	vst.idx.add.f32.msk $0xffff, v13  }
0x114: {  	v3 =	vor.u32 $0x80, v16;
	v9 =	vshll.u32 v15, $0x2;
	v7 =	vld.idx.msk [tilespmem:v12+s21+$0x0], $0xffff  }
0x115: {  	v15 =	vand.u32 $0x7F, v15;
	v9 =	vand.u32 $0xFE00, v9;
	v13 =	vor.u32 $0x80, v19;
	v12 =	vld.idx.msk [tilespmem:v17+s21+$0x0], $0xffff  }
0x116: {  	v22 =	vor.u32 v15, v9;
	[tilespmem:v18+s22+$0x0] =	vst.idx.add.f32.msk $0xffff, v14  }
0x117: {  	v21 =	vor.u32 $0x100, v4;
	[tilespmem:v20+s22+$0x0] =	vst.idx.add.f32.msk $0xffff, v5  }
0x118: {  	v5 =	vor.u32 $0x80, v17;
	v2 =	vld.idx.msk [tilespmem:v2+s21+$0x0], $0xffff  }
0x119: {  	v6 =	vor.u32 $0x80, v18;
	v23 =	vld.idx.msk [tilespmem:v3+s21+$0x0], $0xffff  }
0x11a: {  	v24 =	vor.u32 $0x80, v20;
	[tilespmem:v13+s22+$0x0] =	vst.idx.add.f32.msk $0xffff, v7  }
0x11b: {  	v7 =	vor.u32 $0x100, v8;
	[tilespmem:v22+s22+$0x0] =	vst.idx.add.f32.msk $0xffff, v12  }
0x11c: {  	v63 =	vor.u32 $0x100, v19;
	v13 =	vld.idx.msk [tilespmem:v21+s21+$0x0], $0xffff  }
0x11d: {  	v4 =	vor.u32 $0x180, v4;
	v25 =	vld.idx.msk [tilespmem:v5+s21+$0x0], $0xffff  }
0x11e: {  	v26 =	vor.u32 $0x80, v22;
	[tilespmem:v6+s22+$0x0] =	vst.idx.add.f32.msk $0xffff, v2  }
0x11f: {  	v9 =	vor.u32 $0x100, v18;
	v14 =	vor.u32 $0x100, v16;
	[tilespmem:v24+s22+$0x0] =	vst.idx.add.f32.msk $0xffff, v23  }
0x120: {  	v3 =	vor.u32 $0x180, v10;
	v10 =	vor.u32 $0x180, v20;
	v12 =	vor.u32 $0x100, v17;
	v15 =	vld.idx.msk [tilespmem:v7+s21+$0x0], $0xffff  }
0x121: {  	v2 =	vor.u32 $0x180, v11;
	v5 =	vor.u32 $0x180, v16;
	v6 =	vor.u32 $0x180, v17;
	[tilespmem:v63+s22+$0x0] =	vst.idx.add.f32.msk $0xffff, v13  }
0x122: {  	v11 =	vor.u32 $0x180, v22;
	v17 =	vor.u32 $0x180, v19;
	v7 =	vor.u32 $0x100, v20;
	v16 =	vld.idx.msk [tilespmem:v4+s21+$0x0], $0xffff  }
0x123: {  	s30 =	simm.s32 $0x10A0;
	s29 =	simm.s32 $0x4;
	v13 =	vor.u32 $0x180, v8;
	v8 =	vor.u32 $0x100, v22;
	v4 =	vor.u32 $0x180, v18;
	[tilespmem:v26+s22+$0x0] =	vst.idx.add.f32.msk $0xffff, v25  }
.LBB2_7:
0x124: {  	v18 =	vld [tilespmem:s30+$0x10];
	s29 =	sadd.s32 $0x4, s29  }
0x125: {  	v19 =	vld [tilespmem:s30+$0xFFFFFFF0];
	p0 =	slt.u32 s29, $0xF4  }
0x126: {  	v20 =	vld [tilespmem:s30+$0x0]  }
0x127: {  	[tilespmem:v17+s22+$0x0] =	vst.idx.add.f32.msk $0xffff, v16  }
0x128: {  	v16 =	vld [tilespmem:s30+$0xFFFFFFE0]  }
0x129: {  	v17 =	vshrl.u32 v18, $0xE;
	v21 =	vshrl.u32 v18, $0xC;
	v14 =	vld.idx.msk [tilespmem:v14+s21+$0x0], $0xffff  }
0x12a: {  	v22 =	vshrl.u32 v19, $0xE;
	v17 =	vand.u32 $0x7F, v17;
	v21 =	vand.u32 $0xFFE00, v21;
	v12 =	vld.idx.msk [tilespmem:v12+s21+$0x0], $0xffff  }
0x12b: {  	v23 =	vshrl.u32 v19, $0xC;
	v24 =	vshrl.u32 v20, $0xE;
	v17 =	vor.u32 v17, v21;
	[tilespmem:v9+s22+$0x0] =	vst.idx.add.f32.msk $0xffff, v15  }
0x12c: {  	v9 =	vand.u32 $0x7F, v22;
	v15 =	vand.u32 $0xFFE00, v23;
	v21 =	vshrl.u32 v20, $0xC;
	v13 =	vld.idx.msk [tilespmem:v13+s21+$0x0], $0xffff  }
0x12d: {  	v24 =	vand.u32 $0x7F, v24;
	v22 =	vshrl.u32 v16, $0xE;
	v23 =	vshrl.u32 v16, $0xC;
	[tilespmem:v2+s22+$0x0] =	vst.idx.add.f32.msk $0xffff, v0;
	v2 =	vmovc v10  }
0x12e: {  	v21 =	vand.u32 $0xFFE00, v21;
	v0 =	vand.u32 $0x7F, v22;
	v10 =	vand.u32 $0xFFE00, v23;
	[tilespmem:v3+s22+$0x0] =	vst.idx.add.f32.msk $0xffff, v1;
	v3 =	vmovc v11  }
0x12f: {  	v11 =	vor.u32 v9, v15;
	v10 =	vor.u32 v0, v10;
	v0 =	vshll.u32 v18, $0x2;
	[tilespmem:v7+s22+$0x0] =	vst.idx.add.f32.msk $0xffff, v14  }
0x130: {  	v15 =	vor.u32 v24, v21;
	v1 =	vand.u32 $0x7F, v18;
	v7 =	vld.idx.msk [tilespmem:v17+s21+$0x0], $0xffff;
	v0 =	vand.u32 $0xFE00, v0  }
0x131: {  	v9 =	vshll.u32 v16, $0x2;
	v14 =	vshll.u32 v19, $0x2;
	v18 =	vor.u32 v1, v0;
	[tilespmem:v8+s22+$0x0] =	vst.idx.add.f32.msk $0xffff, v12  }
0x132: {  	v8 =	vand.u32 $0xFE00, v9;
	v1 =	vshll.u32 v20, $0x2;
	v9 =	vor.u32 $0x80, v17;
	v0 =	vld.idx.msk [tilespmem:v5+s21+$0x0], $0xffff  }
0x133: {  	v12 =	vand.u32 $0xFE00, v14;
	v5 =	vand.u32 $0x7F, v16;
	v14 =	vand.u32 $0xFE00, v1;
	v1 =	vld.idx.msk [tilespmem:v6+s21+$0x0], $0xffff  }
0x134: {  	v16 =	vor.u32 v5, v8;
	v5 =	vand.u32 $0x7F, v19;
	v8 =	vand.u32 $0x7F, v20;
	v6 =	vld.idx.msk [tilespmem:v10+s21+$0x0], $0xffff  }
0x135: {  	v19 =	vor.u32 $0x80, v10;
	v21 =	vor.u32 v5, v12;
	v22 =	vor.u32 v8, v14;
	v20 =	vld.idx.msk [tilespmem:v11+s21+$0x0], $0xffff  }
0x136: {  	v24 =	vor.u32 $0x80, v11;
	v25 =	vor.u32 $0x80, v15;
	v23 =	vor.u32 $0x80, v16;
	[tilespmem:v18+s22+$0x0] =	vst.idx.add.f32.msk $0xffff, v7  }
0x137: {  	v26 =	vor.u32 $0x100, v10;
	v27 =	vor.u32 $0x80, v21;
	v28 =	vor.u32 $0x80, v22;
	v29 =	vld.idx.msk [tilespmem:v9+s21+$0x0], $0xffff  }
0x138: {  	v31 =	vor.u32 $0x80, v18;
	v14 =	vor.u32 $0x100, v11;
	v12 =	vor.u32 $0x100, v15;
	v30 =	vld.idx.msk [tilespmem:v15+s21+$0x0], $0xffff  }
0x139: {  	v32 =	vor.u32 $0x100, v17;
	v7 =	vor.u32 $0x100, v21;
	v9 =	vor.u32 $0x100, v16;
	[tilespmem:v4+s22+$0x0] =	vst.idx.add.f32.msk $0xffff, v13  }
0x13a: {  	v5 =	vor.u32 $0x180, v11;
	v8 =	vor.u32 $0x100, v22;
	v13 =	vor.u32 $0x180, v10;
	[tilespmem:v16+s22+$0x0] =	vst.idx.add.f32.msk $0xffff, v6  }
0x13b: {  	v4 =	vor.u32 $0x180, v16;
	v10 =	vor.u32 $0x180, v21;
	v6 =	vor.u32 $0x180, v15;
	[tilespmem:v21+s22+$0x0] =	vst.idx.add.f32.msk $0xffff, v20  }
0x13c: {  	v11 =	vor.u32 $0x180, v22;
	v15 =	vld.idx.msk [tilespmem:v19+s21+$0x0], $0xffff  }
0x13d: {  	[tilespmem:v31+s22+$0x0] =	vst.idx.add.f32.msk $0xffff, v29  }
0x13e: {  	v16 =	vld.idx.msk [tilespmem:v32+s21+$0x0], $0xffff  }
0x13f: {  	v19 =	vor.u32 $0x100, v18;
	[tilespmem:v22+s22+$0x0] =	vst.idx.add.f32.msk $0xffff, v30  }
0x140: {  	v17 =	vor.u32 $0x180, v17;
	v20 =	vld.idx.msk [tilespmem:v24+s21+$0x0], $0xffff  }
0x141: {  	v21 =	vld.idx.msk [tilespmem:v25+s21+$0x0], $0xffff  }
0x142: {  	[tilespmem:v23+s22+$0x0] =	vst.idx.add.f32.msk $0xffff, v15  }
.Ltmp2:
0x143: {  	v15 =	vld.idx.msk [tilespmem:v26+s21+$0x0], $0xffff;
	(pc) =	sbr.rel @p0 .LBB2_7-.Ltmp2, $4  }
0x144: {  	[tilespmem:v19+s22+$0x0] =	vst.idx.add.f32.msk $0xffff, v16  }
0x145: {  	v16 =	vld.idx.msk [tilespmem:v17+s21+$0x0], $0xffff  }
0x146: {  	v17 =	vor.u32 $0x180, v18;
	[tilespmem:v27+s22+$0x0] =	vst.idx.add.f32.msk $0xffff, v20  }
0x147: {  	s30 =	sadd.s32 $0x40, s30;
	[tilespmem:v28+s22+$0x0] =	vst.idx.add.f32.msk $0xffff, v21  }
0x148: {  	_ =	sdelay $0x3  }
0x149: {  	v14 =	vld.idx.msk [tilespmem:v14+s21+$0x0], $0xffff  }
0x14a: {  	v12 =	vld.idx.msk [tilespmem:v12+s21+$0x0], $0xffff  }
0x14b: {  	[tilespmem:v9+s22+$0x0] =	vst.idx.add.f32.msk $0xffff, v15  }
0x14c: {  	[tilespmem:v2+s22+$0x0] =	vst.idx.add.f32.msk $0xffff, v0  }
0x14d: {  	v9 =	vld.idx.msk [tilespmem:v13+s21+$0x0], $0xffff  }
0x14e: {  	[tilespmem:v7+s22+$0x0] =	vst.idx.add.f32.msk $0xffff, v14  }
0x14f: {  	[tilespmem:v8+s22+$0x0] =	vst.idx.add.f32.msk $0xffff, v12  }
0x150: {  	v5 =	vld.idx.msk [tilespmem:v5+s21+$0x0], $0xffff  }
0x151: {  	v6 =	vld.idx.msk [tilespmem:v6+s21+$0x0], $0xffff  }
0x152: {  	[tilespmem:v3+s22+$0x0] =	vst.idx.add.f32.msk $0xffff, v1  }
0x153: {  	[tilespmem:v17+s22+$0x0] =	vst.idx.add.f32.msk $0xffff, v16  }
0x154: {  	[tilespmem:v4+s22+$0x0] =	vst.idx.add.f32.msk $0xffff, v9  }
0x155: {  	[tilespmem:v10+s22+$0x0] =	vst.idx.add.f32.msk $0xffff, v5  }
0x156: {  	s29 =	simm.s32 $0x0;
	[tilespmem:v11+s22+$0x0] =	vst.idx.add.f32.msk $0xffff, v6  }
.LBB2_9:
0x157: {  	s30 =	sshra.s32 s29, $0x2  }
0x158: {  	v0 =	vld [tilespmem:s30+$0x1F80];
	_ =	sdelay $0x4  }
0x159: {  	v1 =	vshrl.u32 v0, $0xE;
	v2 =	vshrl.u32 v0, $0xC  }
0x15a: {  	v1 =	vand.u32 $0x7F, v1;
	v2 =	vand.u32 $0xFFE00, v2  }
0x15b: {  	v1 =	vor.u32 v1, v2;
	_ =	sdelay $0x2  }
0x15c: {  	v60 =	vshll.u32 v0, $0x2  }
0x15d: {  	v0 =	vand.u32 $0x7F, v0;
	v2 =	vand.u32 $0xFE00, v60  }
0x15e: {  	v0 =	vor.u32 v0, v2;
	v3 =	vld.idx.msk [tilespmem:v1+s21+$0x0], $0xffff  }
0x15f: {  	v61 =	vor.u32 $0x80, v1;
	_ =	sdelay $0x3  }
0x160: {  	[tilespmem:v0+s22+$0x0] =	vst.idx.add.f32.msk $0xffff, v3  }
0x161: {  	v62 =	vor.u32 $0x80, v0;
	v2 =	vld.idx.msk [tilespmem:v61+s21+$0x0], $0xffff  }
0x162: {  	v4 =	vor.u32 $0x100, v1;
	_ =	sdelay $0x3  }
0x163: {  	[tilespmem:v62+s22+$0x0] =	vst.idx.add.f32.msk $0xffff, v2  }
0x164: {  	v63 =	vor.u32 $0x100, v0;
	v2 =	vld.idx.msk [tilespmem:v4+s21+$0x0], $0xffff  }
0x165: {  	v1 =	vor.u32 $0x180, v1;
	_ =	sdelay $0x3  }
0x166: {  	[tilespmem:v63+s22+$0x0] =	vst.idx.add.f32.msk $0xffff, v2  }
0x167: {  	p0 =	sne.s32 s29, $0x40;
	v0 =	vor.u32 $0x180, v0;
	v1 =	vld.idx.msk [tilespmem:v1+s21+$0x0], $0xffff  }
.Ltmp3:
0x168: {  	_ = 	snop;
	(pc) =	sbr.rel @p0 .LBB2_9-.Ltmp3, $2  }
0x169: {  	_ =	sdelay $0x2  }
0x16a: {  	s29 =	sadd.s32 $0x40, s29;
	[tilespmem:v0+s22+$0x0] =	vst.idx.add.f32.msk $0xffff, v1  }
0x16b: {  	s28 =	sadd.s32 $0x1, s28  }
0x16c: {  	p0 =	sne.s32 s28, $0x28  }
.Ltmp4:
0x16d: {  	_ = 	snop;
	(pc) =	sbr.rel @p0 .LBB2_2-.Ltmp4, $1  }
0x16e: {  	_ =	sdelay $0x3  }
0x16f: {  	s28 =	simm.s32 $0x0  }
0x170: {  	[hbm4b:s16+s28] =	stream.linear.scatter [tilespmem:s22], [sflag:$0x3], $0x9E00, $0x38;
	[tilespmem:$0x1AA20] =	vst v63  }
0x171: {  	_ =	swait.ge [sflag:s20], $0x9E00  }
0x172: {  	[sflag:s20] =	ssyncset.done $0x0  }
0x173: {  	[sflag:s20] =	ssyncadd.s32 $0xFFFF6200  }
0x174: {  	[tilespmem:s21], [sflag:$0x3] =	stream.linear.gather [hbm4b:s17+s28], $0x9E00, $0x38;
	[tilespmem:$0x1AA20] =	vst v63  }
0x175: {  	_ =	swait.ge [sflag:s20], $0x9E00  }
0x176: {  	[sflag:s20] =	ssyncset.done $0x0  }
0x177: {  	[sflag:s20] =	ssyncadd.s32 $0xFFFF6200  }
0x178: {  	[tilespmem:s22], [sflag:$0x3] =	stream.linear.gather [hbm4b:s4+s28], $0x9E00, $0x38;
	[tilespmem:$0x1AA20] =	vst v63  }
0x179: {  	_ =	swait.ge [sflag:s20], $0x9E00  }
0x17a: {  	[sflag:s20] =	ssyncset.done $0x0  }
0x17b: {  	[sflag:s20] =	ssyncadd.s32 $0xFFFF6200  }
0x17c: {  	[tilespmem:s28], [sflag:$0x1] =	stream.linear.gather [spmem:s1], $0xFA0, $0x38;
	[tilespmem:$0x1AA20] =	vst v63  }
.LBB2_12:
0x17d: {  	s29 =	smul.u32 $0x7D00, s28;
	_ =	sdelay $0x1  }
0x17e: {  	s29 =	sshra.s32 s29, $0x2  }
0x17f: {  	s29 =	sadd.s32 s29, s1  }
0x180: {  	s30 =	sadd.s32 $0xFA0, s29  }
0x181: {  	[tilespmem:s23], [sflag:$0x2] =	stream.linear.gather [spmem:s30], $0xFA0, $0x38;
	[tilespmem:$0x1AA20] =	vst v63  }
0x182: {  	_ =	swait.ge [sflag:s24], $0xFA0  }
0x183: {  	[sflag:s24] =	ssyncset.done $0x0  }
0x184: {  	s30 =	simm.s32 $0x20;
	[sflag:s24] =	ssyncadd.s32 $0xFFFFF060  }
0x185: {  	v0 =	vld [tilespmem:s30+$0x10]  }
0x186: {  	v1 =	vld [tilespmem:s30+$0xFFFFFFF0]  }
0x187: {  	v2 =	vld [tilespmem:s30+$0x0]  }
0x188: {  	v3 =	vld [tilespmem:s30+$0xFFFFFFE0];
	_ =	sdelay $0x1  }
0x189: {  	v4 =	vshrl.u32 v0, $0xE  }
0x18a: {  	v5 =	vshrl.u32 v0, $0xC;
	v6 =	vshrl.u32 v1, $0xE;
	v7 =	vshrl.u32 v1, $0xC  }
0x18b: {  	v8 =	vshrl.u32 v2, $0xE;
	v4 =	vand.u32 $0x7F, v4;
	v5 =	vand.u32 $0xFFE00, v5  }
0x18c: {  	v9 =	vshrl.u32 v3, $0xC;
	v10 =	vshrl.u32 v2, $0xC;
	v4 =	vor.u32 v4, v5  }
0x18d: {  	v11 =	vshll.u32 v1, $0x2;
	v5 =	vand.u32 $0x7F, v6;
	v6 =	vshrl.u32 v3, $0xE  }
0x18e: {  	v7 =	vand.u32 $0xFFE00, v7;
	v9 =	vand.u32 $0xFFE00, v9;
	v6 =	vand.u32 $0x7F, v6  }
0x18f: {  	v5 =	vor.u32 v5, v7;
	v6 =	vor.u32 v6, v9;
	v9 =	vshll.u32 v0, $0x2  }
0x190: {  	v1 =	vand.u32 $0x7F, v1;
	v0 =	vand.u32 $0x7F, v0;
	v7 =	vand.u32 $0xFE00, v9  }
0x191: {  	v8 =	vand.u32 $0x7F, v8;
	v9 =	vand.u32 $0xFFE00, v10;
	v0 =	vor.u32 v0, v7;
	v10 =	vld.idx.msk [tilespmem:v4+s21+$0x0], $0xffff  }
0x192: {  	v7 =	vor.u32 v8, v9;
	v8 =	vshll.u32 v3, $0x2;
	v9 =	vor.u32 $0x80, v4  }
0x193: {  	v11 =	vand.u32 $0xFE00, v11;
	v3 =	vand.u32 $0x7F, v3;
	v8 =	vand.u32 $0xFE00, v8  }
0x194: {  	v11 =	vor.u32 v1, v11;
	v3 =	vor.u32 v3, v8;
	v8 =	vld.idx.msk [tilespmem:v5+s21+$0x0], $0xffff  }
0x195: {  	v12 =	vld.idx.msk [tilespmem:v6+s21+$0x0], $0xffff  }
0x196: {  	v1 =	vor.u32 $0x80, v6;
	[tilespmem:v0+s22+$0x0] =	vst.idx.add.f32.msk $0xffff, v10  }
0x197: {  	v13 =	vor.u32 $0x80, v0;
	v10 =	vshll.u32 v2, $0x2;
	v9 =	vld.idx.msk [tilespmem:v9+s21+$0x0], $0xffff  }
0x198: {  	v15 =	vor.u32 $0x100, v4;
	v14 =	vld.idx.msk [tilespmem:v7+s21+$0x0], $0xffff;
	v2 =	vand.u32 $0x7F, v2;
	v10 =	vand.u32 $0xFE00, v10  }
0x199: {  	[tilespmem:v11+s22+$0x0] =	vst.idx.add.f32.msk $0xffff, v8;
	v10 =	vor.u32 v2, v10  }
0x19a: {  	[tilespmem:v3+s22+$0x0] =	vst.idx.add.f32.msk $0xffff, v12;
	v2 =	vor.u32 $0x80, v5  }
0x19b: {  	v8 =	vor.u32 $0x80, v7;
	v1 =	vld.idx.msk [tilespmem:v1+s21+$0x0], $0xffff  }
0x19c: {  	v12 =	vor.u32 $0x80, v3;
	[tilespmem:v13+s22+$0x0] =	vst.idx.add.f32.msk $0xffff, v9  }
0x19d: {  	v13 =	vld.idx.msk [tilespmem:v15+s21+$0x0], $0xffff  }
0x19e: {  	v9 =	vor.u32 $0x100, v6;
	[tilespmem:v10+s22+$0x0] =	vst.idx.add.f32.msk $0xffff, v14  }
0x19f: {  	v14 =	vor.u32 $0x100, v0;
	v2 =	vld.idx.msk [tilespmem:v2+s21+$0x0], $0xffff  }
0x1a0: {  	v15 =	vor.u32 $0x80, v11;
	v8 =	vld.idx.msk [tilespmem:v8+s21+$0x0], $0xffff  }
0x1a1: {  	s30 =	simm.s32 $0x60;
	[tilespmem:v12+s22+$0x0] =	vst.idx.add.f32.msk $0xffff, v1  }
0x1a2: {  	v4 =	vor.u32 $0x180, v4;
	v12 =	vld [tilespmem:s30+$0x10]  }
0x1a3: {  	v1 =	vor.u32 $0x80, v10;
	v9 =	vld.idx.msk [tilespmem:v9+s21+$0x0], $0xffff  }
0x1a4: {  	[tilespmem:v14+s22+$0x0] =	vst.idx.add.f32.msk $0xffff, v13  }
0x1a5: {  	[tilespmem:v15+s22+$0x0] =	vst.idx.add.f32.msk $0xffff, v2  }
0x1a6: {  	v13 =	vor.u32 $0x100, v5;
	v2 =	vld [tilespmem:s30+$0xFFFFFFF0]  }
0x1a7: {  	v0 =	vor.u32 $0x180, v0;
	v4 =	vld.idx.msk [tilespmem:v4+s21+$0x0], $0xffff  }
0x1a8: {  	[tilespmem:v1+s22+$0x0] =	vst.idx.add.f32.msk $0xffff, v8;
	v1 =	vor.u32 $0x100, v7  }
0x1a9: {  	v14 =	vld [tilespmem:s30+$0xFFFFFFE0];
	v8 =	vor.u32 $0x100, v3  }
0x1aa: {  	v6 =	vor.u32 $0x180, v6;
	v15 =	vld [tilespmem:s30+$0x0];
	v16 =	vshrl.u32 v12, $0xE;
	v17 =	vshrl.u32 v12, $0xC  }
0x1ab: {  	v18 =	vor.u32 $0x100, v11;
	v16 =	vand.u32 $0x7F, v16;
	v17 =	vand.u32 $0xFFE00, v17;
	v13 =	vld.idx.msk [tilespmem:v13+s21+$0x0], $0xffff  }
0x1ac: {  	v5 =	vor.u32 $0x180, v5;
	[tilespmem:v0+s22+$0x0] =	vst.idx.add.f32.msk $0xffff, v4;
	v4 =	vor.u32 v16, v17  }
0x1ad: {  	v7 =	vor.u32 $0x180, v7;
	v3 =	vor.u32 $0x180, v3;
	v0 =	vor.u32 $0x100, v10;
	v1 =	vld.idx.msk [tilespmem:v1+s21+$0x0], $0xffff  }
0x1ae: {  	v16 =	vshrl.u32 v2, $0xE;
	[tilespmem:v8+s22+$0x0] =	vst.idx.add.f32.msk $0xffff, v9;
	v8 =	vshrl.u32 v14, $0xE;
	v9 =	vshrl.u32 v14, $0xC  }
0x1af: {  	v17 =	vshrl.u32 v2, $0xC;
	v6 =	vld.idx.msk [tilespmem:v6+s21+$0x0], $0xffff;
	v8 =	vand.u32 $0x7F, v8;
	v9 =	vand.u32 $0xFFE00, v9  }
0x1b0: {  	v16 =	vand.u32 $0x7F, v16;
	v17 =	vand.u32 $0xFFE00, v17;
	v8 =	vor.u32 v8, v9;
	[tilespmem:v18+s22+$0x0] =	vst.idx.add.f32.msk $0xffff, v13  }
0x1b1: {  	v9 =	vshll.u32 v12, $0x2;
	v16 =	vor.u32 v16, v17;
	v12 =	vand.u32 $0x7F, v12;
	v13 =	vld.idx.msk [tilespmem:v4+s21+$0x0], $0xffff  }
0x1b2: {  	v17 =	vshrl.u32 v15, $0xE;
	v9 =	vand.u32 $0xFE00, v9;
	v18 =	vshrl.u32 v15, $0xC;
	[tilespmem:v0+s22+$0x0] =	vst.idx.add.f32.msk $0xffff, v1  }
0x1b3: {  	v19 =	vor.u32 v12, v9;
	v1 =	vand.u32 $0x7F, v17;
	v9 =	vand.u32 $0xFFE00, v18;
	v0 =	vld.idx.msk [tilespmem:v5+s21+$0x0], $0xffff  }
0x1b4: {  	v12 =	vor.u32 $0x80, v4;
	v5 =	vshll.u32 v14, $0x2;
	v17 =	vor.u32 v1, v9;
	v1 =	vld.idx.msk [tilespmem:v7+s21+$0x0], $0xffff  }
0x1b5: {  	v7 =	vshll.u32 v2, $0x2;
	v5 =	vand.u32 $0xFE00, v5;
	v9 =	vand.u32 $0x7F, v14;
	[tilespmem:v3+s22+$0x0] =	vst.idx.add.f32.msk $0xffff, v6  }
0x1b6: {  	v2 =	vand.u32 $0x7F, v2;
	v14 =	vld.idx.msk [tilespmem:v8+s21+$0x0], $0xffff;
	v7 =	vand.u32 $0xFE00, v7;
	v18 =	vor.u32 v9, v5  }
0x1b7: {  	v5 =	vld.idx.msk [tilespmem:v16+s21+$0x0], $0xffff;
	v20 =	vor.u32 v2, v7  }
0x1b8: {  	v2 =	vor.u32 $0x80, v8;
	[tilespmem:v19+s22+$0x0] =	vst.idx.add.f32.msk $0xffff, v13  }
0x1b9: {  	v3 =	vor.u32 $0x80, v16;
	v9 =	vshll.u32 v15, $0x2;
	v7 =	vld.idx.msk [tilespmem:v12+s21+$0x0], $0xffff  }
0x1ba: {  	v15 =	vand.u32 $0x7F, v15;
	v9 =	vand.u32 $0xFE00, v9;
	v13 =	vor.u32 $0x80, v19;
	v12 =	vld.idx.msk [tilespmem:v17+s21+$0x0], $0xffff  }
0x1bb: {  	v22 =	vor.u32 v15, v9;
	[tilespmem:v18+s22+$0x0] =	vst.idx.add.f32.msk $0xffff, v14  }
0x1bc: {  	v21 =	vor.u32 $0x100, v4;
	[tilespmem:v20+s22+$0x0] =	vst.idx.add.f32.msk $0xffff, v5  }
0x1bd: {  	v5 =	vor.u32 $0x80, v17;
	v2 =	vld.idx.msk [tilespmem:v2+s21+$0x0], $0xffff  }
0x1be: {  	v6 =	vor.u32 $0x80, v18;
	v23 =	vld.idx.msk [tilespmem:v3+s21+$0x0], $0xffff  }
0x1bf: {  	v24 =	vor.u32 $0x80, v20;
	[tilespmem:v13+s22+$0x0] =	vst.idx.add.f32.msk $0xffff, v7  }
0x1c0: {  	v7 =	vor.u32 $0x100, v8;
	[tilespmem:v22+s22+$0x0] =	vst.idx.add.f32.msk $0xffff, v12  }
0x1c1: {  	v63 =	vor.u32 $0x100, v19;
	v13 =	vld.idx.msk [tilespmem:v21+s21+$0x0], $0xffff  }
0x1c2: {  	v4 =	vor.u32 $0x180, v4;
	v25 =	vld.idx.msk [tilespmem:v5+s21+$0x0], $0xffff  }
0x1c3: {  	v26 =	vor.u32 $0x80, v22;
	[tilespmem:v6+s22+$0x0] =	vst.idx.add.f32.msk $0xffff, v2  }
0x1c4: {  	v9 =	vor.u32 $0x100, v18;
	v14 =	vor.u32 $0x100, v16;
	[tilespmem:v24+s22+$0x0] =	vst.idx.add.f32.msk $0xffff, v23  }
0x1c5: {  	v3 =	vor.u32 $0x180, v10;
	v10 =	vor.u32 $0x180, v20;
	v12 =	vor.u32 $0x100, v17;
	v15 =	vld.idx.msk [tilespmem:v7+s21+$0x0], $0xffff  }
0x1c6: {  	v2 =	vor.u32 $0x180, v11;
	v5 =	vor.u32 $0x180, v16;
	v6 =	vor.u32 $0x180, v17;
	[tilespmem:v63+s22+$0x0] =	vst.idx.add.f32.msk $0xffff, v13  }
0x1c7: {  	v11 =	vor.u32 $0x180, v22;
	v17 =	vor.u32 $0x180, v19;
	v7 =	vor.u32 $0x100, v20;
	v16 =	vld.idx.msk [tilespmem:v4+s21+$0x0], $0xffff  }
0x1c8: {  	s31 =	simm.s32 $0xA0;
	s30 =	simm.s32 $0x4;
	v13 =	vor.u32 $0x180, v8;
	v8 =	vor.u32 $0x100, v22;
	v4 =	vor.u32 $0x180, v18;
	[tilespmem:v26+s22+$0x0] =	vst.idx.add.f32.msk $0xffff, v25  }
.LBB2_13:
0x1c9: {  	v18 =	vld [tilespmem:s31+$0x10];
	s30 =	sadd.s32 $0x4, s30  }
0x1ca: {  	v19 =	vld [tilespmem:s31+$0xFFFFFFF0];
	p0 =	slt.u32 s30, $0xF4  }
0x1cb: {  	v20 =	vld [tilespmem:s31+$0x0]  }
0x1cc: {  	[tilespmem:v17+s22+$0x0] =	vst.idx.add.f32.msk $0xffff, v16  }
0x1cd: {  	v16 =	vld [tilespmem:s31+$0xFFFFFFE0]  }
0x1ce: {  	v17 =	vshrl.u32 v18, $0xE;
	v21 =	vshrl.u32 v18, $0xC;
	v14 =	vld.idx.msk [tilespmem:v14+s21+$0x0], $0xffff  }
0x1cf: {  	v22 =	vshrl.u32 v19, $0xE;
	v17 =	vand.u32 $0x7F, v17;
	v21 =	vand.u32 $0xFFE00, v21;
	v12 =	vld.idx.msk [tilespmem:v12+s21+$0x0], $0xffff  }
0x1d0: {  	v23 =	vshrl.u32 v19, $0xC;
	v24 =	vshrl.u32 v20, $0xE;
	v17 =	vor.u32 v17, v21;
	[tilespmem:v9+s22+$0x0] =	vst.idx.add.f32.msk $0xffff, v15  }
0x1d1: {  	v9 =	vand.u32 $0x7F, v22;
	v15 =	vand.u32 $0xFFE00, v23;
	v21 =	vshrl.u32 v20, $0xC;
	v13 =	vld.idx.msk [tilespmem:v13+s21+$0x0], $0xffff  }
0x1d2: {  	v24 =	vand.u32 $0x7F, v24;
	v22 =	vshrl.u32 v16, $0xE;
	v23 =	vshrl.u32 v16, $0xC;
	[tilespmem:v2+s22+$0x0] =	vst.idx.add.f32.msk $0xffff, v0;
	v2 =	vmovc v10  }
0x1d3: {  	v21 =	vand.u32 $0xFFE00, v21;
	v0 =	vand.u32 $0x7F, v22;
	v10 =	vand.u32 $0xFFE00, v23;
	[tilespmem:v3+s22+$0x0] =	vst.idx.add.f32.msk $0xffff, v1;
	v3 =	vmovc v11  }
0x1d4: {  	v11 =	vor.u32 v9, v15;
	v10 =	vor.u32 v0, v10;
	v0 =	vshll.u32 v18, $0x2;
	[tilespmem:v7+s22+$0x0] =	vst.idx.add.f32.msk $0xffff, v14  }
0x1d5: {  	v15 =	vor.u32 v24, v21;
	v1 =	vand.u32 $0x7F, v18;
	v7 =	vld.idx.msk [tilespmem:v17+s21+$0x0], $0xffff;
	v0 =	vand.u32 $0xFE00, v0  }
0x1d6: {  	v9 =	vshll.u32 v16, $0x2;
	v14 =	vshll.u32 v19, $0x2;
	v18 =	vor.u32 v1, v0;
	[tilespmem:v8+s22+$0x0] =	vst.idx.add.f32.msk $0xffff, v12  }
0x1d7: {  	v8 =	vand.u32 $0xFE00, v9;
	v1 =	vshll.u32 v20, $0x2;
	v9 =	vor.u32 $0x80, v17;
	v0 =	vld.idx.msk [tilespmem:v5+s21+$0x0], $0xffff  }
0x1d8: {  	v12 =	vand.u32 $0xFE00, v14;
	v5 =	vand.u32 $0x7F, v16;
	v14 =	vand.u32 $0xFE00, v1;
	v1 =	vld.idx.msk [tilespmem:v6+s21+$0x0], $0xffff  }
0x1d9: {  	v16 =	vor.u32 v5, v8;
	v5 =	vand.u32 $0x7F, v19;
	v8 =	vand.u32 $0x7F, v20;
	v6 =	vld.idx.msk [tilespmem:v10+s21+$0x0], $0xffff  }
0x1da: {  	v19 =	vor.u32 $0x80, v10;
	v21 =	vor.u32 v5, v12;
	v22 =	vor.u32 v8, v14;
	v20 =	vld.idx.msk [tilespmem:v11+s21+$0x0], $0xffff  }
0x1db: {  	v24 =	vor.u32 $0x80, v11;
	v25 =	vor.u32 $0x80, v15;
	v23 =	vor.u32 $0x80, v16;
	[tilespmem:v18+s22+$0x0] =	vst.idx.add.f32.msk $0xffff, v7  }
0x1dc: {  	v26 =	vor.u32 $0x100, v10;
	v27 =	vor.u32 $0x80, v21;
	v28 =	vor.u32 $0x80, v22;
	v29 =	vld.idx.msk [tilespmem:v9+s21+$0x0], $0xffff  }
0x1dd: {  	v31 =	vor.u32 $0x80, v18;
	v14 =	vor.u32 $0x100, v11;
	v12 =	vor.u32 $0x100, v15;
	v30 =	vld.idx.msk [tilespmem:v15+s21+$0x0], $0xffff  }
0x1de: {  	v32 =	vor.u32 $0x100, v17;
	v7 =	vor.u32 $0x100, v21;
	v9 =	vor.u32 $0x100, v16;
	[tilespmem:v4+s22+$0x0] =	vst.idx.add.f32.msk $0xffff, v13  }
0x1df: {  	v5 =	vor.u32 $0x180, v11;
	v8 =	vor.u32 $0x100, v22;
	v13 =	vor.u32 $0x180, v10;
	[tilespmem:v16+s22+$0x0] =	vst.idx.add.f32.msk $0xffff, v6  }
0x1e0: {  	v4 =	vor.u32 $0x180, v16;
	v10 =	vor.u32 $0x180, v21;
	v6 =	vor.u32 $0x180, v15;
	[tilespmem:v21+s22+$0x0] =	vst.idx.add.f32.msk $0xffff, v20  }
0x1e1: {  	v11 =	vor.u32 $0x180, v22;
	v15 =	vld.idx.msk [tilespmem:v19+s21+$0x0], $0xffff  }
0x1e2: {  	[tilespmem:v31+s22+$0x0] =	vst.idx.add.f32.msk $0xffff, v29  }
0x1e3: {  	v16 =	vld.idx.msk [tilespmem:v32+s21+$0x0], $0xffff  }
0x1e4: {  	v19 =	vor.u32 $0x100, v18;
	[tilespmem:v22+s22+$0x0] =	vst.idx.add.f32.msk $0xffff, v30  }
0x1e5: {  	v17 =	vor.u32 $0x180, v17;
	v20 =	vld.idx.msk [tilespmem:v24+s21+$0x0], $0xffff  }
0x1e6: {  	v21 =	vld.idx.msk [tilespmem:v25+s21+$0x0], $0xffff  }
0x1e7: {  	[tilespmem:v23+s22+$0x0] =	vst.idx.add.f32.msk $0xffff, v15  }
.Ltmp5:
0x1e8: {  	v15 =	vld.idx.msk [tilespmem:v26+s21+$0x0], $0xffff;
	(pc) =	sbr.rel @p0 .LBB2_13-.Ltmp5, $4  }
0x1e9: {  	[tilespmem:v19+s22+$0x0] =	vst.idx.add.f32.msk $0xffff, v16  }
0x1ea: {  	v16 =	vld.idx.msk [tilespmem:v17+s21+$0x0], $0xffff  }
0x1eb: {  	v17 =	vor.u32 $0x180, v18;
	[tilespmem:v27+s22+$0x0] =	vst.idx.add.f32.msk $0xffff, v20  }
0x1ec: {  	s31 =	sadd.s32 $0x40, s31;
	[tilespmem:v28+s22+$0x0] =	vst.idx.add.f32.msk $0xffff, v21  }
0x1ed: {  	_ =	sdelay $0x3  }
0x1ee: {  	v14 =	vld.idx.msk [tilespmem:v14+s21+$0x0], $0xffff  }
0x1ef: {  	v12 =	vld.idx.msk [tilespmem:v12+s21+$0x0], $0xffff  }
0x1f0: {  	[tilespmem:v9+s22+$0x0] =	vst.idx.add.f32.msk $0xffff, v15  }
0x1f1: {  	[tilespmem:v2+s22+$0x0] =	vst.idx.add.f32.msk $0xffff, v0  }
0x1f2: {  	v9 =	vld.idx.msk [tilespmem:v13+s21+$0x0], $0xffff  }
0x1f3: {  	[tilespmem:v7+s22+$0x0] =	vst.idx.add.f32.msk $0xffff, v14  }
0x1f4: {  	[tilespmem:v8+s22+$0x0] =	vst.idx.add.f32.msk $0xffff, v12  }
0x1f5: {  	v5 =	vld.idx.msk [tilespmem:v5+s21+$0x0], $0xffff  }
0x1f6: {  	v6 =	vld.idx.msk [tilespmem:v6+s21+$0x0], $0xffff  }
0x1f7: {  	[tilespmem:v3+s22+$0x0] =	vst.idx.add.f32.msk $0xffff, v1  }
0x1f8: {  	[tilespmem:v17+s22+$0x0] =	vst.idx.add.f32.msk $0xffff, v16  }
0x1f9: {  	[tilespmem:v4+s22+$0x0] =	vst.idx.add.f32.msk $0xffff, v9  }
0x1fa: {  	[tilespmem:v10+s22+$0x0] =	vst.idx.add.f32.msk $0xffff, v5  }
0x1fb: {  	s30 =	simm.s32 $0x0;
	[tilespmem:v11+s22+$0x0] =	vst.idx.add.f32.msk $0xffff, v6  }
.LBB2_15:
0x1fc: {  	s31 =	sshra.s32 s30, $0x2  }
0x1fd: {  	v0 =	vld [tilespmem:s31+$0xF80];
	_ =	sdelay $0x4  }
0x1fe: {  	v1 =	vshrl.u32 v0, $0xE;
	v2 =	vshrl.u32 v0, $0xC  }
0x1ff: {  	v1 =	vand.u32 $0x7F, v1;
	v2 =	vand.u32 $0xFFE00, v2  }
0x200: {  	v1 =	vor.u32 v1, v2;
	_ =	sdelay $0x2  }
0x201: {  	v60 =	vshll.u32 v0, $0x2  }
0x202: {  	v0 =	vand.u32 $0x7F, v0;
	v2 =	vand.u32 $0xFE00, v60  }
0x203: {  	v0 =	vor.u32 v0, v2;
	v3 =	vld.idx.msk [tilespmem:v1+s21+$0x0], $0xffff  }
0x204: {  	v61 =	vor.u32 $0x80, v1;
	_ =	sdelay $0x3  }
0x205: {  	[tilespmem:v0+s22+$0x0] =	vst.idx.add.f32.msk $0xffff, v3  }
0x206: {  	v62 =	vor.u32 $0x80, v0;
	v2 =	vld.idx.msk [tilespmem:v61+s21+$0x0], $0xffff  }
0x207: {  	v4 =	vor.u32 $0x100, v1;
	_ =	sdelay $0x3  }
0x208: {  	[tilespmem:v62+s22+$0x0] =	vst.idx.add.f32.msk $0xffff, v2  }
0x209: {  	v63 =	vor.u32 $0x100, v0;
	v2 =	vld.idx.msk [tilespmem:v4+s21+$0x0], $0xffff  }
0x20a: {  	v1 =	vor.u32 $0x180, v1;
	_ =	sdelay $0x3  }
0x20b: {  	[tilespmem:v63+s22+$0x0] =	vst.idx.add.f32.msk $0xffff, v2  }
0x20c: {  	p0 =	sne.s32 s30, $0x40;
	v0 =	vor.u32 $0x180, v0;
	v1 =	vld.idx.msk [tilespmem:v1+s21+$0x0], $0xffff  }
.Ltmp6:
0x20d: {  	_ = 	snop;
	(pc) =	sbr.rel @p0 .LBB2_15-.Ltmp6, $2  }
0x20e: {  	_ =	sdelay $0x2  }
0x20f: {  	s30 =	sadd.s32 $0x40, s30;
	[tilespmem:v0+s22+$0x0] =	vst.idx.add.f32.msk $0xffff, v1  }
0x210: {  	p0 =	seq.s32 s28, $0x27  }
0x211: {  	s29 =	sadd.s32 @!p0 $0x1F40, s29;
	s30 =	simm.s32 @!p0 $0x0  }
0x212: {  	[tilespmem:s30], [sflag:$0x1] =	stream.linear.gather @!p0 [spmem:s29], $0xFA0, $0x38;
	[tilespmem:$0x1AA20] =	vst v63  }
0x213: {  	_ =	swait.ge [sflag:s25], $0xFA0  }
0x214: {  	[sflag:s25] =	ssyncset.done $0x0  }
0x215: {  	s29 =	simm.s32 $0x1020;
	[sflag:s25] =	ssyncadd.s32 $0xFFFFF060  }
0x216: {  	v0 =	vld [tilespmem:s29+$0x10]  }
0x217: {  	v1 =	vld [tilespmem:s29+$0xFFFFFFF0]  }
0x218: {  	v2 =	vld [tilespmem:s29+$0x0]  }
0x219: {  	v3 =	vld [tilespmem:s29+$0xFFFFFFE0];
	_ =	sdelay $0x1  }
0x21a: {  	v4 =	vshrl.u32 v0, $0xE  }
0x21b: {  	v5 =	vshrl.u32 v0, $0xC;
	v6 =	vshrl.u32 v1, $0xE;
	v7 =	vshrl.u32 v1, $0xC  }
0x21c: {  	v8 =	vshrl.u32 v2, $0xE;
	v4 =	vand.u32 $0x7F, v4;
	v5 =	vand.u32 $0xFFE00, v5  }
0x21d: {  	v9 =	vshrl.u32 v3, $0xC;
	v10 =	vshrl.u32 v2, $0xC;
	v4 =	vor.u32 v4, v5  }
0x21e: {  	v11 =	vshll.u32 v1, $0x2;
	v5 =	vand.u32 $0x7F, v6;
	v6 =	vshrl.u32 v3, $0xE  }
0x21f: {  	v7 =	vand.u32 $0xFFE00, v7;
	v9 =	vand.u32 $0xFFE00, v9;
	v6 =	vand.u32 $0x7F, v6  }
0x220: {  	v5 =	vor.u32 v5, v7;
	v6 =	vor.u32 v6, v9;
	v9 =	vshll.u32 v0, $0x2  }
0x221: {  	v1 =	vand.u32 $0x7F, v1;
	v0 =	vand.u32 $0x7F, v0;
	v7 =	vand.u32 $0xFE00, v9  }
0x222: {  	v8 =	vand.u32 $0x7F, v8;
	v9 =	vand.u32 $0xFFE00, v10;
	v0 =	vor.u32 v0, v7;
	v10 =	vld.idx.msk [tilespmem:v4+s21+$0x0], $0xffff  }
0x223: {  	v7 =	vor.u32 v8, v9;
	v8 =	vshll.u32 v3, $0x2;
	v9 =	vor.u32 $0x80, v4  }
0x224: {  	v11 =	vand.u32 $0xFE00, v11;
	v3 =	vand.u32 $0x7F, v3;
	v8 =	vand.u32 $0xFE00, v8  }
0x225: {  	v11 =	vor.u32 v1, v11;
	v3 =	vor.u32 v3, v8;
	v8 =	vld.idx.msk [tilespmem:v5+s21+$0x0], $0xffff  }
0x226: {  	v12 =	vld.idx.msk [tilespmem:v6+s21+$0x0], $0xffff  }
0x227: {  	v1 =	vor.u32 $0x80, v6;
	[tilespmem:v0+s22+$0x0] =	vst.idx.add.f32.msk $0xffff, v10  }
0x228: {  	v13 =	vor.u32 $0x80, v0;
	v10 =	vshll.u32 v2, $0x2;
	v9 =	vld.idx.msk [tilespmem:v9+s21+$0x0], $0xffff  }
0x229: {  	v15 =	vor.u32 $0x100, v4;
	v14 =	vld.idx.msk [tilespmem:v7+s21+$0x0], $0xffff;
	v2 =	vand.u32 $0x7F, v2;
	v10 =	vand.u32 $0xFE00, v10  }
0x22a: {  	[tilespmem:v11+s22+$0x0] =	vst.idx.add.f32.msk $0xffff, v8;
	v10 =	vor.u32 v2, v10  }
0x22b: {  	[tilespmem:v3+s22+$0x0] =	vst.idx.add.f32.msk $0xffff, v12;
	v2 =	vor.u32 $0x80, v5  }
0x22c: {  	v8 =	vor.u32 $0x80, v7;
	v1 =	vld.idx.msk [tilespmem:v1+s21+$0x0], $0xffff  }
0x22d: {  	v12 =	vor.u32 $0x80, v3;
	[tilespmem:v13+s22+$0x0] =	vst.idx.add.f32.msk $0xffff, v9  }
0x22e: {  	v13 =	vld.idx.msk [tilespmem:v15+s21+$0x0], $0xffff  }
0x22f: {  	v9 =	vor.u32 $0x100, v6;
	[tilespmem:v10+s22+$0x0] =	vst.idx.add.f32.msk $0xffff, v14  }
0x230: {  	v14 =	vor.u32 $0x100, v0;
	v2 =	vld.idx.msk [tilespmem:v2+s21+$0x0], $0xffff  }
0x231: {  	v15 =	vor.u32 $0x80, v11;
	v8 =	vld.idx.msk [tilespmem:v8+s21+$0x0], $0xffff  }
0x232: {  	s29 =	simm.s32 $0x1060;
	[tilespmem:v12+s22+$0x0] =	vst.idx.add.f32.msk $0xffff, v1  }
0x233: {  	v4 =	vor.u32 $0x180, v4;
	v12 =	vld [tilespmem:s29+$0x10]  }
0x234: {  	v1 =	vor.u32 $0x80, v10;
	v9 =	vld.idx.msk [tilespmem:v9+s21+$0x0], $0xffff  }
0x235: {  	[tilespmem:v14+s22+$0x0] =	vst.idx.add.f32.msk $0xffff, v13  }
0x236: {  	[tilespmem:v15+s22+$0x0] =	vst.idx.add.f32.msk $0xffff, v2  }
0x237: {  	v13 =	vor.u32 $0x100, v5;
	v2 =	vld [tilespmem:s29+$0xFFFFFFF0]  }
0x238: {  	v0 =	vor.u32 $0x180, v0;
	v4 =	vld.idx.msk [tilespmem:v4+s21+$0x0], $0xffff  }
0x239: {  	[tilespmem:v1+s22+$0x0] =	vst.idx.add.f32.msk $0xffff, v8;
	v1 =	vor.u32 $0x100, v7  }
0x23a: {  	v14 =	vld [tilespmem:s29+$0xFFFFFFE0];
	v8 =	vor.u32 $0x100, v3  }
0x23b: {  	v6 =	vor.u32 $0x180, v6;
	v15 =	vld [tilespmem:s29+$0x0];
	v16 =	vshrl.u32 v12, $0xE;
	v17 =	vshrl.u32 v12, $0xC  }
0x23c: {  	v18 =	vor.u32 $0x100, v11;
	v16 =	vand.u32 $0x7F, v16;
	v17 =	vand.u32 $0xFFE00, v17;
	v13 =	vld.idx.msk [tilespmem:v13+s21+$0x0], $0xffff  }
0x23d: {  	v5 =	vor.u32 $0x180, v5;
	[tilespmem:v0+s22+$0x0] =	vst.idx.add.f32.msk $0xffff, v4;
	v4 =	vor.u32 v16, v17  }
0x23e: {  	v7 =	vor.u32 $0x180, v7;
	v3 =	vor.u32 $0x180, v3;
	v0 =	vor.u32 $0x100, v10;
	v1 =	vld.idx.msk [tilespmem:v1+s21+$0x0], $0xffff  }
0x23f: {  	v16 =	vshrl.u32 v2, $0xE;
	[tilespmem:v8+s22+$0x0] =	vst.idx.add.f32.msk $0xffff, v9;
	v8 =	vshrl.u32 v14, $0xE;
	v9 =	vshrl.u32 v14, $0xC  }
0x240: {  	v17 =	vshrl.u32 v2, $0xC;
	v6 =	vld.idx.msk [tilespmem:v6+s21+$0x0], $0xffff;
	v8 =	vand.u32 $0x7F, v8;
	v9 =	vand.u32 $0xFFE00, v9  }
0x241: {  	v16 =	vand.u32 $0x7F, v16;
	v17 =	vand.u32 $0xFFE00, v17;
	v8 =	vor.u32 v8, v9;
	[tilespmem:v18+s22+$0x0] =	vst.idx.add.f32.msk $0xffff, v13  }
0x242: {  	v9 =	vshll.u32 v12, $0x2;
	v16 =	vor.u32 v16, v17;
	v12 =	vand.u32 $0x7F, v12;
	v13 =	vld.idx.msk [tilespmem:v4+s21+$0x0], $0xffff  }
0x243: {  	v17 =	vshrl.u32 v15, $0xE;
	v9 =	vand.u32 $0xFE00, v9;
	v18 =	vshrl.u32 v15, $0xC;
	[tilespmem:v0+s22+$0x0] =	vst.idx.add.f32.msk $0xffff, v1  }
0x244: {  	v19 =	vor.u32 v12, v9;
	v1 =	vand.u32 $0x7F, v17;
	v9 =	vand.u32 $0xFFE00, v18;
	v0 =	vld.idx.msk [tilespmem:v5+s21+$0x0], $0xffff  }
0x245: {  	v12 =	vor.u32 $0x80, v4;
	v5 =	vshll.u32 v14, $0x2;
	v17 =	vor.u32 v1, v9;
	v1 =	vld.idx.msk [tilespmem:v7+s21+$0x0], $0xffff  }
0x246: {  	v7 =	vshll.u32 v2, $0x2;
	v5 =	vand.u32 $0xFE00, v5;
	v9 =	vand.u32 $0x7F, v14;
	[tilespmem:v3+s22+$0x0] =	vst.idx.add.f32.msk $0xffff, v6  }
0x247: {  	v2 =	vand.u32 $0x7F, v2;
	v14 =	vld.idx.msk [tilespmem:v8+s21+$0x0], $0xffff;
	v7 =	vand.u32 $0xFE00, v7;
	v18 =	vor.u32 v9, v5  }
0x248: {  	v5 =	vld.idx.msk [tilespmem:v16+s21+$0x0], $0xffff;
	v20 =	vor.u32 v2, v7  }
0x249: {  	v2 =	vor.u32 $0x80, v8;
	[tilespmem:v19+s22+$0x0] =	vst.idx.add.f32.msk $0xffff, v13  }
0x24a: {  	v3 =	vor.u32 $0x80, v16;
	v9 =	vshll.u32 v15, $0x2;
	v7 =	vld.idx.msk [tilespmem:v12+s21+$0x0], $0xffff  }
0x24b: {  	v15 =	vand.u32 $0x7F, v15;
	v9 =	vand.u32 $0xFE00, v9;
	v13 =	vor.u32 $0x80, v19;
	v12 =	vld.idx.msk [tilespmem:v17+s21+$0x0], $0xffff  }
0x24c: {  	v22 =	vor.u32 v15, v9;
	[tilespmem:v18+s22+$0x0] =	vst.idx.add.f32.msk $0xffff, v14  }
0x24d: {  	v21 =	vor.u32 $0x100, v4;
	[tilespmem:v20+s22+$0x0] =	vst.idx.add.f32.msk $0xffff, v5  }
0x24e: {  	v5 =	vor.u32 $0x80, v17;
	v2 =	vld.idx.msk [tilespmem:v2+s21+$0x0], $0xffff  }
0x24f: {  	v6 =	vor.u32 $0x80, v18;
	v23 =	vld.idx.msk [tilespmem:v3+s21+$0x0], $0xffff  }
0x250: {  	v24 =	vor.u32 $0x80, v20;
	[tilespmem:v13+s22+$0x0] =	vst.idx.add.f32.msk $0xffff, v7  }
0x251: {  	v7 =	vor.u32 $0x100, v8;
	[tilespmem:v22+s22+$0x0] =	vst.idx.add.f32.msk $0xffff, v12  }
0x252: {  	v63 =	vor.u32 $0x100, v19;
	v13 =	vld.idx.msk [tilespmem:v21+s21+$0x0], $0xffff  }
0x253: {  	v4 =	vor.u32 $0x180, v4;
	v25 =	vld.idx.msk [tilespmem:v5+s21+$0x0], $0xffff  }
0x254: {  	v26 =	vor.u32 $0x80, v22;
	[tilespmem:v6+s22+$0x0] =	vst.idx.add.f32.msk $0xffff, v2  }
0x255: {  	v9 =	vor.u32 $0x100, v18;
	v14 =	vor.u32 $0x100, v16;
	[tilespmem:v24+s22+$0x0] =	vst.idx.add.f32.msk $0xffff, v23  }
0x256: {  	v3 =	vor.u32 $0x180, v10;
	v10 =	vor.u32 $0x180, v20;
	v12 =	vor.u32 $0x100, v17;
	v15 =	vld.idx.msk [tilespmem:v7+s21+$0x0], $0xffff  }
0x257: {  	v2 =	vor.u32 $0x180, v11;
	v5 =	vor.u32 $0x180, v16;
	v6 =	vor.u32 $0x180, v17;
	[tilespmem:v63+s22+$0x0] =	vst.idx.add.f32.msk $0xffff, v13  }
0x258: {  	v11 =	vor.u32 $0x180, v22;
	v17 =	vor.u32 $0x180, v19;
	v7 =	vor.u32 $0x100, v20;
	v16 =	vld.idx.msk [tilespmem:v4+s21+$0x0], $0xffff  }
0x259: {  	s30 =	simm.s32 $0x10A0;
	s29 =	simm.s32 $0x4;
	v13 =	vor.u32 $0x180, v8;
	v8 =	vor.u32 $0x100, v22;
	v4 =	vor.u32 $0x180, v18;
	[tilespmem:v26+s22+$0x0] =	vst.idx.add.f32.msk $0xffff, v25  }
.LBB2_17:
0x25a: {  	v18 =	vld [tilespmem:s30+$0x10];
	s29 =	sadd.s32 $0x4, s29  }
0x25b: {  	v19 =	vld [tilespmem:s30+$0xFFFFFFF0];
	p0 =	slt.u32 s29, $0xF4  }
0x25c: {  	v20 =	vld [tilespmem:s30+$0x0]  }
0x25d: {  	[tilespmem:v17+s22+$0x0] =	vst.idx.add.f32.msk $0xffff, v16  }
0x25e: {  	v16 =	vld [tilespmem:s30+$0xFFFFFFE0]  }
0x25f: {  	v17 =	vshrl.u32 v18, $0xE;
	v21 =	vshrl.u32 v18, $0xC;
	v14 =	vld.idx.msk [tilespmem:v14+s21+$0x0], $0xffff  }
0x260: {  	v22 =	vshrl.u32 v19, $0xE;
	v17 =	vand.u32 $0x7F, v17;
	v21 =	vand.u32 $0xFFE00, v21;
	v12 =	vld.idx.msk [tilespmem:v12+s21+$0x0], $0xffff  }
0x261: {  	v23 =	vshrl.u32 v19, $0xC;
	v24 =	vshrl.u32 v20, $0xE;
	v17 =	vor.u32 v17, v21;
	[tilespmem:v9+s22+$0x0] =	vst.idx.add.f32.msk $0xffff, v15  }
0x262: {  	v9 =	vand.u32 $0x7F, v22;
	v15 =	vand.u32 $0xFFE00, v23;
	v21 =	vshrl.u32 v20, $0xC;
	v13 =	vld.idx.msk [tilespmem:v13+s21+$0x0], $0xffff  }
0x263: {  	v24 =	vand.u32 $0x7F, v24;
	v22 =	vshrl.u32 v16, $0xE;
	v23 =	vshrl.u32 v16, $0xC;
	[tilespmem:v2+s22+$0x0] =	vst.idx.add.f32.msk $0xffff, v0;
	v2 =	vmovc v10  }
0x264: {  	v21 =	vand.u32 $0xFFE00, v21;
	v0 =	vand.u32 $0x7F, v22;
	v10 =	vand.u32 $0xFFE00, v23;
	[tilespmem:v3+s22+$0x0] =	vst.idx.add.f32.msk $0xffff, v1;
	v3 =	vmovc v11  }
0x265: {  	v11 =	vor.u32 v9, v15;
	v10 =	vor.u32 v0, v10;
	v0 =	vshll.u32 v18, $0x2;
	[tilespmem:v7+s22+$0x0] =	vst.idx.add.f32.msk $0xffff, v14  }
0x266: {  	v15 =	vor.u32 v24, v21;
	v1 =	vand.u32 $0x7F, v18;
	v7 =	vld.idx.msk [tilespmem:v17+s21+$0x0], $0xffff;
	v0 =	vand.u32 $0xFE00, v0  }
0x267: {  	v9 =	vshll.u32 v16, $0x2;
	v14 =	vshll.u32 v19, $0x2;
	v18 =	vor.u32 v1, v0;
	[tilespmem:v8+s22+$0x0] =	vst.idx.add.f32.msk $0xffff, v12  }
0x268: {  	v8 =	vand.u32 $0xFE00, v9;
	v1 =	vshll.u32 v20, $0x2;
	v9 =	vor.u32 $0x80, v17;
	v0 =	vld.idx.msk [tilespmem:v5+s21+$0x0], $0xffff  }
0x269: {  	v12 =	vand.u32 $0xFE00, v14;
	v5 =	vand.u32 $0x7F, v16;
	v14 =	vand.u32 $0xFE00, v1;
	v1 =	vld.idx.msk [tilespmem:v6+s21+$0x0], $0xffff  }
0x26a: {  	v16 =	vor.u32 v5, v8;
	v5 =	vand.u32 $0x7F, v19;
	v8 =	vand.u32 $0x7F, v20;
	v6 =	vld.idx.msk [tilespmem:v10+s21+$0x0], $0xffff  }
0x26b: {  	v19 =	vor.u32 $0x80, v10;
	v21 =	vor.u32 v5, v12;
	v22 =	vor.u32 v8, v14;
	v20 =	vld.idx.msk [tilespmem:v11+s21+$0x0], $0xffff  }
0x26c: {  	v24 =	vor.u32 $0x80, v11;
	v25 =	vor.u32 $0x80, v15;
	v23 =	vor.u32 $0x80, v16;
	[tilespmem:v18+s22+$0x0] =	vst.idx.add.f32.msk $0xffff, v7  }
0x26d: {  	v26 =	vor.u32 $0x100, v10;
	v27 =	vor.u32 $0x80, v21;
	v28 =	vor.u32 $0x80, v22;
	v29 =	vld.idx.msk [tilespmem:v9+s21+$0x0], $0xffff  }
0x26e: {  	v31 =	vor.u32 $0x80, v18;
	v14 =	vor.u32 $0x100, v11;
	v12 =	vor.u32 $0x100, v15;
	v30 =	vld.idx.msk [tilespmem:v15+s21+$0x0], $0xffff  }
0x26f: {  	v32 =	vor.u32 $0x100, v17;
	v7 =	vor.u32 $0x100, v21;
	v9 =	vor.u32 $0x100, v16;
	[tilespmem:v4+s22+$0x0] =	vst.idx.add.f32.msk $0xffff, v13  }
0x270: {  	v5 =	vor.u32 $0x180, v11;
	v8 =	vor.u32 $0x100, v22;
	v13 =	vor.u32 $0x180, v10;
	[tilespmem:v16+s22+$0x0] =	vst.idx.add.f32.msk $0xffff, v6  }
0x271: {  	v4 =	vor.u32 $0x180, v16;
	v10 =	vor.u32 $0x180, v21;
	v6 =	vor.u32 $0x180, v15;
	[tilespmem:v21+s22+$0x0] =	vst.idx.add.f32.msk $0xffff, v20  }
0x272: {  	v11 =	vor.u32 $0x180, v22;
	v15 =	vld.idx.msk [tilespmem:v19+s21+$0x0], $0xffff  }
0x273: {  	[tilespmem:v31+s22+$0x0] =	vst.idx.add.f32.msk $0xffff, v29  }
0x274: {  	v16 =	vld.idx.msk [tilespmem:v32+s21+$0x0], $0xffff  }
0x275: {  	v19 =	vor.u32 $0x100, v18;
	[tilespmem:v22+s22+$0x0] =	vst.idx.add.f32.msk $0xffff, v30  }
0x276: {  	v17 =	vor.u32 $0x180, v17;
	v20 =	vld.idx.msk [tilespmem:v24+s21+$0x0], $0xffff  }
0x277: {  	v21 =	vld.idx.msk [tilespmem:v25+s21+$0x0], $0xffff  }
0x278: {  	[tilespmem:v23+s22+$0x0] =	vst.idx.add.f32.msk $0xffff, v15  }
.Ltmp7:
0x279: {  	v15 =	vld.idx.msk [tilespmem:v26+s21+$0x0], $0xffff;
	(pc) =	sbr.rel @p0 .LBB2_17-.Ltmp7, $4  }
0x27a: {  	[tilespmem:v19+s22+$0x0] =	vst.idx.add.f32.msk $0xffff, v16  }
0x27b: {  	v16 =	vld.idx.msk [tilespmem:v17+s21+$0x0], $0xffff  }
0x27c: {  	v17 =	vor.u32 $0x180, v18;
	[tilespmem:v27+s22+$0x0] =	vst.idx.add.f32.msk $0xffff, v20  }
0x27d: {  	s30 =	sadd.s32 $0x40, s30;
	[tilespmem:v28+s22+$0x0] =	vst.idx.add.f32.msk $0xffff, v21  }
0x27e: {  	_ =	sdelay $0x3  }
0x27f: {  	v14 =	vld.idx.msk [tilespmem:v14+s21+$0x0], $0xffff  }
0x280: {  	v12 =	vld.idx.msk [tilespmem:v12+s21+$0x0], $0xffff  }
0x281: {  	[tilespmem:v9+s22+$0x0] =	vst.idx.add.f32.msk $0xffff, v15  }
0x282: {  	[tilespmem:v2+s22+$0x0] =	vst.idx.add.f32.msk $0xffff, v0  }
0x283: {  	v9 =	vld.idx.msk [tilespmem:v13+s21+$0x0], $0xffff  }
0x284: {  	[tilespmem:v7+s22+$0x0] =	vst.idx.add.f32.msk $0xffff, v14  }
0x285: {  	[tilespmem:v8+s22+$0x0] =	vst.idx.add.f32.msk $0xffff, v12  }
0x286: {  	v5 =	vld.idx.msk [tilespmem:v5+s21+$0x0], $0xffff  }
0x287: {  	v6 =	vld.idx.msk [tilespmem:v6+s21+$0x0], $0xffff  }
0x288: {  	[tilespmem:v3+s22+$0x0] =	vst.idx.add.f32.msk $0xffff, v1  }
0x289: {  	[tilespmem:v17+s22+$0x0] =	vst.idx.add.f32.msk $0xffff, v16  }
0x28a: {  	[tilespmem:v4+s22+$0x0] =	vst.idx.add.f32.msk $0xffff, v9  }
0x28b: {  	[tilespmem:v10+s22+$0x0] =	vst.idx.add.f32.msk $0xffff, v5  }
0x28c: {  	s29 =	simm.s32 $0x0;
	[tilespmem:v11+s22+$0x0] =	vst.idx.add.f32.msk $0xffff, v6  }
.LBB2_19:
0x28d: {  	s30 =	sshra.s32 s29, $0x2  }
0x28e: {  	v0 =	vld [tilespmem:s30+$0x1F80];
	_ =	sdelay $0x4  }
0x28f: {  	v1 =	vshrl.u32 v0, $0xE;
	v2 =	vshrl.u32 v0, $0xC  }
0x290: {  	v1 =	vand.u32 $0x7F, v1;
	v2 =	vand.u32 $0xFFE00, v2  }
0x291: {  	v1 =	vor.u32 v1, v2;
	_ =	sdelay $0x2  }
0x292: {  	v60 =	vshll.u32 v0, $0x2  }
0x293: {  	v0 =	vand.u32 $0x7F, v0;
	v2 =	vand.u32 $0xFE00, v60  }
0x294: {  	v0 =	vor.u32 v0, v2;
	v3 =	vld.idx.msk [tilespmem:v1+s21+$0x0], $0xffff  }
0x295: {  	v61 =	vor.u32 $0x80, v1;
	_ =	sdelay $0x3  }
0x296: {  	[tilespmem:v0+s22+$0x0] =	vst.idx.add.f32.msk $0xffff, v3  }
0x297: {  	v62 =	vor.u32 $0x80, v0;
	v2 =	vld.idx.msk [tilespmem:v61+s21+$0x0], $0xffff  }
0x298: {  	v4 =	vor.u32 $0x100, v1;
	_ =	sdelay $0x3  }
0x299: {  	[tilespmem:v62+s22+$0x0] =	vst.idx.add.f32.msk $0xffff, v2  }
0x29a: {  	v63 =	vor.u32 $0x100, v0;
	v2 =	vld.idx.msk [tilespmem:v4+s21+$0x0], $0xffff  }
0x29b: {  	v1 =	vor.u32 $0x180, v1;
	_ =	sdelay $0x3  }
0x29c: {  	[tilespmem:v63+s22+$0x0] =	vst.idx.add.f32.msk $0xffff, v2  }
0x29d: {  	p0 =	sne.s32 s29, $0x40;
	v0 =	vor.u32 $0x180, v0;
	v1 =	vld.idx.msk [tilespmem:v1+s21+$0x0], $0xffff  }
.Ltmp8:
0x29e: {  	_ = 	snop;
	(pc) =	sbr.rel @p0 .LBB2_19-.Ltmp8, $2  }
0x29f: {  	_ =	sdelay $0x2  }
0x2a0: {  	s29 =	sadd.s32 $0x40, s29;
	[tilespmem:v0+s22+$0x0] =	vst.idx.add.f32.msk $0xffff, v1  }
0x2a1: {  	s28 =	sadd.s32 $0x1, s28  }
0x2a2: {  	p0 =	sne.s32 s28, $0x28  }
.Ltmp9:
0x2a3: {  	_ = 	snop;
	(pc) =	sbr.rel @p0 .LBB2_12-.Ltmp9, $1  }
0x2a4: {  	_ =	sdelay $0x3  }
0x2a5: {  	s26 =	sadd.s32 $0x1, s26  }
0x2a6: {  	p0 =	sne.s32 s26, s19  }
.Ltmp10:
0x2a7: {  	_ = 	snop;
	(pc) =	sbr.rel @p0 .LBB2_1-.Ltmp10, $4  }
0x2a8: {  	[hbm4b:s18+s2] =	stream.linear.scatter [tilespmem:s22], [sflag:$0x3], $0x9E00, $0x38;
	[tilespmem:$0x1AA20] =	vst v63  }
0x2a9: {  	_ =	swait.ge [sflag:s20], $0x9E00  }
0x2aa: {  	[sflag:s20] =	ssyncset.done $0x0  }
0x2ab: {  	[sflag:s20] =	ssyncadd.s32 $0xFFFF6200  }
0x2ac: {  	_ =	sfence.sel $0x180000  }
0x2ad: {  	[bflag:$0x0] =	sbarrier.arrive $0xFFFF  }
0x2ae: {  	p0 =	sne.s32 s3, $0x0;
	_ =	strace $0x9000004D  }
0x2af: {  	s0 =	sadd.s32 @!p0 $0x100000, s0;
	[bflag:$0x2] =	sbarrier.arrive $0xFFFF  }
0x2b0: {  	[sflag:s0] =	ssyncadd.tile.s32 @!p0 $0x1;
	_ =	shalt  }
.Lfunc_end2:
_tile_overlayer_lowered:
.L_overlay_start_2:
0x2b1: {  	(tag) =	ssettag $0x2  }
0x2b2: {  	s0 =	rddreg [dreg:$0x0];
	s2 =	stileid.u32  }
0x2b3: {  	s1 =	rddreg [dreg:$0x1];
	p0 =	sne.s32 s2, $0x0  }
0x2b4: {  	s3 =	rddreg [dreg:$0x2];
	[bflag:$0x3] =	sbarrier.arrive $0xFFFF;
	s2 =	simm.s32 @!p0 $0x1C03  }
0x2b5: {  	[timem:s3], [sflag:s2] =	dma.local @!p0 [hbm:s0], s1  }
0x2b6: {  	s0 =	simm.s32 @!p0 $0x3  }
0x2b7: {  	_ =	swait.ge @!p0 [sflag:s0], s1  }
0x2b8: {  	s1 =	ssub.s32 @!p0 $0x0, s1;
	[sflag:s0] =	ssyncset.done @!p0 $0x0  }
0x2b9: {  	[sflag:s0] =	ssyncadd.s32 @!p0 s1  }
0x2ba: {  	[bflag:$0x3] =	sbarrier.arrive $0xFFFF  }
0x2bb: {  	_ =	shalt  }

// kernel: kernel.24.cloned.1.call-start
scs
__scs_entry_jumppad:
0x0: {  	(pc) =	sbr.rel $0x88, $3  }
0x1: {  	(tag) =	ssettag $0x0;
	lr =	simm.s32 $0x1  }
0x2: {  	[smem:$0x3F7E] =	sst lr;
	_ =	strace $0xD0000000  }
0x3: {  	_ = 	snop  }
0x4: {  	_ = 	snop  }
0x5: {  	_ = 	snop  }
0x6: {  	_ = 	snop  }
0x7: {  	_ = 	snop  }
__scs_overlays_trampoline_lowered:
0x8: {  	[smem:$0x3F8D] =	sst s0  }
0x9: {  	[smem:$0x3F8E] =	sst s1  }
0xa: {  	[smem:$0x3F8F] =	sst s2  }
0xb: {  	[smem:$0x3F90] =	sst s3  }
0xc: {  	[smem:$0x3F91] =	sst s4  }
0xd: {  	[smem:$0x3F92] =	sst s5  }
0xe: {  	[smem:$0x3F93] =	sst s6  }
0xf: {  	[smem:$0x3F94] =	sst s7  }
0x10: {  	[smem:$0x3F95] =	sst s8  }
0x11: {  	[smem:$0x3F96] =	sst s9;
	s0 =	simm.s32 @!p0 $0x0  }
0x12: {  	s1 =	sld [smem:$0x3F7C];
	s0 =	simm.s32 @p0 $0x1  }
0x13: {  	[smem:$0x3F97] =	sst s0;
	s0 =	simm.s32 @!p1 $0x0  }
0x14: {  	s2 =	sld [smem:$0x3F7B];
	s0 =	simm.s32 @p1 $0x1  }
0x15: {  	[smem:$0x3F98] =	sst s0;
	s0 =	simm.s32 @!p2 $0x0  }
0x16: {  	s3 =	sld [smem:$0x3FDB];
	s0 =	simm.s32 @p2 $0x1  }
0x17: {  	s4 =	simm.s32 $0x1BF5;
	[smem:$0x3F9A] =	sst s0  }
0x18: {  	s0 =	sld [smem:$0x3F7D];
	_ =	swait.ge [sflag:s4], $0x0  }
0x19: {  	s7 =	sld [smem:$0x3F7E]  }
0x1a: {  	s8 =	sadd.s32 $0xFFFFE003, lr  }
0x1b: {  	s9 =	sadd.s32 $0xFFFFFEF7, lr;
	s5 =	simm.s32 $0xFFFFFFFF;
	p2 =	slt.u32 s8, $0xFFFFF086  }
0x1c: {  	p1 =	slt.u32 s9, $0xF7A;
	s5 =	simm.s32 @!p2 $0x0  }
0x1d: {  	s5 =	simm.s32 @p1 $0x1;
	p0 =	seq.s32 s7, s2  }
0x1e: {  	s7 =	smul.u32 @!p0 $0xF7A, s2;
	p2 =	seq.s32 @!p0 s5, $0x0  }
0x1f: {  	s9 =	smul.u32 $0xF7A, s1;
	s8 =	simm.s32 @!p0 $0x1BF5;
	p2 =	por !p2, p0  }
0x20: {  	[sflag:s8] =	ssyncset.s32 @!p0 $0xFFFFF086;
	s6 =	sadd.s32 @!p0 s3, s7;
	s7 =	simm.s32 @!p0 $0x108  }
0x21: {  	s3 =	sadd.s32 s3, s9;
	s6 =	sadd.s32 @!p0 $0x88, s6;
	s7 =	simm.s32 @p2 $0x1082  }
0x22: {  	[simem:s7], [sflag:s8] =	dma.local @!p0 [hbm:s6], $0xF7A  }
0x23: {  	s9 =	sor.u32 $0xD0000000, s2;
	s6 =	simm.s32 $0x108;
	_ =	swait.ge @!p0 [sflag:s8], $0x0  }
0x24: {  	s3 =	sadd.s32 $0x88, s3;
	s6 =	simm.s32 @!p1 $0x1082;
	[sflag:s4] =	ssyncset.s32 $0xFFFFF086  }
0x25: {  	[simem:s6], [sflag:s4] =	dma.local [hbm:s3], $0xF7A  }
0x26: {  	[smem:$0x3F7E] =	sst s1;
	(tag) =	ssettag s2;
	_ =	strace s9  }
0x27: {  	s1 =	sld [smem:$0x3F8E]  }
0x28: {  	s2 =	sld [smem:$0x3F8F]  }
0x29: {  	s4 =	sld [smem:$0x3F91]  }
0x2a: {  	p0 =	seq.s32 s5, $0x0;
	s5 =	sld [smem:$0x3F92]  }
0x2b: {  	s6 =	sld [smem:$0x3F93]  }
0x2c: {  	s7 =	sld [smem:$0x3F94]  }
0x2d: {  	s3 =	simm.s32 $0x108;
	s8 =	sld [smem:$0x3F95]  }
0x2e: {  	s3 =	simm.s32 @!p0 $0x1082;
	s9 =	sld [smem:$0x3F96]  }
0x2f: {  	lr =	sadd.s32 s0, s3;
	s0 =	sld [smem:$0x3F8D]  }
0x30: {  	s3 =	sld [smem:$0x3F90]  }
0x31: {  	[smem:$0x3F99] =	sst s10  }
0x32: {  	s10 =	sld [smem:$0x3F97];
	_ =	sdelay $0x3  }
0x33: {  	p0 =	seq.s32 s10, $0x1;
	s10 =	sld [smem:$0x3F99];
	_ =	sdelay $0x3  }
0x34: {  	[smem:$0x3F99] =	sst s10  }
0x35: {  	s10 =	sld [smem:$0x3F98];
	_ =	sdelay $0x3  }
0x36: {  	p1 =	seq.s32 s10, $0x1;
	s10 =	sld [smem:$0x3F99];
	_ =	sdelay $0x3  }
0x37: {  	[smem:$0x3F99] =	sst s10  }
0x38: {  	s10 =	sld [smem:$0x3F9A]  }
0x39: {  	_ = 	snop;
	(pc) =	sbr.ind lr, $3  }
0x3a: {  	_ = 	snop  }
0x3b: {  	_ = 	snop  }
0x3c: {  	p2 =	seq.s32 s10, $0x1;
	s10 =	sld [smem:$0x3F99]  }
0x3d: {  	_ =	shalt  }
0x3e: {  	_ =	shalt  }
0x3f: {  	_ =	shalt  }
0x40: {  	_ =	shalt  }
0x41: {  	_ =	shalt  }
0x42: {  	_ =	shalt  }
0x43: {  	_ =	shalt  }
0x44: {  	_ =	shalt  }
0x45: {  	_ =	shalt  }
0x46: {  	_ =	shalt  }
0x47: {  	_ =	shalt  }
0x48: {  	_ =	shalt  }
0x49: {  	_ =	shalt  }
0x4a: {  	_ =	shalt  }
0x4b: {  	_ =	shalt  }
0x4c: {  	_ =	shalt  }
0x4d: {  	_ =	shalt  }
0x4e: {  	_ =	shalt  }
0x4f: {  	_ =	shalt  }
0x50: {  	_ =	shalt  }
0x51: {  	_ =	shalt  }
0x52: {  	_ =	shalt  }
0x53: {  	_ =	shalt  }
0x54: {  	_ =	shalt  }
0x55: {  	_ =	shalt  }
0x56: {  	_ =	shalt  }
0x57: {  	_ =	shalt  }
0x58: {  	_ =	shalt  }
0x59: {  	_ =	shalt  }
0x5a: {  	_ =	shalt  }
0x5b: {  	_ =	shalt  }
0x5c: {  	_ =	shalt  }
0x5d: {  	_ =	shalt  }
0x5e: {  	_ =	shalt  }
0x5f: {  	_ =	shalt  }
0x60: {  	_ =	shalt  }
0x61: {  	_ =	shalt  }
0x62: {  	_ =	shalt  }
0x63: {  	_ =	shalt  }
0x64: {  	_ =	shalt  }
0x65: {  	_ =	shalt  }
0x66: {  	_ =	shalt  }
0x67: {  	_ =	shalt  }
0x68: {  	_ =	shalt  }
0x69: {  	_ =	shalt  }
0x6a: {  	_ =	shalt  }
0x6b: {  	_ =	shalt  }
0x6c: {  	_ =	shalt  }
0x6d: {  	_ =	shalt  }
0x6e: {  	_ =	shalt  }
0x6f: {  	_ =	shalt  }
0x70: {  	_ =	shalt  }
0x71: {  	_ =	shalt  }
0x72: {  	_ =	shalt  }
0x73: {  	_ =	shalt  }
0x74: {  	_ =	shalt  }
0x75: {  	_ =	shalt  }
0x76: {  	_ =	shalt  }
0x77: {  	_ =	shalt  }
0x78: {  	_ =	shalt  }
0x79: {  	_ =	shalt  }
0x7a: {  	_ =	shalt  }
0x7b: {  	_ =	shalt  }
0x7c: {  	_ =	shalt  }
0x7d: {  	_ =	shalt  }
0x7e: {  	_ =	shalt  }
0x7f: {  	_ =	shalt  }
0x80: {  	_ =	shalt  }
0x81: {  	_ =	shalt  }
0x82: {  	_ =	shalt  }
0x83: {  	_ =	shalt  }
0x84: {  	_ =	shalt  }
0x85: {  	_ =	shalt  }
0x86: {  	_ =	shalt  }
0x87: {  	_ =	shalt  }
.Lfunc_end0:
.L_simem_size_0:
called_computation.3_lowered:
.L_overlay_start_0:
0x88: {  	s2 =	sld [smem:$0x3FD9]  }
0x89: {  	s3 =	sld [smem:$0x3FFE];
	_ =	sdelay $0x1  }
0x8a: {  	s1 =	srdreg.scid  }
0x8b: {  	s0 =	sand.u32 $0x1, s1  }
0x8c: {  	s16 =	sshll.u32 s0, $0xA;
	s2 =	sadd.s32 s3, s2  }
0x8d: {  	s2 =	sadd.s32 s2, s16  }
0x8e: {  	[smem:$0x3FA5] =	sst s2  }
0x8f: {  	_ = 	snop  }
0x90: {  	(tm) =	ssettm $0x1  }
0x91: {  	s17 =	sld [smem:$0x3FFB];
	_ =	sdelay $0x3  }
0x92: {  	_ =	strace s17  }
0x93: {  	s2 =	sld [smem:$0x3FFC];
	_ =	sdelay $0x3  }
0x94: {  	_ =	strace s2  }
0x95: {  	s2 =	sld [smem:$0x3FFD];
	_ =	sdelay $0x3  }
0x96: {  	_ =	strace s2  }
0x97: {  	_ =	strace $0x8FFFFFFF  }
0x98: {  	s18 =	sld [smem:$0x3FDB];
	_ =	sdelay $0x1  }
0x99: {  	s19 =	simm.s32 $_scs_section_size  }
0x9a: {  	s4 =	simm.s32 $_size__tile_overlayer_lowered;
	s5 =	simm.s32 $_tile_overlayer_lowered  }
0x9b: {  	s22 =	simm.s32 $0x1BFF;
	s21 =	sshll.u32 s5, $0x1;
	s2 =	sadd.s32 s19, s18  }
0x9c: {  	s6 =	simm.s32 $0x0;
	s20 =	sshll.u32 s4, $0x1;
	s4 =	sadd.s32 s21, s2  }
0x9d: {  	[timem:s6], [sflag:s22] =	dma.local [hbm:s4], s20  }
0x9e: {  	_ =	swait.ge [sflag:s22], s20  }
0x9f: {  	s3 =	ssub.s32 $0x0, s20;
	[sflag:s22] =	ssyncset.done $0x0  }
0xa0: {  	[sflag:s22] =	ssyncadd.s32 s3;
	_ =	sdelay $0x1  }
0xa1: {  	s23 =	simm.s32 $0x1B8B  }
0xa2: {  	_ =	swait.ge [sflag:s23], $0x1  }
0xa3: {  	[sflag:s23] =	ssyncset.done $0x0  }
0xa4: {  	s25 =	simm.s32 $0x1B8E;
	s24 =	sld [smem:$0x3FFE];
	[sflag:s23] =	ssyncadd.s32 $0xFFFFFFFF  }
0xa5: {  	s26 =	simm.s32 $execute0_lowered;
	[smem:$0x3FD2] =	sst s25  }
0xa6: {  	s4 =	sshll.u32 s26, $0x1;
	_ =	strace $0x8000004F;
	[dreg:$0x1] =	wrdreg $0xFFFFFFFF  }
0xa7: {  	s28 =	simm.s32 $_size_execute0_lowered;
	s2 =	sadd.s32 s2, s4;
	[dreg:$0x0] =	wrdreg $0x0  }
0xa8: {  	s4 =	sshll.u32 s28, $0x1;
	[dreg:$0x2] =	wrdreg s2  }
0xa9: {  	[dreg:$0x3] =	wrdreg s4  }
0xaa: {  	[dreg:$0x4] =	wrdreg $0xC0  }
0xab: {  	_ =	task [dreg:s6], $0x5FFFF  }
0xac: {  	[dreg:$0x1] =	wrdreg $0xFFFFFFFF  }
0xad: {  	[dreg:$0x0] =	wrdreg $0x60  }
0xae: {  	[dreg:$0x2] =	wrdreg s24  }
0xaf: {  	[dreg:$0x3] =	wrdreg $0x15C000  }
0xb0: {  	[dreg:$0x4] =	wrdreg $0x9  }
0xb1: {  	_ =	task.clear_ibuf [dreg:s6], $0x5FFFF;
	_ =	strace $0x9000004F  }
0xb2: {  	s29 =	simm.s32 $0x9;
	_ =	strace $0x80000051  }
0xb3: {  	_ =	swait.ge [sflag:s29], $0x1  }
0xb4: {  	[sflag:s29] =	ssyncadd.s32 $0xFFFFFFFF  }
0xb5: {  	_ =	strace $0x90000051  }
0xb6: {  	_ =	sfence  }
0xb7: {  	s30 =	sld [smem:$0x0];
	_ =	sdelay $0x2  }
0xb8: {  	s31 =	sshll.u32 s1, $0xD;
	s1 =	sshrl.u32 s1, $0x2  }
0xb9: {  	s3 =	sand.u32 $0x4000, s31;
	s1 =	sadd.s32 s1, s30  }
0xba: {  	s0 =	sor.u32 s3, s0;
	s1 =	sshll.u32 s1, $0x11  }
0xbb: {  	s0 =	sor.u32 s1, s0  }
0xbc: {  	s0 =	sadd.s32 $0x8F2B, s0  }
0xbd: {  	[sflag:s0] =	ssyncadd.remote.s32 $0x1  }
0xbe: {  	_ =	sfence.sel $0xFFFF  }
0xbf: {  	[dreg:$0x0] =	wrdreg $0xFFFFFFFF;
	(pc) =	sbr.abs _section_cstart, $3  }
0xc0: {  	[dreg:$0x1] =	wrdreg $0xFFFFFFFF  }
0xc1: {  	_ =	task.clear_ibuf [dreg:s6], $0x2FFFF;
	_ =	strace $0x9FFFFFFF  }
0xc2: {  	(tm) =	ssettm $0x7FFFFFFF  }
0xc3: {  	_ =	shalt  }
tec
execute0_lowered:
.L_overlay_start_1:
0x0: {  	(tag) =	ssettag $0x1  }
0x1: {  	s5 =	rddreg [dreg:$0x0]  }
0x2: {  	s1 =	rddreg [dreg:$0x1]  }
0x3: {  	s0 =	rddreg [dreg:$0x2]  }
0x4: {  	s2 =	simm.s32 $0x0;
	s3 =	srdreg.scid;
	s22 =	simm.s32 $0xBE00  }
0x5: {  	s23 =	simm.s32 $0x1000;
	s24 =	simm.s32 $0x1;
	[smem:$0x7FF] =	sst s2  }
0x6: {  	s17 =	sadd.s32 $0x54E00, s5;
	s6 =	sand.u32 $0x1, s3;
	s13 =	sadd.s32 $0xB7A00, s5  }
0x7: {  	s3 =	stileid.u32;
	s4 =	sadd.s32 $0xC1800, s5;
	s18 =	sadd.s32 $0xC2C00, s5  }
0x8: {  	s7 =	ssub.s32 $0x2, s6;
	s14 =	smul.u32 $0x4E20, s3;
	s25 =	sshll.u32 s6, $0x4  }
0x9: {  	_ =	strace $0x80000050;
	s8 =	sshrl.u32 s7, $0x1;
	s15 =	sor.u32 s3, s25  }
0xa: {  	s25 =	simm.s32 $0x2;
	s19 =	ssub.s32 s7, s8;
	s26 =	sshrl.u32 s14, $0x3  }
0xb: {  	s28 =	sadd.s32 $0xFA0, s14;
	s10 =	sadd.s32 $0x1F40, s14;
	s6 =	sadd.s32 s14, s1  }
0xc: {  	s12 =	sadd.s32 $0x2EE0, s14;
	s16 =	smul.u32 $0x9E00, s15;
	s14 =	sadd.s32 $0x3E80, s14  }
0xd: {  	s21 =	smul.u32 $0x13C0, s15;
	s5 =	sadd.s32 s13, s26;
	s29 =	sshrl.u32 s28, $0x3  }
0xe: {  	s9 =	sshrl.u32 s10, $0x3;
	s8 =	sadd.s32 s28, s1;
	s10 =	sadd.s32 s10, s1  }
0xf: {  	s11 =	sshrl.u32 s12, $0x3;
	s12 =	sadd.s32 s12, s1;
	s20 =	sshrl.u32 s14, $0x3  }
0x10: {  	s14 =	sadd.s32 s14, s1;
	s19 =	smax.u32 s19, $0x1;
	s26 =	simm.s32 $0x0  }
0x11: {  	s7 =	sadd.s32 s13, s29;
	s9 =	sadd.s32 s13, s9;
	s11 =	sadd.s32 s13, s11  }
0x12: {  	s30 =	sshrl.u32 s16, $0x3;
	s13 =	sadd.s32 s13, s20;
	s15 =	sadd.s32 s17, s21  }
0x13: {  	s16 =	sadd.s32 s18, s21;
	s20 =	simm.s32 $0x3;
	s31 =	sadd.s32 $0x27800, s30  }
0x14: {  	s21 =	simm.s32 $0x2000;
	s17 =	sadd.s32 s17, s31;
	s18 =	sadd.s32 s18, s31  }
.LBB2_1:
0x15: {  	[tilespmem:s2], [sflag:$0x3] =	stream.linear.gather [hbm4b:s5+s2], $0xFA0, $0x38;
	[tilespmem:$0x1AA20] =	vst v63  }
0x16: {  	_ =	swait.ge [sflag:s20], $0xFA0  }
0x17: {  	[sflag:s20] =	ssyncset.done $0x0  }
0x18: {  	[sflag:s20] =	ssyncadd.s32 $0xFFFFF060  }
0x19: {  	[spmem:s6] =	stream.linear.scatter [tilespmem:s2], [sflag:$0x3], $0xFA0, $0x38;
	[tilespmem:$0x1AA20] =	vst v63  }
0x1a: {  	_ =	swait.ge [sflag:s20], $0xFA0  }
0x1b: {  	[sflag:s20] =	ssyncset.done $0x0  }
0x1c: {  	[sflag:s20] =	ssyncadd.s32 $0xFFFFF060  }
0x1d: {  	[tilespmem:s2], [sflag:$0x3] =	stream.linear.gather [hbm4b:s7+s2], $0xFA0, $0x38;
	[tilespmem:$0x1AA20] =	vst v63  }
0x1e: {  	_ =	swait.ge [sflag:s20], $0xFA0  }
0x1f: {  	[sflag:s20] =	ssyncset.done $0x0  }
0x20: {  	[sflag:s20] =	ssyncadd.s32 $0xFFFFF060  }
0x21: {  	[spmem:s8] =	stream.linear.scatter [tilespmem:s2], [sflag:$0x3], $0xFA0, $0x38;
	[tilespmem:$0x1AA20] =	vst v63  }
0x22: {  	_ =	swait.ge [sflag:s20], $0xFA0  }
0x23: {  	[sflag:s20] =	ssyncset.done $0x0  }
0x24: {  	[sflag:s20] =	ssyncadd.s32 $0xFFFFF060  }
0x25: {  	[tilespmem:s2], [sflag:$0x3] =	stream.linear.gather [hbm4b:s9+s2], $0xFA0, $0x38;
	[tilespmem:$0x1AA20] =	vst v63  }
0x26: {  	_ =	swait.ge [sflag:s20], $0xFA0  }
0x27: {  	[sflag:s20] =	ssyncset.done $0x0  }
0x28: {  	[sflag:s20] =	ssyncadd.s32 $0xFFFFF060  }
0x29: {  	[spmem:s10] =	stream.linear.scatter [tilespmem:s2], [sflag:$0x3], $0xFA0, $0x38;
	[tilespmem:$0x1AA20] =	vst v63  }
0x2a: {  	_ =	swait.ge [sflag:s20], $0xFA0  }
0x2b: {  	[sflag:s20] =	ssyncset.done $0x0  }
0x2c: {  	[sflag:s20] =	ssyncadd.s32 $0xFFFFF060  }
0x2d: {  	[tilespmem:s2], [sflag:$0x3] =	stream.linear.gather [hbm4b:s11+s2], $0xFA0, $0x38;
	[tilespmem:$0x1AA20] =	vst v63  }
0x2e: {  	_ =	swait.ge [sflag:s20], $0xFA0  }
0x2f: {  	[sflag:s20] =	ssyncset.done $0x0  }
0x30: {  	[sflag:s20] =	ssyncadd.s32 $0xFFFFF060  }
0x31: {  	[spmem:s12] =	stream.linear.scatter [tilespmem:s2], [sflag:$0x3], $0xFA0, $0x38;
	[tilespmem:$0x1AA20] =	vst v63  }
0x32: {  	_ =	swait.ge [sflag:s20], $0xFA0  }
0x33: {  	[sflag:s20] =	ssyncset.done $0x0  }
0x34: {  	[sflag:s20] =	ssyncadd.s32 $0xFFFFF060  }
0x35: {  	[tilespmem:s2], [sflag:$0x3] =	stream.linear.gather [hbm4b:s13+s2], $0xFA0, $0x38;
	[tilespmem:$0x1AA20] =	vst v63  }
0x36: {  	_ =	swait.ge [sflag:s20], $0xFA0  }
0x37: {  	[sflag:s20] =	ssyncset.done $0x0  }
0x38: {  	[sflag:s20] =	ssyncadd.s32 $0xFFFFF060  }
0x39: {  	[spmem:s14] =	stream.linear.scatter [tilespmem:s2], [sflag:$0x3], $0xFA0, $0x38;
	[tilespmem:$0x1AA20] =	vst v63  }
0x3a: {  	_ =	swait.ge [sflag:s20], $0xFA0  }
0x3b: {  	[sflag:s20] =	ssyncset.done $0x0  }
0x3c: {  	[sflag:s20] =	ssyncadd.s32 $0xFFFFF060  }
0x3d: {  	[bflag:$0x0] =	sbarrier.arrive $0xFFFF  }
0x3e: {  	[tilespmem:s21], [sflag:$0x3] =	stream.linear.gather [hbm4b:s15+s2], $0x9E00, $0x38;
	[tilespmem:$0x1AA20] =	vst v63  }
0x3f: {  	_ =	swait.ge [sflag:s20], $0x9E00  }
0x40: {  	[sflag:s20] =	ssyncset.done $0x0  }
0x41: {  	[sflag:s20] =	ssyncadd.s32 $0xFFFF6200  }
0x42: {  	[tilespmem:s22], [sflag:$0x3] =	stream.linear.gather [hbm4b:s4+s2], $0x9E00, $0x38;
	[tilespmem:$0x1AA20] =	vst v63  }
0x43: {  	_ =	swait.ge [sflag:s20], $0x9E00  }
0x44: {  	[sflag:s20] =	ssyncset.done $0x0  }
0x45: {  	s28 =	simm.s32 $0x0;
	[sflag:s20] =	ssyncadd.s32 $0xFFFF6200  }
0x46: {  	[tilespmem:s2], [sflag:$0x1] =	stream.linear.gather [spmem:s1], $0xFA0, $0x38;
	[tilespmem:$0x1AA20] =	vst v63  }
.LBB2_2:
0x47: {  	s29 =	smul.u32 $0x7D00, s28;
	_ =	sdelay $0x1  }
0x48: {  	s29 =	sshra.s32 s29, $0x2  }
0x49: {  	s29 =	sadd.s32 s29, s1  }
0x4a: {  	s30 =	sadd.s32 $0xFA0, s29  }
0x4b: {  	[tilespmem:s23], [sflag:$0x2] =	stream.linear.gather [spmem:s30], $0xFA0, $0x38;
	[tilespmem:$0x1AA20] =	vst v63  }
0x4c: {  	_ =	swait.ge [sflag:s24], $0xFA0  }
0x4d: {  	[sflag:s24] =	ssyncset.done $0x0  }
0x4e: {  	s30 =	simm.s32 $0x20;
	[sflag:s24] =	ssyncadd.s32 $0xFFFFF060  }
0x4f: {  	v0 =	vld [tilespmem:s30+$0x10]  }
0x50: {  	v1 =	vld [tilespmem:s30+$0xFFFFFFF0]  }
0x51: {  	v2 =	vld [tilespmem:s30+$0x0]  }
0x52: {  	v3 =	vld [tilespmem:s30+$0xFFFFFFE0];
	_ =	sdelay $0x1  }
0x53: {  	v4 =	vshrl.u32 v0, $0xE  }
0x54: {  	v5 =	vshrl.u32 v0, $0xC;
	v6 =	vshrl.u32 v1, $0xE;
	v7 =	vshrl.u32 v1, $0xC  }
0x55: {  	v8 =	vshrl.u32 v2, $0xE;
	v4 =	vand.u32 $0x7F, v4;
	v5 =	vand.u32 $0xFFE00, v5  }
0x56: {  	v9 =	vshrl.u32 v3, $0xC;
	v10 =	vshrl.u32 v2, $0xC;
	v4 =	vor.u32 v4, v5  }
0x57: {  	v11 =	vshll.u32 v1, $0x2;
	v5 =	vand.u32 $0x7F, v6;
	v6 =	vshrl.u32 v3, $0xE  }
0x58: {  	v7 =	vand.u32 $0xFFE00, v7;
	v9 =	vand.u32 $0xFFE00, v9;
	v6 =	vand.u32 $0x7F, v6  }
0x59: {  	v5 =	vor.u32 v5, v7;
	v6 =	vor.u32 v6, v9;
	v9 =	vshll.u32 v0, $0x2  }
0x5a: {  	v1 =	vand.u32 $0x7F, v1;
	v0 =	vand.u32 $0x7F, v0;
	v7 =	vand.u32 $0xFE00, v9  }
0x5b: {  	v8 =	vand.u32 $0x7F, v8;
	v9 =	vand.u32 $0xFFE00, v10;
	v0 =	vor.u32 v0, v7;
	v10 =	vld.idx.msk [tilespmem:v4+s21+$0x0], $0xffff  }
0x5c: {  	v7 =	vor.u32 v8, v9;
	v8 =	vshll.u32 v3, $0x2;
	v9 =	vor.u32 $0x80, v4  }
0x5d: {  	v11 =	vand.u32 $0xFE00, v11;
	v3 =	vand.u32 $0x7F, v3;
	v8 =	vand.u32 $0xFE00, v8  }
0x5e: {  	v11 =	vor.u32 v1, v11;
	v3 =	vor.u32 v3, v8;
	v8 =	vld.idx.msk [tilespmem:v5+s21+$0x0], $0xffff  }
0x5f: {  	v12 =	vld.idx.msk [tilespmem:v6+s21+$0x0], $0xffff  }
0x60: {  	v1 =	vor.u32 $0x80, v6;
	[tilespmem:v0+s22+$0x0] =	vst.idx.add.f32.msk $0xffff, v10  }
0x61: {  	v13 =	vor.u32 $0x80, v0;
	v10 =	vshll.u32 v2, $0x2;
	v9 =	vld.idx.msk [tilespmem:v9+s21+$0x0], $0xffff  }
0x62: {  	v15 =	vor.u32 $0x100, v4;
	v14 =	vld.idx.msk [tilespmem:v7+s21+$0x0], $0xffff;
	v2 =	vand.u32 $0x7F, v2;
	v10 =	vand.u32 $0xFE00, v10  }
0x63: {  	[tilespmem:v11+s22+$0x0] =	vst.idx.add.f32.msk $0xffff, v8;
	v10 =	vor.u32 v2, v10  }
0x64: {  	[tilespmem:v3+s22+$0x0] =	vst.idx.add.f32.msk $0xffff, v12;
	v2 =	vor.u32 $0x80, v5  }
0x65: {  	v8 =	vor.u32 $0x80, v7;
	v1 =	vld.idx.msk [tilespmem:v1+s21+$0x0], $0xffff  }
0x66: {  	v12 =	vor.u32 $0x80, v3;
	[tilespmem:v13+s22+$0x0] =	vst.idx.add.f32.msk $0xffff, v9  }
0x67: {  	v13 =	vld.idx.msk [tilespmem:v15+s21+$0x0], $0xffff  }
0x68: {  	v9 =	vor.u32 $0x100, v6;
	[tilespmem:v10+s22+$0x0] =	vst.idx.add.f32.msk $0xffff, v14  }
0x69: {  	v14 =	vor.u32 $0x100, v0;
	v2 =	vld.idx.msk [tilespmem:v2+s21+$0x0], $0xffff  }
0x6a: {  	v15 =	vor.u32 $0x80, v11;
	v8 =	vld.idx.msk [tilespmem:v8+s21+$0x0], $0xffff  }
0x6b: {  	s30 =	simm.s32 $0x60;
	[tilespmem:v12+s22+$0x0] =	vst.idx.add.f32.msk $0xffff, v1  }
0x6c: {  	v4 =	vor.u32 $0x180, v4;
	v12 =	vld [tilespmem:s30+$0x10]  }
0x6d: {  	v1 =	vor.u32 $0x80, v10;
	v9 =	vld.idx.msk [tilespmem:v9+s21+$0x0], $0xffff  }
0x6e: {  	[tilespmem:v14+s22+$0x0] =	vst.idx.add.f32.msk $0xffff, v13  }
0x6f: {  	[tilespmem:v15+s22+$0x0] =	vst.idx.add.f32.msk $0xffff, v2  }
0x70: {  	v13 =	vor.u32 $0x100, v5;
	v2 =	vld [tilespmem:s30+$0xFFFFFFF0]  }
0x71: {  	v0 =	vor.u32 $0x180, v0;
	v4 =	vld.idx.msk [tilespmem:v4+s21+$0x0], $0xffff  }
0x72: {  	[tilespmem:v1+s22+$0x0] =	vst.idx.add.f32.msk $0xffff, v8;
	v1 =	vor.u32 $0x100, v7  }
0x73: {  	v14 =	vld [tilespmem:s30+$0xFFFFFFE0];
	v8 =	vor.u32 $0x100, v3  }
0x74: {  	v6 =	vor.u32 $0x180, v6;
	v15 =	vld [tilespmem:s30+$0x0];
	v16 =	vshrl.u32 v12, $0xE;
	v17 =	vshrl.u32 v12, $0xC  }
0x75: {  	v18 =	vor.u32 $0x100, v11;
	v16 =	vand.u32 $0x7F, v16;
	v17 =	vand.u32 $0xFFE00, v17;
	v13 =	vld.idx.msk [tilespmem:v13+s21+$0x0], $0xffff  }
0x76: {  	v5 =	vor.u32 $0x180, v5;
	[tilespmem:v0+s22+$0x0] =	vst.idx.add.f32.msk $0xffff, v4;
	v4 =	vor.u32 v16, v17  }
0x77: {  	v7 =	vor.u32 $0x180, v7;
	v3 =	vor.u32 $0x180, v3;
	v0 =	vor.u32 $0x100, v10;
	v1 =	vld.idx.msk [tilespmem:v1+s21+$0x0], $0xffff  }
0x78: {  	v16 =	vshrl.u32 v2, $0xE;
	[tilespmem:v8+s22+$0x0] =	vst.idx.add.f32.msk $0xffff, v9;
	v8 =	vshrl.u32 v14, $0xE;
	v9 =	vshrl.u32 v14, $0xC  }
0x79: {  	v17 =	vshrl.u32 v2, $0xC;
	v6 =	vld.idx.msk [tilespmem:v6+s21+$0x0], $0xffff;
	v8 =	vand.u32 $0x7F, v8;
	v9 =	vand.u32 $0xFFE00, v9  }
0x7a: {  	v16 =	vand.u32 $0x7F, v16;
	v17 =	vand.u32 $0xFFE00, v17;
	v8 =	vor.u32 v8, v9;
	[tilespmem:v18+s22+$0x0] =	vst.idx.add.f32.msk $0xffff, v13  }
0x7b: {  	v9 =	vshll.u32 v12, $0x2;
	v16 =	vor.u32 v16, v17;
	v12 =	vand.u32 $0x7F, v12;
	v13 =	vld.idx.msk [tilespmem:v4+s21+$0x0], $0xffff  }
0x7c: {  	v17 =	vshrl.u32 v15, $0xE;
	v9 =	vand.u32 $0xFE00, v9;
	v18 =	vshrl.u32 v15, $0xC;
	[tilespmem:v0+s22+$0x0] =	vst.idx.add.f32.msk $0xffff, v1  }
0x7d: {  	v19 =	vor.u32 v12, v9;
	v1 =	vand.u32 $0x7F, v17;
	v9 =	vand.u32 $0xFFE00, v18;
	v0 =	vld.idx.msk [tilespmem:v5+s21+$0x0], $0xffff  }
0x7e: {  	v12 =	vor.u32 $0x80, v4;
	v5 =	vshll.u32 v14, $0x2;
	v17 =	vor.u32 v1, v9;
	v1 =	vld.idx.msk [tilespmem:v7+s21+$0x0], $0xffff  }
0x7f: {  	v7 =	vshll.u32 v2, $0x2;
	v5 =	vand.u32 $0xFE00, v5;
	v9 =	vand.u32 $0x7F, v14;
	[tilespmem:v3+s22+$0x0] =	vst.idx.add.f32.msk $0xffff, v6  }
0x80: {  	v2 =	vand.u32 $0x7F, v2;
	v14 =	vld.idx.msk [tilespmem:v8+s21+$0x0], $0xffff;
	v7 =	vand.u32 $0xFE00, v7;
	v18 =	vor.u32 v9, v5  }
0x81: {  	v5 =	vld.idx.msk [tilespmem:v16+s21+$0x0], $0xffff;
	v20 =	vor.u32 v2, v7  }
0x82: {  	v2 =	vor.u32 $0x80, v8;
	[tilespmem:v19+s22+$0x0] =	vst.idx.add.f32.msk $0xffff, v13  }
0x83: {  	v3 =	vor.u32 $0x80, v16;
	v9 =	vshll.u32 v15, $0x2;
	v7 =	vld.idx.msk [tilespmem:v12+s21+$0x0], $0xffff  }
0x84: {  	v15 =	vand.u32 $0x7F, v15;
	v9 =	vand.u32 $0xFE00, v9;
	v13 =	vor.u32 $0x80, v19;
	v12 =	vld.idx.msk [tilespmem:v17+s21+$0x0], $0xffff  }
0x85: {  	v22 =	vor.u32 v15, v9;
	[tilespmem:v18+s22+$0x0] =	vst.idx.add.f32.msk $0xffff, v14  }
0x86: {  	v21 =	vor.u32 $0x100, v4;
	[tilespmem:v20+s22+$0x0] =	vst.idx.add.f32.msk $0xffff, v5  }
0x87: {  	v5 =	vor.u32 $0x80, v17;
	v2 =	vld.idx.msk [tilespmem:v2+s21+$0x0], $0xffff  }
0x88: {  	v6 =	vor.u32 $0x80, v18;
	v23 =	vld.idx.msk [tilespmem:v3+s21+$0x0], $0xffff  }
0x89: {  	v24 =	vor.u32 $0x80, v20;
	[tilespmem:v13+s22+$0x0] =	vst.idx.add.f32.msk $0xffff, v7  }
0x8a: {  	v7 =	vor.u32 $0x100, v8;
	[tilespmem:v22+s22+$0x0] =	vst.idx.add.f32.msk $0xffff, v12  }
0x8b: {  	v63 =	vor.u32 $0x100, v19;
	v13 =	vld.idx.msk [tilespmem:v21+s21+$0x0], $0xffff  }
0x8c: {  	v4 =	vor.u32 $0x180, v4;
	v25 =	vld.idx.msk [tilespmem:v5+s21+$0x0], $0xffff  }
0x8d: {  	v26 =	vor.u32 $0x80, v22;
	[tilespmem:v6+s22+$0x0] =	vst.idx.add.f32.msk $0xffff, v2  }
0x8e: {  	v9 =	vor.u32 $0x100, v18;
	v14 =	vor.u32 $0x100, v16;
	[tilespmem:v24+s22+$0x0] =	vst.idx.add.f32.msk $0xffff, v23  }
0x8f: {  	v3 =	vor.u32 $0x180, v10;
	v10 =	vor.u32 $0x180, v20;
	v12 =	vor.u32 $0x100, v17;
	v15 =	vld.idx.msk [tilespmem:v7+s21+$0x0], $0xffff  }
0x90: {  	v2 =	vor.u32 $0x180, v11;
	v5 =	vor.u32 $0x180, v16;
	v6 =	vor.u32 $0x180, v17;
	[tilespmem:v63+s22+$0x0] =	vst.idx.add.f32.msk $0xffff, v13  }
0x91: {  	v11 =	vor.u32 $0x180, v22;
	v17 =	vor.u32 $0x180, v19;
	v7 =	vor.u32 $0x100, v20;
	v16 =	vld.idx.msk [tilespmem:v4+s21+$0x0], $0xffff  }
0x92: {  	s31 =	simm.s32 $0xA0;
	s30 =	simm.s32 $0x4;
	v13 =	vor.u32 $0x180, v8;
	v8 =	vor.u32 $0x100, v22;
	v4 =	vor.u32 $0x180, v18;
	[tilespmem:v26+s22+$0x0] =	vst.idx.add.f32.msk $0xffff, v25  }
.LBB2_3:
0x93: {  	v18 =	vld [tilespmem:s31+$0x10];
	s30 =	sadd.s32 $0x4, s30  }
0x94: {  	v19 =	vld [tilespmem:s31+$0xFFFFFFF0];
	p0 =	slt.u32 s30, $0xF4  }
0x95: {  	v20 =	vld [tilespmem:s31+$0x0]  }
0x96: {  	[tilespmem:v17+s22+$0x0] =	vst.idx.add.f32.msk $0xffff, v16  }
0x97: {  	v16 =	vld [tilespmem:s31+$0xFFFFFFE0]  }
0x98: {  	v17 =	vshrl.u32 v18, $0xE;
	v21 =	vshrl.u32 v18, $0xC;
	v14 =	vld.idx.msk [tilespmem:v14+s21+$0x0], $0xffff  }
0x99: {  	v22 =	vshrl.u32 v19, $0xE;
	v17 =	vand.u32 $0x7F, v17;
	v21 =	vand.u32 $0xFFE00, v21;
	v12 =	vld.idx.msk [tilespmem:v12+s21+$0x0], $0xffff  }
0x9a: {  	v23 =	vshrl.u32 v19, $0xC;
	v24 =	vshrl.u32 v20, $0xE;
	v17 =	vor.u32 v17, v21;
	[tilespmem:v9+s22+$0x0] =	vst.idx.add.f32.msk $0xffff, v15  }
0x9b: {  	v9 =	vand.u32 $0x7F, v22;
	v15 =	vand.u32 $0xFFE00, v23;
	v21 =	vshrl.u32 v20, $0xC;
	v13 =	vld.idx.msk [tilespmem:v13+s21+$0x0], $0xffff  }
0x9c: {  	v24 =	vand.u32 $0x7F, v24;
	v22 =	vshrl.u32 v16, $0xE;
	v23 =	vshrl.u32 v16, $0xC;
	[tilespmem:v2+s22+$0x0] =	vst.idx.add.f32.msk $0xffff, v0;
	v2 =	vmovc v10  }
0x9d: {  	v21 =	vand.u32 $0xFFE00, v21;
	v0 =	vand.u32 $0x7F, v22;
	v10 =	vand.u32 $0xFFE00, v23;
	[tilespmem:v3+s22+$0x0] =	vst.idx.add.f32.msk $0xffff, v1;
	v3 =	vmovc v11  }
0x9e: {  	v11 =	vor.u32 v9, v15;
	v10 =	vor.u32 v0, v10;
	v0 =	vshll.u32 v18, $0x2;
	[tilespmem:v7+s22+$0x0] =	vst.idx.add.f32.msk $0xffff, v14  }
0x9f: {  	v15 =	vor.u32 v24, v21;
	v1 =	vand.u32 $0x7F, v18;
	v7 =	vld.idx.msk [tilespmem:v17+s21+$0x0], $0xffff;
	v0 =	vand.u32 $0xFE00, v0  }
0xa0: {  	v9 =	vshll.u32 v16, $0x2;
	v14 =	vshll.u32 v19, $0x2;
	v18 =	vor.u32 v1, v0;
	[tilespmem:v8+s22+$0x0] =	vst.idx.add.f32.msk $0xffff, v12  }
0xa1: {  	v8 =	vand.u32 $0xFE00, v9;
	v1 =	vshll.u32 v20, $0x2;
	v9 =	vor.u32 $0x80, v17;
	v0 =	vld.idx.msk [tilespmem:v5+s21+$0x0], $0xffff  }
0xa2: {  	v12 =	vand.u32 $0xFE00, v14;
	v5 =	vand.u32 $0x7F, v16;
	v14 =	vand.u32 $0xFE00, v1;
	v1 =	vld.idx.msk [tilespmem:v6+s21+$0x0], $0xffff  }
0xa3: {  	v16 =	vor.u32 v5, v8;
	v5 =	vand.u32 $0x7F, v19;
	v8 =	vand.u32 $0x7F, v20;
	v6 =	vld.idx.msk [tilespmem:v10+s21+$0x0], $0xffff  }
0xa4: {  	v19 =	vor.u32 $0x80, v10;
	v21 =	vor.u32 v5, v12;
	v22 =	vor.u32 v8, v14;
	v20 =	vld.idx.msk [tilespmem:v11+s21+$0x0], $0xffff  }
0xa5: {  	v24 =	vor.u32 $0x80, v11;
	v25 =	vor.u32 $0x80, v15;
	v23 =	vor.u32 $0x80, v16;
	[tilespmem:v18+s22+$0x0] =	vst.idx.add.f32.msk $0xffff, v7  }
0xa6: {  	v26 =	vor.u32 $0x100, v10;
	v27 =	vor.u32 $0x80, v21;
	v28 =	vor.u32 $0x80, v22;
	v29 =	vld.idx.msk [tilespmem:v9+s21+$0x0], $0xffff  }
0xa7: {  	v31 =	vor.u32 $0x80, v18;
	v14 =	vor.u32 $0x100, v11;
	v12 =	vor.u32 $0x100, v15;
	v30 =	vld.idx.msk [tilespmem:v15+s21+$0x0], $0xffff  }
0xa8: {  	v32 =	vor.u32 $0x100, v17;
	v7 =	vor.u32 $0x100, v21;
	v9 =	vor.u32 $0x100, v16;
	[tilespmem:v4+s22+$0x0] =	vst.idx.add.f32.msk $0xffff, v13  }
0xa9: {  	v5 =	vor.u32 $0x180, v11;
	v8 =	vor.u32 $0x100, v22;
	v13 =	vor.u32 $0x180, v10;
	[tilespmem:v16+s22+$0x0] =	vst.idx.add.f32.msk $0xffff, v6  }
0xaa: {  	v4 =	vor.u32 $0x180, v16;
	v10 =	vor.u32 $0x180, v21;
	v6 =	vor.u32 $0x180, v15;
	[tilespmem:v21+s22+$0x0] =	vst.idx.add.f32.msk $0xffff, v20  }
0xab: {  	v11 =	vor.u32 $0x180, v22;
	v15 =	vld.idx.msk [tilespmem:v19+s21+$0x0], $0xffff  }
0xac: {  	[tilespmem:v31+s22+$0x0] =	vst.idx.add.f32.msk $0xffff, v29  }
0xad: {  	v16 =	vld.idx.msk [tilespmem:v32+s21+$0x0], $0xffff  }
0xae: {  	v19 =	vor.u32 $0x100, v18;
	[tilespmem:v22+s22+$0x0] =	vst.idx.add.f32.msk $0xffff, v30  }
0xaf: {  	v17 =	vor.u32 $0x180, v17;
	v20 =	vld.idx.msk [tilespmem:v24+s21+$0x0], $0xffff  }
0xb0: {  	v21 =	vld.idx.msk [tilespmem:v25+s21+$0x0], $0xffff  }
0xb1: {  	[tilespmem:v23+s22+$0x0] =	vst.idx.add.f32.msk $0xffff, v15  }
.Ltmp0:
0xb2: {  	v15 =	vld.idx.msk [tilespmem:v26+s21+$0x0], $0xffff;
	(pc) =	sbr.rel @p0 .LBB2_3-.Ltmp0, $4  }
0xb3: {  	[tilespmem:v19+s22+$0x0] =	vst.idx.add.f32.msk $0xffff, v16  }
0xb4: {  	v16 =	vld.idx.msk [tilespmem:v17+s21+$0x0], $0xffff  }
0xb5: {  	v17 =	vor.u32 $0x180, v18;
	[tilespmem:v27+s22+$0x0] =	vst.idx.add.f32.msk $0xffff, v20  }
0xb6: {  	s31 =	sadd.s32 $0x40, s31;
	[tilespmem:v28+s22+$0x0] =	vst.idx.add.f32.msk $0xffff, v21  }
0xb7: {  	_ =	sdelay $0x3  }
0xb8: {  	v14 =	vld.idx.msk [tilespmem:v14+s21+$0x0], $0xffff  }
0xb9: {  	v12 =	vld.idx.msk [tilespmem:v12+s21+$0x0], $0xffff  }
0xba: {  	[tilespmem:v9+s22+$0x0] =	vst.idx.add.f32.msk $0xffff, v15  }
0xbb: {  	[tilespmem:v2+s22+$0x0] =	vst.idx.add.f32.msk $0xffff, v0  }
0xbc: {  	v9 =	vld.idx.msk [tilespmem:v13+s21+$0x0], $0xffff  }
0xbd: {  	[tilespmem:v7+s22+$0x0] =	vst.idx.add.f32.msk $0xffff, v14  }
0xbe: {  	[tilespmem:v8+s22+$0x0] =	vst.idx.add.f32.msk $0xffff, v12  }
0xbf: {  	v5 =	vld.idx.msk [tilespmem:v5+s21+$0x0], $0xffff  }
0xc0: {  	v6 =	vld.idx.msk [tilespmem:v6+s21+$0x0], $0xffff  }
0xc1: {  	[tilespmem:v3+s22+$0x0] =	vst.idx.add.f32.msk $0xffff, v1  }
0xc2: {  	[tilespmem:v17+s22+$0x0] =	vst.idx.add.f32.msk $0xffff, v16  }
0xc3: {  	[tilespmem:v4+s22+$0x0] =	vst.idx.add.f32.msk $0xffff, v9  }
0xc4: {  	[tilespmem:v10+s22+$0x0] =	vst.idx.add.f32.msk $0xffff, v5  }
0xc5: {  	s30 =	simm.s32 $0x0;
	[tilespmem:v11+s22+$0x0] =	vst.idx.add.f32.msk $0xffff, v6  }
.LBB2_5:
0xc6: {  	s31 =	sshra.s32 s30, $0x2  }
0xc7: {  	v0 =	vld [tilespmem:s31+$0xF80];
	_ =	sdelay $0x4  }
0xc8: {  	v1 =	vshrl.u32 v0, $0xE;
	v2 =	vshrl.u32 v0, $0xC  }
0xc9: {  	v1 =	vand.u32 $0x7F, v1;
	v2 =	vand.u32 $0xFFE00, v2  }
0xca: {  	v1 =	vor.u32 v1, v2;
	_ =	sdelay $0x2  }
0xcb: {  	v60 =	vshll.u32 v0, $0x2  }
0xcc: {  	v0 =	vand.u32 $0x7F, v0;
	v2 =	vand.u32 $0xFE00, v60  }
0xcd: {  	v0 =	vor.u32 v0, v2;
	v3 =	vld.idx.msk [tilespmem:v1+s21+$0x0], $0xffff  }
0xce: {  	v61 =	vor.u32 $0x80, v1;
	_ =	sdelay $0x3  }
0xcf: {  	[tilespmem:v0+s22+$0x0] =	vst.idx.add.f32.msk $0xffff, v3  }
0xd0: {  	v62 =	vor.u32 $0x80, v0;
	v2 =	vld.idx.msk [tilespmem:v61+s21+$0x0], $0xffff  }
0xd1: {  	v4 =	vor.u32 $0x100, v1;
	_ =	sdelay $0x3  }
0xd2: {  	[tilespmem:v62+s22+$0x0] =	vst.idx.add.f32.msk $0xffff, v2  }
0xd3: {  	v63 =	vor.u32 $0x100, v0;
	v2 =	vld.idx.msk [tilespmem:v4+s21+$0x0], $0xffff  }
0xd4: {  	v1 =	vor.u32 $0x180, v1;
	_ =	sdelay $0x3  }
0xd5: {  	[tilespmem:v63+s22+$0x0] =	vst.idx.add.f32.msk $0xffff, v2  }
0xd6: {  	p0 =	sne.s32 s30, $0x40;
	v0 =	vor.u32 $0x180, v0;
	v1 =	vld.idx.msk [tilespmem:v1+s21+$0x0], $0xffff  }
.Ltmp1:
0xd7: {  	_ = 	snop;
	(pc) =	sbr.rel @p0 .LBB2_5-.Ltmp1, $2  }
0xd8: {  	_ =	sdelay $0x2  }
0xd9: {  	s30 =	sadd.s32 $0x40, s30;
	[tilespmem:v0+s22+$0x0] =	vst.idx.add.f32.msk $0xffff, v1  }
0xda: {  	p0 =	seq.s32 s28, $0x27  }
0xdb: {  	s29 =	sadd.s32 @!p0 $0x1F40, s29;
	s30 =	simm.s32 @!p0 $0x0  }
0xdc: {  	[tilespmem:s30], [sflag:$0x1] =	stream.linear.gather @!p0 [spmem:s29], $0xFA0, $0x38;
	[tilespmem:$0x1AA20] =	vst v63  }
0xdd: {  	_ =	swait.ge [sflag:s25], $0xFA0  }
0xde: {  	[sflag:s25] =	ssyncset.done $0x0  }
0xdf: {  	s29 =	simm.s32 $0x1020;
	[sflag:s25] =	ssyncadd.s32 $0xFFFFF060  }
0xe0: {  	v0 =	vld [tilespmem:s29+$0x10]  }
0xe1: {  	v1 =	vld [tilespmem:s29+$0xFFFFFFF0]  }
0xe2: {  	v2 =	vld [tilespmem:s29+$0x0]  }
0xe3: {  	v3 =	vld [tilespmem:s29+$0xFFFFFFE0];
	_ =	sdelay $0x1  }
0xe4: {  	v4 =	vshrl.u32 v0, $0xE  }
0xe5: {  	v5 =	vshrl.u32 v0, $0xC;
	v6 =	vshrl.u32 v1, $0xE;
	v7 =	vshrl.u32 v1, $0xC  }
0xe6: {  	v8 =	vshrl.u32 v2, $0xE;
	v4 =	vand.u32 $0x7F, v4;
	v5 =	vand.u32 $0xFFE00, v5  }
0xe7: {  	v9 =	vshrl.u32 v3, $0xC;
	v10 =	vshrl.u32 v2, $0xC;
	v4 =	vor.u32 v4, v5  }
0xe8: {  	v11 =	vshll.u32 v1, $0x2;
	v5 =	vand.u32 $0x7F, v6;
	v6 =	vshrl.u32 v3, $0xE  }
0xe9: {  	v7 =	vand.u32 $0xFFE00, v7;
	v9 =	vand.u32 $0xFFE00, v9;
	v6 =	vand.u32 $0x7F, v6  }
0xea: {  	v5 =	vor.u32 v5, v7;
	v6 =	vor.u32 v6, v9;
	v9 =	vshll.u32 v0, $0x2  }
0xeb: {  	v1 =	vand.u32 $0x7F, v1;
	v0 =	vand.u32 $0x7F, v0;
	v7 =	vand.u32 $0xFE00, v9  }
0xec: {  	v8 =	vand.u32 $0x7F, v8;
	v9 =	vand.u32 $0xFFE00, v10;
	v0 =	vor.u32 v0, v7;
	v10 =	vld.idx.msk [tilespmem:v4+s21+$0x0], $0xffff  }
0xed: {  	v7 =	vor.u32 v8, v9;
	v8 =	vshll.u32 v3, $0x2;
	v9 =	vor.u32 $0x80, v4  }
0xee: {  	v11 =	vand.u32 $0xFE00, v11;
	v3 =	vand.u32 $0x7F, v3;
	v8 =	vand.u32 $0xFE00, v8  }
0xef: {  	v11 =	vor.u32 v1, v11;
	v3 =	vor.u32 v3, v8;
	v8 =	vld.idx.msk [tilespmem:v5+s21+$0x0], $0xffff  }
0xf0: {  	v12 =	vld.idx.msk [tilespmem:v6+s21+$0x0], $0xffff  }
0xf1: {  	v1 =	vor.u32 $0x80, v6;
	[tilespmem:v0+s22+$0x0] =	vst.idx.add.f32.msk $0xffff, v10  }
0xf2: {  	v13 =	vor.u32 $0x80, v0;
	v10 =	vshll.u32 v2, $0x2;
	v9 =	vld.idx.msk [tilespmem:v9+s21+$0x0], $0xffff  }
0xf3: {  	v15 =	vor.u32 $0x100, v4;
	v14 =	vld.idx.msk [tilespmem:v7+s21+$0x0], $0xffff;
	v2 =	vand.u32 $0x7F, v2;
	v10 =	vand.u32 $0xFE00, v10  }
0xf4: {  	[tilespmem:v11+s22+$0x0] =	vst.idx.add.f32.msk $0xffff, v8;
	v10 =	vor.u32 v2, v10  }
0xf5: {  	[tilespmem:v3+s22+$0x0] =	vst.idx.add.f32.msk $0xffff, v12;
	v2 =	vor.u32 $0x80, v5  }
0xf6: {  	v8 =	vor.u32 $0x80, v7;
	v1 =	vld.idx.msk [tilespmem:v1+s21+$0x0], $0xffff  }
0xf7: {  	v12 =	vor.u32 $0x80, v3;
	[tilespmem:v13+s22+$0x0] =	vst.idx.add.f32.msk $0xffff, v9  }
0xf8: {  	v13 =	vld.idx.msk [tilespmem:v15+s21+$0x0], $0xffff  }
0xf9: {  	v9 =	vor.u32 $0x100, v6;
	[tilespmem:v10+s22+$0x0] =	vst.idx.add.f32.msk $0xffff, v14  }
0xfa: {  	v14 =	vor.u32 $0x100, v0;
	v2 =	vld.idx.msk [tilespmem:v2+s21+$0x0], $0xffff  }
0xfb: {  	v15 =	vor.u32 $0x80, v11;
	v8 =	vld.idx.msk [tilespmem:v8+s21+$0x0], $0xffff  }
0xfc: {  	s29 =	simm.s32 $0x1060;
	[tilespmem:v12+s22+$0x0] =	vst.idx.add.f32.msk $0xffff, v1  }
0xfd: {  	v4 =	vor.u32 $0x180, v4;
	v12 =	vld [tilespmem:s29+$0x10]  }
0xfe: {  	v1 =	vor.u32 $0x80, v10;
	v9 =	vld.idx.msk [tilespmem:v9+s21+$0x0], $0xffff  }
0xff: {  	[tilespmem:v14+s22+$0x0] =	vst.idx.add.f32.msk $0xffff, v13  }
0x100: {  	[tilespmem:v15+s22+$0x0] =	vst.idx.add.f32.msk $0xffff, v2  }
0x101: {  	v13 =	vor.u32 $0x100, v5;
	v2 =	vld [tilespmem:s29+$0xFFFFFFF0]  }
0x102: {  	v0 =	vor.u32 $0x180, v0;
	v4 =	vld.idx.msk [tilespmem:v4+s21+$0x0], $0xffff  }
0x103: {  	[tilespmem:v1+s22+$0x0] =	vst.idx.add.f32.msk $0xffff, v8;
	v1 =	vor.u32 $0x100, v7  }
0x104: {  	v14 =	vld [tilespmem:s29+$0xFFFFFFE0];
	v8 =	vor.u32 $0x100, v3  }
0x105: {  	v6 =	vor.u32 $0x180, v6;
	v15 =	vld [tilespmem:s29+$0x0];
	v16 =	vshrl.u32 v12, $0xE;
	v17 =	vshrl.u32 v12, $0xC  }
0x106: {  	v18 =	vor.u32 $0x100, v11;
	v16 =	vand.u32 $0x7F, v16;
	v17 =	vand.u32 $0xFFE00, v17;
	v13 =	vld.idx.msk [tilespmem:v13+s21+$0x0], $0xffff  }
0x107: {  	v5 =	vor.u32 $0x180, v5;
	[tilespmem:v0+s22+$0x0] =	vst.idx.add.f32.msk $0xffff, v4;
	v4 =	vor.u32 v16, v17  }
0x108: {  	v7 =	vor.u32 $0x180, v7;
	v3 =	vor.u32 $0x180, v3;
	v0 =	vor.u32 $0x100, v10;
	v1 =	vld.idx.msk [tilespmem:v1+s21+$0x0], $0xffff  }
0x109: {  	v16 =	vshrl.u32 v2, $0xE;
	[tilespmem:v8+s22+$0x0] =	vst.idx.add.f32.msk $0xffff, v9;
	v8 =	vshrl.u32 v14, $0xE;
	v9 =	vshrl.u32 v14, $0xC  }
0x10a: {  	v17 =	vshrl.u32 v2, $0xC;
	v6 =	vld.idx.msk [tilespmem:v6+s21+$0x0], $0xffff;
	v8 =	vand.u32 $0x7F, v8;
	v9 =	vand.u32 $0xFFE00, v9  }
0x10b: {  	v16 =	vand.u32 $0x7F, v16;
	v17 =	vand.u32 $0xFFE00, v17;
	v8 =	vor.u32 v8, v9;
	[tilespmem:v18+s22+$0x0] =	vst.idx.add.f32.msk $0xffff, v13  }
0x10c: {  	v9 =	vshll.u32 v12, $0x2;
	v16 =	vor.u32 v16, v17;
	v12 =	vand.u32 $0x7F, v12;
	v13 =	vld.idx.msk [tilespmem:v4+s21+$0x0], $0xffff  }
0x10d: {  	v17 =	vshrl.u32 v15, $0xE;
	v9 =	vand.u32 $0xFE00, v9;
	v18 =	vshrl.u32 v15, $0xC;
	[tilespmem:v0+s22+$0x0] =	vst.idx.add.f32.msk $0xffff, v1  }
0x10e: {  	v19 =	vor.u32 v12, v9;
	v1 =	vand.u32 $0x7F, v17;
	v9 =	vand.u32 $0xFFE00, v18;
	v0 =	vld.idx.msk [tilespmem:v5+s21+$0x0], $0xffff  }
0x10f: {  	v12 =	vor.u32 $0x80, v4;
	v5 =	vshll.u32 v14, $0x2;
	v17 =	vor.u32 v1, v9;
	v1 =	vld.idx.msk [tilespmem:v7+s21+$0x0], $0xffff  }
0x110: {  	v7 =	vshll.u32 v2, $0x2;
	v5 =	vand.u32 $0xFE00, v5;
	v9 =	vand.u32 $0x7F, v14;
	[tilespmem:v3+s22+$0x0] =	vst.idx.add.f32.msk $0xffff, v6  }
0x111: {  	v2 =	vand.u32 $0x7F, v2;
	v14 =	vld.idx.msk [tilespmem:v8+s21+$0x0], $0xffff;
	v7 =	vand.u32 $0xFE00, v7;
	v18 =	vor.u32 v9, v5  }
0x112: {  	v5 =	vld.idx.msk [tilespmem:v16+s21+$0x0], $0xffff;
	v20 =	vor.u32 v2, v7  }
0x113: {  	v2 =	vor.u32 $0x80, v8;
	[tilespmem:v19+s22+$0x0] =	vst.idx.add.f32.msk $0xffff, v13  }
0x114: {  	v3 =	vor.u32 $0x80, v16;
	v9 =	vshll.u32 v15, $0x2;
	v7 =	vld.idx.msk [tilespmem:v12+s21+$0x0], $0xffff  }
0x115: {  	v15 =	vand.u32 $0x7F, v15;
	v9 =	vand.u32 $0xFE00, v9;
	v13 =	vor.u32 $0x80, v19;
	v12 =	vld.idx.msk [tilespmem:v17+s21+$0x0], $0xffff  }
0x116: {  	v22 =	vor.u32 v15, v9;
	[tilespmem:v18+s22+$0x0] =	vst.idx.add.f32.msk $0xffff, v14  }
0x117: {  	v21 =	vor.u32 $0x100, v4;
	[tilespmem:v20+s22+$0x0] =	vst.idx.add.f32.msk $0xffff, v5  }
0x118: {  	v5 =	vor.u32 $0x80, v17;
	v2 =	vld.idx.msk [tilespmem:v2+s21+$0x0], $0xffff  }
0x119: {  	v6 =	vor.u32 $0x80, v18;
	v23 =	vld.idx.msk [tilespmem:v3+s21+$0x0], $0xffff  }
0x11a: {  	v24 =	vor.u32 $0x80, v20;
	[tilespmem:v13+s22+$0x0] =	vst.idx.add.f32.msk $0xffff, v7  }
0x11b: {  	v7 =	vor.u32 $0x100, v8;
	[tilespmem:v22+s22+$0x0] =	vst.idx.add.f32.msk $0xffff, v12  }
0x11c: {  	v63 =	vor.u32 $0x100, v19;
	v13 =	vld.idx.msk [tilespmem:v21+s21+$0x0], $0xffff  }
0x11d: {  	v4 =	vor.u32 $0x180, v4;
	v25 =	vld.idx.msk [tilespmem:v5+s21+$0x0], $0xffff  }
0x11e: {  	v26 =	vor.u32 $0x80, v22;
	[tilespmem:v6+s22+$0x0] =	vst.idx.add.f32.msk $0xffff, v2  }
0x11f: {  	v9 =	vor.u32 $0x100, v18;
	v14 =	vor.u32 $0x100, v16;
	[tilespmem:v24+s22+$0x0] =	vst.idx.add.f32.msk $0xffff, v23  }
0x120: {  	v3 =	vor.u32 $0x180, v10;
	v10 =	vor.u32 $0x180, v20;
	v12 =	vor.u32 $0x100, v17;
	v15 =	vld.idx.msk [tilespmem:v7+s21+$0x0], $0xffff  }
0x121: {  	v2 =	vor.u32 $0x180, v11;
	v5 =	vor.u32 $0x180, v16;
	v6 =	vor.u32 $0x180, v17;
	[tilespmem:v63+s22+$0x0] =	vst.idx.add.f32.msk $0xffff, v13  }
0x122: {  	v11 =	vor.u32 $0x180, v22;
	v17 =	vor.u32 $0x180, v19;
	v7 =	vor.u32 $0x100, v20;
	v16 =	vld.idx.msk [tilespmem:v4+s21+$0x0], $0xffff  }
0x123: {  	s30 =	simm.s32 $0x10A0;
	s29 =	simm.s32 $0x4;
	v13 =	vor.u32 $0x180, v8;
	v8 =	vor.u32 $0x100, v22;
	v4 =	vor.u32 $0x180, v18;
	[tilespmem:v26+s22+$0x0] =	vst.idx.add.f32.msk $0xffff, v25  }
.LBB2_7:
0x124: {  	v18 =	vld [tilespmem:s30+$0x10];
	s29 =	sadd.s32 $0x4, s29  }
0x125: {  	v19 =	vld [tilespmem:s30+$0xFFFFFFF0];
	p0 =	slt.u32 s29, $0xF4  }
0x126: {  	v20 =	vld [tilespmem:s30+$0x0]  }
0x127: {  	[tilespmem:v17+s22+$0x0] =	vst.idx.add.f32.msk $0xffff, v16  }
0x128: {  	v16 =	vld [tilespmem:s30+$0xFFFFFFE0]  }
0x129: {  	v17 =	vshrl.u32 v18, $0xE;
	v21 =	vshrl.u32 v18, $0xC;
	v14 =	vld.idx.msk [tilespmem:v14+s21+$0x0], $0xffff  }
0x12a: {  	v22 =	vshrl.u32 v19, $0xE;
	v17 =	vand.u32 $0x7F, v17;
	v21 =	vand.u32 $0xFFE00, v21;
	v12 =	vld.idx.msk [tilespmem:v12+s21+$0x0], $0xffff  }
0x12b: {  	v23 =	vshrl.u32 v19, $0xC;
	v24 =	vshrl.u32 v20, $0xE;
	v17 =	vor.u32 v17, v21;
	[tilespmem:v9+s22+$0x0] =	vst.idx.add.f32.msk $0xffff, v15  }
0x12c: {  	v9 =	vand.u32 $0x7F, v22;
	v15 =	vand.u32 $0xFFE00, v23;
	v21 =	vshrl.u32 v20, $0xC;
	v13 =	vld.idx.msk [tilespmem:v13+s21+$0x0], $0xffff  }
0x12d: {  	v24 =	vand.u32 $0x7F, v24;
	v22 =	vshrl.u32 v16, $0xE;
	v23 =	vshrl.u32 v16, $0xC;
	[tilespmem:v2+s22+$0x0] =	vst.idx.add.f32.msk $0xffff, v0;
	v2 =	vmovc v10  }
0x12e: {  	v21 =	vand.u32 $0xFFE00, v21;
	v0 =	vand.u32 $0x7F, v22;
	v10 =	vand.u32 $0xFFE00, v23;
	[tilespmem:v3+s22+$0x0] =	vst.idx.add.f32.msk $0xffff, v1;
	v3 =	vmovc v11  }
0x12f: {  	v11 =	vor.u32 v9, v15;
	v10 =	vor.u32 v0, v10;
	v0 =	vshll.u32 v18, $0x2;
	[tilespmem:v7+s22+$0x0] =	vst.idx.add.f32.msk $0xffff, v14  }
0x130: {  	v15 =	vor.u32 v24, v21;
	v1 =	vand.u32 $0x7F, v18;
	v7 =	vld.idx.msk [tilespmem:v17+s21+$0x0], $0xffff;
	v0 =	vand.u32 $0xFE00, v0  }
0x131: {  	v9 =	vshll.u32 v16, $0x2;
	v14 =	vshll.u32 v19, $0x2;
	v18 =	vor.u32 v1, v0;
	[tilespmem:v8+s22+$0x0] =	vst.idx.add.f32.msk $0xffff, v12  }
0x132: {  	v8 =	vand.u32 $0xFE00, v9;
	v1 =	vshll.u32 v20, $0x2;
	v9 =	vor.u32 $0x80, v17;
	v0 =	vld.idx.msk [tilespmem:v5+s21+$0x0], $0xffff  }
0x133: {  	v12 =	vand.u32 $0xFE00, v14;
	v5 =	vand.u32 $0x7F, v16;
	v14 =	vand.u32 $0xFE00, v1;
	v1 =	vld.idx.msk [tilespmem:v6+s21+$0x0], $0xffff  }
0x134: {  	v16 =	vor.u32 v5, v8;
	v5 =	vand.u32 $0x7F, v19;
	v8 =	vand.u32 $0x7F, v20;
	v6 =	vld.idx.msk [tilespmem:v10+s21+$0x0], $0xffff  }
0x135: {  	v19 =	vor.u32 $0x80, v10;
	v21 =	vor.u32 v5, v12;
	v22 =	vor.u32 v8, v14;
	v20 =	vld.idx.msk [tilespmem:v11+s21+$0x0], $0xffff  }
0x136: {  	v24 =	vor.u32 $0x80, v11;
	v25 =	vor.u32 $0x80, v15;
	v23 =	vor.u32 $0x80, v16;
	[tilespmem:v18+s22+$0x0] =	vst.idx.add.f32.msk $0xffff, v7  }
0x137: {  	v26 =	vor.u32 $0x100, v10;
	v27 =	vor.u32 $0x80, v21;
	v28 =	vor.u32 $0x80, v22;
	v29 =	vld.idx.msk [tilespmem:v9+s21+$0x0], $0xffff  }
0x138: {  	v31 =	vor.u32 $0x80, v18;
	v14 =	vor.u32 $0x100, v11;
	v12 =	vor.u32 $0x100, v15;
	v30 =	vld.idx.msk [tilespmem:v15+s21+$0x0], $0xffff  }
0x139: {  	v32 =	vor.u32 $0x100, v17;
	v7 =	vor.u32 $0x100, v21;
	v9 =	vor.u32 $0x100, v16;
	[tilespmem:v4+s22+$0x0] =	vst.idx.add.f32.msk $0xffff, v13  }
0x13a: {  	v5 =	vor.u32 $0x180, v11;
	v8 =	vor.u32 $0x100, v22;
	v13 =	vor.u32 $0x180, v10;
	[tilespmem:v16+s22+$0x0] =	vst.idx.add.f32.msk $0xffff, v6  }
0x13b: {  	v4 =	vor.u32 $0x180, v16;
	v10 =	vor.u32 $0x180, v21;
	v6 =	vor.u32 $0x180, v15;
	[tilespmem:v21+s22+$0x0] =	vst.idx.add.f32.msk $0xffff, v20  }
0x13c: {  	v11 =	vor.u32 $0x180, v22;
	v15 =	vld.idx.msk [tilespmem:v19+s21+$0x0], $0xffff  }
0x13d: {  	[tilespmem:v31+s22+$0x0] =	vst.idx.add.f32.msk $0xffff, v29  }
0x13e: {  	v16 =	vld.idx.msk [tilespmem:v32+s21+$0x0], $0xffff  }
0x13f: {  	v19 =	vor.u32 $0x100, v18;
	[tilespmem:v22+s22+$0x0] =	vst.idx.add.f32.msk $0xffff, v30  }
0x140: {  	v17 =	vor.u32 $0x180, v17;
	v20 =	vld.idx.msk [tilespmem:v24+s21+$0x0], $0xffff  }
0x141: {  	v21 =	vld.idx.msk [tilespmem:v25+s21+$0x0], $0xffff  }
0x142: {  	[tilespmem:v23+s22+$0x0] =	vst.idx.add.f32.msk $0xffff, v15  }
.Ltmp2:
0x143: {  	v15 =	vld.idx.msk [tilespmem:v26+s21+$0x0], $0xffff;
	(pc) =	sbr.rel @p0 .LBB2_7-.Ltmp2, $4  }
0x144: {  	[tilespmem:v19+s22+$0x0] =	vst.idx.add.f32.msk $0xffff, v16  }
0x145: {  	v16 =	vld.idx.msk [tilespmem:v17+s21+$0x0], $0xffff  }
0x146: {  	v17 =	vor.u32 $0x180, v18;
	[tilespmem:v27+s22+$0x0] =	vst.idx.add.f32.msk $0xffff, v20  }
0x147: {  	s30 =	sadd.s32 $0x40, s30;
	[tilespmem:v28+s22+$0x0] =	vst.idx.add.f32.msk $0xffff, v21  }
0x148: {  	_ =	sdelay $0x3  }
0x149: {  	v14 =	vld.idx.msk [tilespmem:v14+s21+$0x0], $0xffff  }
0x14a: {  	v12 =	vld.idx.msk [tilespmem:v12+s21+$0x0], $0xffff  }
0x14b: {  	[tilespmem:v9+s22+$0x0] =	vst.idx.add.f32.msk $0xffff, v15  }
0x14c: {  	[tilespmem:v2+s22+$0x0] =	vst.idx.add.f32.msk $0xffff, v0  }
0x14d: {  	v9 =	vld.idx.msk [tilespmem:v13+s21+$0x0], $0xffff  }
0x14e: {  	[tilespmem:v7+s22+$0x0] =	vst.idx.add.f32.msk $0xffff, v14  }
0x14f: {  	[tilespmem:v8+s22+$0x0] =	vst.idx.add.f32.msk $0xffff, v12  }
0x150: {  	v5 =	vld.idx.msk [tilespmem:v5+s21+$0x0], $0xffff  }
0x151: {  	v6 =	vld.idx.msk [tilespmem:v6+s21+$0x0], $0xffff  }
0x152: {  	[tilespmem:v3+s22+$0x0] =	vst.idx.add.f32.msk $0xffff, v1  }
0x153: {  	[tilespmem:v17+s22+$0x0] =	vst.idx.add.f32.msk $0xffff, v16  }
0x154: {  	[tilespmem:v4+s22+$0x0] =	vst.idx.add.f32.msk $0xffff, v9  }
0x155: {  	[tilespmem:v10+s22+$0x0] =	vst.idx.add.f32.msk $0xffff, v5  }
0x156: {  	s29 =	simm.s32 $0x0;
	[tilespmem:v11+s22+$0x0] =	vst.idx.add.f32.msk $0xffff, v6  }
.LBB2_9:
0x157: {  	s30 =	sshra.s32 s29, $0x2  }
0x158: {  	v0 =	vld [tilespmem:s30+$0x1F80];
	_ =	sdelay $0x4  }
0x159: {  	v1 =	vshrl.u32 v0, $0xE;
	v2 =	vshrl.u32 v0, $0xC  }
0x15a: {  	v1 =	vand.u32 $0x7F, v1;
	v2 =	vand.u32 $0xFFE00, v2  }
0x15b: {  	v1 =	vor.u32 v1, v2;
	_ =	sdelay $0x2  }
0x15c: {  	v60 =	vshll.u32 v0, $0x2  }
0x15d: {  	v0 =	vand.u32 $0x7F, v0;
	v2 =	vand.u32 $0xFE00, v60  }
0x15e: {  	v0 =	vor.u32 v0, v2;
	v3 =	vld.idx.msk [tilespmem:v1+s21+$0x0], $0xffff  }
0x15f: {  	v61 =	vor.u32 $0x80, v1;
	_ =	sdelay $0x3  }
0x160: {  	[tilespmem:v0+s22+$0x0] =	vst.idx.add.f32.msk $0xffff, v3  }
0x161: {  	v62 =	vor.u32 $0x80, v0;
	v2 =	vld.idx.msk [tilespmem:v61+s21+$0x0], $0xffff  }
0x162: {  	v4 =	vor.u32 $0x100, v1;
	_ =	sdelay $0x3  }
0x163: {  	[tilespmem:v62+s22+$0x0] =	vst.idx.add.f32.msk $0xffff, v2  }
0x164: {  	v63 =	vor.u32 $0x100, v0;
	v2 =	vld.idx.msk [tilespmem:v4+s21+$0x0], $0xffff  }
0x165: {  	v1 =	vor.u32 $0x180, v1;
	_ =	sdelay $0x3  }
0x166: {  	[tilespmem:v63+s22+$0x0] =	vst.idx.add.f32.msk $0xffff, v2  }
0x167: {  	p0 =	sne.s32 s29, $0x40;
	v0 =	vor.u32 $0x180, v0;
	v1 =	vld.idx.msk [tilespmem:v1+s21+$0x0], $0xffff  }
.Ltmp3:
0x168: {  	_ = 	snop;
	(pc) =	sbr.rel @p0 .LBB2_9-.Ltmp3, $2  }
0x169: {  	_ =	sdelay $0x2  }
0x16a: {  	s29 =	sadd.s32 $0x40, s29;
	[tilespmem:v0+s22+$0x0] =	vst.idx.add.f32.msk $0xffff, v1  }
0x16b: {  	s28 =	sadd.s32 $0x1, s28  }
0x16c: {  	p0 =	sne.s32 s28, $0x28  }
.Ltmp4:
0x16d: {  	_ = 	snop;
	(pc) =	sbr.rel @p0 .LBB2_2-.Ltmp4, $1  }
0x16e: {  	_ =	sdelay $0x3  }
0x16f: {  	s28 =	simm.s32 $0x0  }
0x170: {  	[hbm4b:s16+s28] =	stream.linear.scatter [tilespmem:s22], [sflag:$0x3], $0x9E00, $0x38;
	[tilespmem:$0x1AA20] =	vst v63  }
0x171: {  	_ =	swait.ge [sflag:s20], $0x9E00  }
0x172: {  	[sflag:s20] =	ssyncset.done $0x0  }
0x173: {  	[sflag:s20] =	ssyncadd.s32 $0xFFFF6200  }
0x174: {  	[tilespmem:s21], [sflag:$0x3] =	stream.linear.gather [hbm4b:s17+s28], $0x9E00, $0x38;
	[tilespmem:$0x1AA20] =	vst v63  }
0x175: {  	_ =	swait.ge [sflag:s20], $0x9E00  }
0x176: {  	[sflag:s20] =	ssyncset.done $0x0  }
0x177: {  	[sflag:s20] =	ssyncadd.s32 $0xFFFF6200  }
0x178: {  	[tilespmem:s22], [sflag:$0x3] =	stream.linear.gather [hbm4b:s4+s28], $0x9E00, $0x38;
	[tilespmem:$0x1AA20] =	vst v63  }
0x179: {  	_ =	swait.ge [sflag:s20], $0x9E00  }
0x17a: {  	[sflag:s20] =	ssyncset.done $0x0  }
0x17b: {  	[sflag:s20] =	ssyncadd.s32 $0xFFFF6200  }
0x17c: {  	[tilespmem:s28], [sflag:$0x1] =	stream.linear.gather [spmem:s1], $0xFA0, $0x38;
	[tilespmem:$0x1AA20] =	vst v63  }
.LBB2_12:
0x17d: {  	s29 =	smul.u32 $0x7D00, s28;
	_ =	sdelay $0x1  }
0x17e: {  	s29 =	sshra.s32 s29, $0x2  }
0x17f: {  	s29 =	sadd.s32 s29, s1  }
0x180: {  	s30 =	sadd.s32 $0xFA0, s29  }
0x181: {  	[tilespmem:s23], [sflag:$0x2] =	stream.linear.gather [spmem:s30], $0xFA0, $0x38;
	[tilespmem:$0x1AA20] =	vst v63  }
0x182: {  	_ =	swait.ge [sflag:s24], $0xFA0  }
0x183: {  	[sflag:s24] =	ssyncset.done $0x0  }
0x184: {  	s30 =	simm.s32 $0x20;
	[sflag:s24] =	ssyncadd.s32 $0xFFFFF060  }
0x185: {  	v0 =	vld [tilespmem:s30+$0x10]  }
0x186: {  	v1 =	vld [tilespmem:s30+$0xFFFFFFF0]  }
0x187: {  	v2 =	vld [tilespmem:s30+$0x0]  }
0x188: {  	v3 =	vld [tilespmem:s30+$0xFFFFFFE0];
	_ =	sdelay $0x1  }
0x189: {  	v4 =	vshrl.u32 v0, $0xE  }
0x18a: {  	v5 =	vshrl.u32 v0, $0xC;
	v6 =	vshrl.u32 v1, $0xE;
	v7 =	vshrl.u32 v1, $0xC  }
0x18b: {  	v8 =	vshrl.u32 v2, $0xE;
	v4 =	vand.u32 $0x7F, v4;
	v5 =	vand.u32 $0xFFE00, v5  }
0x18c: {  	v9 =	vshrl.u32 v3, $0xC;
	v10 =	vshrl.u32 v2, $0xC;
	v4 =	vor.u32 v4, v5  }
0x18d: {  	v11 =	vshll.u32 v1, $0x2;
	v5 =	vand.u32 $0x7F, v6;
	v6 =	vshrl.u32 v3, $0xE  }
0x18e: {  	v7 =	vand.u32 $0xFFE00, v7;
	v9 =	vand.u32 $0xFFE00, v9;
	v6 =	vand.u32 $0x7F, v6  }
0x18f: {  	v5 =	vor.u32 v5, v7;
	v6 =	vor.u32 v6, v9;
	v9 =	vshll.u32 v0, $0x2  }
0x190: {  	v1 =	vand.u32 $0x7F, v1;
	v0 =	vand.u32 $0x7F, v0;
	v7 =	vand.u32 $0xFE00, v9  }
0x191: {  	v8 =	vand.u32 $0x7F, v8;
	v9 =	vand.u32 $0xFFE00, v10;
	v0 =	vor.u32 v0, v7;
	v10 =	vld.idx.msk [tilespmem:v4+s21+$0x0], $0xffff  }
0x192: {  	v7 =	vor.u32 v8, v9;
	v8 =	vshll.u32 v3, $0x2;
	v9 =	vor.u32 $0x80, v4  }
0x193: {  	v11 =	vand.u32 $0xFE00, v11;
	v3 =	vand.u32 $0x7F, v3;
	v8 =	vand.u32 $0xFE00, v8  }
0x194: {  	v11 =	vor.u32 v1, v11;
	v3 =	vor.u32 v3, v8;
	v8 =	vld.idx.msk [tilespmem:v5+s21+$0x0], $0xffff  }
0x195: {  	v12 =	vld.idx.msk [tilespmem:v6+s21+$0x0], $0xffff  }
0x196: {  	v1 =	vor.u32 $0x80, v6;
	[tilespmem:v0+s22+$0x0] =	vst.idx.add.f32.msk $0xffff, v10  }
0x197: {  	v13 =	vor.u32 $0x80, v0;
	v10 =	vshll.u32 v2, $0x2;
	v9 =	vld.idx.msk [tilespmem:v9+s21+$0x0], $0xffff  }
0x198: {  	v15 =	vor.u32 $0x100, v4;
	v14 =	vld.idx.msk [tilespmem:v7+s21+$0x0], $0xffff;
	v2 =	vand.u32 $0x7F, v2;
	v10 =	vand.u32 $0xFE00, v10  }
0x199: {  	[tilespmem:v11+s22+$0x0] =	vst.idx.add.f32.msk $0xffff, v8;
	v10 =	vor.u32 v2, v10  }
0x19a: {  	[tilespmem:v3+s22+$0x0] =	vst.idx.add.f32.msk $0xffff, v12;
	v2 =	vor.u32 $0x80, v5  }
0x19b: {  	v8 =	vor.u32 $0x80, v7;
	v1 =	vld.idx.msk [tilespmem:v1+s21+$0x0], $0xffff  }
0x19c: {  	v12 =	vor.u32 $0x80, v3;
	[tilespmem:v13+s22+$0x0] =	vst.idx.add.f32.msk $0xffff, v9  }
0x19d: {  	v13 =	vld.idx.msk [tilespmem:v15+s21+$0x0], $0xffff  }
0x19e: {  	v9 =	vor.u32 $0x100, v6;
	[tilespmem:v10+s22+$0x0] =	vst.idx.add.f32.msk $0xffff, v14  }
0x19f: {  	v14 =	vor.u32 $0x100, v0;
	v2 =	vld.idx.msk [tilespmem:v2+s21+$0x0], $0xffff  }
0x1a0: {  	v15 =	vor.u32 $0x80, v11;
	v8 =	vld.idx.msk [tilespmem:v8+s21+$0x0], $0xffff  }
0x1a1: {  	s30 =	simm.s32 $0x60;
	[tilespmem:v12+s22+$0x0] =	vst.idx.add.f32.msk $0xffff, v1  }
0x1a2: {  	v4 =	vor.u32 $0x180, v4;
	v12 =	vld [tilespmem:s30+$0x10]  }
0x1a3: {  	v1 =	vor.u32 $0x80, v10;
	v9 =	vld.idx.msk [tilespmem:v9+s21+$0x0], $0xffff  }
0x1a4: {  	[tilespmem:v14+s22+$0x0] =	vst.idx.add.f32.msk $0xffff, v13  }
0x1a5: {  	[tilespmem:v15+s22+$0x0] =	vst.idx.add.f32.msk $0xffff, v2  }
0x1a6: {  	v13 =	vor.u32 $0x100, v5;
	v2 =	vld [tilespmem:s30+$0xFFFFFFF0]  }
0x1a7: {  	v0 =	vor.u32 $0x180, v0;
	v4 =	vld.idx.msk [tilespmem:v4+s21+$0x0], $0xffff  }
0x1a8: {  	[tilespmem:v1+s22+$0x0] =	vst.idx.add.f32.msk $0xffff, v8;
	v1 =	vor.u32 $0x100, v7  }
0x1a9: {  	v14 =	vld [tilespmem:s30+$0xFFFFFFE0];
	v8 =	vor.u32 $0x100, v3  }
0x1aa: {  	v6 =	vor.u32 $0x180, v6;
	v15 =	vld [tilespmem:s30+$0x0];
	v16 =	vshrl.u32 v12, $0xE;
	v17 =	vshrl.u32 v12, $0xC  }
0x1ab: {  	v18 =	vor.u32 $0x100, v11;
	v16 =	vand.u32 $0x7F, v16;
	v17 =	vand.u32 $0xFFE00, v17;
	v13 =	vld.idx.msk [tilespmem:v13+s21+$0x0], $0xffff  }
0x1ac: {  	v5 =	vor.u32 $0x180, v5;
	[tilespmem:v0+s22+$0x0] =	vst.idx.add.f32.msk $0xffff, v4;
	v4 =	vor.u32 v16, v17  }
0x1ad: {  	v7 =	vor.u32 $0x180, v7;
	v3 =	vor.u32 $0x180, v3;
	v0 =	vor.u32 $0x100, v10;
	v1 =	vld.idx.msk [tilespmem:v1+s21+$0x0], $0xffff  }
0x1ae: {  	v16 =	vshrl.u32 v2, $0xE;
	[tilespmem:v8+s22+$0x0] =	vst.idx.add.f32.msk $0xffff, v9;
	v8 =	vshrl.u32 v14, $0xE;
	v9 =	vshrl.u32 v14, $0xC  }
0x1af: {  	v17 =	vshrl.u32 v2, $0xC;
	v6 =	vld.idx.msk [tilespmem:v6+s21+$0x0], $0xffff;
	v8 =	vand.u32 $0x7F, v8;
	v9 =	vand.u32 $0xFFE00, v9  }
0x1b0: {  	v16 =	vand.u32 $0x7F, v16;
	v17 =	vand.u32 $0xFFE00, v17;
	v8 =	vor.u32 v8, v9;
	[tilespmem:v18+s22+$0x0] =	vst.idx.add.f32.msk $0xffff, v13  }
0x1b1: {  	v9 =	vshll.u32 v12, $0x2;
	v16 =	vor.u32 v16, v17;
	v12 =	vand.u32 $0x7F, v12;
	v13 =	vld.idx.msk [tilespmem:v4+s21+$0x0], $0xffff  }
0x1b2: {  	v17 =	vshrl.u32 v15, $0xE;
	v9 =	vand.u32 $0xFE00, v9;
	v18 =	vshrl.u32 v15, $0xC;
	[tilespmem:v0+s22+$0x0] =	vst.idx.add.f32.msk $0xffff, v1  }
0x1b3: {  	v19 =	vor.u32 v12, v9;
	v1 =	vand.u32 $0x7F, v17;
	v9 =	vand.u32 $0xFFE00, v18;
	v0 =	vld.idx.msk [tilespmem:v5+s21+$0x0], $0xffff  }
0x1b4: {  	v12 =	vor.u32 $0x80, v4;
	v5 =	vshll.u32 v14, $0x2;
	v17 =	vor.u32 v1, v9;
	v1 =	vld.idx.msk [tilespmem:v7+s21+$0x0], $0xffff  }
0x1b5: {  	v7 =	vshll.u32 v2, $0x2;
	v5 =	vand.u32 $0xFE00, v5;
	v9 =	vand.u32 $0x7F, v14;
	[tilespmem:v3+s22+$0x0] =	vst.idx.add.f32.msk $0xffff, v6  }
0x1b6: {  	v2 =	vand.u32 $0x7F, v2;
	v14 =	vld.idx.msk [tilespmem:v8+s21+$0x0], $0xffff;
	v7 =	vand.u32 $0xFE00, v7;
	v18 =	vor.u32 v9, v5  }
0x1b7: {  	v5 =	vld.idx.msk [tilespmem:v16+s21+$0x0], $0xffff;
	v20 =	vor.u32 v2, v7  }
0x1b8: {  	v2 =	vor.u32 $0x80, v8;
	[tilespmem:v19+s22+$0x0] =	vst.idx.add.f32.msk $0xffff, v13  }
0x1b9: {  	v3 =	vor.u32 $0x80, v16;
	v9 =	vshll.u32 v15, $0x2;
	v7 =	vld.idx.msk [tilespmem:v12+s21+$0x0], $0xffff  }
0x1ba: {  	v15 =	vand.u32 $0x7F, v15;
	v9 =	vand.u32 $0xFE00, v9;
	v13 =	vor.u32 $0x80, v19;
	v12 =	vld.idx.msk [tilespmem:v17+s21+$0x0], $0xffff  }
0x1bb: {  	v22 =	vor.u32 v15, v9;
	[tilespmem:v18+s22+$0x0] =	vst.idx.add.f32.msk $0xffff, v14  }
0x1bc: {  	v21 =	vor.u32 $0x100, v4;
	[tilespmem:v20+s22+$0x0] =	vst.idx.add.f32.msk $0xffff, v5  }
0x1bd: {  	v5 =	vor.u32 $0x80, v17;
	v2 =	vld.idx.msk [tilespmem:v2+s21+$0x0], $0xffff  }
0x1be: {  	v6 =	vor.u32 $0x80, v18;
	v23 =	vld.idx.msk [tilespmem:v3+s21+$0x0], $0xffff  }
0x1bf: {  	v24 =	vor.u32 $0x80, v20;
	[tilespmem:v13+s22+$0x0] =	vst.idx.add.f32.msk $0xffff, v7  }
0x1c0: {  	v7 =	vor.u32 $0x100, v8;
	[tilespmem:v22+s22+$0x0] =	vst.idx.add.f32.msk $0xffff, v12  }
0x1c1: {  	v63 =	vor.u32 $0x100, v19;
	v13 =	vld.idx.msk [tilespmem:v21+s21+$0x0], $0xffff  }
0x1c2: {  	v4 =	vor.u32 $0x180, v4;
	v25 =	vld.idx.msk [tilespmem:v5+s21+$0x0], $0xffff  }
0x1c3: {  	v26 =	vor.u32 $0x80, v22;
	[tilespmem:v6+s22+$0x0] =	vst.idx.add.f32.msk $0xffff, v2  }
0x1c4: {  	v9 =	vor.u32 $0x100, v18;
	v14 =	vor.u32 $0x100, v16;
	[tilespmem:v24+s22+$0x0] =	vst.idx.add.f32.msk $0xffff, v23  }
0x1c5: {  	v3 =	vor.u32 $0x180, v10;
	v10 =	vor.u32 $0x180, v20;
	v12 =	vor.u32 $0x100, v17;
	v15 =	vld.idx.msk [tilespmem:v7+s21+$0x0], $0xffff  }
0x1c6: {  	v2 =	vor.u32 $0x180, v11;
	v5 =	vor.u32 $0x180, v16;
	v6 =	vor.u32 $0x180, v17;
	[tilespmem:v63+s22+$0x0] =	vst.idx.add.f32.msk $0xffff, v13  }
0x1c7: {  	v11 =	vor.u32 $0x180, v22;
	v17 =	vor.u32 $0x180, v19;
	v7 =	vor.u32 $0x100, v20;
	v16 =	vld.idx.msk [tilespmem:v4+s21+$0x0], $0xffff  }
0x1c8: {  	s31 =	simm.s32 $0xA0;
	s30 =	simm.s32 $0x4;
	v13 =	vor.u32 $0x180, v8;
	v8 =	vor.u32 $0x100, v22;
	v4 =	vor.u32 $0x180, v18;
	[tilespmem:v26+s22+$0x0] =	vst.idx.add.f32.msk $0xffff, v25  }
.LBB2_13:
0x1c9: {  	v18 =	vld [tilespmem:s31+$0x10];
	s30 =	sadd.s32 $0x4, s30  }
0x1ca: {  	v19 =	vld [tilespmem:s31+$0xFFFFFFF0];
	p0 =	slt.u32 s30, $0xF4  }
0x1cb: {  	v20 =	vld [tilespmem:s31+$0x0]  }
0x1cc: {  	[tilespmem:v17+s22+$0x0] =	vst.idx.add.f32.msk $0xffff, v16  }
0x1cd: {  	v16 =	vld [tilespmem:s31+$0xFFFFFFE0]  }
0x1ce: {  	v17 =	vshrl.u32 v18, $0xE;
	v21 =	vshrl.u32 v18, $0xC;
	v14 =	vld.idx.msk [tilespmem:v14+s21+$0x0], $0xffff  }
0x1cf: {  	v22 =	vshrl.u32 v19, $0xE;
	v17 =	vand.u32 $0x7F, v17;
	v21 =	vand.u32 $0xFFE00, v21;
	v12 =	vld.idx.msk [tilespmem:v12+s21+$0x0], $0xffff  }
0x1d0: {  	v23 =	vshrl.u32 v19, $0xC;
	v24 =	vshrl.u32 v20, $0xE;
	v17 =	vor.u32 v17, v21;
	[tilespmem:v9+s22+$0x0] =	vst.idx.add.f32.msk $0xffff, v15  }
0x1d1: {  	v9 =	vand.u32 $0x7F, v22;
	v15 =	vand.u32 $0xFFE00, v23;
	v21 =	vshrl.u32 v20, $0xC;
	v13 =	vld.idx.msk [tilespmem:v13+s21+$0x0], $0xffff  }
0x1d2: {  	v24 =	vand.u32 $0x7F, v24;
	v22 =	vshrl.u32 v16, $0xE;
	v23 =	vshrl.u32 v16, $0xC;
	[tilespmem:v2+s22+$0x0] =	vst.idx.add.f32.msk $0xffff, v0;
	v2 =	vmovc v10  }
0x1d3: {  	v21 =	vand.u32 $0xFFE00, v21;
	v0 =	vand.u32 $0x7F, v22;
	v10 =	vand.u32 $0xFFE00, v23;
	[tilespmem:v3+s22+$0x0] =	vst.idx.add.f32.msk $0xffff, v1;
	v3 =	vmovc v11  }
0x1d4: {  	v11 =	vor.u32 v9, v15;
	v10 =	vor.u32 v0, v10;
	v0 =	vshll.u32 v18, $0x2;
	[tilespmem:v7+s22+$0x0] =	vst.idx.add.f32.msk $0xffff, v14  }
0x1d5: {  	v15 =	vor.u32 v24, v21;
	v1 =	vand.u32 $0x7F, v18;
	v7 =	vld.idx.msk [tilespmem:v17+s21+$0x0], $0xffff;
	v0 =	vand.u32 $0xFE00, v0  }
0x1d6: {  	v9 =	vshll.u32 v16, $0x2;
	v14 =	vshll.u32 v19, $0x2;
	v18 =	vor.u32 v1, v0;
	[tilespmem:v8+s22+$0x0] =	vst.idx.add.f32.msk $0xffff, v12  }
0x1d7: {  	v8 =	vand.u32 $0xFE00, v9;
	v1 =	vshll.u32 v20, $0x2;
	v9 =	vor.u32 $0x80, v17;
	v0 =	vld.idx.msk [tilespmem:v5+s21+$0x0], $0xffff  }
0x1d8: {  	v12 =	vand.u32 $0xFE00, v14;
	v5 =	vand.u32 $0x7F, v16;
	v14 =	vand.u32 $0xFE00, v1;
	v1 =	vld.idx.msk [tilespmem:v6+s21+$0x0], $0xffff  }
0x1d9: {  	v16 =	vor.u32 v5, v8;
	v5 =	vand.u32 $0x7F, v19;
	v8 =	vand.u32 $0x7F, v20;
	v6 =	vld.idx.msk [tilespmem:v10+s21+$0x0], $0xffff  }
0x1da: {  	v19 =	vor.u32 $0x80, v10;
	v21 =	vor.u32 v5, v12;
	v22 =	vor.u32 v8, v14;
	v20 =	vld.idx.msk [tilespmem:v11+s21+$0x0], $0xffff  }
0x1db: {  	v24 =	vor.u32 $0x80, v11;
	v25 =	vor.u32 $0x80, v15;
	v23 =	vor.u32 $0x80, v16;
	[tilespmem:v18+s22+$0x0] =	vst.idx.add.f32.msk $0xffff, v7  }
0x1dc: {  	v26 =	vor.u32 $0x100, v10;
	v27 =	vor.u32 $0x80, v21;
	v28 =	vor.u32 $0x80, v22;
	v29 =	vld.idx.msk [tilespmem:v9+s21+$0x0], $0xffff  }
0x1dd: {  	v31 =	vor.u32 $0x80, v18;
	v14 =	vor.u32 $0x100, v11;
	v12 =	vor.u32 $0x100, v15;
	v30 =	vld.idx.msk [tilespmem:v15+s21+$0x0], $0xffff  }
0x1de: {  	v32 =	vor.u32 $0x100, v17;
	v7 =	vor.u32 $0x100, v21;
	v9 =	vor.u32 $0x100, v16;
	[tilespmem:v4+s22+$0x0] =	vst.idx.add.f32.msk $0xffff, v13  }
0x1df: {  	v5 =	vor.u32 $0x180, v11;
	v8 =	vor.u32 $0x100, v22;
	v13 =	vor.u32 $0x180, v10;
	[tilespmem:v16+s22+$0x0] =	vst.idx.add.f32.msk $0xffff, v6  }
0x1e0: {  	v4 =	vor.u32 $0x180, v16;
	v10 =	vor.u32 $0x180, v21;
	v6 =	vor.u32 $0x180, v15;
	[tilespmem:v21+s22+$0x0] =	vst.idx.add.f32.msk $0xffff, v20  }
0x1e1: {  	v11 =	vor.u32 $0x180, v22;
	v15 =	vld.idx.msk [tilespmem:v19+s21+$0x0], $0xffff  }
0x1e2: {  	[tilespmem:v31+s22+$0x0] =	vst.idx.add.f32.msk $0xffff, v29  }
0x1e3: {  	v16 =	vld.idx.msk [tilespmem:v32+s21+$0x0], $0xffff  }
0x1e4: {  	v19 =	vor.u32 $0x100, v18;
	[tilespmem:v22+s22+$0x0] =	vst.idx.add.f32.msk $0xffff, v30  }
0x1e5: {  	v17 =	vor.u32 $0x180, v17;
	v20 =	vld.idx.msk [tilespmem:v24+s21+$0x0], $0xffff  }
0x1e6: {  	v21 =	vld.idx.msk [tilespmem:v25+s21+$0x0], $0xffff  }
0x1e7: {  	[tilespmem:v23+s22+$0x0] =	vst.idx.add.f32.msk $0xffff, v15  }
.Ltmp5:
0x1e8: {  	v15 =	vld.idx.msk [tilespmem:v26+s21+$0x0], $0xffff;
	(pc) =	sbr.rel @p0 .LBB2_13-.Ltmp5, $4  }
0x1e9: {  	[tilespmem:v19+s22+$0x0] =	vst.idx.add.f32.msk $0xffff, v16  }
0x1ea: {  	v16 =	vld.idx.msk [tilespmem:v17+s21+$0x0], $0xffff  }
0x1eb: {  	v17 =	vor.u32 $0x180, v18;
	[tilespmem:v27+s22+$0x0] =	vst.idx.add.f32.msk $0xffff, v20  }
0x1ec: {  	s31 =	sadd.s32 $0x40, s31;
	[tilespmem:v28+s22+$0x0] =	vst.idx.add.f32.msk $0xffff, v21  }
0x1ed: {  	_ =	sdelay $0x3  }
0x1ee: {  	v14 =	vld.idx.msk [tilespmem:v14+s21+$0x0], $0xffff  }
0x1ef: {  	v12 =	vld.idx.msk [tilespmem:v12+s21+$0x0], $0xffff  }
0x1f0: {  	[tilespmem:v9+s22+$0x0] =	vst.idx.add.f32.msk $0xffff, v15  }
0x1f1: {  	[tilespmem:v2+s22+$0x0] =	vst.idx.add.f32.msk $0xffff, v0  }
0x1f2: {  	v9 =	vld.idx.msk [tilespmem:v13+s21+$0x0], $0xffff  }
0x1f3: {  	[tilespmem:v7+s22+$0x0] =	vst.idx.add.f32.msk $0xffff, v14  }
0x1f4: {  	[tilespmem:v8+s22+$0x0] =	vst.idx.add.f32.msk $0xffff, v12  }
0x1f5: {  	v5 =	vld.idx.msk [tilespmem:v5+s21+$0x0], $0xffff  }
0x1f6: {  	v6 =	vld.idx.msk [tilespmem:v6+s21+$0x0], $0xffff  }
0x1f7: {  	[tilespmem:v3+s22+$0x0] =	vst.idx.add.f32.msk $0xffff, v1  }
0x1f8: {  	[tilespmem:v17+s22+$0x0] =	vst.idx.add.f32.msk $0xffff, v16  }
0x1f9: {  	[tilespmem:v4+s22+$0x0] =	vst.idx.add.f32.msk $0xffff, v9  }
0x1fa: {  	[tilespmem:v10+s22+$0x0] =	vst.idx.add.f32.msk $0xffff, v5  }
0x1fb: {  	s30 =	simm.s32 $0x0;
	[tilespmem:v11+s22+$0x0] =	vst.idx.add.f32.msk $0xffff, v6  }
.LBB2_15:
0x1fc: {  	s31 =	sshra.s32 s30, $0x2  }
0x1fd: {  	v0 =	vld [tilespmem:s31+$0xF80];
	_ =	sdelay $0x4  }
0x1fe: {  	v1 =	vshrl.u32 v0, $0xE;
	v2 =	vshrl.u32 v0, $0xC  }
0x1ff: {  	v1 =	vand.u32 $0x7F, v1;
	v2 =	vand.u32 $0xFFE00, v2  }
0x200: {  	v1 =	vor.u32 v1, v2;
	_ =	sdelay $0x2  }
0x201: {  	v60 =	vshll.u32 v0, $0x2  }
0x202: {  	v0 =	vand.u32 $0x7F, v0;
	v2 =	vand.u32 $0xFE00, v60  }
0x203: {  	v0 =	vor.u32 v0, v2;
	v3 =	vld.idx.msk [tilespmem:v1+s21+$0x0], $0xffff  }
0x204: {  	v61 =	vor.u32 $0x80, v1;
	_ =	sdelay $0x3  }
0x205: {  	[tilespmem:v0+s22+$0x0] =	vst.idx.add.f32.msk $0xffff, v3  }
0x206: {  	v62 =	vor.u32 $0x80, v0;
	v2 =	vld.idx.msk [tilespmem:v61+s21+$0x0], $0xffff  }
0x207: {  	v4 =	vor.u32 $0x100, v1;
	_ =	sdelay $0x3  }
0x208: {  	[tilespmem:v62+s22+$0x0] =	vst.idx.add.f32.msk $0xffff, v2  }
0x209: {  	v63 =	vor.u32 $0x100, v0;
	v2 =	vld.idx.msk [tilespmem:v4+s21+$0x0], $0xffff  }
0x20a: {  	v1 =	vor.u32 $0x180, v1;
	_ =	sdelay $0x3  }
0x20b: {  	[tilespmem:v63+s22+$0x0] =	vst.idx.add.f32.msk $0xffff, v2  }
0x20c: {  	p0 =	sne.s32 s30, $0x40;
	v0 =	vor.u32 $0x180, v0;
	v1 =	vld.idx.msk [tilespmem:v1+s21+$0x0], $0xffff  }
.Ltmp6:
0x20d: {  	_ = 	snop;
	(pc) =	sbr.rel @p0 .LBB2_15-.Ltmp6, $2  }
0x20e: {  	_ =	sdelay $0x2  }
0x20f: {  	s30 =	sadd.s32 $0x40, s30;
	[tilespmem:v0+s22+$0x0] =	vst.idx.add.f32.msk $0xffff, v1  }
0x210: {  	p0 =	seq.s32 s28, $0x27  }
0x211: {  	s29 =	sadd.s32 @!p0 $0x1F40, s29;
	s30 =	simm.s32 @!p0 $0x0  }
0x212: {  	[tilespmem:s30], [sflag:$0x1] =	stream.linear.gather @!p0 [spmem:s29], $0xFA0, $0x38;
	[tilespmem:$0x1AA20] =	vst v63  }
0x213: {  	_ =	swait.ge [sflag:s25], $0xFA0  }
0x214: {  	[sflag:s25] =	ssyncset.done $0x0  }
0x215: {  	s29 =	simm.s32 $0x1020;
	[sflag:s25] =	ssyncadd.s32 $0xFFFFF060  }
0x216: {  	v0 =	vld [tilespmem:s29+$0x10]  }
0x217: {  	v1 =	vld [tilespmem:s29+$0xFFFFFFF0]  }
0x218: {  	v2 =	vld [tilespmem:s29+$0x0]  }
0x219: {  	v3 =	vld [tilespmem:s29+$0xFFFFFFE0];
	_ =	sdelay $0x1  }
0x21a: {  	v4 =	vshrl.u32 v0, $0xE  }
0x21b: {  	v5 =	vshrl.u32 v0, $0xC;
	v6 =	vshrl.u32 v1, $0xE;
	v7 =	vshrl.u32 v1, $0xC  }
0x21c: {  	v8 =	vshrl.u32 v2, $0xE;
	v4 =	vand.u32 $0x7F, v4;
	v5 =	vand.u32 $0xFFE00, v5  }
0x21d: {  	v9 =	vshrl.u32 v3, $0xC;
	v10 =	vshrl.u32 v2, $0xC;
	v4 =	vor.u32 v4, v5  }
0x21e: {  	v11 =	vshll.u32 v1, $0x2;
	v5 =	vand.u32 $0x7F, v6;
	v6 =	vshrl.u32 v3, $0xE  }
0x21f: {  	v7 =	vand.u32 $0xFFE00, v7;
	v9 =	vand.u32 $0xFFE00, v9;
	v6 =	vand.u32 $0x7F, v6  }
0x220: {  	v5 =	vor.u32 v5, v7;
	v6 =	vor.u32 v6, v9;
	v9 =	vshll.u32 v0, $0x2  }
0x221: {  	v1 =	vand.u32 $0x7F, v1;
	v0 =	vand.u32 $0x7F, v0;
	v7 =	vand.u32 $0xFE00, v9  }
0x222: {  	v8 =	vand.u32 $0x7F, v8;
	v9 =	vand.u32 $0xFFE00, v10;
	v0 =	vor.u32 v0, v7;
	v10 =	vld.idx.msk [tilespmem:v4+s21+$0x0], $0xffff  }
0x223: {  	v7 =	vor.u32 v8, v9;
	v8 =	vshll.u32 v3, $0x2;
	v9 =	vor.u32 $0x80, v4  }
0x224: {  	v11 =	vand.u32 $0xFE00, v11;
	v3 =	vand.u32 $0x7F, v3;
	v8 =	vand.u32 $0xFE00, v8  }
0x225: {  	v11 =	vor.u32 v1, v11;
	v3 =	vor.u32 v3, v8;
	v8 =	vld.idx.msk [tilespmem:v5+s21+$0x0], $0xffff  }
0x226: {  	v12 =	vld.idx.msk [tilespmem:v6+s21+$0x0], $0xffff  }
0x227: {  	v1 =	vor.u32 $0x80, v6;
	[tilespmem:v0+s22+$0x0] =	vst.idx.add.f32.msk $0xffff, v10  }
0x228: {  	v13 =	vor.u32 $0x80, v0;
	v10 =	vshll.u32 v2, $0x2;
	v9 =	vld.idx.msk [tilespmem:v9+s21+$0x0], $0xffff  }
0x229: {  	v15 =	vor.u32 $0x100, v4;
	v14 =	vld.idx.msk [tilespmem:v7+s21+$0x0], $0xffff;
	v2 =	vand.u32 $0x7F, v2;
	v10 =	vand.u32 $0xFE00, v10  }
0x22a: {  	[tilespmem:v11+s22+$0x0] =	vst.idx.add.f32.msk $0xffff, v8;
	v10 =	vor.u32 v2, v10  }
0x22b: {  	[tilespmem:v3+s22+$0x0] =	vst.idx.add.f32.msk $0xffff, v12;
	v2 =	vor.u32 $0x80, v5  }
0x22c: {  	v8 =	vor.u32 $0x80, v7;
	v1 =	vld.idx.msk [tilespmem:v1+s21+$0x0], $0xffff  }
0x22d: {  	v12 =	vor.u32 $0x80, v3;
	[tilespmem:v13+s22+$0x0] =	vst.idx.add.f32.msk $0xffff, v9  }
0x22e: {  	v13 =	vld.idx.msk [tilespmem:v15+s21+$0x0], $0xffff  }
0x22f: {  	v9 =	vor.u32 $0x100, v6;
	[tilespmem:v10+s22+$0x0] =	vst.idx.add.f32.msk $0xffff, v14  }
0x230: {  	v14 =	vor.u32 $0x100, v0;
	v2 =	vld.idx.msk [tilespmem:v2+s21+$0x0], $0xffff  }
0x231: {  	v15 =	vor.u32 $0x80, v11;
	v8 =	vld.idx.msk [tilespmem:v8+s21+$0x0], $0xffff  }
0x232: {  	s29 =	simm.s32 $0x1060;
	[tilespmem:v12+s22+$0x0] =	vst.idx.add.f32.msk $0xffff, v1  }
0x233: {  	v4 =	vor.u32 $0x180, v4;
	v12 =	vld [tilespmem:s29+$0x10]  }
0x234: {  	v1 =	vor.u32 $0x80, v10;
	v9 =	vld.idx.msk [tilespmem:v9+s21+$0x0], $0xffff  }
0x235: {  	[tilespmem:v14+s22+$0x0] =	vst.idx.add.f32.msk $0xffff, v13  }
0x236: {  	[tilespmem:v15+s22+$0x0] =	vst.idx.add.f32.msk $0xffff, v2  }
0x237: {  	v13 =	vor.u32 $0x100, v5;
	v2 =	vld [tilespmem:s29+$0xFFFFFFF0]  }
0x238: {  	v0 =	vor.u32 $0x180, v0;
	v4 =	vld.idx.msk [tilespmem:v4+s21+$0x0], $0xffff  }
0x239: {  	[tilespmem:v1+s22+$0x0] =	vst.idx.add.f32.msk $0xffff, v8;
	v1 =	vor.u32 $0x100, v7  }
0x23a: {  	v14 =	vld [tilespmem:s29+$0xFFFFFFE0];
	v8 =	vor.u32 $0x100, v3  }
0x23b: {  	v6 =	vor.u32 $0x180, v6;
	v15 =	vld [tilespmem:s29+$0x0];
	v16 =	vshrl.u32 v12, $0xE;
	v17 =	vshrl.u32 v12, $0xC  }
0x23c: {  	v18 =	vor.u32 $0x100, v11;
	v16 =	vand.u32 $0x7F, v16;
	v17 =	vand.u32 $0xFFE00, v17;
	v13 =	vld.idx.msk [tilespmem:v13+s21+$0x0], $0xffff  }
0x23d: {  	v5 =	vor.u32 $0x180, v5;
	[tilespmem:v0+s22+$0x0] =	vst.idx.add.f32.msk $0xffff, v4;
	v4 =	vor.u32 v16, v17  }
0x23e: {  	v7 =	vor.u32 $0x180, v7;
	v3 =	vor.u32 $0x180, v3;
	v0 =	vor.u32 $0x100, v10;
	v1 =	vld.idx.msk [tilespmem:v1+s21+$0x0], $0xffff  }
0x23f: {  	v16 =	vshrl.u32 v2, $0xE;
	[tilespmem:v8+s22+$0x0] =	vst.idx.add.f32.msk $0xffff, v9;
	v8 =	vshrl.u32 v14, $0xE;
	v9 =	vshrl.u32 v14, $0xC  }
0x240: {  	v17 =	vshrl.u32 v2, $0xC;
	v6 =	vld.idx.msk [tilespmem:v6+s21+$0x0], $0xffff;
	v8 =	vand.u32 $0x7F, v8;
	v9 =	vand.u32 $0xFFE00, v9  }
0x241: {  	v16 =	vand.u32 $0x7F, v16;
	v17 =	vand.u32 $0xFFE00, v17;
	v8 =	vor.u32 v8, v9;
	[tilespmem:v18+s22+$0x0] =	vst.idx.add.f32.msk $0xffff, v13  }
0x242: {  	v9 =	vshll.u32 v12, $0x2;
	v16 =	vor.u32 v16, v17;
	v12 =	vand.u32 $0x7F, v12;
	v13 =	vld.idx.msk [tilespmem:v4+s21+$0x0], $0xffff  }
0x243: {  	v17 =	vshrl.u32 v15, $0xE;
	v9 =	vand.u32 $0xFE00, v9;
	v18 =	vshrl.u32 v15, $0xC;
	[tilespmem:v0+s22+$0x0] =	vst.idx.add.f32.msk $0xffff, v1  }
0x244: {  	v19 =	vor.u32 v12, v9;
	v1 =	vand.u32 $0x7F, v17;
	v9 =	vand.u32 $0xFFE00, v18;
	v0 =	vld.idx.msk [tilespmem:v5+s21+$0x0], $0xffff  }
0x245: {  	v12 =	vor.u32 $0x80, v4;
	v5 =	vshll.u32 v14, $0x2;
	v17 =	vor.u32 v1, v9;
	v1 =	vld.idx.msk [tilespmem:v7+s21+$0x0], $0xffff  }
0x246: {  	v7 =	vshll.u32 v2, $0x2;
	v5 =	vand.u32 $0xFE00, v5;
	v9 =	vand.u32 $0x7F, v14;
	[tilespmem:v3+s22+$0x0] =	vst.idx.add.f32.msk $0xffff, v6  }
0x247: {  	v2 =	vand.u32 $0x7F, v2;
	v14 =	vld.idx.msk [tilespmem:v8+s21+$0x0], $0xffff;
	v7 =	vand.u32 $0xFE00, v7;
	v18 =	vor.u32 v9, v5  }
0x248: {  	v5 =	vld.idx.msk [tilespmem:v16+s21+$0x0], $0xffff;
	v20 =	vor.u32 v2, v7  }
0x249: {  	v2 =	vor.u32 $0x80, v8;
	[tilespmem:v19+s22+$0x0] =	vst.idx.add.f32.msk $0xffff, v13  }
0x24a: {  	v3 =	vor.u32 $0x80, v16;
	v9 =	vshll.u32 v15, $0x2;
	v7 =	vld.idx.msk [tilespmem:v12+s21+$0x0], $0xffff  }
0x24b: {  	v15 =	vand.u32 $0x7F, v15;
	v9 =	vand.u32 $0xFE00, v9;
	v13 =	vor.u32 $0x80, v19;
	v12 =	vld.idx.msk [tilespmem:v17+s21+$0x0], $0xffff  }
0x24c: {  	v22 =	vor.u32 v15, v9;
	[tilespmem:v18+s22+$0x0] =	vst.idx.add.f32.msk $0xffff, v14  }
0x24d: {  	v21 =	vor.u32 $0x100, v4;
	[tilespmem:v20+s22+$0x0] =	vst.idx.add.f32.msk $0xffff, v5  }
0x24e: {  	v5 =	vor.u32 $0x80, v17;
	v2 =	vld.idx.msk [tilespmem:v2+s21+$0x0], $0xffff  }
0x24f: {  	v6 =	vor.u32 $0x80, v18;
	v23 =	vld.idx.msk [tilespmem:v3+s21+$0x0], $0xffff  }
0x250: {  	v24 =	vor.u32 $0x80, v20;
	[tilespmem:v13+s22+$0x0] =	vst.idx.add.f32.msk $0xffff, v7  }
0x251: {  	v7 =	vor.u32 $0x100, v8;
	[tilespmem:v22+s22+$0x0] =	vst.idx.add.f32.msk $0xffff, v12  }
0x252: {  	v63 =	vor.u32 $0x100, v19;
	v13 =	vld.idx.msk [tilespmem:v21+s21+$0x0], $0xffff  }
0x253: {  	v4 =	vor.u32 $0x180, v4;
	v25 =	vld.idx.msk [tilespmem:v5+s21+$0x0], $0xffff  }
0x254: {  	v26 =	vor.u32 $0x80, v22;
	[tilespmem:v6+s22+$0x0] =	vst.idx.add.f32.msk $0xffff, v2  }
0x255: {  	v9 =	vor.u32 $0x100, v18;
	v14 =	vor.u32 $0x100, v16;
	[tilespmem:v24+s22+$0x0] =	vst.idx.add.f32.msk $0xffff, v23  }
0x256: {  	v3 =	vor.u32 $0x180, v10;
	v10 =	vor.u32 $0x180, v20;
	v12 =	vor.u32 $0x100, v17;
	v15 =	vld.idx.msk [tilespmem:v7+s21+$0x0], $0xffff  }
0x257: {  	v2 =	vor.u32 $0x180, v11;
	v5 =	vor.u32 $0x180, v16;
	v6 =	vor.u32 $0x180, v17;
	[tilespmem:v63+s22+$0x0] =	vst.idx.add.f32.msk $0xffff, v13  }
0x258: {  	v11 =	vor.u32 $0x180, v22;
	v17 =	vor.u32 $0x180, v19;
	v7 =	vor.u32 $0x100, v20;
	v16 =	vld.idx.msk [tilespmem:v4+s21+$0x0], $0xffff  }
0x259: {  	s30 =	simm.s32 $0x10A0;
	s29 =	simm.s32 $0x4;
	v13 =	vor.u32 $0x180, v8;
	v8 =	vor.u32 $0x100, v22;
	v4 =	vor.u32 $0x180, v18;
	[tilespmem:v26+s22+$0x0] =	vst.idx.add.f32.msk $0xffff, v25  }
.LBB2_17:
0x25a: {  	v18 =	vld [tilespmem:s30+$0x10];
	s29 =	sadd.s32 $0x4, s29  }
0x25b: {  	v19 =	vld [tilespmem:s30+$0xFFFFFFF0];
	p0 =	slt.u32 s29, $0xF4  }
0x25c: {  	v20 =	vld [tilespmem:s30+$0x0]  }
0x25d: {  	[tilespmem:v17+s22+$0x0] =	vst.idx.add.f32.msk $0xffff, v16  }
0x25e: {  	v16 =	vld [tilespmem:s30+$0xFFFFFFE0]  }
0x25f: {  	v17 =	vshrl.u32 v18, $0xE;
	v21 =	vshrl.u32 v18, $0xC;
	v14 =	vld.idx.msk [tilespmem:v14+s21+$0x0], $0xffff  }
0x260: {  	v22 =	vshrl.u32 v19, $0xE;
	v17 =	vand.u32 $0x7F, v17;
	v21 =	vand.u32 $0xFFE00, v21;
	v12 =	vld.idx.msk [tilespmem:v12+s21+$0x0], $0xffff  }
0x261: {  	v23 =	vshrl.u32 v19, $0xC;
	v24 =	vshrl.u32 v20, $0xE;
	v17 =	vor.u32 v17, v21;
	[tilespmem:v9+s22+$0x0] =	vst.idx.add.f32.msk $0xffff, v15  }
0x262: {  	v9 =	vand.u32 $0x7F, v22;
	v15 =	vand.u32 $0xFFE00, v23;
	v21 =	vshrl.u32 v20, $0xC;
	v13 =	vld.idx.msk [tilespmem:v13+s21+$0x0], $0xffff  }
0x263: {  	v24 =	vand.u32 $0x7F, v24;
	v22 =	vshrl.u32 v16, $0xE;
	v23 =	vshrl.u32 v16, $0xC;
	[tilespmem:v2+s22+$0x0] =	vst.idx.add.f32.msk $0xffff, v0;
	v2 =	vmovc v10  }
0x264: {  	v21 =	vand.u32 $0xFFE00, v21;
	v0 =	vand.u32 $0x7F, v22;
	v10 =	vand.u32 $0xFFE00, v23;
	[tilespmem:v3+s22+$0x0] =	vst.idx.add.f32.msk $0xffff, v1;
	v3 =	vmovc v11  }
0x265: {  	v11 =	vor.u32 v9, v15;
	v10 =	vor.u32 v0, v10;
	v0 =	vshll.u32 v18, $0x2;
	[tilespmem:v7+s22+$0x0] =	vst.idx.add.f32.msk $0xffff, v14  }
0x266: {  	v15 =	vor.u32 v24, v21;
	v1 =	vand.u32 $0x7F, v18;
	v7 =	vld.idx.msk [tilespmem:v17+s21+$0x0], $0xffff;
	v0 =	vand.u32 $0xFE00, v0  }
0x267: {  	v9 =	vshll.u32 v16, $0x2;
	v14 =	vshll.u32 v19, $0x2;
	v18 =	vor.u32 v1, v0;
	[tilespmem:v8+s22+$0x0] =	vst.idx.add.f32.msk $0xffff, v12  }
0x268: {  	v8 =	vand.u32 $0xFE00, v9;
	v1 =	vshll.u32 v20, $0x2;
	v9 =	vor.u32 $0x80, v17;
	v0 =	vld.idx.msk [tilespmem:v5+s21+$0x0], $0xffff  }
0x269: {  	v12 =	vand.u32 $0xFE00, v14;
	v5 =	vand.u32 $0x7F, v16;
	v14 =	vand.u32 $0xFE00, v1;
	v1 =	vld.idx.msk [tilespmem:v6+s21+$0x0], $0xffff  }
0x26a: {  	v16 =	vor.u32 v5, v8;
	v5 =	vand.u32 $0x7F, v19;
	v8 =	vand.u32 $0x7F, v20;
	v6 =	vld.idx.msk [tilespmem:v10+s21+$0x0], $0xffff  }
0x26b: {  	v19 =	vor.u32 $0x80, v10;
	v21 =	vor.u32 v5, v12;
	v22 =	vor.u32 v8, v14;
	v20 =	vld.idx.msk [tilespmem:v11+s21+$0x0], $0xffff  }
0x26c: {  	v24 =	vor.u32 $0x80, v11;
	v25 =	vor.u32 $0x80, v15;
	v23 =	vor.u32 $0x80, v16;
	[tilespmem:v18+s22+$0x0] =	vst.idx.add.f32.msk $0xffff, v7  }
0x26d: {  	v26 =	vor.u32 $0x100, v10;
	v27 =	vor.u32 $0x80, v21;
	v28 =	vor.u32 $0x80, v22;
	v29 =	vld.idx.msk [tilespmem:v9+s21+$0x0], $0xffff  }
0x26e: {  	v31 =	vor.u32 $0x80, v18;
	v14 =	vor.u32 $0x100, v11;
	v12 =	vor.u32 $0x100, v15;
	v30 =	vld.idx.msk [tilespmem:v15+s21+$0x0], $0xffff  }
0x26f: {  	v32 =	vor.u32 $0x100, v17;
	v7 =	vor.u32 $0x100, v21;
	v9 =	vor.u32 $0x100, v16;
	[tilespmem:v4+s22+$0x0] =	vst.idx.add.f32.msk $0xffff, v13  }
0x270: {  	v5 =	vor.u32 $0x180, v11;
	v8 =	vor.u32 $0x100, v22;
	v13 =	vor.u32 $0x180, v10;
	[tilespmem:v16+s22+$0x0] =	vst.idx.add.f32.msk $0xffff, v6  }
0x271: {  	v4 =	vor.u32 $0x180, v16;
	v10 =	vor.u32 $0x180, v21;
	v6 =	vor.u32 $0x180, v15;
	[tilespmem:v21+s22+$0x0] =	vst.idx.add.f32.msk $0xffff, v20  }
0x272: {  	v11 =	vor.u32 $0x180, v22;
	v15 =	vld.idx.msk [tilespmem:v19+s21+$0x0], $0xffff  }
0x273: {  	[tilespmem:v31+s22+$0x0] =	vst.idx.add.f32.msk $0xffff, v29  }
0x274: {  	v16 =	vld.idx.msk [tilespmem:v32+s21+$0x0], $0xffff  }
0x275: {  	v19 =	vor.u32 $0x100, v18;
	[tilespmem:v22+s22+$0x0] =	vst.idx.add.f32.msk $0xffff, v30  }
0x276: {  	v17 =	vor.u32 $0x180, v17;
	v20 =	vld.idx.msk [tilespmem:v24+s21+$0x0], $0xffff  }
0x277: {  	v21 =	vld.idx.msk [tilespmem:v25+s21+$0x0], $0xffff  }
0x278: {  	[tilespmem:v23+s22+$0x0] =	vst.idx.add.f32.msk $0xffff, v15  }
.Ltmp7:
0x279: {  	v15 =	vld.idx.msk [tilespmem:v26+s21+$0x0], $0xffff;
	(pc) =	sbr.rel @p0 .LBB2_17-.Ltmp7, $4  }
0x27a: {  	[tilespmem:v19+s22+$0x0] =	vst.idx.add.f32.msk $0xffff, v16  }
0x27b: {  	v16 =	vld.idx.msk [tilespmem:v17+s21+$0x0], $0xffff  }
0x27c: {  	v17 =	vor.u32 $0x180, v18;
	[tilespmem:v27+s22+$0x0] =	vst.idx.add.f32.msk $0xffff, v20  }
0x27d: {  	s30 =	sadd.s32 $0x40, s30;
	[tilespmem:v28+s22+$0x0] =	vst.idx.add.f32.msk $0xffff, v21  }
0x27e: {  	_ =	sdelay $0x3  }
0x27f: {  	v14 =	vld.idx.msk [tilespmem:v14+s21+$0x0], $0xffff  }
0x280: {  	v12 =	vld.idx.msk [tilespmem:v12+s21+$0x0], $0xffff  }
0x281: {  	[tilespmem:v9+s22+$0x0] =	vst.idx.add.f32.msk $0xffff, v15  }
0x282: {  	[tilespmem:v2+s22+$0x0] =	vst.idx.add.f32.msk $0xffff, v0  }
0x283: {  	v9 =	vld.idx.msk [tilespmem:v13+s21+$0x0], $0xffff  }
0x284: {  	[tilespmem:v7+s22+$0x0] =	vst.idx.add.f32.msk $0xffff, v14  }
0x285: {  	[tilespmem:v8+s22+$0x0] =	vst.idx.add.f32.msk $0xffff, v12  }
0x286: {  	v5 =	vld.idx.msk [tilespmem:v5+s21+$0x0], $0xffff  }
0x287: {  	v6 =	vld.idx.msk [tilespmem:v6+s21+$0x0], $0xffff  }
0x288: {  	[tilespmem:v3+s22+$0x0] =	vst.idx.add.f32.msk $0xffff, v1  }
0x289: {  	[tilespmem:v17+s22+$0x0] =	vst.idx.add.f32.msk $0xffff, v16  }
0x28a: {  	[tilespmem:v4+s22+$0x0] =	vst.idx.add.f32.msk $0xffff, v9  }
0x28b: {  	[tilespmem:v10+s22+$0x0] =	vst.idx.add.f32.msk $0xffff, v5  }
0x28c: {  	s29 =	simm.s32 $0x0;
	[tilespmem:v11+s22+$0x0] =	vst.idx.add.f32.msk $0xffff, v6  }
.LBB2_19:
0x28d: {  	s30 =	sshra.s32 s29, $0x2  }
0x28e: {  	v0 =	vld [tilespmem:s30+$0x1F80];
	_ =	sdelay $0x4  }
0x28f: {  	v1 =	vshrl.u32 v0, $0xE;
	v2 =	vshrl.u32 v0, $0xC  }
0x290: {  	v1 =	vand.u32 $0x7F, v1;
	v2 =	vand.u32 $0xFFE00, v2  }
0x291: {  	v1 =	vor.u32 v1, v2;
	_ =	sdelay $0x2  }
0x292: {  	v60 =	vshll.u32 v0, $0x2  }
0x293: {  	v0 =	vand.u32 $0x7F, v0;
	v2 =	vand.u32 $0xFE00, v60  }
0x294: {  	v0 =	vor.u32 v0, v2;
	v3 =	vld.idx.msk [tilespmem:v1+s21+$0x0], $0xffff  }
0x295: {  	v61 =	vor.u32 $0x80, v1;
	_ =	sdelay $0x3  }
0x296: {  	[tilespmem:v0+s22+$0x0] =	vst.idx.add.f32.msk $0xffff, v3  }
0x297: {  	v62 =	vor.u32 $0x80, v0;
	v2 =	vld.idx.msk [tilespmem:v61+s21+$0x0], $0xffff  }
0x298: {  	v4 =	vor.u32 $0x100, v1;
	_ =	sdelay $0x3  }
0x299: {  	[tilespmem:v62+s22+$0x0] =	vst.idx.add.f32.msk $0xffff, v2  }
0x29a: {  	v63 =	vor.u32 $0x100, v0;
	v2 =	vld.idx.msk [tilespmem:v4+s21+$0x0], $0xffff  }
0x29b: {  	v1 =	vor.u32 $0x180, v1;
	_ =	sdelay $0x3  }
0x29c: {  	[tilespmem:v63+s22+$0x0] =	vst.idx.add.f32.msk $0xffff, v2  }
0x29d: {  	p0 =	sne.s32 s29, $0x40;
	v0 =	vor.u32 $0x180, v0;
	v1 =	vld.idx.msk [tilespmem:v1+s21+$0x0], $0xffff  }
.Ltmp8:
0x29e: {  	_ = 	snop;
	(pc) =	sbr.rel @p0 .LBB2_19-.Ltmp8, $2  }
0x29f: {  	_ =	sdelay $0x2  }
0x2a0: {  	s29 =	sadd.s32 $0x40, s29;
	[tilespmem:v0+s22+$0x0] =	vst.idx.add.f32.msk $0xffff, v1  }
0x2a1: {  	s28 =	sadd.s32 $0x1, s28  }
0x2a2: {  	p0 =	sne.s32 s28, $0x28  }
.Ltmp9:
0x2a3: {  	_ = 	snop;
	(pc) =	sbr.rel @p0 .LBB2_12-.Ltmp9, $1  }
0x2a4: {  	_ =	sdelay $0x3  }
0x2a5: {  	s26 =	sadd.s32 $0x1, s26  }
0x2a6: {  	p0 =	sne.s32 s26, s19  }
.Ltmp10:
0x2a7: {  	_ = 	snop;
	(pc) =	sbr.rel @p0 .LBB2_1-.Ltmp10, $4  }
0x2a8: {  	[hbm4b:s18+s2] =	stream.linear.scatter [tilespmem:s22], [sflag:$0x3], $0x9E00, $0x38;
	[tilespmem:$0x1AA20] =	vst v63  }
0x2a9: {  	_ =	swait.ge [sflag:s20], $0x9E00  }
0x2aa: {  	[sflag:s20] =	ssyncset.done $0x0  }
0x2ab: {  	[sflag:s20] =	ssyncadd.s32 $0xFFFF6200  }
0x2ac: {  	_ =	sfence.sel $0x180000  }
0x2ad: {  	[bflag:$0x0] =	sbarrier.arrive $0xFFFF  }
0x2ae: {  	p0 =	sne.s32 s3, $0x0;
	_ =	strace $0x90000050  }
0x2af: {  	s0 =	sadd.s32 @!p0 $0x100000, s0;
	[bflag:$0x2] =	sbarrier.arrive $0xFFFF  }
0x2b0: {  	[sflag:s0] =	ssyncadd.tile.s32 @!p0 $0x1;
	_ =	shalt  }
.Lfunc_end2:
_tile_overlayer_lowered:
.L_overlay_start_2:
0x2b1: {  	(tag) =	ssettag $0x2  }
0x2b2: {  	s0 =	rddreg [dreg:$0x0];
	s2 =	stileid.u32  }
0x2b3: {  	s1 =	rddreg [dreg:$0x1];
	p0 =	sne.s32 s2, $0x0  }
0x2b4: {  	s3 =	rddreg [dreg:$0x2];
	[bflag:$0x3] =	sbarrier.arrive $0xFFFF;
	s2 =	simm.s32 @!p0 $0x1C03  }
0x2b5: {  	[timem:s3], [sflag:s2] =	dma.local @!p0 [hbm:s0], s1  }
0x2b6: {  	s0 =	simm.s32 @!p0 $0x3  }
0x2b7: {  	_ =	swait.ge @!p0 [sflag:s0], s1  }
0x2b8: {  	s1 =	ssub.s32 @!p0 $0x0, s1;
	[sflag:s0] =	ssyncset.done @!p0 $0x0  }
0x2b9: {  	[sflag:s0] =	ssyncadd.s32 @!p0 s1  }
0x2ba: {  	[bflag:$0x3] =	sbarrier.arrive $0xFFFF  }
0x2bb: {  	_ =	shalt  }

</sc_bundles>
